<compile_context>
chip_gen: v7x
topology: tpu7x:2x2x1
jax: 0.10.2.dev20260603
libtpu: 0.0.44.dev20260713+nightly
codegen_flags: <defaults>
</compile_context>

<pallas_src>
import functools

import jax
import jax.numpy as jnp
from jax import lax
from jax.experimental import pallas as pl
from jax.experimental.pallas import tpu as pltpu
from jax.experimental.pallas import tpu_sc as plsc

H = 128
NV = H // 16
EPS = 1e-12
MAGIC = 0x5F3759DF
NBUF = 3


def _rsqrt_vec(v):
    i = lax.bitcast_convert_type(v, jnp.int32)
    y = lax.bitcast_convert_type(
        jnp.full((16,), MAGIC, jnp.int32) - (i >> 1), jnp.float32)
    half = v * 0.5
    for _ in range(2):
        y = y * (1.5 - half * y * y)
    return y


def _sc_embed_ln(ids_flat, word_table, pos_table, gamma, beta, *, n_tok, seq):
    info = plsc.get_sparse_core_info()
    nw = info.num_cores * info.num_subcores
    tok_per_w = n_tok // nw
    n_chunks = tok_per_w // seq
    assert n_chunks >= NBUF

    mesh = plsc.VectorSubcoreMesh(core_axis_name="c", subcore_axis_name="s")

    @functools.partial(
        pl.kernel,
        out_type=jax.ShapeDtypeStruct((n_tok, H), jnp.float32),
        mesh=mesh,
        compiler_params=pltpu.CompilerParams(needs_layout_passes=False),
        scratch_types=[
            pltpu.VMEM((tok_per_w,), jnp.int32),
            pltpu.VMEM((seq, H), jnp.float32),
            pltpu.VMEM((NBUF, seq, H), jnp.float32),
            pltpu.VMEM((H,), jnp.float32),
            pltpu.VMEM((H,), jnp.float32),
            pltpu.SemaphoreType.DMA((NBUF,)),
            pltpu.SemaphoreType.DMA((NBUF,)),
        ],
    )
    def k(ids_hbm, word_hbm, pos_hbm, gamma_hbm, beta_hbm, out_hbm,
          idx_v, pos_v, rows, gamma_v, beta_v, gsem, osem):
        cid = lax.axis_index("c")
        sid = lax.axis_index("s")
        wid = sid * info.num_cores + cid
        base = wid * tok_per_w

        pltpu.sync_copy(ids_hbm.at[pl.ds(base, tok_per_w)], idx_v)
        pltpu.sync_copy(pos_hbm.at[pl.ds(0, seq)], pos_v)
        pltpu.sync_copy(gamma_hbm, gamma_v)
        pltpu.sync_copy(beta_hbm, beta_v)
        g = [gamma_v[pl.ds(16 * j, 16)] for j in range(NV)]
        bt = [beta_v[pl.ds(16 * j, 16)] for j in range(NV)]

        def gather(c, b):
            off = pl.multiple_of(c * seq, 8)
            return pltpu.async_copy(
                word_hbm.at[idx_v.at[pl.ds(off, seq)]], rows.at[b],
                gsem.at[b])

        def wb_copy(c, b):
            off = pl.multiple_of(c * seq, 8)
            return pltpu.make_async_copy(
                rows.at[b], out_hbm.at[pl.ds(base + off, seq)], osem.at[b])

        for c in range(NBUF - 1):
            gather(c, c)

        def _tree_sum(vals):
            vals = list(vals)
            while len(vals) > 1:
                vals = [a + b for a, b in zip(vals[::2], vals[1::2])]
            return vals[0]

        U = 25

        gb_dev = _tree_sum([jnp.abs(g[j] - 1.0) for j in range(NV)]
                           + [jnp.abs(bt[j]) for j in range(NV)])
        plain_affine = jnp.sum(gb_dev) == 0.0

        def _run_tokens(affine, b):
            @plsc.parallel_loop(0, seq, unroll=U, carry=jnp.int32(0))
            def _loop(t, cc):
                x = []
                for j in range(NV):
                    sl = pl.ds(16 * j, 16)
                    x.append(rows[b, t, sl] + pos_v[t, sl])
                tot = jnp.sum(_tree_sum(x))
                tot2 = jnp.sum(_tree_sum([v * v for v in x]))
                mean = tot * (1.0 / H)
                var = tot2 * (1.0 / H) - mean * mean
                rstd = _rsqrt_vec(jnp.full((16,), var + EPS, jnp.float32))
                mean_v = jnp.full((16,), mean, jnp.float32)
                for j in range(NV):
                    sl = pl.ds(16 * j, 16)
                    y = (x[j] - mean_v) * rstd
                    rows[b, t, sl] = y * g[j] + bt[j] if affine else y
                return cc

        def chunk_body(c, _):
            b = lax.rem(c, NBUF)
            off = pl.multiple_of(c * seq, 8)
            pltpu.make_async_copy(
                word_hbm.at[idx_v.at[pl.ds(off, seq)]], rows.at[b],
                gsem.at[b]).wait()

            @pl.when(plain_affine)
            def _plain():
                _run_tokens(False, b)

            @pl.when(jnp.logical_not(plain_affine))
            def _affine():
                _run_tokens(True, b)

            pltpu.async_copy(
                rows.at[b], out_hbm.at[pl.ds(base + off, seq)], osem.at[b])
            cn = c + (NBUF - 1)

            @pl.when(cn < n_chunks)
            def _prefetch():
                bn = lax.rem(cn, NBUF)

                @pl.when(c >= 1)
                def _drain_prev():
                    wb_copy(c - 1, bn).wait()

                gather(cn, bn)

            return 0

        lax.fori_loop(0, n_chunks, chunk_body, 0)

        for c in range(n_chunks - NBUF, n_chunks):
            wb_copy(c, c % NBUF).wait()

    return k(ids_flat, word_table, pos_table, gamma, beta)


def kernel(input_ids, word_table, pos_table, gamma, beta):
    b, s = input_ids.shape
    n_tok = b * s
    ids_flat = input_ids.reshape(n_tok).astype(jnp.int32)
    out = _sc_embed_ln(ids_flat, word_table, pos_table, gamma, beta,
                       n_tok=n_tok, seq=s)
    return out.reshape(b, s, H)

# --- scband reference (transcript-rebuilt; emitter-appended) ---
"""Pipeline reference for scband-bert-embeddings-29532195127309 (READ-ONLY COPY).

The authoritative reference and input builder live on the scoring server;
editing this copy changes nothing except your own understanding.
"""

import jax, jax.numpy as jnp
import numpy as np

VOCAB = 100000
HIDDEN = 128
MAX_POS = 512
EPS = 1e-12

def setup_inputs(seed: int = 0) -> dict:
    key = jax.random.key(seed)
    k1, k2, k3 = jax.random.split(key, 3)
    input_ids = jax.random.randint(k1, (1024, 200), 0, VOCAB, dtype=jnp.int64 if jax.config.jax_enable_x64 else jnp.int32)
    word_table = jax.random.normal(k2, (VOCAB, HIDDEN), dtype=jnp.float32) * 0.02
    pos_table = jax.random.normal(k3, (MAX_POS, HIDDEN), dtype=jnp.float32) * 0.02
    gamma = jnp.ones((HIDDEN,), dtype=jnp.float32)
    beta = jnp.zeros((HIDDEN,), dtype=jnp.float32)
    return {"input_ids": input_ids, "word_table": word_table, "pos_table": pos_table, "gamma": gamma, "beta": beta}

def reference(input_ids, word_table, pos_table, gamma, beta):
    seq_len = input_ids.shape[1]
    # word embedding lookup (gather)
    inputs_embeds = jnp.take(word_table, input_ids, axis=0)  # [B, S, H]
    # position ids: arange(seq_len), past_key_values_length=0
    position_ids = jnp.arange(seq_len)
    position_embeddings = jnp.take(pos_table, position_ids, axis=0)  # [S, H]
    embeds = inputs_embeds + position_embeddings[None, :, :]
    # LayerNorm over last dim
    mean = jnp.mean(embeds, axis=-1, keepdims=True)
    var = jnp.mean(jnp.square(embeds - mean), axis=-1, keepdims=True)
    normed = (embeds - mean) / jnp.sqrt(var + EPS)
    out = normed * gamma + beta
    # dropout with p=0.0 (eval) is identity
    return out

if __name__ == "__main__":
    import jax
    _d = setup_inputs()
    print(jax.jit(kernel)(*tuple(_d.values())))

</pallas_src>

<mosaic_0001>
#map = affine_map<(d0, d1) -> (0)>
#map1 = affine_map<(d0, d1) -> (0, 0)>
module attributes {stable_mosaic.version = 14 : i64} {
  func.func @k(%arg0: i32, %arg1: i32, %arg2: memref<204800xi32, #tpu.memory_space<hbm>>, %arg3: memref<100000x128xf32, #tpu.memory_space<hbm>>, %arg4: memref<512x128xf32, #tpu.memory_space<hbm>>, %arg5: memref<128xf32, #tpu.memory_space<hbm>>, %arg6: memref<128xf32, #tpu.memory_space<hbm>>, %arg7: memref<204800x128xf32, #tpu.memory_space<hbm>>, %arg8: memref<6400xi32, #tpu.memory_space<vmem>>, %arg9: memref<200x128xf32, #tpu.memory_space<vmem>>, %arg10: memref<3x200x128xf32, #tpu.memory_space<vmem>>, %arg11: memref<128xf32, #tpu.memory_space<vmem>>, %arg12: memref<128xf32, #tpu.memory_space<vmem>>, %arg13: memref<3x!tpu.dma_semaphore, #tpu.memory_space<semaphore_mem>>, %arg14: memref<3x!tpu.dma_semaphore, #tpu.memory_space<semaphore_mem>>) attributes {dimension_semantics = [#tpu.dimension_semantics<core_parallel>, #tpu.dimension_semantics<subcore_parallel>], iteration_bounds = array<i64: 2, 16>, scalar_prefetch = 0 : i64, scratch_operands = 7 : i64, tpu.core_type = #tpu.core_type<sc_vector_subcore>, window_params = [{transform_indices = #map}, {transform_indices = #map1}, {transform_indices = #map1}, {transform_indices = #map}, {transform_indices = #map}, {transform_indices = #map1}]} {
    %mul3A = arith.constant 2 : i32
    %mul3A_0 = arith.muli %arg1, %mul3A : i32
    %add3A = arith.addi %mul3A_0, %arg0 : i32
    %mul3A_1 = arith.constant 6400 : i32
    %mul3A_2 = arith.muli %add3A, %mul3A_1 : i32
    "tpu.region"() ({
      %run_scoped3A = tpu.sem_alloc : memref<!tpu.dma_semaphore, #tpu.memory_space<semaphore_mem>>
      %dma_start3A_179 = tpu.memref_slice %arg2[%mul3A_2] : memref<204800xi32, #tpu.memory_space<hbm>> -> memref<6400xi32, #tpu.memory_space<hbm>>
      %dma_start3A_180 = tpu.memref_slice %arg2[%mul3A_2] : memref<204800xi32, #tpu.memory_space<hbm>> -> memref<6400xi32, #tpu.memory_space<hbm>>
      tpu.enqueue_dma source(%dma_start3A_180 : memref<6400xi32, #tpu.memory_space<hbm>>) target(%arg8 : memref<6400xi32, #tpu.memory_space<vmem>>) target_semaphore(%run_scoped3A : memref<!tpu.dma_semaphore, #tpu.memory_space<semaphore_mem>>)
      %dma_wait3A_181 = tpu.memref_slice %arg2[%mul3A_2] : memref<204800xi32, #tpu.memory_space<hbm>> -> memref<6400xi32, #tpu.memory_space<hbm>>
      %dma_wait3A_182 = tpu.memref_slice %arg2[%mul3A_2] : memref<204800xi32, #tpu.memory_space<hbm>> -> memref<6400xi32, #tpu.memory_space<hbm>>
      tpu.wait_dma2 semaphore(%run_scoped3A : memref<!tpu.dma_semaphore, #tpu.memory_space<semaphore_mem>>) src(%dma_wait3A_182 : memref<6400xi32, #tpu.memory_space<hbm>>) dst(%arg8 : memref<6400xi32, #tpu.memory_space<vmem>>)
      tpu.yield
    }) : () -> ()
    "tpu.region"() ({
      %run_scoped3A = tpu.sem_alloc : memref<!tpu.dma_semaphore, #tpu.memory_space<semaphore_mem>>
      %dma_start3A_179 = arith.constant 0 : i32
      %dma_start3A_180 = arith.constant 0 : i32
      %dma_start3A_181 = tpu.memref_slice %arg4[%dma_start3A_179, %dma_start3A_180] : memref<512x128xf32, #tpu.memory_space<hbm>> -> memref<200x128xf32, #tpu.memory_space<hbm>>
      %dma_start3A_182 = arith.constant 0 : i32
      %dma_start3A_183 = arith.constant 0 : i32
      %dma_start3A_184 = tpu.memref_slice %arg4[%dma_start3A_182, %dma_start3A_183] : memref<512x128xf32, #tpu.memory_space<hbm>> -> memref<200x128xf32, #tpu.memory_space<hbm>>
      tpu.enqueue_dma source(%dma_start3A_184 : memref<200x128xf32, #tpu.memory_space<hbm>>) target(%arg9 : memref<200x128xf32, #tpu.memory_space<vmem>>) target_semaphore(%run_scoped3A : memref<!tpu.dma_semaphore, #tpu.memory_space<semaphore_mem>>)
      %dma_wait3A_185 = arith.constant 0 : i32
      %dma_wait3A_186 = arith.constant 0 : i32
      %dma_wait3A_187 = tpu.memref_slice %arg4[%dma_wait3A_185, %dma_wait3A_186] : memref<512x128xf32, #tpu.memory_space<hbm>> -> memref<200x128xf32, #tpu.memory_space<hbm>>
      %dma_wait3A_188 = arith.constant 0 : i32
      %dma_wait3A_189 = arith.constant 0 : i32
      %dma_wait3A_190 = tpu.memref_slice %arg4[%dma_wait3A_188, %dma_wait3A_189] : memref<512x128xf32, #tpu.memory_space<hbm>> -> memref<200x128xf32, #tpu.memory_space<hbm>>
      tpu.wait_dma2 semaphore(%run_scoped3A : memref<!tpu.dma_semaphore, #tpu.memory_space<semaphore_mem>>) src(%dma_wait3A_190 : memref<200x128xf32, #tpu.memory_space<hbm>>) dst(%arg9 : memref<200x128xf32, #tpu.memory_space<vmem>>)
      tpu.yield
    }) : () -> ()
    "tpu.region"() ({
      %run_scoped3A = tpu.sem_alloc : memref<!tpu.dma_semaphore, #tpu.memory_space<semaphore_mem>>
      tpu.enqueue_dma source(%arg5 : memref<128xf32, #tpu.memory_space<hbm>>) target(%arg11 : memref<128xf32, #tpu.memory_space<vmem>>) target_semaphore(%run_scoped3A : memref<!tpu.dma_semaphore, #tpu.memory_space<semaphore_mem>>)
      tpu.wait_dma2 semaphore(%run_scoped3A : memref<!tpu.dma_semaphore, #tpu.memory_space<semaphore_mem>>) src(%arg5 : memref<128xf32, #tpu.memory_space<hbm>>) dst(%arg11 : memref<128xf32, #tpu.memory_space<vmem>>)
      tpu.yield
    }) : () -> ()
    "tpu.region"() ({
      %run_scoped3A = tpu.sem_alloc : memref<!tpu.dma_semaphore, #tpu.memory_space<semaphore_mem>>
      tpu.enqueue_dma source(%arg6 : memref<128xf32, #tpu.memory_space<hbm>>) target(%arg12 : memref<128xf32, #tpu.memory_space<vmem>>) target_semaphore(%run_scoped3A : memref<!tpu.dma_semaphore, #tpu.memory_space<semaphore_mem>>)
      tpu.wait_dma2 semaphore(%run_scoped3A : memref<!tpu.dma_semaphore, #tpu.memory_space<semaphore_mem>>) src(%arg6 : memref<128xf32, #tpu.memory_space<hbm>>) dst(%arg12 : memref<128xf32, #tpu.memory_space<vmem>>)
      tpu.yield
    }) : () -> ()
    %get3A = arith.constant 0 : index
    %get3A_3 = tpu.vector_load %arg11[%get3A] {strides = array<i32>} : memref<128xf32, #tpu.memory_space<vmem>>, vector<16xf32>,
    %get3A_4 = arith.constant 16 : index
    %get3A_5 = tpu.vector_load %arg11[%get3A_4] {strides = array<i32>} : memref<128xf32, #tpu.memory_space<vmem>>, vector<16xf32>,
    %get3A_6 = arith.constant 32 : index
    %get3A_7 = tpu.vector_load %arg11[%get3A_6] {strides = array<i32>} : memref<128xf32, #tpu.memory_space<vmem>>, vector<16xf32>,
    %get3A_8 = arith.constant 48 : index
    %get3A_9 = tpu.vector_load %arg11[%get3A_8] {strides = array<i32>} : memref<128xf32, #tpu.memory_space<vmem>>, vector<16xf32>,
    %get3A_10 = arith.constant 64 : index
    %get3A_11 = tpu.vector_load %arg11[%get3A_10] {strides = array<i32>} : memref<128xf32, #tpu.memory_space<vmem>>, vector<16xf32>,
    %get3A_12 = arith.constant 80 : index
    %get3A_13 = tpu.vector_load %arg11[%get3A_12] {strides = array<i32>} : memref<128xf32, #tpu.memory_space<vmem>>, vector<16xf32>,
    %get3A_14 = arith.constant 96 : index
    %get3A_15 = tpu.vector_load %arg11[%get3A_14] {strides = array<i32>} : memref<128xf32, #tpu.memory_space<vmem>>, vector<16xf32>,
    %get3A_16 = arith.constant 112 : index
    %get3A_17 = tpu.vector_load %arg11[%get3A_16] {strides = array<i32>} : memref<128xf32, #tpu.memory_space<vmem>>, vector<16xf32>,
    %get3A_18 = arith.constant 0 : index
    %get3A_19 = tpu.vector_load %arg12[%get3A_18] {strides = array<i32>} : memref<128xf32, #tpu.memory_space<vmem>>, vector<16xf32>,
    %get3A_20 = arith.constant 16 : index
    %get3A_21 = tpu.vector_load %arg12[%get3A_20] {strides = array<i32>} : memref<128xf32, #tpu.memory_space<vmem>>, vector<16xf32>,
    %get3A_22 = arith.constant 32 : index
    %get3A_23 = tpu.vector_load %arg12[%get3A_22] {strides = array<i32>} : memref<128xf32, #tpu.memory_space<vmem>>, vector<16xf32>,
    %get3A_24 = arith.constant 48 : index
    %get3A_25 = tpu.vector_load %arg12[%get3A_24] {strides = array<i32>} : memref<128xf32, #tpu.memory_space<vmem>>, vector<16xf32>,
    %get3A_26 = arith.constant 64 : index
    %get3A_27 = tpu.vector_load %arg12[%get3A_26] {strides = array<i32>} : memref<128xf32, #tpu.memory_space<vmem>>, vector<16xf32>,
    %get3A_28 = arith.constant 80 : index
    %get3A_29 = tpu.vector_load %arg12[%get3A_28] {strides = array<i32>} : memref<128xf32, #tpu.memory_space<vmem>>, vector<16xf32>,
    %get3A_30 = arith.constant 96 : index
    %get3A_31 = tpu.vector_load %arg12[%get3A_30] {strides = array<i32>} : memref<128xf32, #tpu.memory_space<vmem>>, vector<16xf32>,
    %get3A_32 = arith.constant 112 : index
    %get3A_33 = tpu.vector_load %arg12[%get3A_32] {strides = array<i32>} : memref<128xf32, #tpu.memory_space<vmem>>, vector<16xf32>,
    %multiple_of3A = arith.constant 0 : i32
    %multiple_of3A_34 = tpu.assume_multiple %multiple_of3A, 8 : i32
    %dma_start3A = arith.constant 0 : i32
    %dma_start3A_35 = arith.constant 0 : i32
    %dma_start3A_36 = arith.constant 0 : i32
    %dma_start3A_37 = arith.constant 0 : i32
    %dma_start3A_38 = tpu.memref_slice %arg10[%dma_start3A, %dma_start3A_36, %dma_start3A_37] : memref<3x200x128xf32, #tpu.memory_space<vmem>> -> memref<1x200x128xf32, #tpu.memory_space<vmem>>
    %dma_start3A_39 = tpu.memref_squeeze %dma_start3A_38 : memref<1x200x128xf32, #tpu.memory_space<vmem>> -> memref<200x128xf32, #tpu.memory_space<vmem>>
    %dma_start3A_40 = tpu.memref_slice %arg8[%multiple_of3A_34] : memref<6400xi32, #tpu.memory_space<vmem>> -> memref<200xi32, #tpu.memory_space<vmem>>
    %dma_start3A_41 = arith.constant 0 : i32
    %dma_start3A_42 = arith.constant 0 : i32
    %dma_start3A_43 = tpu.memref_slice %arg3[%dma_start3A_41, %dma_start3A_42] : memref<100000x128xf32, #tpu.memory_space<hbm>> -> memref<100000x128xf32, #tpu.memory_space<hbm>>
    %dma_start3A_44 = tpu.memref_slice %arg13[%dma_start3A_35] : memref<3x!tpu.dma_semaphore, #tpu.memory_space<semaphore_mem>> -> memref<1x!tpu.dma_semaphore, #tpu.memory_space<semaphore_mem>>
    %dma_start3A_45 = tpu.memref_squeeze %dma_start3A_44 : memref<1x!tpu.dma_semaphore, #tpu.memory_space<semaphore_mem>> -> memref<!tpu.dma_semaphore, #tpu.memory_space<semaphore_mem>>
    tpu.enqueue_indirect_dma source(%dma_start3A_43 : memref<100000x128xf32, #tpu.memory_space<hbm>>) target(%dma_start3A_39 : memref<200x128xf32, #tpu.memory_space<vmem>>) offsets(%dma_start3A_40 : memref<200xi32, #tpu.memory_space<vmem>>) semaphore(%dma_start3A_45 : memref<!tpu.dma_semaphore, #tpu.memory_space<semaphore_mem>>)
    %multiple_of3A_46 = arith.constant 200 : i32
    %multiple_of3A_47 = tpu.assume_multiple %multiple_of3A_46, 8 : i32
    %dma_start3A_48 = arith.constant 1 : i32
    %dma_start3A_49 = arith.constant 1 : i32
    %dma_start3A_50 = arith.constant 0 : i32
    %dma_start3A_51 = arith.constant 0 : i32
    %dma_start3A_52 = tpu.memref_slice %arg10[%dma_start3A_48, %dma_start3A_50, %dma_start3A_51] : memref<3x200x128xf32, #tpu.memory_space<vmem>> -> memref<1x200x128xf32, #tpu.memory_space<vmem>>
    %dma_start3A_53 = tpu.memref_squeeze %dma_start3A_52 : memref<1x200x128xf32, #tpu.memory_space<vmem>> -> memref<200x128xf32, #tpu.memory_space<vmem>>
    %dma_start3A_54 = tpu.memref_slice %arg8[%multiple_of3A_47] : memref<6400xi32, #tpu.memory_space<vmem>> -> memref<200xi32, #tpu.memory_space<vmem>>
    %dma_start3A_55 = arith.constant 0 : i32
    %dma_start3A_56 = arith.constant 0 : i32
    %dma_start3A_57 = tpu.memref_slice %arg3[%dma_start3A_55, %dma_start3A_56] : memref<100000x128xf32, #tpu.memory_space<hbm>> -> memref<100000x128xf32, #tpu.memory_space<hbm>>
    %dma_start3A_58 = tpu.memref_slice %arg13[%dma_start3A_49] : memref<3x!tpu.dma_semaphore, #tpu.memory_space<semaphore_mem>> -> memref<1x!tpu.dma_semaphore, #tpu.memory_space<semaphore_mem>>
    %dma_start3A_59 = tpu.memref_squeeze %dma_start3A_58 : memref<1x!tpu.dma_semaphore, #tpu.memory_space<semaphore_mem>> -> memref<!tpu.dma_semaphore, #tpu.memory_space<semaphore_mem>>
    tpu.enqueue_indirect_dma source(%dma_start3A_57 : memref<100000x128xf32, #tpu.memory_space<hbm>>) target(%dma_start3A_53 : memref<200x128xf32, #tpu.memory_space<vmem>>) offsets(%dma_start3A_54 : memref<200xi32, #tpu.memory_space<vmem>>) semaphore(%dma_start3A_59 : memref<!tpu.dma_semaphore, #tpu.memory_space<semaphore_mem>>)
    %sub3A = arith.constant 1.000000e+00 : f32
    %sub3A_60 = vector.broadcast %sub3A : f32 to vector<16xf32>
    %sub3A_61 = arith.subf %get3A_3, %sub3A_60 : vector<16xf32>
    %abs3A = math.absf %sub3A_61 : vector<16xf32>
    %sub3A_62 = arith.constant 1.000000e+00 : f32
    %sub3A_63 = vector.broadcast %sub3A_62 : f32 to vector<16xf32>
    %sub3A_64 = arith.subf %get3A_5, %sub3A_63 : vector<16xf32>
    %abs3A_65 = math.absf %sub3A_64 : vector<16xf32>
    %sub3A_66 = arith.constant 1.000000e+00 : f32
    %sub3A_67 = vector.broadcast %sub3A_66 : f32 to vector<16xf32>
    %sub3A_68 = arith.subf %get3A_7, %sub3A_67 : vector<16xf32>
    %abs3A_69 = math.absf %sub3A_68 : vector<16xf32>
    %sub3A_70 = arith.constant 1.000000e+00 : f32
    %sub3A_71 = vector.broadcast %sub3A_70 : f32 to vector<16xf32>
    %sub3A_72 = arith.subf %get3A_9, %sub3A_71 : vector<16xf32>
    %abs3A_73 = math.absf %sub3A_72 : vector<16xf32>
    %sub3A_74 = arith.constant 1.000000e+00 : f32
    %sub3A_75 = vector.broadcast %sub3A_74 : f32 to vector<16xf32>
    %sub3A_76 = arith.subf %get3A_11, %sub3A_75 : vector<16xf32>
    %abs3A_77 = math.absf %sub3A_76 : vector<16xf32>
    %sub3A_78 = arith.constant 1.000000e+00 : f32
    %sub3A_79 = vector.broadcast %sub3A_78 : f32 to vector<16xf32>
    %sub3A_80 = arith.subf %get3A_13, %sub3A_79 : vector<16xf32>
    %abs3A_81 = math.absf %sub3A_80 : vector<16xf32>
    %sub3A_82 = arith.constant 1.000000e+00 : f32
    %sub3A_83 = vector.broadcast %sub3A_82 : f32 to vector<16xf32>
    %sub3A_84 = arith.subf %get3A_15, %sub3A_83 : vector<16xf32>
    %abs3A_85 = math.absf %sub3A_84 : vector<16xf32>
    %sub3A_86 = arith.constant 1.000000e+00 : f32
    %sub3A_87 = vector.broadcast %sub3A_86 : f32 to vector<16xf32>
    %sub3A_88 = arith.subf %get3A_17, %sub3A_87 : vector<16xf32>
    %abs3A_89 = math.absf %sub3A_88 : vector<16xf32>
    %abs3A_90 = math.absf %get3A_19 : vector<16xf32>
    %abs3A_91 = math.absf %get3A_21 : vector<16xf32>
    %abs3A_92 = math.absf %get3A_23 : vector<16xf32>
    %abs3A_93 = math.absf %get3A_25 : vector<16xf32>
    %abs3A_94 = math.absf %get3A_27 : vector<16xf32>
    %abs3A_95 = math.absf %get3A_29 : vector<16xf32>
    %abs3A_96 = math.absf %get3A_31 : vector<16xf32>
    %abs3A_97 = math.absf %get3A_33 : vector<16xf32>
    %add3A_98 = arith.addf %abs3A, %abs3A_65 : vector<16xf32>
    %add3A_99 = arith.addf %abs3A_69, %abs3A_73 : vector<16xf32>
    %add3A_100 = arith.addf %abs3A_77, %abs3A_81 : vector<16xf32>
    %add3A_101 = arith.addf %abs3A_85, %abs3A_89 : vector<16xf32>
    %add3A_102 = arith.addf %abs3A_90, %abs3A_91 : vector<16xf32>
    %add3A_103 = arith.addf %abs3A_92, %abs3A_93 : vector<16xf32>
    %add3A_104 = arith.addf %abs3A_94, %abs3A_95 : vector<16xf32>
    %add3A_105 = arith.addf %abs3A_96, %abs3A_97 : vector<16xf32>
    %add3A_106 = arith.addf %add3A_98, %add3A_99 : vector<16xf32>
    %add3A_107 = arith.addf %add3A_100, %add3A_101 : vector<16xf32>
    %add3A_108 = arith.addf %add3A_102, %add3A_103 : vector<16xf32>
    %add3A_109 = arith.addf %add3A_104, %add3A_105 : vector<16xf32>
    %add3A_110 = arith.addf %add3A_106, %add3A_107 : vector<16xf32>
    %add3A_111 = arith.addf %add3A_108, %add3A_109 : vector<16xf32>
    %add3A_112 = arith.addf %add3A_110, %add3A_111 : vector<16xf32>
    %reduce_sum3A = arith.constant true
    %reduce_sum3A_113 = vector.broadcast %reduce_sum3A : i1 to vector<16xi1>
    %reduce_sum3A_114 = tpu.scan <sum>, %add3A_112 masked %reduce_sum3A_113 : vector<16xf32>, vector<16xi1> -> vector<16xf32>
    %reduce_sum3A_115 = vector.extract %reduce_sum3A_114[15] : f32 from vector<16xf32>
    %eq3A = arith.constant 0.000000e+00 : f32
    %eq3A_116 = arith.cmpf oeq, %reduce_sum3A_115, %eq3A : f32
    %scan3A = arith.constant 0 : i32
    %scan3A_117 = arith.constant 0 : i32
    %scan3A_118 = arith.constant 32 : i32
    %scan3A_119 = arith.addi %scan3A_117, %scan3A_118 : i32
    %scan3A_120 = arith.constant 1 : i32
    %scan3A_121 = scf.for %scan3A_179 = %scan3A_117 to %scan3A_119 step %scan3A_120 iter_args(%scan3A_180 = %scan3A) -> (i32)  : i32 {
      %rem3A = arith.constant 3 : i32
      %rem3A_181 = arith.remsi %scan3A_179, %rem3A : i32
      %mul3A_182 = arith.constant 200 : i32
      %mul3A_183 = arith.muli %scan3A_179, %mul3A_182 : i32
      %multiple_of3A_184 = tpu.assume_multiple %mul3A_183, 8 : i32
      %dma_wait3A_185 = arith.constant 0 : i32
      %dma_wait3A_186 = arith.constant 0 : i32
      %dma_wait3A_187 = tpu.memref_slice %arg10[%rem3A_181, %dma_wait3A_185, %dma_wait3A_186] : memref<3x200x128xf32, #tpu.memory_space<vmem>> -> memref<1x200x128xf32, #tpu.memory_space<vmem>>
      %dma_wait3A_188 = tpu.memref_squeeze %dma_wait3A_187 : memref<1x200x128xf32, #tpu.memory_space<vmem>> -> memref<200x128xf32, #tpu.memory_space<vmem>>
      %dma_wait3A_189 = tpu.memref_slice %arg8[%multiple_of3A_184] : memref<6400xi32, #tpu.memory_space<vmem>> -> memref<200xi32, #tpu.memory_space<vmem>>
      %dma_wait3A_190 = arith.constant 0 : i32
      %dma_wait3A_191 = arith.constant 0 : i32
      %dma_wait3A_192 = tpu.memref_slice %arg3[%dma_wait3A_190, %dma_wait3A_191] : memref<100000x128xf32, #tpu.memory_space<hbm>> -> memref<100000x128xf32, #tpu.memory_space<hbm>>
      %dma_wait3A_193 = tpu.memref_slice %arg13[%rem3A_181] : memref<3x!tpu.dma_semaphore, #tpu.memory_space<semaphore_mem>> -> memref<1x!tpu.dma_semaphore, #tpu.memory_space<semaphore_mem>>
      %dma_wait3A_194 = tpu.memref_squeeze %dma_wait3A_193 : memref<1x!tpu.dma_semaphore, #tpu.memory_space<semaphore_mem>> -> memref<!tpu.dma_semaphore, #tpu.memory_space<semaphore_mem>>
      tpu.wait_indirect_dma semaphore(%dma_wait3A_194 : memref<!tpu.dma_semaphore, #tpu.memory_space<semaphore_mem>>) src(%dma_wait3A_192 : memref<100000x128xf32, #tpu.memory_space<hbm>>) dst(%dma_wait3A_188 : memref<200x128xf32, #tpu.memory_space<vmem>>)
      %convert_element_type3A = arith.extui %eq3A_116 : i1 to i32
      %cond3A = arith.constant 0 : i32
      %cond3A_195 = arith.cmpi ne, %convert_element_type3A, %cond3A : i32
      scf.if %cond3A_195 {
        %parallel_loop3A = arith.constant 0 : i32
        %parallel_loop3A_222 = arith.constant 200 : i32
        %parallel_loop3A_223 = arith.constant 1 : i32
        %parallel_loop3A_224 = arith.constant 0 : i32
        %parallel_loop3A_225 = scf.for %parallel_loop3A_226 = %parallel_loop3A to %parallel_loop3A_222 step %parallel_loop3A_223 iter_args(%parallel_loop3A_227 = %parallel_loop3A_224) -> (i32)  : i32 {
          %parallel_loop3A_228 = arith.index_cast %rem3A_181 : i32 to index
          %parallel_loop3A_229 = arith.index_cast %parallel_loop3A_226 : i32 to index
          %parallel_loop3A_230 = arith.constant 0 : index
          %parallel_loop3A_231 = tpu.vector_load %arg10[%parallel_loop3A_228, %parallel_loop3A_229, %parallel_loop3A_230] {strides = array<i32>} : memref<3x200x128xf32, #tpu.memory_space<vmem>>, vector<16xf32>,
          %parallel_loop3A_232 = arith.index_cast %parallel_loop3A_226 : i32 to index
          %parallel_loop3A_233 = arith.constant 0 : index
          %parallel_loop3A_234 = tpu.vector_load %arg9[%parallel_loop3A_232, %parallel_loop3A_233] {strides = array<i32>} : memref<200x128xf32, #tpu.memory_space<vmem>>, vector<16xf32>,
          %parallel_loop3A_235 = arith.addf %parallel_loop3A_231, %parallel_loop3A_234 : vector<16xf32>
          %parallel_loop3A_236 = arith.index_cast %rem3A_181 : i32 to index
          %parallel_loop3A_237 = arith.index_cast %parallel_loop3A_226 : i32 to index
          %parallel_loop3A_238 = arith.constant 16 : index
          %parallel_loop3A_239 = tpu.vector_load %arg10[%parallel_loop3A_236, %parallel_loop3A_237, %parallel_loop3A_238] {strides = array<i32>} : memref<3x200x128xf32, #tpu.memory_space<vmem>>, vector<16xf32>,
          %parallel_loop3A_240 = arith.index_cast %parallel_loop3A_226 : i32 to index
          %parallel_loop3A_241 = arith.constant 16 : index
          %parallel_loop3A_242 = tpu.vector_load %arg9[%parallel_loop3A_240, %parallel_loop3A_241] {strides = array<i32>} : memref<200x128xf32, #tpu.memory_space<vmem>>, vector<16xf32>,
          %parallel_loop3A_243 = arith.addf %parallel_loop3A_239, %parallel_loop3A_242 : vector<16xf32>
          %parallel_loop3A_244 = arith.index_cast %rem3A_181 : i32 to index
          %parallel_loop3A_245 = arith.index_cast %parallel_loop3A_226 : i32 to index
          %parallel_loop3A_246 = arith.constant 32 : index
          %parallel_loop3A_247 = tpu.vector_load %arg10[%parallel_loop3A_244, %parallel_loop3A_245, %parallel_loop3A_246] {strides = array<i32>} : memref<3x200x128xf32, #tpu.memory_space<vmem>>, vector<16xf32>,
          %parallel_loop3A_248 = arith.index_cast %parallel_loop3A_226 : i32 to index
          %parallel_loop3A_249 = arith.constant 32 : index
          %parallel_loop3A_250 = tpu.vector_load %arg9[%parallel_loop3A_248, %parallel_loop3A_249] {strides = array<i32>} : memref<200x128xf32, #tpu.memory_space<vmem>>, vector<16xf32>,
          %parallel_loop3A_251 = arith.addf %parallel_loop3A_247, %parallel_loop3A_250 : vector<16xf32>
          %parallel_loop3A_252 = arith.index_cast %rem3A_181 : i32 to index
          %parallel_loop3A_253 = arith.index_cast %parallel_loop3A_226 : i32 to index
          %parallel_loop3A_254 = arith.constant 48 : index
          %parallel_loop3A_255 = tpu.vector_load %arg10[%parallel_loop3A_252, %parallel_loop3A_253, %parallel_loop3A_254] {strides = array<i32>} : memref<3x200x128xf32, #tpu.memory_space<vmem>>, vector<16xf32>,
          %parallel_loop3A_256 = arith.index_cast %parallel_loop3A_226 : i32 to index
          %parallel_loop3A_257 = arith.constant 48 : index
          %parallel_loop3A_258 = tpu.vector_load %arg9[%parallel_loop3A_256, %parallel_loop3A_257] {strides = array<i32>} : memref<200x128xf32, #tpu.memory_space<vmem>>, vector<16xf32>,
          %parallel_loop3A_259 = arith.addf %parallel_loop3A_255, %parallel_loop3A_258 : vector<16xf32>
          %parallel_loop3A_260 = arith.index_cast %rem3A_181 : i32 to index
          %parallel_loop3A_261 = arith.index_cast %parallel_loop3A_226 : i32 to index
          %parallel_loop3A_262 = arith.constant 64 : index
          %parallel_loop3A_263 = tpu.vector_load %arg10[%parallel_loop3A_260, %parallel_loop3A_261, %parallel_loop3A_262] {strides = array<i32>} : memref<3x200x128xf32, #tpu.memory_space<vmem>>, vector<16xf32>,
          %parallel_loop3A_264 = arith.index_cast %parallel_loop3A_226 : i32 to index
          %parallel_loop3A_265 = arith.constant 64 : index
          %parallel_loop3A_266 = tpu.vector_load %arg9[%parallel_loop3A_264, %parallel_loop3A_265] {strides = array<i32>} : memref<200x128xf32, #tpu.memory_space<vmem>>, vector<16xf32>,
          %parallel_loop3A_267 = arith.addf %parallel_loop3A_263, %parallel_loop3A_266 : vector<16xf32>
          %parallel_loop3A_268 = arith.index_cast %rem3A_181 : i32 to index
          %parallel_loop3A_269 = arith.index_cast %parallel_loop3A_226 : i32 to index
          %parallel_loop3A_270 = arith.constant 80 : index
          %parallel_loop3A_271 = tpu.vector_load %arg10[%parallel_loop3A_268, %parallel_loop3A_269, %parallel_loop3A_270] {strides = array<i32>} : memref<3x200x128xf32, #tpu.memory_space<vmem>>, vector<16xf32>,
          %parallel_loop3A_272 = arith.index_cast %parallel_loop3A_226 : i32 to index
          %parallel_loop3A_273 = arith.constant 80 : index
          %parallel_loop3A_274 = tpu.vector_load %arg9[%parallel_loop3A_272, %parallel_loop3A_273] {strides = array<i32>} : memref<200x128xf32, #tpu.memory_space<vmem>>, vector<16xf32>,
          %parallel_loop3A_275 = arith.addf %parallel_loop3A_271, %parallel_loop3A_274 : vector<16xf32>
          %parallel_loop3A_276 = arith.index_cast %rem3A_181 : i32 to index
          %parallel_loop3A_277 = arith.index_cast %parallel_loop3A_226 : i32 to index
          %parallel_loop3A_278 = arith.constant 96 : index
          %parallel_loop3A_279 = tpu.vector_load %arg10[%parallel_loop3A_276, %parallel_loop3A_277, %parallel_loop3A_278] {strides = array<i32>} : memref<3x200x128xf32, #tpu.memory_space<vmem>>, vector<16xf32>,
          %parallel_loop3A_280 = arith.index_cast %parallel_loop3A_226 : i32 to index
          %parallel_loop3A_281 = arith.constant 96 : index
          %parallel_loop3A_282 = tpu.vector_load %arg9[%parallel_loop3A_280, %parallel_loop3A_281] {strides = array<i32>} : memref<200x128xf32, #tpu.memory_space<vmem>>, vector<16xf32>,
          %parallel_loop3A_283 = arith.addf %parallel_loop3A_279, %parallel_loop3A_282 : vector<16xf32>
          %parallel_loop3A_284 = arith.index_cast %rem3A_181 : i32 to index
          %parallel_loop3A_285 = arith.index_cast %parallel_loop3A_226 : i32 to index
          %parallel_loop3A_286 = arith.constant 112 : index
          %parallel_loop3A_287 = tpu.vector_load %arg10[%parallel_loop3A_284, %parallel_loop3A_285, %parallel_loop3A_286] {strides = array<i32>} : memref<3x200x128xf32, #tpu.memory_space<vmem>>, vector<16xf32>,
          %parallel_loop3A_288 = arith.index_cast %parallel_loop3A_226 : i32 to index
          %parallel_loop3A_289 = arith.constant 112 : index
          %parallel_loop3A_290 = tpu.vector_load %arg9[%parallel_loop3A_288, %parallel_loop3A_289] {strides = array<i32>} : memref<200x128xf32, #tpu.memory_space<vmem>>, vector<16xf32>,
          %parallel_loop3A_291 = arith.addf %parallel_loop3A_287, %parallel_loop3A_290 : vector<16xf32>
          %parallel_loop3A_292 = arith.addf %parallel_loop3A_235, %parallel_loop3A_243 : vector<16xf32>
          %parallel_loop3A_293 = arith.addf %parallel_loop3A_251, %parallel_loop3A_259 : vector<16xf32>
          %parallel_loop3A_294 = arith.addf %parallel_loop3A_267, %parallel_loop3A_275 : vector<16xf32>
          %parallel_loop3A_295 = arith.addf %parallel_loop3A_283, %parallel_loop3A_291 : vector<16xf32>
          %parallel_loop3A_296 = arith.addf %parallel_loop3A_292, %parallel_loop3A_293 : vector<16xf32>
          %parallel_loop3A_297 = arith.addf %parallel_loop3A_294, %parallel_loop3A_295 : vector<16xf32>
          %parallel_loop3A_298 = arith.addf %parallel_loop3A_296, %parallel_loop3A_297 : vector<16xf32>
          %parallel_loop3A_299 = arith.constant true
          %parallel_loop3A_300 = vector.broadcast %parallel_loop3A_299 : i1 to vector<16xi1>
          %parallel_loop3A_301 = tpu.scan <sum>, %parallel_loop3A_298 masked %parallel_loop3A_300 : vector<16xf32>, vector<16xi1> -> vector<16xf32>
          %parallel_loop3A_302 = vector.extract %parallel_loop3A_301[15] : f32 from vector<16xf32>
          %parallel_loop3A_303 = arith.mulf %parallel_loop3A_235, %parallel_loop3A_235 : vector<16xf32>
          %parallel_loop3A_304 = arith.mulf %parallel_loop3A_243, %parallel_loop3A_243 : vector<16xf32>
          %parallel_loop3A_305 = arith.mulf %parallel_loop3A_251, %parallel_loop3A_251 : vector<16xf32>
          %parallel_loop3A_306 = arith.mulf %parallel_loop3A_259, %parallel_loop3A_259 : vector<16xf32>
          %parallel_loop3A_307 = arith.mulf %parallel_loop3A_267, %parallel_loop3A_267 : vector<16xf32>
          %parallel_loop3A_308 = arith.mulf %parallel_loop3A_275, %parallel_loop3A_275 : vector<16xf32>
          %parallel_loop3A_309 = arith.mulf %parallel_loop3A_283, %parallel_loop3A_283 : vector<16xf32>
          %parallel_loop3A_310 = arith.mulf %parallel_loop3A_291, %parallel_loop3A_291 : vector<16xf32>
          %parallel_loop3A_311 = arith.addf %parallel_loop3A_303, %parallel_loop3A_304 : vector<16xf32>
          %parallel_loop3A_312 = arith.addf %parallel_loop3A_305, %parallel_loop3A_306 : vector<16xf32>
          %parallel_loop3A_313 = arith.addf %parallel_loop3A_307, %parallel_loop3A_308 : vector<16xf32>
          %parallel_loop3A_314 = arith.addf %parallel_loop3A_309, %parallel_loop3A_310 : vector<16xf32>
          %parallel_loop3A_315 = arith.addf %parallel_loop3A_311, %parallel_loop3A_312 : vector<16xf32>
          %parallel_loop3A_316 = arith.addf %parallel_loop3A_313, %parallel_loop3A_314 : vector<16xf32>
          %parallel_loop3A_317 = arith.addf %parallel_loop3A_315, %parallel_loop3A_316 : vector<16xf32>
          %parallel_loop3A_318 = arith.constant true
          %parallel_loop3A_319 = vector.broadcast %parallel_loop3A_318 : i1 to vector<16xi1>
          %parallel_loop3A_320 = tpu.scan <sum>, %parallel_loop3A_317 masked %parallel_loop3A_319 : vector<16xf32>, vector<16xi1> -> vector<16xf32>
          %parallel_loop3A_321 = vector.extract %parallel_loop3A_320[15] : f32 from vector<16xf32>
          %parallel_loop3A_322 = arith.constant 7.812500e-03 : f32
          %parallel_loop3A_323 = arith.mulf %parallel_loop3A_302, %parallel_loop3A_322 : f32
          %parallel_loop3A_324 = arith.constant 7.812500e-03 : f32
          %parallel_loop3A_325 = arith.mulf %parallel_loop3A_321, %parallel_loop3A_324 : f32
          %parallel_loop3A_326 = arith.mulf %parallel_loop3A_323, %parallel_loop3A_323 : f32
          %parallel_loop3A_327 = arith.subf %parallel_loop3A_325, %parallel_loop3A_326 : f32
          %parallel_loop3A_328 = arith.constant 9.99999996E-13 : f32
          %parallel_loop3A_329 = arith.addf %parallel_loop3A_327, %parallel_loop3A_328 : f32
          %parallel_loop3A_330 = vector.broadcast %parallel_loop3A_329 : f32 to vector<16xf32>
          %parallel_loop3A_331 = tpu.bitcast %parallel_loop3A_330 : vector<16xf32> -> vector<16xi32>
          %parallel_loop3A_332 = arith.constant 1597463007 : i32
          %parallel_loop3A_333 = vector.broadcast %parallel_loop3A_332 : i32 to vector<16xi32>
          %parallel_loop3A_334 = arith.constant 1 : i32
          %parallel_loop3A_335 = vector.broadcast %parallel_loop3A_334 : i32 to vector<16xi32>
          %parallel_loop3A_336 = arith.shrsi %parallel_loop3A_331, %parallel_loop3A_335 : vector<16xi32>
          %parallel_loop3A_337 = arith.subi %parallel_loop3A_333, %parallel_loop3A_336 : vector<16xi32>
          %parallel_loop3A_338 = tpu.bitcast %parallel_loop3A_337 : vector<16xi32> -> vector<16xf32>
          %parallel_loop3A_339 = arith.constant 5.000000e-01 : f32
          %parallel_loop3A_340 = vector.broadcast %parallel_loop3A_339 : f32 to vector<16xf32>
          %parallel_loop3A_341 = arith.mulf %parallel_loop3A_330, %parallel_loop3A_340 : vector<16xf32>
          %parallel_loop3A_342 = arith.mulf %parallel_loop3A_341, %parallel_loop3A_338 : vector<16xf32>
          %parallel_loop3A_343 = arith.mulf %parallel_loop3A_342, %parallel_loop3A_338 : vector<16xf32>
          %parallel_loop3A_344 = arith.constant 1.500000e+00 : f32
          %parallel_loop3A_345 = vector.broadcast %parallel_loop3A_344 : f32 to vector<16xf32>
          %parallel_loop3A_346 = arith.subf %parallel_loop3A_345, %parallel_loop3A_343 : vector<16xf32>
          %parallel_loop3A_347 = arith.mulf %parallel_loop3A_338, %parallel_loop3A_346 : vector<16xf32>
          %parallel_loop3A_348 = arith.mulf %parallel_loop3A_341, %parallel_loop3A_347 : vector<16xf32>
          %parallel_loop3A_349 = arith.mulf %parallel_loop3A_348, %parallel_loop3A_347 : vector<16xf32>
          %parallel_loop3A_350 = arith.constant 1.500000e+00 : f32
          %parallel_loop3A_351 = vector.broadcast %parallel_loop3A_350 : f32 to vector<16xf32>
          %parallel_loop3A_352 = arith.subf %parallel_loop3A_351, %parallel_loop3A_349 : vector<16xf32>
          %parallel_loop3A_353 = arith.mulf %parallel_loop3A_347, %parallel_loop3A_352 : vector<16xf32>
          %parallel_loop3A_354 = vector.broadcast %parallel_loop3A_323 : f32 to vector<16xf32>
          %parallel_loop3A_355 = arith.subf %parallel_loop3A_235, %parallel_loop3A_354 : vector<16xf32>
          %parallel_loop3A_356 = arith.mulf %parallel_loop3A_355, %parallel_loop3A_353 : vector<16xf32>
          %parallel_loop3A_357 = arith.index_cast %rem3A_181 : i32 to index
          %parallel_loop3A_358 = arith.index_cast %parallel_loop3A_226 : i32 to index
          %parallel_loop3A_359 = arith.constant 0 : index
          %parallel_loop3A_360 = tpu.vector_load %arg10[%parallel_loop3A_357, %parallel_loop3A_358, %parallel_loop3A_359] {strides = array<i32>} : memref<3x200x128xf32, #tpu.memory_space<vmem>>, vector<16xf32>,
          tpu.vector_store %arg10[%parallel_loop3A_357, %parallel_loop3A_358, %parallel_loop3A_359], %parallel_loop3A_356 {strides = array<i32>} : memref<3x200x128xf32, #tpu.memory_space<vmem>>, vector<16xf32>,
          %parallel_loop3A_361 = arith.subf %parallel_loop3A_243, %parallel_loop3A_354 : vector<16xf32>
          %parallel_loop3A_362 = arith.mulf %parallel_loop3A_361, %parallel_loop3A_353 : vector<16xf32>
          %parallel_loop3A_363 = arith.index_cast %rem3A_181 : i32 to index
          %parallel_loop3A_364 = arith.index_cast %parallel_loop3A_226 : i32 to index
          %parallel_loop3A_365 = arith.constant 16 : index
          %parallel_loop3A_366 = tpu.vector_load %arg10[%parallel_loop3A_363, %parallel_loop3A_364, %parallel_loop3A_365] {strides = array<i32>} : memref<3x200x128xf32, #tpu.memory_space<vmem>>, vector<16xf32>,
          tpu.vector_store %arg10[%parallel_loop3A_363, %parallel_loop3A_364, %parallel_loop3A_365], %parallel_loop3A_362 {strides = array<i32>} : memref<3x200x128xf32, #tpu.memory_space<vmem>>, vector<16xf32>,
          %parallel_loop3A_367 = arith.subf %parallel_loop3A_251, %parallel_loop3A_354 : vector<16xf32>
          %parallel_loop3A_368 = arith.mulf %parallel_loop3A_367, %parallel_loop3A_353 : vector<16xf32>
          %parallel_loop3A_369 = arith.index_cast %rem3A_181 : i32 to index
          %parallel_loop3A_370 = arith.index_cast %parallel_loop3A_226 : i32 to index
          %parallel_loop3A_371 = arith.constant 32 : index
          %parallel_loop3A_372 = tpu.vector_load %arg10[%parallel_loop3A_369, %parallel_loop3A_370, %parallel_loop3A_371] {strides = array<i32>} : memref<3x200x128xf32, #tpu.memory_space<vmem>>, vector<16xf32>,
          tpu.vector_store %arg10[%parallel_loop3A_369, %parallel_loop3A_370, %parallel_loop3A_371], %parallel_loop3A_368 {strides = array<i32>} : memref<3x200x128xf32, #tpu.memory_space<vmem>>, vector<16xf32>,
          %parallel_loop3A_373 = arith.subf %parallel_loop3A_259, %parallel_loop3A_354 : vector<16xf32>
          %parallel_loop3A_374 = arith.mulf %parallel_loop3A_373, %parallel_loop3A_353 : vector<16xf32>
          %parallel_loop3A_375 = arith.index_cast %rem3A_181 : i32 to index
          %parallel_loop3A_376 = arith.index_cast %parallel_loop3A_226 : i32 to index
          %parallel_loop3A_377 = arith.constant 48 : index
          %parallel_loop3A_378 = tpu.vector_load %arg10[%parallel_loop3A_375, %parallel_loop3A_376, %parallel_loop3A_377] {strides = array<i32>} : memref<3x200x128xf32, #tpu.memory_space<vmem>>, vector<16xf32>,
          tpu.vector_store %arg10[%parallel_loop3A_375, %parallel_loop3A_376, %parallel_loop3A_377], %parallel_loop3A_374 {strides = array<i32>} : memref<3x200x128xf32, #tpu.memory_space<vmem>>, vector<16xf32>,
          %parallel_loop3A_379 = arith.subf %parallel_loop3A_267, %parallel_loop3A_354 : vector<16xf32>
          %parallel_loop3A_380 = arith.mulf %parallel_loop3A_379, %parallel_loop3A_353 : vector<16xf32>
          %parallel_loop3A_381 = arith.index_cast %rem3A_181 : i32 to index
          %parallel_loop3A_382 = arith.index_cast %parallel_loop3A_226 : i32 to index
          %parallel_loop3A_383 = arith.constant 64 : index
          %parallel_loop3A_384 = tpu.vector_load %arg10[%parallel_loop3A_381, %parallel_loop3A_382, %parallel_loop3A_383] {strides = array<i32>} : memref<3x200x128xf32, #tpu.memory_space<vmem>>, vector<16xf32>,
          tpu.vector_store %arg10[%parallel_loop3A_381, %parallel_loop3A_382, %parallel_loop3A_383], %parallel_loop3A_380 {strides = array<i32>} : memref<3x200x128xf32, #tpu.memory_space<vmem>>, vector<16xf32>,
          %parallel_loop3A_385 = arith.subf %parallel_loop3A_275, %parallel_loop3A_354 : vector<16xf32>
          %parallel_loop3A_386 = arith.mulf %parallel_loop3A_385, %parallel_loop3A_353 : vector<16xf32>
          %parallel_loop3A_387 = arith.index_cast %rem3A_181 : i32 to index
          %parallel_loop3A_388 = arith.index_cast %parallel_loop3A_226 : i32 to index
          %parallel_loop3A_389 = arith.constant 80 : index
          %parallel_loop3A_390 = tpu.vector_load %arg10[%parallel_loop3A_387, %parallel_loop3A_388, %parallel_loop3A_389] {strides = array<i32>} : memref<3x200x128xf32, #tpu.memory_space<vmem>>, vector<16xf32>,
          tpu.vector_store %arg10[%parallel_loop3A_387, %parallel_loop3A_388, %parallel_loop3A_389], %parallel_loop3A_386 {strides = array<i32>} : memref<3x200x128xf32, #tpu.memory_space<vmem>>, vector<16xf32>,
          %parallel_loop3A_391 = arith.subf %parallel_loop3A_283, %parallel_loop3A_354 : vector<16xf32>
          %parallel_loop3A_392 = arith.mulf %parallel_loop3A_391, %parallel_loop3A_353 : vector<16xf32>
          %parallel_loop3A_393 = arith.index_cast %rem3A_181 : i32 to index
          %parallel_loop3A_394 = arith.index_cast %parallel_loop3A_226 : i32 to index
          %parallel_loop3A_395 = arith.constant 96 : index
          %parallel_loop3A_396 = tpu.vector_load %arg10[%parallel_loop3A_393, %parallel_loop3A_394, %parallel_loop3A_395] {strides = array<i32>} : memref<3x200x128xf32, #tpu.memory_space<vmem>>, vector<16xf32>,
          tpu.vector_store %arg10[%parallel_loop3A_393, %parallel_loop3A_394, %parallel_loop3A_395], %parallel_loop3A_392 {strides = array<i32>} : memref<3x200x128xf32, #tpu.memory_space<vmem>>, vector<16xf32>,
          %parallel_loop3A_397 = arith.subf %parallel_loop3A_291, %parallel_loop3A_354 : vector<16xf32>
          %parallel_loop3A_398 = arith.mulf %parallel_loop3A_397, %parallel_loop3A_353 : vector<16xf32>
          %parallel_loop3A_399 = arith.index_cast %rem3A_181 : i32 to index
          %parallel_loop3A_400 = arith.index_cast %parallel_loop3A_226 : i32 to index
          %parallel_loop3A_401 = arith.constant 112 : index
          %parallel_loop3A_402 = tpu.vector_load %arg10[%parallel_loop3A_399, %parallel_loop3A_400, %parallel_loop3A_401] {strides = array<i32>} : memref<3x200x128xf32, #tpu.memory_space<vmem>>, vector<16xf32>,
          tpu.vector_store %arg10[%parallel_loop3A_399, %parallel_loop3A_400, %parallel_loop3A_401], %parallel_loop3A_398 {strides = array<i32>} : memref<3x200x128xf32, #tpu.memory_space<vmem>>, vector<16xf32>,
          scf.yield %parallel_loop3A_227 : i32
        } {sc.loop_unroll_factor = 25 : i64, sc.parallel_access}
      } else {
      }
      %not3A = arith.constant true
      %not3A_196 = arith.xori %eq3A_116, %not3A : i1
      %convert_element_type3A_197 = arith.extui %not3A_196 : i1 to i32
      %cond3A_198 = arith.constant 0 : i32
      %cond3A_199 = arith.cmpi ne, %convert_element_type3A_197, %cond3A_198 : i32
      scf.if %cond3A_199 {
        %parallel_loop3A = arith.constant 0 : i32
        %parallel_loop3A_222 = arith.constant 200 : i32
        %parallel_loop3A_223 = arith.constant 1 : i32
        %parallel_loop3A_224 = arith.constant 0 : i32
        %parallel_loop3A_225 = scf.for %parallel_loop3A_226 = %parallel_loop3A to %parallel_loop3A_222 step %parallel_loop3A_223 iter_args(%parallel_loop3A_227 = %parallel_loop3A_224) -> (i32)  : i32 {
          %parallel_loop3A_228 = arith.index_cast %rem3A_181 : i32 to index
          %parallel_loop3A_229 = arith.index_cast %parallel_loop3A_226 : i32 to index
          %parallel_loop3A_230 = arith.constant 0 : index
          %parallel_loop3A_231 = tpu.vector_load %arg10[%parallel_loop3A_228, %parallel_loop3A_229, %parallel_loop3A_230] {strides = array<i32>} : memref<3x200x128xf32, #tpu.memory_space<vmem>>, vector<16xf32>,
          %parallel_loop3A_232 = arith.index_cast %parallel_loop3A_226 : i32 to index
          %parallel_loop3A_233 = arith.constant 0 : index
          %parallel_loop3A_234 = tpu.vector_load %arg9[%parallel_loop3A_232, %parallel_loop3A_233] {strides = array<i32>} : memref<200x128xf32, #tpu.memory_space<vmem>>, vector<16xf32>,
          %parallel_loop3A_235 = arith.addf %parallel_loop3A_231, %parallel_loop3A_234 : vector<16xf32>
          %parallel_loop3A_236 = arith.index_cast %rem3A_181 : i32 to index
          %parallel_loop3A_237 = arith.index_cast %parallel_loop3A_226 : i32 to index
          %parallel_loop3A_238 = arith.constant 16 : index
          %parallel_loop3A_239 = tpu.vector_load %arg10[%parallel_loop3A_236, %parallel_loop3A_237, %parallel_loop3A_238] {strides = array<i32>} : memref<3x200x128xf32, #tpu.memory_space<vmem>>, vector<16xf32>,
          %parallel_loop3A_240 = arith.index_cast %parallel_loop3A_226 : i32 to index
          %parallel_loop3A_241 = arith.constant 16 : index
          %parallel_loop3A_242 = tpu.vector_load %arg9[%parallel_loop3A_240, %parallel_loop3A_241] {strides = array<i32>} : memref<200x128xf32, #tpu.memory_space<vmem>>, vector<16xf32>,
          %parallel_loop3A_243 = arith.addf %parallel_loop3A_239, %parallel_loop3A_242 : vector<16xf32>
          %parallel_loop3A_244 = arith.index_cast %rem3A_181 : i32 to index
          %parallel_loop3A_245 = arith.index_cast %parallel_loop3A_226 : i32 to index
          %parallel_loop3A_246 = arith.constant 32 : index
          %parallel_loop3A_247 = tpu.vector_load %arg10[%parallel_loop3A_244, %parallel_loop3A_245, %parallel_loop3A_246] {strides = array<i32>} : memref<3x200x128xf32, #tpu.memory_space<vmem>>, vector<16xf32>,
          %parallel_loop3A_248 = arith.index_cast %parallel_loop3A_226 : i32 to index
          %parallel_loop3A_249 = arith.constant 32 : index
          %parallel_loop3A_250 = tpu.vector_load %arg9[%parallel_loop3A_248, %parallel_loop3A_249] {strides = array<i32>} : memref<200x128xf32, #tpu.memory_space<vmem>>, vector<16xf32>,
          %parallel_loop3A_251 = arith.addf %parallel_loop3A_247, %parallel_loop3A_250 : vector<16xf32>
          %parallel_loop3A_252 = arith.index_cast %rem3A_181 : i32 to index
          %parallel_loop3A_253 = arith.index_cast %parallel_loop3A_226 : i32 to index
          %parallel_loop3A_254 = arith.constant 48 : index
          %parallel_loop3A_255 = tpu.vector_load %arg10[%parallel_loop3A_252, %parallel_loop3A_253, %parallel_loop3A_254] {strides = array<i32>} : memref<3x200x128xf32, #tpu.memory_space<vmem>>, vector<16xf32>,
          %parallel_loop3A_256 = arith.index_cast %parallel_loop3A_226 : i32 to index
          %parallel_loop3A_257 = arith.constant 48 : index
          %parallel_loop3A_258 = tpu.vector_load %arg9[%parallel_loop3A_256, %parallel_loop3A_257] {strides = array<i32>} : memref<200x128xf32, #tpu.memory_space<vmem>>, vector<16xf32>,
          %parallel_loop3A_259 = arith.addf %parallel_loop3A_255, %parallel_loop3A_258 : vector<16xf32>
          %parallel_loop3A_260 = arith.index_cast %rem3A_181 : i32 to index
          %parallel_loop3A_261 = arith.index_cast %parallel_loop3A_226 : i32 to index
          %parallel_loop3A_262 = arith.constant 64 : index
          %parallel_loop3A_263 = tpu.vector_load %arg10[%parallel_loop3A_260, %parallel_loop3A_261, %parallel_loop3A_262] {strides = array<i32>} : memref<3x200x128xf32, #tpu.memory_space<vmem>>, vector<16xf32>,
          %parallel_loop3A_264 = arith.index_cast %parallel_loop3A_226 : i32 to index
          %parallel_loop3A_265 = arith.constant 64 : index
          %parallel_loop3A_266 = tpu.vector_load %arg9[%parallel_loop3A_264, %parallel_loop3A_265] {strides = array<i32>} : memref<200x128xf32, #tpu.memory_space<vmem>>, vector<16xf32>,
          %parallel_loop3A_267 = arith.addf %parallel_loop3A_263, %parallel_loop3A_266 : vector<16xf32>
          %parallel_loop3A_268 = arith.index_cast %rem3A_181 : i32 to index
          %parallel_loop3A_269 = arith.index_cast %parallel_loop3A_226 : i32 to index
          %parallel_loop3A_270 = arith.constant 80 : index
          %parallel_loop3A_271 = tpu.vector_load %arg10[%parallel_loop3A_268, %parallel_loop3A_269, %parallel_loop3A_270] {strides = array<i32>} : memref<3x200x128xf32, #tpu.memory_space<vmem>>, vector<16xf32>,
          %parallel_loop3A_272 = arith.index_cast %parallel_loop3A_226 : i32 to index
          %parallel_loop3A_273 = arith.constant 80 : index
          %parallel_loop3A_274 = tpu.vector_load %arg9[%parallel_loop3A_272, %parallel_loop3A_273] {strides = array<i32>} : memref<200x128xf32, #tpu.memory_space<vmem>>, vector<16xf32>,
          %parallel_loop3A_275 = arith.addf %parallel_loop3A_271, %parallel_loop3A_274 : vector<16xf32>
          %parallel_loop3A_276 = arith.index_cast %rem3A_181 : i32 to index
          %parallel_loop3A_277 = arith.index_cast %parallel_loop3A_226 : i32 to index
          %parallel_loop3A_278 = arith.constant 96 : index
          %parallel_loop3A_279 = tpu.vector_load %arg10[%parallel_loop3A_276, %parallel_loop3A_277, %parallel_loop3A_278] {strides = array<i32>} : memref<3x200x128xf32, #tpu.memory_space<vmem>>, vector<16xf32>,
          %parallel_loop3A_280 = arith.index_cast %parallel_loop3A_226 : i32 to index
          %parallel_loop3A_281 = arith.constant 96 : index
          %parallel_loop3A_282 = tpu.vector_load %arg9[%parallel_loop3A_280, %parallel_loop3A_281] {strides = array<i32>} : memref<200x128xf32, #tpu.memory_space<vmem>>, vector<16xf32>,
          %parallel_loop3A_283 = arith.addf %parallel_loop3A_279, %parallel_loop3A_282 : vector<16xf32>
          %parallel_loop3A_284 = arith.index_cast %rem3A_181 : i32 to index
          %parallel_loop3A_285 = arith.index_cast %parallel_loop3A_226 : i32 to index
          %parallel_loop3A_286 = arith.constant 112 : index
          %parallel_loop3A_287 = tpu.vector_load %arg10[%parallel_loop3A_284, %parallel_loop3A_285, %parallel_loop3A_286] {strides = array<i32>} : memref<3x200x128xf32, #tpu.memory_space<vmem>>, vector<16xf32>,
          %parallel_loop3A_288 = arith.index_cast %parallel_loop3A_226 : i32 to index
          %parallel_loop3A_289 = arith.constant 112 : index
          %parallel_loop3A_290 = tpu.vector_load %arg9[%parallel_loop3A_288, %parallel_loop3A_289] {strides = array<i32>} : memref<200x128xf32, #tpu.memory_space<vmem>>, vector<16xf32>,
          %parallel_loop3A_291 = arith.addf %parallel_loop3A_287, %parallel_loop3A_290 : vector<16xf32>
          %parallel_loop3A_292 = arith.addf %parallel_loop3A_235, %parallel_loop3A_243 : vector<16xf32>
          %parallel_loop3A_293 = arith.addf %parallel_loop3A_251, %parallel_loop3A_259 : vector<16xf32>
          %parallel_loop3A_294 = arith.addf %parallel_loop3A_267, %parallel_loop3A_275 : vector<16xf32>
          %parallel_loop3A_295 = arith.addf %parallel_loop3A_283, %parallel_loop3A_291 : vector<16xf32>
          %parallel_loop3A_296 = arith.addf %parallel_loop3A_292, %parallel_loop3A_293 : vector<16xf32>
          %parallel_loop3A_297 = arith.addf %parallel_loop3A_294, %parallel_loop3A_295 : vector<16xf32>
          %parallel_loop3A_298 = arith.addf %parallel_loop3A_296, %parallel_loop3A_297 : vector<16xf32>
          %parallel_loop3A_299 = arith.constant true
          %parallel_loop3A_300 = vector.broadcast %parallel_loop3A_299 : i1 to vector<16xi1>
          %parallel_loop3A_301 = tpu.scan <sum>, %parallel_loop3A_298 masked %parallel_loop3A_300 : vector<16xf32>, vector<16xi1> -> vector<16xf32>
          %parallel_loop3A_302 = vector.extract %parallel_loop3A_301[15] : f32 from vector<16xf32>
          %parallel_loop3A_303 = arith.mulf %parallel_loop3A_235, %parallel_loop3A_235 : vector<16xf32>
          %parallel_loop3A_304 = arith.mulf %parallel_loop3A_243, %parallel_loop3A_243 : vector<16xf32>
          %parallel_loop3A_305 = arith.mulf %parallel_loop3A_251, %parallel_loop3A_251 : vector<16xf32>
          %parallel_loop3A_306 = arith.mulf %parallel_loop3A_259, %parallel_loop3A_259 : vector<16xf32>
          %parallel_loop3A_307 = arith.mulf %parallel_loop3A_267, %parallel_loop3A_267 : vector<16xf32>
          %parallel_loop3A_308 = arith.mulf %parallel_loop3A_275, %parallel_loop3A_275 : vector<16xf32>
          %parallel_loop3A_309 = arith.mulf %parallel_loop3A_283, %parallel_loop3A_283 : vector<16xf32>
          %parallel_loop3A_310 = arith.mulf %parallel_loop3A_291, %parallel_loop3A_291 : vector<16xf32>
          %parallel_loop3A_311 = arith.addf %parallel_loop3A_303, %parallel_loop3A_304 : vector<16xf32>
          %parallel_loop3A_312 = arith.addf %parallel_loop3A_305, %parallel_loop3A_306 : vector<16xf32>
          %parallel_loop3A_313 = arith.addf %parallel_loop3A_307, %parallel_loop3A_308 : vector<16xf32>
          %parallel_loop3A_314 = arith.addf %parallel_loop3A_309, %parallel_loop3A_310 : vector<16xf32>
          %parallel_loop3A_315 = arith.addf %parallel_loop3A_311, %parallel_loop3A_312 : vector<16xf32>
          %parallel_loop3A_316 = arith.addf %parallel_loop3A_313, %parallel_loop3A_314 : vector<16xf32>
          %parallel_loop3A_317 = arith.addf %parallel_loop3A_315, %parallel_loop3A_316 : vector<16xf32>
          %parallel_loop3A_318 = arith.constant true
          %parallel_loop3A_319 = vector.broadcast %parallel_loop3A_318 : i1 to vector<16xi1>
          %parallel_loop3A_320 = tpu.scan <sum>, %parallel_loop3A_317 masked %parallel_loop3A_319 : vector<16xf32>, vector<16xi1> -> vector<16xf32>
          %parallel_loop3A_321 = vector.extract %parallel_loop3A_320[15] : f32 from vector<16xf32>
          %parallel_loop3A_322 = arith.constant 7.812500e-03 : f32
          %parallel_loop3A_323 = arith.mulf %parallel_loop3A_302, %parallel_loop3A_322 : f32
          %parallel_loop3A_324 = arith.constant 7.812500e-03 : f32
          %parallel_loop3A_325 = arith.mulf %parallel_loop3A_321, %parallel_loop3A_324 : f32
          %parallel_loop3A_326 = arith.mulf %parallel_loop3A_323, %parallel_loop3A_323 : f32
          %parallel_loop3A_327 = arith.subf %parallel_loop3A_325, %parallel_loop3A_326 : f32
          %parallel_loop3A_328 = arith.constant 9.99999996E-13 : f32
          %parallel_loop3A_329 = arith.addf %parallel_loop3A_327, %parallel_loop3A_328 : f32
          %parallel_loop3A_330 = vector.broadcast %parallel_loop3A_329 : f32 to vector<16xf32>
          %parallel_loop3A_331 = tpu.bitcast %parallel_loop3A_330 : vector<16xf32> -> vector<16xi32>
          %parallel_loop3A_332 = arith.constant 1597463007 : i32
          %parallel_loop3A_333 = vector.broadcast %parallel_loop3A_332 : i32 to vector<16xi32>
          %parallel_loop3A_334 = arith.constant 1 : i32
          %parallel_loop3A_335 = vector.broadcast %parallel_loop3A_334 : i32 to vector<16xi32>
          %parallel_loop3A_336 = arith.shrsi %parallel_loop3A_331, %parallel_loop3A_335 : vector<16xi32>
          %parallel_loop3A_337 = arith.subi %parallel_loop3A_333, %parallel_loop3A_336 : vector<16xi32>
          %parallel_loop3A_338 = tpu.bitcast %parallel_loop3A_337 : vector<16xi32> -> vector<16xf32>
          %parallel_loop3A_339 = arith.constant 5.000000e-01 : f32
          %parallel_loop3A_340 = vector.broadcast %parallel_loop3A_339 : f32 to vector<16xf32>
          %parallel_loop3A_341 = arith.mulf %parallel_loop3A_330, %parallel_loop3A_340 : vector<16xf32>
          %parallel_loop3A_342 = arith.mulf %parallel_loop3A_341, %parallel_loop3A_338 : vector<16xf32>
          %parallel_loop3A_343 = arith.mulf %parallel_loop3A_342, %parallel_loop3A_338 : vector<16xf32>
          %parallel_loop3A_344 = arith.constant 1.500000e+00 : f32
          %parallel_loop3A_345 = vector.broadcast %parallel_loop3A_344 : f32 to vector<16xf32>
          %parallel_loop3A_346 = arith.subf %parallel_loop3A_345, %parallel_loop3A_343 : vector<16xf32>
          %parallel_loop3A_347 = arith.mulf %parallel_loop3A_338, %parallel_loop3A_346 : vector<16xf32>
          %parallel_loop3A_348 = arith.mulf %parallel_loop3A_341, %parallel_loop3A_347 : vector<16xf32>
          %parallel_loop3A_349 = arith.mulf %parallel_loop3A_348, %parallel_loop3A_347 : vector<16xf32>
          %parallel_loop3A_350 = arith.constant 1.500000e+00 : f32
          %parallel_loop3A_351 = vector.broadcast %parallel_loop3A_350 : f32 to vector<16xf32>
          %parallel_loop3A_352 = arith.subf %parallel_loop3A_351, %parallel_loop3A_349 : vector<16xf32>
          %parallel_loop3A_353 = arith.mulf %parallel_loop3A_347, %parallel_loop3A_352 : vector<16xf32>
          %parallel_loop3A_354 = vector.broadcast %parallel_loop3A_323 : f32 to vector<16xf32>
          %parallel_loop3A_355 = arith.subf %parallel_loop3A_235, %parallel_loop3A_354 : vector<16xf32>
          %parallel_loop3A_356 = arith.mulf %parallel_loop3A_355, %parallel_loop3A_353 : vector<16xf32>
          %parallel_loop3A_357 = arith.mulf %parallel_loop3A_356, %get3A_3 : vector<16xf32>
          %parallel_loop3A_358 = arith.addf %parallel_loop3A_357, %get3A_19 : vector<16xf32>
          %parallel_loop3A_359 = arith.index_cast %rem3A_181 : i32 to index
          %parallel_loop3A_360 = arith.index_cast %parallel_loop3A_226 : i32 to index
          %parallel_loop3A_361 = arith.constant 0 : index
          %parallel_loop3A_362 = tpu.vector_load %arg10[%parallel_loop3A_359, %parallel_loop3A_360, %parallel_loop3A_361] {strides = array<i32>} : memref<3x200x128xf32, #tpu.memory_space<vmem>>, vector<16xf32>,
          tpu.vector_store %arg10[%parallel_loop3A_359, %parallel_loop3A_360, %parallel_loop3A_361], %parallel_loop3A_358 {strides = array<i32>} : memref<3x200x128xf32, #tpu.memory_space<vmem>>, vector<16xf32>,
          %parallel_loop3A_363 = arith.subf %parallel_loop3A_243, %parallel_loop3A_354 : vector<16xf32>
          %parallel_loop3A_364 = arith.mulf %parallel_loop3A_363, %parallel_loop3A_353 : vector<16xf32>
          %parallel_loop3A_365 = arith.mulf %parallel_loop3A_364, %get3A_5 : vector<16xf32>
          %parallel_loop3A_366 = arith.addf %parallel_loop3A_365, %get3A_21 : vector<16xf32>
          %parallel_loop3A_367 = arith.index_cast %rem3A_181 : i32 to index
          %parallel_loop3A_368 = arith.index_cast %parallel_loop3A_226 : i32 to index
          %parallel_loop3A_369 = arith.constant 16 : index
          %parallel_loop3A_370 = tpu.vector_load %arg10[%parallel_loop3A_367, %parallel_loop3A_368, %parallel_loop3A_369] {strides = array<i32>} : memref<3x200x128xf32, #tpu.memory_space<vmem>>, vector<16xf32>,
          tpu.vector_store %arg10[%parallel_loop3A_367, %parallel_loop3A_368, %parallel_loop3A_369], %parallel_loop3A_366 {strides = array<i32>} : memref<3x200x128xf32, #tpu.memory_space<vmem>>, vector<16xf32>,
          %parallel_loop3A_371 = arith.subf %parallel_loop3A_251, %parallel_loop3A_354 : vector<16xf32>
          %parallel_loop3A_372 = arith.mulf %parallel_loop3A_371, %parallel_loop3A_353 : vector<16xf32>
          %parallel_loop3A_373 = arith.mulf %parallel_loop3A_372, %get3A_7 : vector<16xf32>
          %parallel_loop3A_374 = arith.addf %parallel_loop3A_373, %get3A_23 : vector<16xf32>
          %parallel_loop3A_375 = arith.index_cast %rem3A_181 : i32 to index
          %parallel_loop3A_376 = arith.index_cast %parallel_loop3A_226 : i32 to index
          %parallel_loop3A_377 = arith.constant 32 : index
          %parallel_loop3A_378 = tpu.vector_load %arg10[%parallel_loop3A_375, %parallel_loop3A_376, %parallel_loop3A_377] {strides = array<i32>} : memref<3x200x128xf32, #tpu.memory_space<vmem>>, vector<16xf32>,
          tpu.vector_store %arg10[%parallel_loop3A_375, %parallel_loop3A_376, %parallel_loop3A_377], %parallel_loop3A_374 {strides = array<i32>} : memref<3x200x128xf32, #tpu.memory_space<vmem>>, vector<16xf32>,
          %parallel_loop3A_379 = arith.subf %parallel_loop3A_259, %parallel_loop3A_354 : vector<16xf32>
          %parallel_loop3A_380 = arith.mulf %parallel_loop3A_379, %parallel_loop3A_353 : vector<16xf32>
          %parallel_loop3A_381 = arith.mulf %parallel_loop3A_380, %get3A_9 : vector<16xf32>
          %parallel_loop3A_382 = arith.addf %parallel_loop3A_381, %get3A_25 : vector<16xf32>
          %parallel_loop3A_383 = arith.index_cast %rem3A_181 : i32 to index
          %parallel_loop3A_384 = arith.index_cast %parallel_loop3A_226 : i32 to index
          %parallel_loop3A_385 = arith.constant 48 : index
          %parallel_loop3A_386 = tpu.vector_load %arg10[%parallel_loop3A_383, %parallel_loop3A_384, %parallel_loop3A_385] {strides = array<i32>} : memref<3x200x128xf32, #tpu.memory_space<vmem>>, vector<16xf32>,
          tpu.vector_store %arg10[%parallel_loop3A_383, %parallel_loop3A_384, %parallel_loop3A_385], %parallel_loop3A_382 {strides = array<i32>} : memref<3x200x128xf32, #tpu.memory_space<vmem>>, vector<16xf32>,
          %parallel_loop3A_387 = arith.subf %parallel_loop3A_267, %parallel_loop3A_354 : vector<16xf32>
          %parallel_loop3A_388 = arith.mulf %parallel_loop3A_387, %parallel_loop3A_353 : vector<16xf32>
          %parallel_loop3A_389 = arith.mulf %parallel_loop3A_388, %get3A_11 : vector<16xf32>
          %parallel_loop3A_390 = arith.addf %parallel_loop3A_389, %get3A_27 : vector<16xf32>
          %parallel_loop3A_391 = arith.index_cast %rem3A_181 : i32 to index
          %parallel_loop3A_392 = arith.index_cast %parallel_loop3A_226 : i32 to index
          %parallel_loop3A_393 = arith.constant 64 : index
          %parallel_loop3A_394 = tpu.vector_load %arg10[%parallel_loop3A_391, %parallel_loop3A_392, %parallel_loop3A_393] {strides = array<i32>} : memref<3x200x128xf32, #tpu.memory_space<vmem>>, vector<16xf32>,
          tpu.vector_store %arg10[%parallel_loop3A_391, %parallel_loop3A_392, %parallel_loop3A_393], %parallel_loop3A_390 {strides = array<i32>} : memref<3x200x128xf32, #tpu.memory_space<vmem>>, vector<16xf32>,
          %parallel_loop3A_395 = arith.subf %parallel_loop3A_275, %parallel_loop3A_354 : vector<16xf32>
          %parallel_loop3A_396 = arith.mulf %parallel_loop3A_395, %parallel_loop3A_353 : vector<16xf32>
          %parallel_loop3A_397 = arith.mulf %parallel_loop3A_396, %get3A_13 : vector<16xf32>
          %parallel_loop3A_398 = arith.addf %parallel_loop3A_397, %get3A_29 : vector<16xf32>
          %parallel_loop3A_399 = arith.index_cast %rem3A_181 : i32 to index
          %parallel_loop3A_400 = arith.index_cast %parallel_loop3A_226 : i32 to index
          %parallel_loop3A_401 = arith.constant 80 : index
          %parallel_loop3A_402 = tpu.vector_load %arg10[%parallel_loop3A_399, %parallel_loop3A_400, %parallel_loop3A_401] {strides = array<i32>} : memref<3x200x128xf32, #tpu.memory_space<vmem>>, vector<16xf32>,
          tpu.vector_store %arg10[%parallel_loop3A_399, %parallel_loop3A_400, %parallel_loop3A_401], %parallel_loop3A_398 {strides = array<i32>} : memref<3x200x128xf32, #tpu.memory_space<vmem>>, vector<16xf32>,
          %parallel_loop3A_403 = arith.subf %parallel_loop3A_283, %parallel_loop3A_354 : vector<16xf32>
          %parallel_loop3A_404 = arith.mulf %parallel_loop3A_403, %parallel_loop3A_353 : vector<16xf32>
          %parallel_loop3A_405 = arith.mulf %parallel_loop3A_404, %get3A_15 : vector<16xf32>
          %parallel_loop3A_406 = arith.addf %parallel_loop3A_405, %get3A_31 : vector<16xf32>
          %parallel_loop3A_407 = arith.index_cast %rem3A_181 : i32 to index
          %parallel_loop3A_408 = arith.index_cast %parallel_loop3A_226 : i32 to index
          %parallel_loop3A_409 = arith.constant 96 : index
          %parallel_loop3A_410 = tpu.vector_load %arg10[%parallel_loop3A_407, %parallel_loop3A_408, %parallel_loop3A_409] {strides = array<i32>} : memref<3x200x128xf32, #tpu.memory_space<vmem>>, vector<16xf32>,
          tpu.vector_store %arg10[%parallel_loop3A_407, %parallel_loop3A_408, %parallel_loop3A_409], %parallel_loop3A_406 {strides = array<i32>} : memref<3x200x128xf32, #tpu.memory_space<vmem>>, vector<16xf32>,
          %parallel_loop3A_411 = arith.subf %parallel_loop3A_291, %parallel_loop3A_354 : vector<16xf32>
          %parallel_loop3A_412 = arith.mulf %parallel_loop3A_411, %parallel_loop3A_353 : vector<16xf32>
          %parallel_loop3A_413 = arith.mulf %parallel_loop3A_412, %get3A_17 : vector<16xf32>
          %parallel_loop3A_414 = arith.addf %parallel_loop3A_413, %get3A_33 : vector<16xf32>
          %parallel_loop3A_415 = arith.index_cast %rem3A_181 : i32 to index
          %parallel_loop3A_416 = arith.index_cast %parallel_loop3A_226 : i32 to index
          %parallel_loop3A_417 = arith.constant 112 : index
          %parallel_loop3A_418 = tpu.vector_load %arg10[%parallel_loop3A_415, %parallel_loop3A_416, %parallel_loop3A_417] {strides = array<i32>} : memref<3x200x128xf32, #tpu.memory_space<vmem>>, vector<16xf32>,
          tpu.vector_store %arg10[%parallel_loop3A_415, %parallel_loop3A_416, %parallel_loop3A_417], %parallel_loop3A_414 {strides = array<i32>} : memref<3x200x128xf32, #tpu.memory_space<vmem>>, vector<16xf32>,
          scf.yield %parallel_loop3A_227 : i32
        } {sc.loop_unroll_factor = 25 : i64, sc.parallel_access}
      } else {
      }
      %add3A_200 = arith.addi %mul3A_2, %multiple_of3A_184 : i32
      %dma_start3A_201 = arith.constant 0 : i32
      %dma_start3A_202 = arith.constant 0 : i32
      %dma_start3A_203 = tpu.memref_slice %arg10[%rem3A_181, %dma_start3A_201, %dma_start3A_202] : memref<3x200x128xf32, #tpu.memory_space<vmem>> -> memref<1x200x128xf32, #tpu.memory_space<vmem>>
      %dma_start3A_204 = tpu.memref_squeeze %dma_start3A_203 : memref<1x200x128xf32, #tpu.memory_space<vmem>> -> memref<200x128xf32, #tpu.memory_space<vmem>>
      %dma_start3A_205 = arith.constant 0 : i32
      %dma_start3A_206 = tpu.memref_slice %arg7[%add3A_200, %dma_start3A_205] : memref<204800x128xf32, #tpu.memory_space<hbm>> -> memref<200x128xf32, #tpu.memory_space<hbm>>
      %dma_start3A_207 = tpu.memref_slice %arg14[%rem3A_181] : memref<3x!tpu.dma_semaphore, #tpu.memory_space<semaphore_mem>> -> memref<1x!tpu.dma_semaphore, #tpu.memory_space<semaphore_mem>>
      %dma_start3A_208 = tpu.memref_squeeze %dma_start3A_207 : memref<1x!tpu.dma_semaphore, #tpu.memory_space<semaphore_mem>> -> memref<!tpu.dma_semaphore, #tpu.memory_space<semaphore_mem>>
      %dma_start3A_209 = arith.constant 0 : i32
      %dma_start3A_210 = tpu.memref_slice %arg7[%add3A_200, %dma_start3A_209] : memref<204800x128xf32, #tpu.memory_space<hbm>> -> memref<200x128xf32, #tpu.memory_space<hbm>>
      %dma_start3A_211 = arith.constant 0 : i32
      %dma_start3A_212 = arith.constant 0 : i32
      %dma_start3A_213 = tpu.memref_slice %arg10[%rem3A_181, %dma_start3A_211, %dma_start3A_212] : memref<3x200x128xf32, #tpu.memory_space<vmem>> -> memref<1x200x128xf32, #tpu.memory_space<vmem>>
      %dma_start3A_214 = tpu.memref_squeeze %dma_start3A_213 : memref<1x200x128xf32, #tpu.memory_space<vmem>> -> memref<200x128xf32, #tpu.memory_space<vmem>>
      tpu.enqueue_dma source(%dma_start3A_214 : memref<200x128xf32, #tpu.memory_space<vmem>>) target(%dma_start3A_210 : memref<200x128xf32, #tpu.memory_space<hbm>>) target_semaphore(%dma_start3A_208 : memref<!tpu.dma_semaphore, #tpu.memory_space<semaphore_mem>>)
      %add3A_215 = arith.constant 2 : i32
      %add3A_216 = arith.addi %scan3A_179, %add3A_215 : i32
      %lt3A = arith.constant 32 : i32
      %lt3A_217 = arith.cmpi slt, %add3A_216, %lt3A : i32
      %convert_element_type3A_218 = arith.extui %lt3A_217 : i1 to i32
      %cond3A_219 = arith.constant 0 : i32
      %cond3A_220 = arith.cmpi ne, %convert_element_type3A_218, %cond3A_219 : i32
      scf.if %cond3A_220 {
        %rem3A_222 = arith.constant 3 : i32
        %rem3A_223 = arith.remsi %add3A_216, %rem3A_222 : i32
        %ge3A = arith.constant 1 : i32
        %ge3A_224 = arith.cmpi sge, %scan3A_179, %ge3A : i32
        %convert_element_type3A_225 = arith.extui %ge3A_224 : i1 to i32
        %cond3A_226 = arith.constant 0 : i32
        %cond3A_227 = arith.cmpi ne, %convert_element_type3A_225, %cond3A_226 : i32
        scf.if %cond3A_227 {
          %sub3A_241 = arith.constant 1 : i32
          %sub3A_242 = arith.subi %scan3A_179, %sub3A_241 : i32
          %mul3A_243 = arith.constant 200 : i32
          %mul3A_244 = arith.muli %sub3A_242, %mul3A_243 : i32
          %multiple_of3A_245 = tpu.assume_multiple %mul3A_244, 8 : i32
          %add3A_246 = arith.addi %mul3A_2, %multiple_of3A_245 : i32
          %dma_wait3A_247 = arith.constant 0 : i32
          %dma_wait3A_248 = arith.constant 0 : i32
          %dma_wait3A_249 = tpu.memref_slice %arg10[%rem3A_223, %dma_wait3A_247, %dma_wait3A_248] : memref<3x200x128xf32, #tpu.memory_space<vmem>> -> memref<1x200x128xf32, #tpu.memory_space<vmem>>
          %dma_wait3A_250 = tpu.memref_squeeze %dma_wait3A_249 : memref<1x200x128xf32, #tpu.memory_space<vmem>> -> memref<200x128xf32, #tpu.memory_space<vmem>>
          %dma_wait3A_251 = arith.constant 0 : i32
          %dma_wait3A_252 = tpu.memref_slice %arg7[%add3A_246, %dma_wait3A_251] : memref<204800x128xf32, #tpu.memory_space<hbm>> -> memref<200x128xf32, #tpu.memory_space<hbm>>
          %dma_wait3A_253 = tpu.memref_slice %arg14[%rem3A_223] : memref<3x!tpu.dma_semaphore, #tpu.memory_space<semaphore_mem>> -> memref<1x!tpu.dma_semaphore, #tpu.memory_space<semaphore_mem>>
          %dma_wait3A_254 = tpu.memref_squeeze %dma_wait3A_253 : memref<1x!tpu.dma_semaphore, #tpu.memory_space<semaphore_mem>> -> memref<!tpu.dma_semaphore, #tpu.memory_space<semaphore_mem>>
          %dma_wait3A_255 = arith.constant 0 : i32
          %dma_wait3A_256 = tpu.memref_slice %arg7[%add3A_246, %dma_wait3A_255] : memref<204800x128xf32, #tpu.memory_space<hbm>> -> memref<200x128xf32, #tpu.memory_space<hbm>>
          %dma_wait3A_257 = arith.constant 0 : i32
          %dma_wait3A_258 = arith.constant 0 : i32
          %dma_wait3A_259 = tpu.memref_slice %arg10[%rem3A_223, %dma_wait3A_257, %dma_wait3A_258] : memref<3x200x128xf32, #tpu.memory_space<vmem>> -> memref<1x200x128xf32, #tpu.memory_space<vmem>>
          %dma_wait3A_260 = tpu.memref_squeeze %dma_wait3A_259 : memref<1x200x128xf32, #tpu.memory_space<vmem>> -> memref<200x128xf32, #tpu.memory_space<vmem>>
          tpu.wait_dma2 semaphore(%dma_wait3A_254 : memref<!tpu.dma_semaphore, #tpu.memory_space<semaphore_mem>>) src(%dma_wait3A_260 : memref<200x128xf32, #tpu.memory_space<vmem>>) dst(%dma_wait3A_256 : memref<200x128xf32, #tpu.memory_space<hbm>>)
        } else {
        }
        %mul3A_228 = arith.constant 200 : i32
        %mul3A_229 = arith.muli %add3A_216, %mul3A_228 : i32
        %multiple_of3A_230 = tpu.assume_multiple %mul3A_229, 8 : i32
        %dma_start3A_231 = arith.constant 0 : i32
        %dma_start3A_232 = arith.constant 0 : i32
        %dma_start3A_233 = tpu.memref_slice %arg10[%rem3A_223, %dma_start3A_231, %dma_start3A_232] : memref<3x200x128xf32, #tpu.memory_space<vmem>> -> memref<1x200x128xf32, #tpu.memory_space<vmem>>
        %dma_start3A_234 = tpu.memref_squeeze %dma_start3A_233 : memref<1x200x128xf32, #tpu.memory_space<vmem>> -> memref<200x128xf32, #tpu.memory_space<vmem>>
        %dma_start3A_235 = tpu.memref_slice %arg8[%multiple_of3A_230] : memref<6400xi32, #tpu.memory_space<vmem>> -> memref<200xi32, #tpu.memory_space<vmem>>
        %dma_start3A_236 = arith.constant 0 : i32
        %dma_start3A_237 = arith.constant 0 : i32
        %dma_start3A_238 = tpu.memref_slice %arg3[%dma_start3A_236, %dma_start3A_237] : memref<100000x128xf32, #tpu.memory_space<hbm>> -> memref<100000x128xf32, #tpu.memory_space<hbm>>
        %dma_start3A_239 = tpu.memref_slice %arg13[%rem3A_223] : memref<3x!tpu.dma_semaphore, #tpu.memory_space<semaphore_mem>> -> memref<1x!tpu.dma_semaphore, #tpu.memory_space<semaphore_mem>>
        %dma_start3A_240 = tpu.memref_squeeze %dma_start3A_239 : memref<1x!tpu.dma_semaphore, #tpu.memory_space<semaphore_mem>> -> memref<!tpu.dma_semaphore, #tpu.memory_space<semaphore_mem>>
        tpu.enqueue_indirect_dma source(%dma_start3A_238 : memref<100000x128xf32, #tpu.memory_space<hbm>>) target(%dma_start3A_234 : memref<200x128xf32, #tpu.memory_space<vmem>>) offsets(%dma_start3A_235 : memref<200xi32, #tpu.memory_space<vmem>>) semaphore(%dma_start3A_240 : memref<!tpu.dma_semaphore, #tpu.memory_space<semaphore_mem>>)
      } else {
      }
      %scan3A_221 = arith.constant 0 : i32
      scf.yield %scan3A_221 : i32
    }
    %scan3A_122 = arith.constant 32 : i32
    %multiple_of3A_123 = arith.constant 5800 : i32
    %multiple_of3A_124 = tpu.assume_multiple %multiple_of3A_123, 8 : i32
    %add3A_125 = arith.addi %mul3A_2, %multiple_of3A_124 : i32
    %dma_wait3A = arith.constant 2 : i32
    %dma_wait3A_126 = arith.constant 2 : i32
    %dma_wait3A_127 = arith.constant 0 : i32
    %dma_wait3A_128 = arith.constant 0 : i32
    %dma_wait3A_129 = tpu.memref_slice %arg10[%dma_wait3A, %dma_wait3A_127, %dma_wait3A_128] : memref<3x200x128xf32, #tpu.memory_space<vmem>> -> memref<1x200x128xf32, #tpu.memory_space<vmem>>
    %dma_wait3A_130 = tpu.memref_squeeze %dma_wait3A_129 : memref<1x200x128xf32, #tpu.memory_space<vmem>> -> memref<200x128xf32, #tpu.memory_space<vmem>>
    %dma_wait3A_131 = arith.constant 0 : i32
    %dma_wait3A_132 = tpu.memref_slice %arg7[%add3A_125, %dma_wait3A_131] : memref<204800x128xf32, #tpu.memory_space<hbm>> -> memref<200x128xf32, #tpu.memory_space<hbm>>
    %dma_wait3A_133 = tpu.memref_slice %arg14[%dma_wait3A_126] : memref<3x!tpu.dma_semaphore, #tpu.memory_space<semaphore_mem>> -> memref<1x!tpu.dma_semaphore, #tpu.memory_space<semaphore_mem>>
    %dma_wait3A_134 = tpu.memref_squeeze %dma_wait3A_133 : memref<1x!tpu.dma_semaphore, #tpu.memory_space<semaphore_mem>> -> memref<!tpu.dma_semaphore, #tpu.memory_space<semaphore_mem>>
    %dma_wait3A_135 = arith.constant 0 : i32
    %dma_wait3A_136 = tpu.memref_slice %arg7[%add3A_125, %dma_wait3A_135] : memref<204800x128xf32, #tpu.memory_space<hbm>> -> memref<200x128xf32, #tpu.memory_space<hbm>>
    %dma_wait3A_137 = arith.constant 0 : i32
    %dma_wait3A_138 = arith.constant 0 : i32
    %dma_wait3A_139 = tpu.memref_slice %arg10[%dma_wait3A, %dma_wait3A_137, %dma_wait3A_138] : memref<3x200x128xf32, #tpu.memory_space<vmem>> -> memref<1x200x128xf32, #tpu.memory_space<vmem>>
    %dma_wait3A_140 = tpu.memref_squeeze %dma_wait3A_139 : memref<1x200x128xf32, #tpu.memory_space<vmem>> -> memref<200x128xf32, #tpu.memory_space<vmem>>
    tpu.wait_dma2 semaphore(%dma_wait3A_134 : memref<!tpu.dma_semaphore, #tpu.memory_space<semaphore_mem>>) src(%dma_wait3A_140 : memref<200x128xf32, #tpu.memory_space<vmem>>) dst(%dma_wait3A_136 : memref<200x128xf32, #tpu.memory_space<hbm>>)
    %multiple_of3A_141 = arith.constant 6000 : i32
    %multiple_of3A_142 = tpu.assume_multiple %multiple_of3A_141, 8 : i32
    %add3A_143 = arith.addi %mul3A_2, %multiple_of3A_142 : i32
    %dma_wait3A_144 = arith.constant 0 : i32
    %dma_wait3A_145 = arith.constant 0 : i32
    %dma_wait3A_146 = arith.constant 0 : i32
    %dma_wait3A_147 = arith.constant 0 : i32
    %dma_wait3A_148 = tpu.memref_slice %arg10[%dma_wait3A_144, %dma_wait3A_146, %dma_wait3A_147] : memref<3x200x128xf32, #tpu.memory_space<vmem>> -> memref<1x200x128xf32, #tpu.memory_space<vmem>>
    %dma_wait3A_149 = tpu.memref_squeeze %dma_wait3A_148 : memref<1x200x128xf32, #tpu.memory_space<vmem>> -> memref<200x128xf32, #tpu.memory_space<vmem>>
    %dma_wait3A_150 = arith.constant 0 : i32
    %dma_wait3A_151 = tpu.memref_slice %arg7[%add3A_143, %dma_wait3A_150] : memref<204800x128xf32, #tpu.memory_space<hbm>> -> memref<200x128xf32, #tpu.memory_space<hbm>>
    %dma_wait3A_152 = tpu.memref_slice %arg14[%dma_wait3A_145] : memref<3x!tpu.dma_semaphore, #tpu.memory_space<semaphore_mem>> -> memref<1x!tpu.dma_semaphore, #tpu.memory_space<semaphore_mem>>
    %dma_wait3A_153 = tpu.memref_squeeze %dma_wait3A_152 : memref<1x!tpu.dma_semaphore, #tpu.memory_space<semaphore_mem>> -> memref<!tpu.dma_semaphore, #tpu.memory_space<semaphore_mem>>
    %dma_wait3A_154 = arith.constant 0 : i32
    %dma_wait3A_155 = tpu.memref_slice %arg7[%add3A_143, %dma_wait3A_154] : memref<204800x128xf32, #tpu.memory_space<hbm>> -> memref<200x128xf32, #tpu.memory_space<hbm>>
    %dma_wait3A_156 = arith.constant 0 : i32
    %dma_wait3A_157 = arith.constant 0 : i32
    %dma_wait3A_158 = tpu.memref_slice %arg10[%dma_wait3A_144, %dma_wait3A_156, %dma_wait3A_157] : memref<3x200x128xf32, #tpu.memory_space<vmem>> -> memref<1x200x128xf32, #tpu.memory_space<vmem>>
    %dma_wait3A_159 = tpu.memref_squeeze %dma_wait3A_158 : memref<1x200x128xf32, #tpu.memory_space<vmem>> -> memref<200x128xf32, #tpu.memory_space<vmem>>
    tpu.wait_dma2 semaphore(%dma_wait3A_153 : memref<!tpu.dma_semaphore, #tpu.memory_space<semaphore_mem>>) src(%dma_wait3A_159 : memref<200x128xf32, #tpu.memory_space<vmem>>) dst(%dma_wait3A_155 : memref<200x128xf32, #tpu.memory_space<hbm>>)
    %multiple_of3A_160 = arith.constant 6200 : i32
    %multiple_of3A_161 = tpu.assume_multiple %multiple_of3A_160, 8 : i32
    %add3A_162 = arith.addi %mul3A_2, %multiple_of3A_161 : i32
    %dma_wait3A_163 = arith.constant 1 : i32
    %dma_wait3A_164 = arith.constant 1 : i32
    %dma_wait3A_165 = arith.constant 0 : i32
    %dma_wait3A_166 = arith.constant 0 : i32
    %dma_wait3A_167 = tpu.memref_slice %arg10[%dma_wait3A_163, %dma_wait3A_165, %dma_wait3A_166] : memref<3x200x128xf32, #tpu.memory_space<vmem>> -> memref<1x200x128xf32, #tpu.memory_space<vmem>>
    %dma_wait3A_168 = tpu.memref_squeeze %dma_wait3A_167 : memref<1x200x128xf32, #tpu.memory_space<vmem>> -> memref<200x128xf32, #tpu.memory_space<vmem>>
    %dma_wait3A_169 = arith.constant 0 : i32
    %dma_wait3A_170 = tpu.memref_slice %arg7[%add3A_162, %dma_wait3A_169] : memref<204800x128xf32, #tpu.memory_space<hbm>> -> memref<200x128xf32, #tpu.memory_space<hbm>>
    %dma_wait3A_171 = tpu.memref_slice %arg14[%dma_wait3A_164] : memref<3x!tpu.dma_semaphore, #tpu.memory_space<semaphore_mem>> -> memref<1x!tpu.dma_semaphore, #tpu.memory_space<semaphore_mem>>
    %dma_wait3A_172 = tpu.memref_squeeze %dma_wait3A_171 : memref<1x!tpu.dma_semaphore, #tpu.memory_space<semaphore_mem>> -> memref<!tpu.dma_semaphore, #tpu.memory_space<semaphore_mem>>
    %dma_wait3A_173 = arith.constant 0 : i32
    %dma_wait3A_174 = tpu.memref_slice %arg7[%add3A_162, %dma_wait3A_173] : memref<204800x128xf32, #tpu.memory_space<hbm>> -> memref<200x128xf32, #tpu.memory_space<hbm>>
    %dma_wait3A_175 = arith.constant 0 : i32
    %dma_wait3A_176 = arith.constant 0 : i32
    %dma_wait3A_177 = tpu.memref_slice %arg10[%dma_wait3A_163, %dma_wait3A_175, %dma_wait3A_176] : memref<3x200x128xf32, #tpu.memory_space<vmem>> -> memref<1x200x128xf32, #tpu.memory_space<vmem>>
    %dma_wait3A_178 = tpu.memref_squeeze %dma_wait3A_177 : memref<1x200x128xf32, #tpu.memory_space<vmem>> -> memref<200x128xf32, #tpu.memory_space<vmem>>
    tpu.wait_dma2 semaphore(%dma_wait3A_172 : memref<!tpu.dma_semaphore, #tpu.memory_space<semaphore_mem>>) src(%dma_wait3A_178 : memref<200x128xf32, #tpu.memory_space<vmem>>) dst(%dma_wait3A_174 : memref<200x128xf32, #tpu.memory_space<hbm>>)
    return
  }
}

</mosaic_0001>

<sc_bundles>
// kernel: kernel.3.cloned.1.call-start
scs
__scs_entry_jumppad:
0x0: {  	(pc) =	sbr.rel $0x88, $3  }
0x1: {  	(tag) =	ssettag $0x0;
	lr =	simm.s32 $0x1  }
0x2: {  	[smem:$0x3F9C] =	sst lr;
	_ =	strace $0xD0000000  }
0x3: {  	_ = 	snop  }
0x4: {  	_ = 	snop  }
0x5: {  	_ = 	snop  }
0x6: {  	_ = 	snop  }
0x7: {  	_ = 	snop  }
__scs_overlays_trampoline_lowered:
0x8: {  	[smem:$0x3FAB] =	sst s0  }
0x9: {  	[smem:$0x3FAC] =	sst s1  }
0xa: {  	[smem:$0x3FAD] =	sst s2  }
0xb: {  	[smem:$0x3FAE] =	sst s3  }
0xc: {  	[smem:$0x3FAF] =	sst s4  }
0xd: {  	[smem:$0x3FB0] =	sst s5  }
0xe: {  	[smem:$0x3FB1] =	sst s6  }
0xf: {  	[smem:$0x3FB2] =	sst s7  }
0x10: {  	[smem:$0x3FB3] =	sst s8  }
0x11: {  	[smem:$0x3FB4] =	sst s9;
	s0 =	simm.s32 @!p0 $0x0  }
0x12: {  	s1 =	sld [smem:$0x3F9A];
	s0 =	simm.s32 @p0 $0x1  }
0x13: {  	[smem:$0x3FB5] =	sst s0;
	s0 =	simm.s32 @!p1 $0x0  }
0x14: {  	s2 =	sld [smem:$0x3F99];
	s0 =	simm.s32 @p1 $0x1  }
0x15: {  	[smem:$0x3FB6] =	sst s0;
	s0 =	simm.s32 @!p2 $0x0  }
0x16: {  	s3 =	sld [smem:$0x3FDB];
	s0 =	simm.s32 @p2 $0x1  }
0x17: {  	s4 =	simm.s32 $0x1BF5;
	[smem:$0x3FB8] =	sst s0  }
0x18: {  	s0 =	sld [smem:$0x3F9B];
	_ =	swait.ge [sflag:s4], $0x0  }
0x19: {  	s7 =	sld [smem:$0x3F9C]  }
0x1a: {  	s8 =	sadd.s32 $0xFFFFE003, lr  }
0x1b: {  	s9 =	sadd.s32 $0xFFFFFEF7, lr;
	s5 =	simm.s32 $0xFFFFFFFF;
	p2 =	slt.u32 s8, $0xFFFFF086  }
0x1c: {  	p1 =	slt.u32 s9, $0xF7A;
	s5 =	simm.s32 @!p2 $0x0  }
0x1d: {  	s5 =	simm.s32 @p1 $0x1;
	p0 =	seq.s32 s7, s2  }
0x1e: {  	s7 =	smul.u32 @!p0 $0xF7A, s2;
	p2 =	seq.s32 @!p0 s5, $0x0  }
0x1f: {  	s9 =	smul.u32 $0xF7A, s1;
	s8 =	simm.s32 @!p0 $0x1BF5;
	p2 =	por !p2, p0  }
0x20: {  	[sflag:s8] =	ssyncset.s32 @!p0 $0xFFFFF086;
	s6 =	sadd.s32 @!p0 s3, s7;
	s7 =	simm.s32 @!p0 $0x108  }
0x21: {  	s3 =	sadd.s32 s3, s9;
	s6 =	sadd.s32 @!p0 $0x88, s6;
	s7 =	simm.s32 @p2 $0x1082  }
0x22: {  	[simem:s7], [sflag:s8] =	dma.local @!p0 [hbm:s6], $0xF7A  }
0x23: {  	s9 =	sor.u32 $0xD0000000, s2;
	s6 =	simm.s32 $0x108;
	_ =	swait.ge @!p0 [sflag:s8], $0x0  }
0x24: {  	s3 =	sadd.s32 $0x88, s3;
	s6 =	simm.s32 @!p1 $0x1082;
	[sflag:s4] =	ssyncset.s32 $0xFFFFF086  }
0x25: {  	[simem:s6], [sflag:s4] =	dma.local [hbm:s3], $0xF7A  }
0x26: {  	[smem:$0x3F9C] =	sst s1;
	(tag) =	ssettag s2;
	_ =	strace s9  }
0x27: {  	s1 =	sld [smem:$0x3FAC]  }
0x28: {  	s2 =	sld [smem:$0x3FAD]  }
0x29: {  	s4 =	sld [smem:$0x3FAF]  }
0x2a: {  	p0 =	seq.s32 s5, $0x0;
	s5 =	sld [smem:$0x3FB0]  }
0x2b: {  	s6 =	sld [smem:$0x3FB1]  }
0x2c: {  	s7 =	sld [smem:$0x3FB2]  }
0x2d: {  	s3 =	simm.s32 $0x108;
	s8 =	sld [smem:$0x3FB3]  }
0x2e: {  	s3 =	simm.s32 @!p0 $0x1082;
	s9 =	sld [smem:$0x3FB4]  }
0x2f: {  	lr =	sadd.s32 s0, s3;
	s0 =	sld [smem:$0x3FAB]  }
0x30: {  	s3 =	sld [smem:$0x3FAE]  }
0x31: {  	[smem:$0x3FB7] =	sst s10  }
0x32: {  	s10 =	sld [smem:$0x3FB5];
	_ =	sdelay $0x3  }
0x33: {  	p0 =	seq.s32 s10, $0x1;
	s10 =	sld [smem:$0x3FB7];
	_ =	sdelay $0x3  }
0x34: {  	[smem:$0x3FB7] =	sst s10  }
0x35: {  	s10 =	sld [smem:$0x3FB6];
	_ =	sdelay $0x3  }
0x36: {  	p1 =	seq.s32 s10, $0x1;
	s10 =	sld [smem:$0x3FB7];
	_ =	sdelay $0x3  }
0x37: {  	[smem:$0x3FB7] =	sst s10  }
0x38: {  	s10 =	sld [smem:$0x3FB8]  }
0x39: {  	_ = 	snop;
	(pc) =	sbr.ind lr, $3  }
0x3a: {  	_ = 	snop  }
0x3b: {  	_ = 	snop  }
0x3c: {  	p2 =	seq.s32 s10, $0x1;
	s10 =	sld [smem:$0x3FB7]  }
0x3d: {  	_ =	shalt  }
0x3e: {  	_ =	shalt  }
0x3f: {  	_ =	shalt  }
0x40: {  	_ =	shalt  }
0x41: {  	_ =	shalt  }
0x42: {  	_ =	shalt  }
0x43: {  	_ =	shalt  }
0x44: {  	_ =	shalt  }
0x45: {  	_ =	shalt  }
0x46: {  	_ =	shalt  }
0x47: {  	_ =	shalt  }
0x48: {  	_ =	shalt  }
0x49: {  	_ =	shalt  }
0x4a: {  	_ =	shalt  }
0x4b: {  	_ =	shalt  }
0x4c: {  	_ =	shalt  }
0x4d: {  	_ =	shalt  }
0x4e: {  	_ =	shalt  }
0x4f: {  	_ =	shalt  }
0x50: {  	_ =	shalt  }
0x51: {  	_ =	shalt  }
0x52: {  	_ =	shalt  }
0x53: {  	_ =	shalt  }
0x54: {  	_ =	shalt  }
0x55: {  	_ =	shalt  }
0x56: {  	_ =	shalt  }
0x57: {  	_ =	shalt  }
0x58: {  	_ =	shalt  }
0x59: {  	_ =	shalt  }
0x5a: {  	_ =	shalt  }
0x5b: {  	_ =	shalt  }
0x5c: {  	_ =	shalt  }
0x5d: {  	_ =	shalt  }
0x5e: {  	_ =	shalt  }
0x5f: {  	_ =	shalt  }
0x60: {  	_ =	shalt  }
0x61: {  	_ =	shalt  }
0x62: {  	_ =	shalt  }
0x63: {  	_ =	shalt  }
0x64: {  	_ =	shalt  }
0x65: {  	_ =	shalt  }
0x66: {  	_ =	shalt  }
0x67: {  	_ =	shalt  }
0x68: {  	_ =	shalt  }
0x69: {  	_ =	shalt  }
0x6a: {  	_ =	shalt  }
0x6b: {  	_ =	shalt  }
0x6c: {  	_ =	shalt  }
0x6d: {  	_ =	shalt  }
0x6e: {  	_ =	shalt  }
0x6f: {  	_ =	shalt  }
0x70: {  	_ =	shalt  }
0x71: {  	_ =	shalt  }
0x72: {  	_ =	shalt  }
0x73: {  	_ =	shalt  }
0x74: {  	_ =	shalt  }
0x75: {  	_ =	shalt  }
0x76: {  	_ =	shalt  }
0x77: {  	_ =	shalt  }
0x78: {  	_ =	shalt  }
0x79: {  	_ =	shalt  }
0x7a: {  	_ =	shalt  }
0x7b: {  	_ =	shalt  }
0x7c: {  	_ =	shalt  }
0x7d: {  	_ =	shalt  }
0x7e: {  	_ =	shalt  }
0x7f: {  	_ =	shalt  }
0x80: {  	_ =	shalt  }
0x81: {  	_ =	shalt  }
0x82: {  	_ =	shalt  }
0x83: {  	_ =	shalt  }
0x84: {  	_ =	shalt  }
0x85: {  	_ =	shalt  }
0x86: {  	_ =	shalt  }
0x87: {  	_ =	shalt  }
.Lfunc_end0:
.L_simem_size_0:
called_computation_lowered:
.L_overlay_start_0:
0x88: {  	s2 =	sld [smem:$0x3FD9]  }
0x89: {  	s3 =	sld [smem:$0x3FFE];
	_ =	sdelay $0x1  }
0x8a: {  	s1 =	srdreg.scid  }
0x8b: {  	s0 =	sand.u32 $0x1, s1  }
0x8c: {  	s17 =	sshll.u32 s0, $0xA;
	s2 =	sadd.s32 s3, s2  }
0x8d: {  	s2 =	sadd.s32 s2, s17  }
0x8e: {  	[smem:$0x3FC3] =	sst s2  }
0x8f: {  	_ = 	snop  }
0x90: {  	s2 =	sld [smem:$0x3FC8]  }
0x91: {  	s18 =	sld [smem:$0x3FC7]  }
0x92: {  	s4 =	sld [smem:$0x3FC6]  }
0x93: {  	s5 =	sld [smem:$0x3FC5]  }
0x94: {  	s6 =	sld [smem:$0x3FD0];
	(tm) =	ssettm $0x1  }
0x95: {  	s7 =	sld [smem:$0x3FFB];
	_ =	sdelay $0x3  }
0x96: {  	_ =	strace s7  }
0x97: {  	s7 =	sld [smem:$0x3FFC];
	_ =	sdelay $0x3  }
0x98: {  	_ =	strace s7  }
0x99: {  	s7 =	sld [smem:$0x3FFD];
	_ =	sdelay $0x3  }
0x9a: {  	_ =	strace s7  }
0x9b: {  	_ =	strace $0x8FFFFFFF  }
0x9c: {  	s19 =	sld [smem:$0x3FDB];
	_ =	sdelay $0x1  }
0x9d: {  	s8 =	simm.s32 $_scs_section_size  }
0x9e: {  	s9 =	simm.s32 $_size__tile_overlayer_lowered;
	s10 =	simm.s32 $_tile_overlayer_lowered  }
0x9f: {  	s22 =	simm.s32 $0x1BFF;
	s21 =	sshll.u32 s10, $0x1;
	s7 =	sadd.s32 s8, s19  }
0xa0: {  	s11 =	simm.s32 $0x0;
	s20 =	sshll.u32 s9, $0x1;
	s9 =	sadd.s32 s21, s7  }
0xa1: {  	[timem:s11], [sflag:s22] =	dma.local [hbm:s9], s20  }
0xa2: {  	_ =	swait.ge [sflag:s22], s20  }
0xa3: {  	s8 =	ssub.s32 $0x0, s20;
	[sflag:s22] =	ssyncset.done $0x0  }
0xa4: {  	[sflag:s22] =	ssyncadd.s32 s8;
	_ =	sdelay $0x1  }
0xa5: {  	s23 =	simm.s32 $0x1B8B  }
0xa6: {  	_ =	swait.ge [sflag:s23], $0x1  }
0xa7: {  	[sflag:s23] =	ssyncset.done $0x0  }
0xa8: {  	s25 =	simm.s32 $0x1B8E;
	s24 =	sld [smem:$0x3FFE];
	[sflag:s23] =	ssyncadd.s32 $0xFFFFFFFF  }
0xa9: {  	s26 =	simm.s32 $execute0_lowered;
	[smem:$0x3FD2] =	sst s25  }
0xaa: {  	s9 =	sshll.u32 s26, $0x1;
	_ =	strace $0x80000046;
	[dreg:$0x1] =	wrdreg $0xFFFFFFFF  }
0xab: {  	s28 =	simm.s32 $_size_execute0_lowered;
	s7 =	sadd.s32 s7, s9;
	[dreg:$0x0] =	wrdreg $0x0  }
0xac: {  	s9 =	sshll.u32 s28, $0x1;
	[dreg:$0x2] =	wrdreg s7  }
0xad: {  	[dreg:$0x3] =	wrdreg s9  }
0xae: {  	[dreg:$0x4] =	wrdreg $0xC0  }
0xaf: {  	_ =	task [dreg:s11], $0x5FFFF  }
0xb0: {  	[dreg:$0x1] =	wrdreg $0xFFFFFFFF  }
0xb1: {  	[dreg:$0x0] =	wrdreg $0x60  }
0xb2: {  	[dreg:$0x2] =	wrdreg s24  }
0xb3: {  	[dreg:$0x3] =	wrdreg s2  }
0xb4: {  	[dreg:$0x4] =	wrdreg s18  }
0xb5: {  	[dreg:$0x5] =	wrdreg s4  }
0xb6: {  	[dreg:$0x6] =	wrdreg s5  }
0xb7: {  	[dreg:$0x7] =	wrdreg s6  }
0xb8: {  	[dreg:$0x8] =	wrdreg $0x9  }
0xb9: {  	_ =	task.clear_ibuf [dreg:s11], $0x9FFFF;
	_ =	strace $0x90000046  }
0xba: {  	s29 =	simm.s32 $0x9;
	_ =	strace $0x80000048  }
0xbb: {  	_ =	swait.ge [sflag:s29], $0x1  }
0xbc: {  	[sflag:s29] =	ssyncadd.s32 $0xFFFFFFFF  }
0xbd: {  	_ =	strace $0x90000048  }
0xbe: {  	_ =	sfence  }
0xbf: {  	s30 =	sld [smem:$0x0];
	_ =	sdelay $0x2  }
0xc0: {  	s31 =	sshll.u32 s1, $0xD;
	s1 =	sshrl.u32 s1, $0x2  }
0xc1: {  	s3 =	sand.u32 $0x4000, s31;
	s1 =	sadd.s32 s1, s30  }
0xc2: {  	s0 =	sor.u32 s3, s0;
	s1 =	sshll.u32 s1, $0x11  }
0xc3: {  	s0 =	sor.u32 s1, s0  }
0xc4: {  	s0 =	sadd.s32 $0x8F2B, s0  }
0xc5: {  	[sflag:s0] =	ssyncadd.remote.s32 $0x1  }
0xc6: {  	_ =	sfence.sel $0xFFFF  }
0xc7: {  	[dreg:$0x0] =	wrdreg $0xFFFFFFFF;
	(pc) =	sbr.abs _section_cstart, $3  }
0xc8: {  	[dreg:$0x1] =	wrdreg $0xFFFFFFFF  }
0xc9: {  	_ =	task.clear_ibuf [dreg:s11], $0x2FFFF;
	_ =	strace $0x9FFFFFFF  }
0xca: {  	(tm) =	ssettm $0x7FFFFFFF  }
0xcb: {  	_ =	shalt  }
tec
execute0_lowered:
.L_overlay_start_1:
0x0: {  	(tag) =	ssettag $0x1  }
0x1: {  	s0 =	rddreg [dreg:$0x0]  }
0x2: {  	s2 =	srdreg.scid;
	s3 =	stileid.u32  }
0x3: {  	s1 =	rddreg [dreg:$0x1];
	s2 =	sand.u32 $0x1, s2;
	s3 =	sshll.u32 s3, $0x1  }
0x4: {  	s6 =	rddreg [dreg:$0x5];
	s3 =	sor.u32 s2, s3  }
0x5: {  	s8 =	simm.s32 $0x0;
	s11 =	simm.s32 $0x7;
	s7 =	smul.u32 $0x1900, s3  }
.Ltmp0:
0x6: {  	s15 =	simm.s32 $0xC8;
	s18 =	simm.s32 $0x6;
	(pc) =	sbr.rel .LBB2_1-.Ltmp0, $4  }
0x7: {  	s19 =	simm.s32 $0x4;
	s20 =	simm.s32 $0x5;
	s2 =	ssub.s32 $0x2, s2  }
0x8: {  	s21 =	simm.s32 $0x0;
	s31 =	sshrl.u32 s2, $0x1;
	s3 =	sshrl.u32 s7, $0x3  }
0x9: {  	[smem:$0x7FF] =	sst s8;
	s2 =	ssub.s32 s2, s31;
	s0 =	sadd.s32 s3, s0  }
0xa: {  	_ =	strace $0x80000047;
	s10 =	smax.u32 s2, $0x1;
	s9 =	sadd.s32 $0x400, s0  }
.LBB2_6:
0xb: {  	_ =	swait.ge [sflag:s18], $0x6400  }
0xc: {  	[sflag:s18] =	ssyncset.done $0x0  }
0xd: {  	s21 =	sadd.s32 $0x1, s21;
	[sflag:s18] =	ssyncadd.s32 $0xFFFF9C00  }
0xe: {  	p0 =	sne.s32 s21, s10;
	_ =	swait.ge [sflag:s19], $0x6400  }
.Ltmp1:
0xf: {  	[sflag:s19] =	ssyncset.done $0x0;
	(pc) =	sbr.rel @!p0 .LBB2_7-.Ltmp1, $4  }
0x10: {  	[sflag:s19] =	ssyncadd.s32 $0xFFFF9C00  }
0x11: {  	_ =	swait.ge [sflag:s20], $0x6400  }
0x12: {  	[sflag:s20] =	ssyncset.done $0x0  }
0x13: {  	[sflag:s20] =	ssyncadd.s32 $0xFFFF9C00  }
.LBB2_1:
0x14: {  	[tilespmem:s8], [sflag:$0x7] =	stream.linear.gather [hbm4b:s9+s8], $0x1900, $0x38;
	[tilespmem:$0x1AA00] =	vst v63  }
0x15: {  	_ =	swait.ge [sflag:s11], $0x1900  }
0x16: {  	[sflag:s11] =	ssyncset.done $0x0  }
0x17: {  	[sflag:s11] =	ssyncadd.s32 $0xFFFFE700  }
0x18: {  	s2 =	simm.s32 $0x1900;
	s0 =	rddreg [dreg:$0x2]  }
0x19: {  	[tilespmem:s2], [sflag:$0x7] =	stream.linear.gather [hbm4b:s0+s8], $0x6400, $0x38;
	[tilespmem:$0x1AA00] =	vst v63  }
0x1a: {  	_ =	swait.ge [sflag:s11], $0x6400  }
0x1b: {  	[sflag:s11] =	ssyncset.done $0x0  }
0x1c: {  	[sflag:s11] =	ssyncadd.s32 $0xFFFF9C00  }
0x1d: {  	s25 =	simm.s32 $0x1A900;
	s24 =	rddreg [dreg:$0x3]  }
0x1e: {  	[tilespmem:s25], [sflag:$0x7] =	stream.linear.gather [hbm4b:s24+s8], $0x80, $0x38;
	[tilespmem:$0x1AA00] =	vst v63  }
0x1f: {  	_ =	swait.ge [sflag:s11], $0x80  }
0x20: {  	[sflag:s11] =	ssyncset.done $0x0  }
0x21: {  	[sflag:s11] =	ssyncadd.s32 $0xFFFFFF80  }
0x22: {  	s28 =	simm.s32 $0x1A980;
	s26 =	rddreg [dreg:$0x4]  }
0x23: {  	[tilespmem:s28], [sflag:$0x7] =	stream.linear.gather [hbm4b:s26+s8], $0x80, $0x38;
	[tilespmem:$0x1AA00] =	vst v63  }
0x24: {  	_ =	swait.ge [sflag:s11], $0x80  }
0x25: {  	[sflag:s11] =	ssyncset.done $0x0  }
0x26: {  	[sflag:s11] =	ssyncadd.s32 $0xFFFFFF80  }
0x27: {  	v0 =	vld [tilespmem:$0x1A900]  }
0x28: {  	v1 =	vld [tilespmem:$0x1A910]  }
0x29: {  	v2 =	vld [tilespmem:$0x1A920]  }
0x2a: {  	v3 =	vld [tilespmem:$0x1A930]  }
0x2b: {  	v4 =	vld [tilespmem:$0x1A940]  }
0x2c: {  	v5 =	vld [tilespmem:$0x1A950]  }
0x2d: {  	v6 =	vld [tilespmem:$0x1A960];
	[tilespmem:$0x1FF00] =	vst v0  }
0x2e: {  	v7 =	vld [tilespmem:$0x1A970];
	[tilespmem:$0x1FF10] =	vst v1  }
0x2f: {  	v8 =	vld [tilespmem:$0x1A980];
	[tilespmem:$0x1FF20] =	vst v2  }
0x30: {  	v9 =	vld [tilespmem:$0x1A990];
	[tilespmem:$0x1FF30] =	vst v3  }
0x31: {  	v10 =	vld [tilespmem:$0x1A9A0];
	[tilespmem:$0x1FF40] =	vst v4  }
0x32: {  	v11 =	vld [tilespmem:$0x1A9B0];
	[tilespmem:$0x1FF50] =	vst v5  }
0x33: {  	v12 =	vld [tilespmem:$0x1A9C0];
	[tilespmem:$0x1FF60] =	vst v6  }
0x34: {  	v13 =	vld [tilespmem:$0x1A9D0];
	[tilespmem:$0x1FF70] =	vst v7  }
0x35: {  	v14 =	vld [tilespmem:$0x1A9E0];
	v0 =	vadd.f32 $-1.000000000e+00, v0;
	v1 =	vadd.f32 $-1.000000000e+00, v1;
	[tilespmem:$0x1FF80] =	vst v8  }
0x36: {  	v15 =	vld [tilespmem:$0x1A9F0];
	v2 =	vadd.f32 $-1.000000000e+00, v2;
	v3 =	vadd.f32 $-1.000000000e+00, v3;
	[tilespmem:$0x1FF90] =	vst v9  }
0x37: {  	v4 =	vadd.f32 $-1.000000000e+00, v4;
	v5 =	vadd.f32 $-1.000000000e+00, v5;
	[tilespmem:$0x1FFA0] =	vst v10  }
0x38: {  	v6 =	vadd.f32 $-1.000000000e+00, v6;
	v7 =	vadd.f32 $-1.000000000e+00, v7;
	v8 =	vand.u32 $0x7FFFFFFF, v8;
	[tilespmem:$0x1FFB0] =	vst v11  }
0x39: {  	v9 =	vand.u32 $0x7FFFFFFF, v9;
	v10 =	vand.u32 $0x7FFFFFFF, v10;
	v11 =	vand.u32 $0x7FFFFFFF, v11;
	[tilespmem:$0x1FFC0] =	vst v12  }
0x3a: {  	v12 =	vand.u32 $0x7FFFFFFF, v12;
	[tilespmem:$0x1FFD0] =	vst v13;
	v13 =	vand.u32 $0x7FFFFFFF, v13;
	v54 =	vand.u32 $0x7FFFFFFF, v14  }
0x3b: {  	v57 =	vand.u32 $0x7FFFFFFF, v15;
	v58 =	vadd.f32 v9, v8;
	v59 =	vadd.f32 v11, v10  }
0x3c: {  	v60 =	vadd.f32 v13, v12;
	v0 =	vand.u32 $0x7FFFFFFF, v0;
	v1 =	vand.u32 $0x7FFFFFFF, v1  }
0x3d: {  	v2 =	vand.u32 $0x7FFFFFFF, v2;
	v3 =	vand.u32 $0x7FFFFFFF, v3;
	v4 =	vand.u32 $0x7FFFFFFF, v4  }
0x3e: {  	v5 =	vand.u32 $0x7FFFFFFF, v5;
	v6 =	vand.u32 $0x7FFFFFFF, v6;
	v0 =	vadd.f32 v1, v0  }
0x3f: {  	v7 =	vand.u32 $0x7FFFFFFF, v7;
	v53 =	vadd.f32 v3, v2;
	v55 =	vadd.f32 v5, v4  }
0x40: {  	v56 =	vadd.f32 v7, v6;
	v2 =	vadd.f32 v57, v54  }
0x41: {  	v62 =	vadd.f32 v59, v58;
	v0 =	vadd.f32 v53, v0  }
0x42: {  	v61 =	vadd.f32 v56, v55;
	v2 =	vadd.f32 v2, v60;
	_ =	sdelay $0x1  }
0x43: {  	v0 =	vadd.f32 v61, v0;
	v63 =	vadd.f32 v2, v62;
	_ =	sdelay $0x1  }
0x44: {  	v0 =	vadd.f32 v63, v0;
	_ =	sdelay $0x1  }
0x45: {  	(xrf2) =	vadd.scan.msk.f32 $0xffff, v0;
	_ =	sdelay $0x9  }
0x46: {  	v0, _, _ =	vpop (xrf2)  }
0x47: {  	(v2sf) =	vpush v0, $0xF;
	_ =	sdelay $0x9  }
0x48: {  	s29 =	simm.s32 $0x7D00  }
0x49: {  	[tilespmem:s29], [sflag:$0x1] =	stream.indirect.gather [hbm4b:s1+s15], $0x80, s8, s15, $0xb8;
	[tilespmem:$0x1AA00] =	vst v63  }
.Ltmp2:
0x4a: {  	_ = 	snop;
	(pc) =	sbr.rel .LBB2_2-.Ltmp2, $4  }
0x4b: {  	s30 =	simm.s32 $0xE100  }
0x4c: {  	[tilespmem:s30], [sflag:$0x2] =	stream.indirect.gather [hbm4b:s1+s15], $0x80, s15, s15, $0xb8;
	[tilespmem:$0x1AA00] =	vst v63  }
0x4d: {  	[tilespmem:$0x1FFE0] =	vst v14;
	s31 =	spop (v2sf)  }
0x4e: {  	s22 =	simm.s32 $0x0;
	[tilespmem:$0x1FFF0] =	vst v15;
	p0 =	sne.f32 s31, $0.0e+00  }
.LBB2_5:
0x4f: {  	s0 =	smul.u32 $0xC8, s22;
	s2 =	sadd.s32 $0x2, s22;
	p1 =	sgt.u32 s22, $0x1D  }
0x50: {  	s3 =	smul.u32 @!p1 $0xAB, s2;
	_ =	sdelay $0x1  }
0x51: {  	s0 =	sadd.s32 s7, s0;
	s3 =	sshrl.u32 @!p1 s3, $0x9  }
0x52: {  	s0 =	sshll.u32 s0, $0x4;
	s3 =	sand.u32 @!p1 $0x7F, s3  }
0x53: {  	s4 =	sadd.s32 $0x4, s23;
	s0 =	sadd.s32 s6, s0;
	s3 =	smul.u32 @!p1 $0x3, s3  }
0x54: {  	[hbm4b:s0+s8] =	stream.linear.scatter [tilespmem:s24], [sflag:s4], $0x6400, $0x38;
	[tilespmem:$0x1AA00] =	vst v63  }
0x55: {  	p2 =	seq.s32 @!p1 s22, $0x0;
	s0 =	ssub.s32 @!p1 s2, s3  }
0x56: {  	p2 =	por p2, p1;
	s2 =	smul.u32 @!p1 $0x320, s2;
	s0 =	sand.u32 @!p1 $0xFF, s0  }
0x57: {  	s3 =	sadd.s32 @!p2 $0x4, s0;
	s4 =	smul.u32 @!p1 $0x19000, s0  }
0x58: {  	s22 =	sadd.s32 $0x1, s22;
	s2 =	sshra.s32 @!p1 s2, $0x2;
	_ =	swait.ge @!p2 [sflag:s3], $0x6400  }
0x59: {  	s0 =	sadd.s32 @!p1 $0x1, s0;
	[sflag:s3] =	ssyncset.done @!p2 $0x0;
	s4 =	sshrl.u32 @!p1 s4, $0x2  }
0x5a: {  	[sflag:s3] =	ssyncadd.s32 @!p2 $0xFFFF9C00;
	s3 =	sadd.s32 @!p1 $0x7D00, s4;
	s4 =	simm.s32 @!p1 $0xC8  }
0x5b: {  	[tilespmem:s3], [sflag:s0] =	stream.indirect.gather @!p1 [hbm4b:s1+s4], $0x80, s2, s4, $0xb8;
	[tilespmem:$0x1AA00] =	vst v63  }
0x5c: {  	p1 =	sne.s32 s22, $0x20  }
.Ltmp3:
0x5d: {  	_ = 	snop;
	(pc) =	sbr.rel @!p1 .LBB2_6-.Ltmp3, $1  }
0x5e: {  	_ =	sdelay $0x3  }
.LBB2_2:
0x5f: {  	s0 =	smul.u32 $0xAB, s22;
	_ =	sdelay $0x1  }
0x60: {  	s0 =	sshrl.u32 s0, $0x9  }
0x61: {  	s0 =	sand.u32 $0x7F, s0  }
0x62: {  	s0 =	smul.u32 $0x3, s0;
	_ =	sdelay $0x1  }
0x63: {  	s0 =	ssub.s32 s22, s0  }
.Ltmp4:
0x64: {  	s23 =	sand.u32 $0xFF, s0;
	(pc) =	sbr.rel @!p0 .LBB2_3-.Ltmp4, $4  }
0x65: {  	s0 =	sadd.s32 $0x1, s23;
	s2 =	smul.u32 $0x19000, s23  }
0x66: {  	_ =	swait.ge [sflag:s0], $0x6400  }
0x67: {  	[sflag:s0] =	ssyncset.done $0x0;
	s2 =	sshrl.u32 s2, $0x2  }
0x68: {  	s25 =	simm.s32 $0x0;
	[sflag:s0] =	ssyncadd.s32 $0xFFFF9C00;
	s24 =	sadd.s32 $0x7D00, s2  }
.LBB2_4:
0x69: {  	s28 =	sshll.u32 s25, $0x7  }
0x6a: {  	v1 =	vld [tilespmem:s28+$0x1900]  }
0x6b: {  	v3 =	vld [tilespmem:s28+$0x1910]  }
0x6c: {  	v5 =	vld [tilespmem:s28+$0x1920]  }
0x6d: {  	v7 =	vld [tilespmem:s28+$0x1930]  }
0x6e: {  	v9 =	vld [tilespmem:s28+$0x1940]  }
0x6f: {  	v11 =	vld [tilespmem:s28+$0x1950]  }
0x70: {  	v13 =	vld [tilespmem:s28+$0x1960]  }
0x71: {  	s26 =	sadd.s32 s28, s24;
	v15 =	vld [tilespmem:s28+$0x1970]  }
0x72: {  	v0 =	vld [tilespmem:s26+$0x0]  }
0x73: {  	v2 =	vld [tilespmem:s26+$0x10]  }
0x74: {  	v4 =	vld [tilespmem:s26+$0x20]  }
0x75: {  	v6 =	vld [tilespmem:s26+$0x30]  }
0x76: {  	v8 =	vld [tilespmem:s26+$0x40]  }
0x77: {  	v10 =	vld [tilespmem:s26+$0x50]  }
0x78: {  	v12 =	vld [tilespmem:s26+$0x60]  }
0x79: {  	v14 =	vld [tilespmem:s26+$0x70];
	_ =	sdelay $0x1  }
0x7a: {  	v19 =	vadd.f32 v1, v0;
	v18 =	vadd.f32 v3, v2  }
0x7b: {  	v17 =	vadd.f32 v5, v4;
	v16 =	vadd.f32 v7, v6  }
0x7c: {  	v21 =	vadd.f32 v9, v8;
	v25 =	vadd.f32 v11, v10  }
0x7d: {  	v22 =	vadd.f32 v13, v12;
	v40 =	vadd.f32 v15, v14  }
0x7e: {  	v1 =	vadd.f32 v18, v19;
	v41 =	vmul.f32 v19, v19;
	v3 =	vmul.f32 v18, v18  }
0x7f: {  	v53 =	vld [tilespmem:s28+$0x1980];
	v4 =	vadd.f32 v16, v17;
	v5 =	vmul.f32 v17, v17;
	v6 =	vmul.f32 v16, v16  }
0x80: {  	v55 =	vld [tilespmem:s28+$0x1990];
	v42 =	vadd.f32 v25, v21;
	v8 =	vmul.f32 v21, v21;
	v43 =	vmul.f32 v25, v25  }
0x81: {  	v57 =	vld [tilespmem:s28+$0x19A0];
	v44 =	vadd.f32 v40, v22;
	v45 =	vmul.f32 v22, v22;
	v46 =	vmul.f32 v40, v40  }
0x82: {  	v59 =	vld [tilespmem:s28+$0x19B0];
	v2 =	vadd.f32 v3, v41;
	v47 =	vadd.f32 v6, v5  }
0x83: {  	v61 =	vld [tilespmem:s28+$0x19C0];
	v48 =	vadd.f32 v43, v8;
	v49 =	vadd.f32 v46, v45  }
0x84: {  	v20 =	vld [tilespmem:s28+$0x19F0];
	v1 =	vadd.f32 v4, v1;
	v50 =	vadd.f32 v44, v42  }
0x85: {  	v24 =	vld [tilespmem:s28+$0x1A00];
	v2 =	vadd.f32 v47, v2;
	v51 =	vadd.f32 v49, v48  }
0x86: {  	v35 =	vld [tilespmem:s28+$0x1A10];
	v1 =	vadd.f32 v50, v1  }
0x87: {  	v39 =	vld [tilespmem:s28+$0x1A60];
	v2 =	vadd.f32 v51, v2  }
0x88: {  	v52 =	vld [tilespmem:s26+$0x80];
	(xrf2) =	vadd.scan.msk.f32 $0xffff, v1  }
0x89: {  	v54 =	vld [tilespmem:s26+$0x90];
	(xrf2) =	vadd.scan.msk.f32 $0xffff, v2  }
0x8a: {  	v56 =	vld [tilespmem:s26+$0xA0]  }
0x8b: {  	v58 =	vld [tilespmem:s26+$0xB0]  }
0x8c: {  	v60 =	vld [tilespmem:s26+$0xC0]  }
0x8d: {  	v63 =	vld [tilespmem:s26+$0xD0]  }
0x8e: {  	v23 =	vld [tilespmem:s26+$0x100]  }
0x8f: {  	v34 =	vld [tilespmem:s26+$0x110]  }
0x90: {  	v36 =	vld [tilespmem:s26+$0x120]  }
0x91: {  	v32 =	vadd.f32 v53, v52;
	v53 =	vld [tilespmem:s26+$0x150]  }
0x92: {  	v30 =	vadd.f32 v57, v56;
	v56 =	vld [tilespmem:s28+$0x1A50];
	v62, _, _ =	vpop (xrf2)  }
0x93: {  	[tilespmem:$0x1E820] =	vst v40;
	v41 =	vld [tilespmem:s28+$0x19D0];
	(v2sf) =	vpush v62, $0xF;
	v40, _, _ =	vpop (xrf2)  }
0x94: {  	v42 =	vld [tilespmem:s26+$0xE0];
	(v2sf) =	vpush v40, $0xF  }
0x95: {  	v33 =	vadd.f32 v55, v54;
	v31 =	vadd.f32 v59, v58;
	v43 =	vld [tilespmem:s28+$0x19E0]  }
0x96: {  	v57 =	vmul.f32 v30, v30;
	v44 =	vld [tilespmem:s26+$0xF0]  }
0x97: {  	v58 =	vmul.f32 v31, v31;
	v45 =	vld [tilespmem:s28+$0x1A20];
	v6 =	vadd.f32 v31, v30;
	v49 =	vadd.f32 v33, v32  }
0x98: {  	v0 =	vadd.f32 v61, v60;
	v59 =	vld [tilespmem:s26+$0x160];
	v54 =	vmul.f32 v32, v32;
	v55 =	vmul.f32 v33, v33  }
0x99: {  	v46 =	vld [tilespmem:s26+$0x130];
	v9 =	vadd.f32 v58, v57;
	v5 =	vadd.f32 v6, v49  }
0x9a: {  	v48 =	vld [tilespmem:s26+$0x140];
	v6 =	vadd.f32 v55, v54;
	v28 =	vadd.f32 v41, v63  }
0x9b: {  	v50 =	vld [tilespmem:s28+$0x1A40];
	v27 =	vadd.f32 v43, v42;
	v26 =	vadd.f32 v20, v44  }
0x9c: {  	v47 =	vld [tilespmem:s28+$0x1A30];
	v42 =	vadd.f32 v24, v23;
	v41 =	vadd.f32 v45, v36  }
0x9d: {  	v60 =	vmul.f32 v0, v0;
	v43 =	vld [tilespmem:s26+$0x170];
	v51 =	vadd.f32 v28, v0;
	v52 =	vadd.f32 v26, v27  }
0x9e: {  	v63 =	vld [tilespmem:s28+$0x1A70];
	v36 =	vadd.f32 v39, v59;
	v6 =	vadd.f32 v9, v6;
	v61 =	vmul.f32 v28, v28  }
0x9f: {  	v37 =	vmul.f32 v26, v26;
	v8 =	vadd.f32 v52, v51;
	v62 =	vmul.f32 v27, v27  }
0xa0: {  	v10 =	vld [tilespmem:s28+$0x1A80];
	v38 =	vadd.f32 v50, v48;
	v20 =	vadd.f32 v61, v60  }
0xa1: {  	v14 =	vld [tilespmem:s26+$0x190];
	v5 =	vadd.f32 v8, v5;
	v8 =	vadd.f32 v37, v62  }
0xa2: {  	v11 =	vld [tilespmem:s26+$0x1A0];
	v40 =	vadd.f32 v35, v34;
	v37 =	vadd.f32 v47, v46;
	s0 =	spop (v2sf)  }
0xa3: {  	v7 =	vld [tilespmem:s26+$0x1B0];
	v35 =	vadd.f32 v56, v53;
	v34 =	vadd.f32 v63, v43;
	s0 =	smul.f32 $7.812500000e-03, s0;
	s2 =	spop (v2sf)  }
0xa4: {  	v9 =	vld [tilespmem:s28+$0x1A90];
	v43 =	vadd.f32 v40, v42;
	v44 =	vadd.f32 v37, v41;
	s2 =	smul.f32 $7.812500000e-03, s2  }
0xa5: {  	v13 =	vld [tilespmem:s26+$0x1D0];
	v45 =	vadd.f32 v35, v38;
	v46 =	vadd.f32 v34, v36;
	s3 =	smul.f32 s0, s0  }
0xa6: {  	v3 =	vld [tilespmem:s26+$0x180];
	v8 =	vadd.f32 v8, v20  }
0xa7: {  	v23 =	vld [tilespmem:s26+$0x260];
	v4 =	vadd.f32 v44, v43;
	v48 =	vadd.f32 v46, v45;
	s2 =	ssub.f32 s2, s3  }
0xa8: {  	v54 =	vmul.f32 v41, v41;
	v52 =	vmul.f32 v42, v42;
	v60 =	vld [tilespmem:s26+$0x1F0];
	(xrf2) =	vadd.scan.msk.f32 $0xffff, v5;
	v50 =	vadd.f32 v8, v6  }
0xa9: {  	v57 =	vmul.f32 v38, v38;
	v9 =	vadd.f32 v9, v14;
	v14 =	vld [tilespmem:s26+$0x270];
	v4 =	vadd.f32 v48, v4;
	s2 =	sadd.f32 $9.999999960e-13, s2  }
0xaa: {  	v5 =	vld [tilespmem:s28+$0x1AB0];
	v53 =	vmul.f32 v40, v40;
	v55 =	vmul.f32 v37, v37;
	(xrf2) =	vadd.scan.msk.f32 $0xffff, v50  }
0xab: {  	v56 =	vld [tilespmem:s28+$0x1AD0];
	v58 =	vmul.f32 v35, v35;
	v44 =	vmul.f32 v36, v36;
	(xrf2) =	vadd.scan.msk.f32 $0xffff, v4;
	v24 =	vmov s2  }
0xac: {  	v63 =	vld [tilespmem:s28+$0x1AF0];
	v46 =	vmul.f32 v34, v34;
	v29 =	vshra.s32 v24, $0x1;
	v1 =	vmul.f32 $5.000000000e-01, v24  }
0xad: {  	v20 =	vld [tilespmem:s26+$0x240];
	v8 =	vadd.f32 v53, v52;
	v59 =	vadd.f32 v55, v54;
	v2 =	vsub.s32 $0x5F3759DF, v29  }
0xae: {  	v6 =	vld [tilespmem:s28+$0x1AA0];
	v62 =	vadd.f32 v46, v44;
	v24 =	vadd.f32 v58, v57;
	v47 =	vmul.f32 v2, v1  }
0xaf: {  	v45 =	vld [tilespmem:s26+$0x1E0];
	v54 =	vadd.f32 v10, v3  }
0xb0: {  	v48 =	vld [tilespmem:s26+$0x200];
	v8 =	vadd.f32 v59, v8;
	v44 =	vadd.f32 v62, v24;
	v49 =	vmul.f32 v2, v47  }
0xb1: {  	v55 =	vadd.f32 v5, v7;
	v56 =	vadd.f32 v56, v13;
	v47 =	vld [tilespmem:s28+$0x1AE0]  }
0xb2: {  	v61, _, _ =	vpop (xrf2);
	v50 =	vld [tilespmem:s28+$0x1B10];
	v53 =	vadd.f32 v44, v8;
	v51 =	vsub.f32 $1.500000000e+00, v49  }
0xb3: {  	v5 =	vadd.f32 v9, v54;
	(v2sf) =	vpush v61, $0xF;
	v4 =	vld [tilespmem:s26+$0x1C0];
	v59 =	vmov v55  }
0xb4: {  	v58 =	vadd.f32 v63, v60;
	v63 =	vmul.f32 v54, v54;
	v29, _, _ =	vpop (xrf2);
	(xrf2) =	vadd.scan.msk.f32 $0xffff, v53;
	v43 =	vmul.f32 v2, v51;
	v2 =	vld [tilespmem:s28+$0x1AC0]  }
0xb5: {  	v24 =	vld [tilespmem:s28+$0x1B00];
	(v2sf) =	vpush v29, $0xF;
	v52, _, _ =	vpop (xrf2);
	v44 =	vadd.f32 v6, v11;
	v29 =	vmul.f32 v9, v9  }
0xb6: {  	[tilespmem:$0x1E840] =	vst v54;
	v61 =	vmul.f32 v59, v59;
	(v2sf) =	vpush v52, $0xF;
	v49 =	vld [tilespmem:s26+$0x210];
	v57 =	vadd.f32 v47, v45  }
0xb7: {  	[tilespmem:$0x1E860] =	vst v55;
	v12 =	vadd.f32 v55, v44;
	v60 =	vmul.f32 v44, v44;
	v53 =	vld [tilespmem:s26+$0x250];
	v6 =	vadd.f32 v29, v63  }
0xb8: {  	v1 =	vmul.f32 v43, v1;
	[tilespmem:$0x1E880] =	vst v57;
	v54 =	vadd.f32 v58, v57;
	v55 =	vmul.f32 v57, v57;
	v57 =	vld [tilespmem:s28+$0x1B50]  }
0xb9: {  	v46 =	vld [tilespmem:s28+$0x1B40];
	v52 =	vmul.f32 v56, v56;
	v63 =	vadd.f32 v61, v60;
	v39 =	vadd.f32 v2, v4  }
0xba: {  	v59 =	vadd.f32 v24, v48;
	v5 =	vadd.f32 v12, v5;
	v1 =	vmul.f32 v1, v43;
	v2 =	vld [tilespmem:s26+$0x230]  }
0xbb: {  	[tilespmem:$0x1E850] =	vst v9;
	v6 =	vadd.f32 v63, v6;
	v60 =	vadd.f32 v50, v49;
	v4 =	vld [tilespmem:s28+$0x1B30];
	v51 =	vmul.f32 v39, v39  }
0xbc: {  	v3 =	vld [tilespmem:s26+$0x220];
	[tilespmem:$0x1E870] =	vst v56;
	v1 =	vsub.f32 $1.500000000e+00, v1;
	v62 =	vadd.f32 v56, v39;
	v56 =	vmul.f32 v58, v58  }
0xbd: {  	[tilespmem:$0x1E890] =	vst v58;
	v58 =	vld [tilespmem:s28+$0x1B70];
	v63 =	vadd.f32 v57, v53;
	v9 =	vadd.f32 v52, v51  }
0xbe: {  	[tilespmem:$0x1E830] =	vst v1;
	v1 =	vld [tilespmem:s28+$0x1B20];
	v15, _, _ =	vpop (xrf2);
	v10 =	vadd.f32 v56, v55;
	v11 =	vadd.f32 v54, v62  }
0xbf: {  	v52 =	vld [tilespmem:s28+$0x1B60];
	(v2sf) =	vpush v15, $0xF;
	v62 =	vadd.f32 v46, v20  }
0xc0: {  	v4 =	vadd.f32 v4, v2;
	v29 =	vadd.f32 v10, v9  }
0xc1: {  	v24 =	vld [tilespmem:s28+$0x1B80];
	v51 =	vadd.f32 v11, v5;
	v10 =	vadd.f32 v60, v59  }
0xc2: {  	v48 =	vld [tilespmem:s26+$0x290];
	v13 =	vmul.f32 v59, v59;
	v12 =	vadd.f32 v63, v62;
	v55 =	vadd.f32 v29, v6  }
0xc3: {  	v45 =	vld [tilespmem:s28+$0x1BA0];
	v61 =	vadd.f32 v1, v3;
	v1 =	vadd.f32 v58, v14;
	v14 =	vmul.f32 v60, v60  }
0xc4: {  	v50 =	vld [tilespmem:s26+$0x2B0];
	v58 =	vmul.f32 v4, v4;
	v29 =	vmul.f32 v62, v62;
	v3 =	vadd.f32 v52, v23  }
0xc5: {  	[tilespmem:$0x1E8B0] =	vst v60;
	v57 =	vld [tilespmem:s28+$0x1BB0];
	v60 =	vmul.f32 v63, v63;
	v11 =	vadd.f32 v4, v61;
	v15 =	vmul.f32 v61, v61  }
0xc6: {  	v54 =	vld [tilespmem:s26+$0x280];
	[tilespmem:$0x1E8F0] =	vst v63;
	v63 =	vmul.f32 v1, v1;
	v53 =	vadd.f32 v14, v13;
	v52 =	vadd.f32 v1, v3  }
0xc7: {  	v20 =	vld [tilespmem:s28+$0x1B90];
	[tilespmem:$0x1E8E0] =	vst v62;
	v62 =	vmul.f32 v3, v3;
	v23 =	vadd.f32 v11, v10;
	v47 =	vadd.f32 v58, v15  }
0xc8: {  	v46 =	vld [tilespmem:s26+$0x2A0];
	v58 =	vmov s0;
	v49 =	vadd.f32 v52, v12;
	v52 =	vadd.f32 v60, v29  }
0xc9: {  	[tilespmem:$0x1E8A0] =	vst v59;
	v59 =	vld [tilespmem:s26+$0x2C0];
	v9 =	vsub.f32 v19, v58;
	v12 =	vadd.f32 v63, v62  }
0xca: {  	[tilespmem:$0x1E8C0] =	vst v61;
	v61 =	vld [tilespmem:s28+$0x1BC0];
	v10 =	vsub.f32 v18, v58;
	v29 =	vsub.f32 v17, v58  }
0xcb: {  	v2 =	vld [tilespmem:s28+$0x1BD0];
	(xrf2) =	vadd.scan.msk.f32 $0xffff, v51;
	v6 =	vsub.f32 v16, v58;
	v5 =	vsub.f32 v21, v58  }
0xcc: {  	[tilespmem:$0x1E910] =	vst v1;
	(xrf2) =	vadd.scan.msk.f32 $0xffff, v55;
	v1 =	vld [tilespmem:s26+$0x2D0];
	v63 =	vadd.f32 v24, v54;
	v16 =	vadd.f32 v20, v48  }
0xcd: {  	v62 =	vld [tilespmem:s26+$0x2E0];
	v17 =	vadd.f32 v45, v46;
	v18 =	vadd.f32 v57, v50  }
0xce: {  	v13 =	vadd.f32 v47, v53;
	v47 =	vld [tilespmem:s28+$0x1BE0];
	v14 =	vadd.f32 v12, v52  }
0xcf: {  	v53 =	vld [tilespmem:s28+$0x1BF0];
	v49 =	vadd.f32 v49, v23;
	v19 =	vadd.f32 v61, v59  }
0xd0: {  	v52 =	vld [tilespmem:s26+$0x2F0];
	v60 =	vadd.f32 v16, v63;
	v8 =	vmul.f32 v17, v17;
	v11 =	vmul.f32 v18, v18  }
0xd1: {  	[tilespmem:$0x1E960] =	vst v63;
	v61 =	vmul.f32 v63, v63;
	v63 =	vadd.f32 v18, v17;
	v20 =	vadd.f32 v2, v1  }
0xd2: {  	s4 =	spop (v2sf);
	[tilespmem:$0x1E9A0] =	vst v18;
	v21 =	vadd.f32 v14, v13;
	v13 =	vmul.f32 v19, v19;
	v18 =	vadd.f32 v11, v8  }
0xd3: {  	s5 =	spop (v2sf);
	s0 =	smul.f32 $7.812500000e-03, s4;
	(xrf2) =	vadd.scan.msk.f32 $0xffff, v49;
	v45 =	vadd.f32 v63, v60;
	v49 =	vsub.f32 v25, v58;
	v60 =	vld [tilespmem:$0x1E820];
	v14 =	vmul.f32 v20, v20  }
0xd4: {  	s2 =	smul.f32 $7.812500000e-03, s5;
	v12 =	vadd.f32 v20, v19;
	v23 =	vadd.f32 v47, v62;
	v62 =	vmul.f32 v16, v16  }
0xd5: {  	s12 =	smul.f32 s0, s0;
	[tilespmem:$0x1E9B0] =	vst v19;
	v63, _, _ =	vpop (xrf2);
	v24 =	vadd.f32 v53, v52;
	v19 =	vadd.f32 v14, v13  }
0xd6: {  	[tilespmem:$0x1E8D0] =	vst v4;
	v4 =	vld [tilespmem:s26+$0x330];
	(v2sf) =	vpush v63, $0xF;
	v2, _, _ =	vpop (xrf2);
	v46 =	vadd.f32 v62, v61  }
0xd7: {  	s13 =	spop (v2sf);
	[tilespmem:$0x1E900] =	vst v3;
	v3 =	vld [tilespmem:s26+$0x340];
	s2 =	ssub.f32 s2, s12;
	v62 =	vmov s0;
	(v2sf) =	vpush v2, $0xF;
	v15 =	vadd.f32 v24, v23  }
0xd8: {  	[tilespmem:$0x1E970] =	vst v16;
	v25 =	vld [tilespmem:s28+$0x1C10];
	v16 =	vmul.f32 v23, v23;
	v14 =	vsub.f32 v60, v58;
	v48 =	vsub.f32 v32, v62  }
0xd9: {  	[tilespmem:$0x1E990] =	vst v17;
	s2 =	sadd.f32 $9.999999960e-13, s2;
	v47 =	vld [tilespmem:s26+$0x300];
	v17 =	vmul.f32 v24, v24;
	v54 =	vsub.f32 v33, v62;
	v50 =	vsub.f32 v30, v62  }
0xda: {  	(xrf2) =	vadd.scan.msk.f32 $0xffff, v21;
	v13 =	vld [tilespmem:s28+$0x1C40];
	v51 =	vsub.f32 v31, v62;
	v55 =	vsub.f32 v27, v62  }
0xdb: {  	v53 =	vmov s2;
	[tilespmem:$0x1E9D0] =	vst v23;
	s0 =	smul.f32 $7.812500000e-03, s13;
	v2 =	vld [tilespmem:s26+$0x350];
	v46 =	vadd.f32 v18, v46;
	v23 =	vadd.f32 v17, v16  }
0xdc: {  	v61 =	vshra.s32 v53, $0x1;
	[tilespmem:$0x1E9E0] =	vst v24;
	v32 =	vld [tilespmem:s26+$0x320];
	v24 =	vadd.f32 v15, v12;
	v15 =	vsub.f32 v22, v58  }
0xdd: {  	v30 =	vld [tilespmem:s28+$0x1C20];
	v22 =	vmul.f32 $5.000000000e-01, v53;
	v53 =	vsub.f32 v28, v62;
	v12 =	vmov s0  }
0xde: {  	v28 =	vld [tilespmem:s28+$0x1C30];
	v56 =	vsub.f32 v42, v12;
	v59 =	vsub.f32 v40, v12  }
0xdf: {  	s14 =	spop (v2sf);
	v16 =	vld [tilespmem:s28+$0x1C50];
	v63 =	vsub.f32 v41, v12;
	v60 =	vsub.f32 v38, v12  }
0xe0: {  	s2 =	smul.f32 $7.812500000e-03, s14;
	v33 =	vsub.s32 $0x5F3759DF, v61;
	v38 =	vld [tilespmem:s26+$0x360];
	v61 =	vsub.f32 v35, v12;
	v58 =	vsub.f32 v34, v12  }
0xe1: {  	s0 =	smul.f32 s0, s0;
	v34 =	vld [tilespmem:s26+$0x3A0];
	v21 =	vadd.f32 v23, v19;
	v52 =	vadd.f32 v24, v45  }
0xe2: {  	v57 =	vsub.f32 v36, v12;
	v17 =	vadd.f32 v13, v3;
	v1 =	vmul.f32 v33, v22;
	v19 =	vld [tilespmem:$0x1E830]  }
0xe3: {  	v42 =	vld [tilespmem:s28+$0x1CA0];
	s0 =	ssub.f32 s2, s0;
	v8, _, _ =	vpop (xrf2);
	v21 =	vadd.f32 v21, v46;
	(xrf2) =	vadd.scan.msk.f32 $0xffff, v52;
	v52 =	vsub.f32 v0, v62  }
0xe4: {  	v45 =	vld [tilespmem:s28+$0x1C00];
	v31 =	vmul.f32 v33, v1;
	(v2sf) =	vpush v8, $0xF;
	v8 =	vadd.f32 v30, v32  }
0xe5: {  	v46 =	vld [tilespmem:s26+$0x310];
	s0 =	sadd.f32 $9.999999960e-13, s0;
	v11, _, _ =	vpop (xrf2);
	v18 =	vadd.f32 v28, v4;
	(xrf2) =	vadd.scan.msk.f32 $0xffff, v21;
	v21 =	vsub.f32 v26, v62  }
0xe6: {  	v1 =	vld [tilespmem:s28+$0x1C60];
	(v2sf) =	vpush v11, $0xF;
	v31 =	vsub.f32 $1.500000000e+00, v31  }
0xe7: {  	v62 =	vsub.f32 v37, v12;
	v11 =	vmov s0;
	v0 =	vmul.f32 v19, v43  }
0xe8: {  	v42 =	vadd.f32 v42, v34;
	v7 =	vmul.f32 $5.000000000e-01, v11;
	v31 =	vmul.f32 v33, v31  }
0xe9: {  	v24 =	vld [tilespmem:s26+$0x370];
	v19 =	vadd.f32 v45, v47;
	v37 =	vmul.f32 v0, v9;
	v47 =	vmul.f32 v0, v10  }
0xea: {  	v45 =	vld [tilespmem:s28+$0x1C70];
	v46 =	vadd.f32 v25, v46;
	v10 =	vmul.f32 v0, v29;
	v43 =	vmul.f32 v0, v6  }
0xeb: {  	v36 =	vmul.f32 v0, v5;
	v6 =	vadd.f32 v16, v2;
	v1 =	vadd.f32 v1, v38  }
0xec: {  	v16 =	vshra.s32 v11, $0x1;
	v40 =	vmul.f32 v19, v19;
	v30 =	vmul.f32 v0, v49  }
0xed: {  	v15 =	vmul.f32 v0, v15;
	v5 =	vmul.f32 v31, v22;
	v2 =	vsub.s32 $0x5F3759DF, v16  }
0xee: {  	v13 =	vld [tilespmem:s26+$0x380];
	v16 =	vmul.f32 v8, v8;
	v22 =	vadd.f32 v46, v19;
	v27 =	vmul.f32 v2, v7  }
0xef: {  	v12 =	vld [tilespmem:s28+$0x1C80];
	[tilespmem:$0x1E9F0] =	vst v19;
	v41 =	vmul.f32 v46, v46;
	v19 =	vmul.f32 v18, v18;
	v3 =	vadd.f32 v45, v24  }
0xf0: {  	[tilespmem:$0x1E9C0] =	vst v20;
	v26 =	vld [tilespmem:s28+$0x1C90];
	v38 =	vadd.f32 v6, v17;
	v25 =	vmul.f32 v1, v1;
	v5 =	vmul.f32 v5, v31  }
0xf1: {  	v11 =	vld [tilespmem:s26+$0x390];
	[tilespmem:$0x1E930] =	vst v10;
	s16 =	spop (v2sf);
	v10 =	vadd.f32 v41, v40;
	v27 =	vmul.f32 v2, v27;
	v20, _, _ =	vpop (xrf2);
	v33 =	vadd.f32 v3, v1  }
0xf2: {  	[tilespmem:$0x1E950] =	vst v15;
	v15 =	vld [tilespmem:s26+$0x3D0];
	s17 =	spop (v2sf);
	s0 =	smul.f32 $7.812500000e-03, s16;
	v29 =	vmul.f32 v3, v3;
	v5 =	vsub.f32 $1.500000000e+00, v5;
	(v2sf) =	vpush v20, $0xF  }
0xf3: {  	v45 =	vmul.f32 v0, v14;
	s2 =	smul.f32 $7.812500000e-03, s17;
	v40 =	vld [tilespmem:s26+$0x3E0];
	v32 =	vsub.f32 $1.500000000e+00, v27;
	v28 =	vadd.f32 v33, v38  }
0xf4: {  	[tilespmem:$0x1EA50] =	vst v1;
	v41 =	vld [tilespmem:s28+$0x1CE0];
	s29 =	smul.f32 s0, s0;
	v20 =	vmul.f32 v17, v17;
	v23, _, _ =	vpop (xrf2);
	v33 =	vadd.f32 v19, v16;
	v1 =	vadd.f32 v29, v25  }
0xf5: {  	[tilespmem:$0x1EA60] =	vst v3;
	v3 =	vld [tilespmem:s28+$0x1CC0];
	v5 =	vmul.f32 v5, v31;
	v19 =	vadd.f32 v12, v13;
	(v2sf) =	vpush v23, $0xF  }
0xf6: {  	[tilespmem:$0x1EA20] =	vst v18;
	s2 =	ssub.f32 s2, s29;
	v38 =	vld [tilespmem:s28+$0x1CD0];
	v23 =	vadd.f32 v18, v8;
	v2 =	vmul.f32 v2, v32;
	v18 =	vadd.f32 v26, v11  }
0xf7: {  	[tilespmem:$0x1EA10] =	vst v8;
	v8 =	vld [tilespmem:s26+$0x3B0];
	v10 =	vadd.f32 v33, v10;
	v49 =	vmul.f32 v5, v48;
	v48 =	vmul.f32 v5, v54  }
0xf8: {  	s2 =	sadd.f32 $9.999999960e-13, s2;
	v50 =	vmul.f32 v5, v50;
	v51 =	vmul.f32 v5, v51;
	v9 =	vadd.f32 v23, v22;
	v23 =	vld [tilespmem:s28+$0x1CB0]  }
0xf9: {  	[tilespmem:$0x1EA40] =	vst v6;
	v12 =	vadd.f32 v41, v40;
	v52 =	vmul.f32 v5, v52;
	v22 =	vmul.f32 v6, v6;
	v6 =	vld [tilespmem:s26+$0x3C0];
	s30 =	spop (v2sf)  }
0xfa: {  	[tilespmem:$0x1EA00] =	vst v46;
	v53 =	vmul.f32 v5, v53;
	v54 =	vmul.f32 v5, v55;
	v46 =	vmov s2;
	s2 =	smul.f32 $7.812500000e-03, s30;
	s31 =	spop (v2sf)  }
0xfb: {  	v55 =	vmul.f32 v5, v21;
	v35 =	vadd.f32 v22, v20;
	v9 =	vadd.f32 v28, v9;
	s3 =	smul.f32 $7.812500000e-03, s31  }
0xfc: {  	v34 =	vld [tilespmem:$0x1E860];
	v25 =	vmul.f32 v2, v7;
	v15 =	vadd.f32 v38, v15;
	v28 =	vadd.f32 v18, v19;
	s4 =	smul.f32 s2, s2  }
0xfd: {  	[tilespmem:$0x1E920] =	vst v47;
	v47 =	vld [tilespmem:s26+$0x3F0];
	v22 =	vshra.s32 v46, $0x1;
	v1 =	vadd.f32 v1, v35;
	v20 =	vadd.f32 v23, v8  }
0xfe: {  	v0 =	vmovc v12;
	v8 =	vmul.f32 $5.000000000e-01, v46;
	v23 =	vld [tilespmem:s28+$0x1CF0];
	v24 =	vadd.f32 v3, v6;
	v3 =	vmul.f32 v25, v2;
	s3 =	ssub.f32 s3, s4  }
0xff: {  	[tilespmem:$0x1EA30] =	vst v17;
	v32 =	vld [tilespmem:$0x1E840];
	v40 =	vmul.f32 v0, v0;
	v4 =	vsub.s32 $0x5F3759DF, v22;
	v38 =	vmul.f32 v15, v15  }
0x100: {  	[tilespmem:$0x1E940] =	vst v30;
	v33 =	vld [tilespmem:$0x1E850];
	v1 =	vadd.f32 v1, v10;
	v26 =	vmul.f32 v4, v8;
	v3 =	vsub.f32 $1.500000000e+00, v3;
	s3 =	sadd.f32 $9.999999960e-13, s3  }
0x101: {  	v7 =	vld [tilespmem:s26+$0x440];
	(xrf2) =	vadd.scan.msk.f32 $0xffff, v9;
	v46 =	vmov s2;
	v29 =	vadd.f32 v20, v42;
	v30 =	vadd.f32 v15, v24  }
0x102: {  	[tilespmem:$0x1EA90] =	vst v42;
	v13 =	vmovc v42;
	v0 =	vld [tilespmem:s26+$0x450];
	v6 =	vmul.f32 v4, v26;
	v2 =	vmul.f32 v3, v2;
	v35 =	vmov s3  }
0x103: {  	[tilespmem:$0x1EAD0] =	vst v12;
	v22 =	vld [tilespmem:$0x1E880];
	v16 =	vmovc v24;
	v5 =	vadd.f32 v29, v28;
	v11 =	vadd.f32 v23, v47;
	v42 =	vshra.s32 v35, $0x1  }
0x104: {  	[tilespmem:$0x1EAC0] =	vst v15;
	v9 =	vld [tilespmem:s28+$0x1D30];
	v47 =	vmul.f32 $5.000000000e-01, v35;
	v35 =	vmul.f32 v16, v16;
	v6 =	vsub.f32 $1.500000000e+00, v6  }
0x105: {  	[tilespmem:$0x1EAA0] =	vst v20;
	v15 =	vld [tilespmem:s28+$0x1D00];
	v56 =	vmul.f32 v2, v56;
	v59 =	vmul.f32 v2, v59;
	v10 =	vsub.s32 $0x5F3759DF, v42  }
0x106: {  	[tilespmem:$0x1EAB0] =	vst v24;
	v23 =	vld [tilespmem:$0x1E890];
	v63 =	vmul.f32 v2, v63;
	v62 =	vmul.f32 v2, v62;
	v31 =	vadd.f32 v11, v12  }
0x107: {  	v17 =	vmovc v20;
	(xrf2) =	vadd.scan.msk.f32 $0xffff, v1;
	v16 =	vld [tilespmem:s28+$0x1D10];
	v61 =	vmul.f32 v2, v61;
	v4 =	vmul.f32 v4, v6;
	v6 =	vmov s0  }
0x108: {  	v14 =	vmovc v11;
	v12 =	vld [tilespmem:$0x1E870];
	v24 =	vmul.f32 v10, v47;
	v3 =	vadd.f32 v31, v30;
	v21 =	vsub.f32 v32, v6  }
0x109: {  	[tilespmem:$0x1EAE0] =	vst v11;
	v11 =	vld [tilespmem:s26+$0x430];
	v41 =	vmul.f32 v14, v14;
	v20 =	vsub.f32 v33, v6;
	v26 =	vsub.f32 v44, v6  }
0x10a: {  	v44 =	vsub.f32 v34, v6;
	v39 =	vsub.f32 v39, v6;
	v34 =	vmul.f32 v17, v17;
	v17 =	vld [tilespmem:s26+$0x400]  }
0x10b: {  	[tilespmem:$0x1EA80] =	vst v18;
	v27 =	vsub.f32 v22, v6;
	v30, _, _ =	vpop (xrf2);
	v32 =	vmul.f32 v18, v18;
	v33 =	vmul.f32 v13, v13;
	v18 =	vld [tilespmem:s26+$0x410]  }
0x10c: {  	v42 =	vmul.f32 v10, v24;
	v24 =	vld [tilespmem:$0x1E8B0];
	v29 =	vsub.f32 v23, v6;
	(v2sf) =	vpush v30, $0xF  }
0x10d: {  	v8 =	vmul.f32 v4, v8;
	v1 =	vadd.f32 v41, v40;
	v23 =	vld [tilespmem:$0x1E8A0];
	v25 =	vadd.f32 v3, v5  }
0x10e: {  	v31 =	vmul.f32 v19, v19;
	v41 =	vld [tilespmem:$0x1E910];
	v3 =	vadd.f32 v34, v33;
	v5 =	vadd.f32 v38, v35  }
0x10f: {  	[tilespmem:$0x1EA70] =	vst v19;
	v19 =	vsub.f32 $1.500000000e+00, v42;
	v34 =	vld [tilespmem:$0x1E8F0];
	v28 =	vsub.f32 v12, v6;
	v8 =	vmul.f32 v8, v4  }
0x110: {  	v58 =	vmul.f32 v2, v58;
	v38 =	vld [tilespmem:$0x1E900];
	v6 =	vadd.f32 v32, v31;
	(xrf2) =	vadd.scan.msk.f32 $0xffff, v25;
	v1 =	vadd.f32 v1, v5  }
0x111: {  	v30 =	vmul.f32 v2, v57;
	v32 =	vld [tilespmem:$0x1E8D0];
	v40, _, _ =	vpop (xrf2);
	v8 =	vsub.f32 $1.500000000e+00, v8;
	v57 =	vsub.f32 v24, v46  }
0x112: {  	v14 =	vld [tilespmem:s26+$0x420];
	v10 =	vmul.f32 v10, v19;
	(v2sf) =	vpush v40, $0xF;
	v3 =	vadd.f32 v3, v6  }
0x113: {  	s2 =	spop (v2sf);
	v31 =	vmul.f32 v2, v60;
	v12 =	vld [tilespmem:s28+$0x1D20];
	v17 =	vadd.f32 v15, v17;
	v16 =	vadd.f32 v16, v18  }
0x114: {  	s3 =	spop (v2sf);
	s0 =	smul.f32 $7.812500000e-03, s2;
	v25 =	vld [tilespmem:$0x1E8C0];
	v13 =	vsub.f32 v23, v46;
	v60 =	vsub.f32 v41, v46;
	v42 =	vmul.f32 v10, v47  }
0x115: {  	s2 =	smul.f32 $7.812500000e-03, s3;
	v33 =	vld [tilespmem:$0x1E8E0];
	v24 =	vsub.f32 v34, v46;
	v19 =	vsub.f32 v38, v46;
	v4 =	vmul.f32 v8, v4  }
0x116: {  	s4 =	smul.f32 s0, s0;
	v2 =	vld [tilespmem:s28+$0x1D40];
	v18 =	vmul.f32 v17, v17;
	v35 =	vsub.f32 v32, v46;
	v32 =	vmul.f32 v42, v10  }
0x117: {  	v6 =	vld [tilespmem:s26+$0x460];
	v1 =	vadd.f32 v1, v3;
	v21 =	vmul.f32 v4, v21;
	v20 =	vmul.f32 v4, v20  }
0x118: {  	s2 =	ssub.f32 s2, s4;
	v47 =	vld [tilespmem:s28+$0x1D50];
	v12 =	vadd.f32 v12, v14;
	v26 =	vmul.f32 v4, v26;
	v40 =	vmul.f32 v4, v44  }
0x119: {  	v34 =	vld [tilespmem:s26+$0x470];
	v22 =	vsub.f32 v25, v46;
	v42 =	vmul.f32 v4, v39;
	v41 =	vmul.f32 v4, v28  }
0x11a: {  	s2 =	sadd.f32 $9.999999960e-13, s2;
	v25 =	vsub.f32 v33, v46;
	v33 =	vld [tilespmem:s28+$0x1D60];
	v46 =	vmul.f32 v4, v27;
	v27 =	vmul.f32 v4, v29;
	v23, _, _ =	vpop (xrf2)  }
0x11b: {  	v38 =	vld [tilespmem:s28+$0x1D70];
	v39 =	vadd.f32 v9, v11;
	(v2sf) =	vpush v23, $0xF;
	v23 =	vmul.f32 v16, v16  }
0x11c: {  	v9 =	vadd.f32 v2, v7;
	v3 =	vsub.f32 $1.500000000e+00, v32;
	v32 =	vmov s2  }
0x11d: {  	(xrf2) =	vadd.scan.msk.f32 $0xffff, v1;
	v2 =	vshra.s32 v32, $0x1;
	v1 =	vadd.f32 v23, v18;
	v23 =	vmul.f32 $5.000000000e-01, v32  }
0x11e: {  	v28 =	vmul.f32 v12, v12;
	v7 =	vadd.f32 v47, v0;
	v2 =	vsub.s32 $0x5F3759DF, v2  }
0x11f: {  	v15 =	vmovc v12;
	v29 =	vmul.f32 v39, v39;
	v4 =	vadd.f32 v33, v6;
	v6 =	vmul.f32 v2, v23  }
0x120: {  	[tilespmem:$0x1EB10] =	vst v12;
	v10 =	vmul.f32 v3, v10;
	v3 =	vadd.f32 v38, v34;
	v34 =	vmul.f32 v7, v7  }
0x121: {  	v12 =	vmovc v39;
	v5 =	vadd.f32 v29, v28;
	v33 =	vmul.f32 v9, v9;
	v8 =	vmul.f32 v2, v6  }
0x122: {  	[tilespmem:$0x1EB00] =	vst v16;
	v38 =	vmul.f32 v10, v13;
	v13 =	vadd.f32 v16, v17;
	v16 =	vadd.f32 v12, v15  }
0x123: {  	v11 =	vadd.f32 v34, v33;
	v33 =	vmul.f32 v10, v22;
	v22 =	vsub.f32 $1.500000000e+00, v8  }
0x124: {  	[tilespmem:$0x1EAF0] =	vst v17  }
0x125: {  	[tilespmem:$0x1EB30] =	vst v9;
	v44 =	vadd.f32 v16, v13;
	v16 =	vmul.f32 v2, v22;
	v22 =	vadd.f32 v5, v1;
	v1 =	vld [tilespmem:$0x1FF00]  }
0x126: {  	[tilespmem:$0x1EB20] =	vst v39;
	v0 =	vmul.f32 v3, v3;
	v39 =	vmul.f32 v4, v4  }
0x127: {  	[tilespmem:$0x1EB40] =	vst v7  }
0x128: {  	[tilespmem:$0x1EB60] =	vst v3;
	v14 =	vadd.f32 v0, v39;
	v39 =	vmul.f32 v10, v19;
	v19 =	vmul.f32 v10, v60  }
0x129: {  	[tilespmem:$0x1EB50] =	vst v4;
	v28, _, _ =	vpop (xrf2);
	v6 =	vld [tilespmem:$0x1FF10]  }
0x12a: {  	[tilespmem:$0x1E980] =	vst v19;
	(v2sf) =	vpush v28, $0xF;
	v32 =	vmul.f32 v37, v1;
	v37 =	vld [tilespmem:$0x1E920]  }
0x12b: {  	v18 =	vadd.f32 v3, v4;
	v4 =	vld [tilespmem:$0x1FF20]  }
0x12c: {  	v29 =	vmul.f32 v10, v57;
	v17 =	vadd.f32 v7, v9;
	v57 =	vld [tilespmem:$0x1E930]  }
0x12d: {  	v8 =	vld [tilespmem:$0x1FF80]  }
0x12e: {  	v35 =	vmul.f32 v10, v35;
	v0 =	vadd.f32 v18, v17;
	v2 =	vld [tilespmem:$0x1FF30]  }
0x12f: {  	v25 =	vmul.f32 v10, v25;
	v34 =	vmul.f32 v10, v24;
	v9 =	vld [tilespmem:$0x1FF40]  }
0x130: {  	v19 =	vadd.f32 v0, v44;
	v48 =	vmul.f32 v48, v6;
	v59 =	vmul.f32 v59, v6;
	v0 =	vld [tilespmem:$0x1FF70]  }
0x131: {  	v20 =	vmul.f32 v20, v6;
	v3 =	vld [tilespmem:$0x1FFA0];
	v49 =	vmul.f32 v49, v1  }
0x132: {  	v5 =	vld [tilespmem:$0x1FF50];
	v56 =	vmul.f32 v56, v1;
	v21 =	vmul.f32 v21, v1  }
0x133: {  	v24 =	vadd.f32 v14, v11;
	v28 =	vld [tilespmem:$0x1FFB0];
	v47 =	vmul.f32 v37, v6;
	v60 =	vmul.f32 v57, v4  }
0x134: {  	v12 =	vld [tilespmem:$0x1FFC0];
	v14 =	vmul.f32 v43, v2;
	v44 =	vmul.f32 v36, v9  }
0x135: {  	v24 =	vadd.f32 v24, v22;
	v7 =	vld [tilespmem:$0x1FFF0];
	v45 =	vmul.f32 v45, v0;
	v50 =	vmul.f32 v50, v4  }
0x136: {  	v15 =	vadd.f32 v32, v8;
	v51 =	vmul.f32 v51, v2;
	v52 =	vmul.f32 v52, v9  }
0x137: {  	v10 =	vld [tilespmem:$0x1FFD0];
	s5 =	spop (v2sf);
	v49 =	vadd.f32 v49, v8;
	v53 =	vmul.f32 v53, v5;
	v55 =	vmul.f32 v55, v0  }
0x138: {  	s12 =	spop (v2sf);
	s2 =	smul.f32 $7.812500000e-03, s5;
	v63 =	vmul.f32 v63, v4;
	v56 =	vadd.f32 v56, v8;
	v18 =	vadd.f32 v60, v3  }
0x139: {  	s3 =	smul.f32 $7.812500000e-03, s12;
	v62 =	vmul.f32 v62, v2;
	v22 =	vadd.f32 v14, v28;
	v44 =	vadd.f32 v44, v12  }
0x13a: {  	s13 =	smul.f32 s2, s2;
	v32 =	vld [tilespmem:$0x1FF90];
	v61 =	vmul.f32 v61, v5;
	v45 =	vadd.f32 v45, v7;
	v50 =	vadd.f32 v50, v3  }
0x13b: {  	(xrf2) =	vadd.scan.msk.f32 $0xffff, v19;
	v36 =	vld [tilespmem:$0x1E940];
	v58 =	vmul.f32 v58, v0;
	v51 =	vadd.f32 v51, v28;
	v52 =	vadd.f32 v52, v12  }
0x13c: {  	v57 =	vld [tilespmem:$0x1E950];
	v41 =	vmul.f32 v41, v5;
	s3 =	ssub.f32 s3, s13;
	v53 =	vadd.f32 v53, v10;
	v55 =	vadd.f32 v55, v7;
	[tilespmem:s26+$0x0] =	vst v15  }
0x13d: {  	v26 =	vmul.f32 v26, v4;
	v14 =	vld [tilespmem:$0x1FF60];
	v62 =	vadd.f32 v62, v28;
	v11 =	vadd.f32 v61, v10;
	[tilespmem:s26+$0x80] =	vst v49  }
0x13e: {  	v31 =	vmul.f32 v31, v9;
	v43 =	vadd.f32 v58, v7;
	v61 =	vadd.f32 v21, v8;
	s3 =	sadd.f32 $9.999999960e-13, s3;
	[tilespmem:s26+$0x20] =	vst v18  }
0x13f: {  	(xrf2) =	vadd.scan.msk.f32 $0xffff, v24;
	v21 =	vadd.f32 v26, v3;
	v15 =	vmovc v6;
	[tilespmem:s26+$0x30] =	vst v22;
	v22 =	vadd.f32 v41, v10  }
0x140: {  	v58 =	vmovc v9;
	[tilespmem:s26+$0x40] =	vst v44;
	v41 =	vmovc v8;
	v49 =	vmov s3;
	v17 =	vadd.f32 v47, v32;
	v37 =	vmul.f32 v36, v5  }
0x141: {  	v13 =	vld [tilespmem:$0x1FFE0];
	v48 =	vadd.f32 v48, v32;
	v36 =	vadd.f32 v63, v3;
	v63 =	vmovc v0;
	v0 =	vmul.f32 v40, v2  }
0x142: {  	[tilespmem:s26+$0xA0] =	vst v50;
	v59 =	vadd.f32 v59, v32;
	v40 =	vmul.f32 v42, v9;
	v60 =	vmul.f32 v57, v14  }
0x143: {  	[tilespmem:s26+$0xB0] =	vst v51;
	v20 =	vadd.f32 v20, v32;
	v27 =	vmul.f32 v27, v63;
	v54 =	vmul.f32 v54, v14  }
0x144: {  	v9 =	vmovc v5;
	v47 =	vadd.f32 v37, v10;
	v30 =	vmul.f32 v30, v14;
	v42 =	vmul.f32 v46, v14  }
0x145: {  	v37 =	vadd.f32 v31, v12;
	v31 =	vmovc v7;
	v46 =	vmul.f32 v38, v1;
	v38 =	vmul.f32 v35, v2  }
0x146: {  	v26 =	vadd.f32 v27, v31;
	v27 =	vmul.f32 v29, v15;
	v57 =	vadd.f32 v60, v13;
	v60 =	vmovc v4  }
0x147: {  	[tilespmem:s26+$0x10] =	vst v17;
	v54 =	vadd.f32 v54, v13;
	v29 =	vmul.f32 v33, v60;
	v33 =	vmul.f32 v16, v23  }
0x148: {  	[tilespmem:s26+$0x90] =	vst v48;
	v30 =	vadd.f32 v30, v13;
	v6 =	vadd.f32 v46, v8;
	v46 =	vmul.f32 v34, v9  }
0x149: {  	v17 =	vadd.f32 v42, v13;
	v19 =	vadd.f32 v38, v28;
	v48, _, _ =	vpop (xrf2);
	[tilespmem:s26+$0x60] =	vst v57;
	v57 =	vld [tilespmem:$0x1E960];
	v8 =	vmul.f32 v33, v16  }
0x14a: {  	[tilespmem:s26+$0xD0] =	vst v53;
	v51 =	vld [tilespmem:$0x1E990];
	v25 =	vmul.f32 v25, v58;
	(v2sf) =	vpush v48, $0xF;
	v53, _, _ =	vpop (xrf2);
	v24 =	vadd.f32 v46, v10  }
0x14b: {  	[tilespmem:s26+$0xC0] =	vst v52;
	v5 =	vmovc v13;
	v50 =	vshra.s32 v49, $0x1;
	v38 =	vmovc v10;
	v10 =	vld [tilespmem:$0x1E970];
	(v2sf) =	vpush v53, $0xF;
	v8 =	vsub.f32 $1.500000000e+00, v8  }
0x14c: {  	v35 =	vmovc v28;
	[tilespmem:s26+$0x50] =	vst v47;
	v47 =	vmul.f32 v39, v14;
	v13 =	vadd.f32 v27, v32;
	v27 =	vmul.f32 $5.000000000e-01, v49;
	v49 =	vld [tilespmem:$0x1E980]  }
0x14d: {  	[tilespmem:s26+$0x110] =	vst v59;
	v59 =	vld [tilespmem:$0x1E9D0];
	v4 =	vmovc v3;
	v3 =	vadd.f32 v0, v28;
	v42 =	vmovc v2;
	v2 =	vmul.f32 v8, v16;
	v8 =	vmov s0  }
0x14e: {  	v7 =	vmovc v5;
	v0 =	vmovc v12;
	v28 =	vsub.s32 $0x5F3759DF, v50;
	v23 =	vadd.f32 v47, v5;
	v5 =	vsub.f32 v57, v8;
	v57 =	vld [tilespmem:$0x1E9A0]  }
0x14f: {  	[tilespmem:s26+$0x120] =	vst v36;
	v36 =	vld [tilespmem:$0x1EA10];
	v12 =	vadd.f32 v40, v12;
	v25 =	vadd.f32 v25, v0;
	v16 =	vmul.f32 v28, v27  }
0x150: {  	[tilespmem:s26+$0x190] =	vst v20;
	v20 =	vmov s2;
	v34 =	vmovc v14;
	v53 =	vld [tilespmem:$0x1E9C0];
	v18 =	vadd.f32 v29, v4;
	v14 =	vsub.f32 v10, v8  }
0x151: {  	[tilespmem:s26+$0xF0] =	vst v55;
	v50 =	vmul.f32 v49, v63;
	v52 =	vsub.f32 v51, v8;
	v44 =	vmul.f32 v28, v16  }
0x152: {  	s14 =	spop (v2sf);
	[tilespmem:s26+$0x130] =	vst v62;
	v62 =	vsub.f32 v59, v8;
	v29 =	vmul.f32 v2, v5;
	v39 =	vmul.f32 v2, v14;
	v14 =	vld [tilespmem:$0x1E9B0]  }
0x153: {  	s16 =	spop (v2sf);
	[tilespmem:s26+$0x170] =	vst v43;
	v43 =	vld [tilespmem:$0x1EA20];
	s0 =	smul.f32 $7.812500000e-03, s14;
	v55 =	vmul.f32 v2, v52;
	v44 =	vsub.f32 $1.500000000e+00, v44;
	v5 =	vsub.f32 v57, v8  }
0x154: {  	s3 =	smul.f32 $7.812500000e-03, s16;
	[tilespmem:s26+$0x140] =	vst v37;
	v37 =	vsub.f32 v36, v20;
	v48 =	vmul.f32 v2, v62;
	v29 =	vmul.f32 v29, v1  }
0x155: {  	[tilespmem:s26+$0xE0] =	vst v54;
	v54 =	vsub.f32 v53, v8;
	s17 =	smul.f32 s0, s0;
	v28 =	vmul.f32 v28, v44;
	v47 =	vmul.f32 v2, v5;
	v5 =	vld [tilespmem:$0x1E9E0]  }
0x156: {  	[tilespmem:s26+$0x70] =	vst v45;
	v10 =	vadd.f32 v50, v31;
	v39 =	vmul.f32 v39, v15;
	v45 =	vmul.f32 v55, v60  }
0x157: {  	s3 =	ssub.f32 s3, s17;
	v57 =	vmul.f32 v2, v54;
	v16 =	vsub.f32 v14, v8;
	v27 =	vmul.f32 v28, v27  }
0x158: {  	v44 =	vsub.f32 v43, v20;
	v29 =	vadd.f32 v29, v41;
	v55 =	vmul.f32 v47, v42  }
0x159: {  	v40 =	vmovc v4;
	s3 =	sadd.f32 $9.999999960e-13, s3;
	v4 =	vadd.f32 v45, v4;
	s29 =	spop (v2sf);
	v45 =	vld [tilespmem:$0x1EA30];
	v52 =	vmul.f32 v2, v16;
	v27 =	vmul.f32 v27, v28  }
0x15a: {  	v54 =	vmul.f32 v48, v34;
	s30 =	spop (v2sf);
	s2 =	smul.f32 $7.812500000e-03, s29;
	v14 =	vadd.f32 v55, v35;
	v55 =	vld [tilespmem:$0x1EA00];
	v8 =	vsub.f32 v5, v8  }
0x15b: {  	[tilespmem:s26+$0x100] =	vst v56;
	v50 =	vmov s3;
	s3 =	smul.f32 $7.812500000e-03, s30;
	v56 =	vmul.f32 v52, v58;
	v49 =	vsub.f32 $1.500000000e+00, v27  }
0x15c: {  	[tilespmem:s26+$0x150] =	vst v11;
	v51 =	vshra.s32 v50, $0x1;
	s31 =	smul.f32 s2, s2;
	v52 =	vld [tilespmem:$0x1E9F0];
	v2 =	vmul.f32 v2, v8;
	v8 =	vmul.f32 $5.000000000e-01, v50  }
0x15d: {  	[tilespmem:s26+$0x180] =	vst v61;
	v33 =	vmovc v0;
	v0 =	vadd.f32 v54, v7;
	v27 =	vsub.s32 $0x5F3759DF, v51;
	v5 =	vmul.f32 v49, v28  }
0x15e: {  	[tilespmem:s26+$0x1A0] =	vst v21;
	v16 =	vmul.f32 v57, v9;
	v46 =	vsub.f32 v45, v20;
	s3 =	ssub.f32 s3, s31;
	v57 =	vmul.f32 v27, v8  }
0x15f: {  	[tilespmem:s26+$0x1D0] =	vst v22;
	v36 =	vld [tilespmem:$0x1EA90];
	v11 =	vadd.f32 v56, v33;
	v47 =	vmul.f32 v5, v37;
	v56 =	vsub.f32 v55, v20  }
0x160: {  	[tilespmem:s26+$0x1B0] =	vst v3;
	v43 =	vld [tilespmem:$0x1EAA0];
	v3 =	vadd.f32 v16, v38;
	s3 =	sadd.f32 $9.999999960e-13, s3;
	v48 =	vmul.f32 v5, v44;
	v61 =	vmul.f32 v27, v57  }
0x161: {  	[tilespmem:s26+$0x200] =	vst v6;
	v49 =	vmul.f32 v5, v46;
	v53 =	vsub.f32 v52, v20;
	v52 =	vld [tilespmem:$0x1EA40];
	v59 =	vmul.f32 v5, v56  }
0x162: {  	[tilespmem:s26+$0x280] =	vst v29;
	v29 =	vld [tilespmem:$0x1EA80];
	v54 =	vmov s3;
	v6 =	vmul.f32 v47, v60;
	v28 =	vsub.f32 $1.500000000e+00, v61  }
0x163: {  	[tilespmem:s26+$0x230] =	vst v19;
	v55 =	vshra.s32 v54, $0x1;
	v21 =	vmul.f32 v5, v53;
	v56 =	vld [tilespmem:$0x1EA50];
	v22 =	vmul.f32 v59, v15  }
0x164: {  	[tilespmem:s26+$0x260] =	vst v23;
	v51 =	vmul.f32 v48, v42;
	v23 =	vsub.s32 $0x5F3759DF, v55;
	v57 =	vld [tilespmem:$0x1EA60];
	v50 =	vmul.f32 v27, v28  }
0x165: {  	[tilespmem:s26+$0x250] =	vst v24;
	v24 =	vld [tilespmem:$0x1EB20];
	v62 =	vmul.f32 v21, v1;
	v19 =	vadd.f32 v22, v32;
	v22 =	vmul.f32 $5.000000000e-01, v54  }
0x166: {  	[tilespmem:s26+$0x160] =	vst v30;
	v59 =	vmov s0;
	v53 =	vsub.f32 v52, v20;
	v52 =	vld [tilespmem:$0x1EAB0];
	v8 =	vmul.f32 v50, v8  }
0x167: {  	[tilespmem:s26+$0x210] =	vst v13;
	v30 =	vsub.f32 v29, v59;
	v13 =	vadd.f32 v62, v41;
	v62 =	vld [tilespmem:$0x1EA70];
	v61 =	vmul.f32 v23, v22  }
0x168: {  	[tilespmem:s26+$0x270] =	vst v10;
	v37 =	vsub.f32 v36, v59;
	v29 =	vld [tilespmem:$0x1EAD0];
	v10 =	vsub.f32 v56, v20;
	v8 =	vmul.f32 v8, v50  }
0x169: {  	v44 =	vsub.f32 v43, v59;
	v36 =	vld [tilespmem:$0x1EAE0];
	v20 =	vsub.f32 v57, v20;
	v16 =	vmul.f32 v23, v61  }
0x16a: {  	v27 =	vld [tilespmem:$0x1EAC0];
	v21 =	vmul.f32 v5, v53;
	v10 =	vmul.f32 v5, v10;
	v8 =	vsub.f32 $1.500000000e+00, v8  }
0x16b: {  	v56 =	vld [tilespmem:$0x1EB00];
	v5 =	vmul.f32 v5, v20;
	v53 =	vsub.f32 v52, v59;
	v20 =	vsub.f32 $1.500000000e+00, v16  }
0x16c: {  	[tilespmem:s26+$0x1C0] =	vst v12;
	v52 =	vld [tilespmem:$0x1EB50];
	v12 =	vsub.f32 v62, v59;
	v10 =	vmul.f32 v10, v34;
	v8 =	vmul.f32 v8, v50  }
0x16d: {  	[tilespmem:s26+$0x1F0] =	vst v26;
	v39 =	vadd.f32 v39, v32;
	v5 =	vmul.f32 v5, v63;
	v16 =	vld [tilespmem:s26+$0x500];
	v47 =	vmul.f32 v23, v20  }
0x16e: {  	[tilespmem:s26+$0x220] =	vst v18;
	v18 =	vadd.f32 v51, v35;
	v28 =	vmul.f32 v8, v12;
	v51 =	vmul.f32 v8, v44;
	v44 =	vld [tilespmem:$0x1EAF0]  }
0x16f: {  	[tilespmem:s26+$0x290] =	vst v39;
	v39 =	vmul.f32 v8, v30;
	v20 =	vmul.f32 v47, v22;
	v30 =	vsub.f32 v29, v59;
	v22 =	vld [tilespmem:$0x1EB10]  }
0x170: {  	[tilespmem:s26+$0x240] =	vst v25;
	v6 =	vadd.f32 v6, v40;
	v46 =	vmul.f32 v8, v37;
	v25 =	vmul.f32 v8, v53;
	v53 =	vld [tilespmem:s26+$0x490]  }
0x171: {  	[tilespmem:s26+$0x2D0] =	vst v3;
	v50 =	vmul.f32 v39, v15;
	v39 =	vmov s2;
	v43 =	vmul.f32 v8, v30;
	v30 =	vld [tilespmem:s26+$0x480]  }
0x172: {  	v3 =	vmovc v1;
	v1 =	vmul.f32 v28, v1;
	v28 =	vsub.f32 v27, v59;
	v57 =	vsub.f32 v56, v39;
	v56 =	vld [tilespmem:s28+$0x1D90]  }
0x173: {  	[tilespmem:s26+$0x320] =	vst v6;
	v45 =	vadd.f32 v10, v7;
	v6 =	vsub.f32 v52, v39;
	v52 =	vld [tilespmem:s26+$0x560]  }
0x174: {  	[tilespmem:s26+$0x330] =	vst v18;
	v48 =	vadd.f32 v5, v31;
	v10 =	vmul.f32 v46, v60;
	v18 =	vmul.f32 v8, v28;
	v28 =	vld [tilespmem:$0x1EB30]  }
0x175: {  	[tilespmem:s26+$0x1E0] =	vst v17;
	v37 =	vsub.f32 v36, v59;
	v5 =	vadd.f32 v50, v32;
	v50 =	vld [tilespmem:s28+$0x1D80]  }
0x176: {  	[tilespmem:s26+$0x2E0] =	vst v0;
	v54 =	vadd.f32 v10, v40;
	v10 =	vmul.f32 v25, v58;
	v25 =	vsub.f32 v24, v39;
	v24 =	vld [tilespmem:s28+$0x1DB0]  }
0x177: {  	[tilespmem:s26+$0x2B0] =	vst v14;
	v8 =	vmul.f32 v8, v37;
	v37 =	vld [tilespmem:s28+$0x1DC0]  }
0x178: {  	[tilespmem:s26+$0x2C0] =	vst v11;
	v2 =	vmul.f32 v2, v63;
	v1 =	vadd.f32 v1, v41;
	v0 =	vmul.f32 v43, v34;
	v43 =	vld [tilespmem:s28+$0x1DF0]  }
0x179: {  	[tilespmem:s26+$0x360] =	vst v45;
	v26 =	vmul.f32 v20, v47;
	v45 =	vsub.f32 v44, v39;
	v44 =	vld [tilespmem:s28+$0x1E00]  }
0x17a: {  	v17 =	vmul.f32 v49, v58;
	v2 =	vadd.f32 v2, v31;
	v55 =	vmul.f32 v18, v9;
	[tilespmem:s26+$0x380] =	vst v1;
	v1 =	vld [tilespmem:s28+$0x1E90]  }
0x17b: {  	[tilespmem:s26+$0x300] =	vst v13;
	v21 =	vmul.f32 v21, v9;
	v13 =	vsub.f32 $1.500000000e+00, v26;
	v46 =	vmovc v9;
	v59 =	vadd.f32 v10, v33;
	v9 =	vld [tilespmem:s28+$0x1EC0]  }
0x17c: {  	[tilespmem:s26+$0x2F0] =	vst v2;
	v62 =	vmul.f32 v8, v63;
	v2 =	vadd.f32 v55, v38;
	v55 =	vld [tilespmem:$0x1EB60]  }
0x17d: {  	v17 =	vadd.f32 v17, v33;
	v11 =	vmul.f32 v13, v47;
	[tilespmem:s26+$0x3C0] =	vst v59;
	v59 =	vld [tilespmem:s26+$0x4A0]  }
0x17e: {  	[tilespmem:s26+$0x390] =	vst v5;
	v5 =	vadd.f32 v62, v31;
	v62 =	vld [tilespmem:s28+$0x1DA0]  }
0x17f: {  	[tilespmem:s26+$0x340] =	vst v17;
	v61 =	vmul.f32 v11, v45;
	v45 =	vld [tilespmem:s26+$0x510]  }
0x180: {  	v14 =	vmul.f32 v51, v42;
	v0 =	vadd.f32 v0, v7;
	v17 =	vmul.f32 v11, v57;
	v18 =	vmovc v7;
	v7 =	vld [tilespmem:s28+$0x1EA0]  }
0x181: {  	v49 =	vmov v15;
	[tilespmem:s26+$0x370] =	vst v48;
	v48 =	vmul.f32 v11, v25;
	v29 =	vsub.f32 v28, v39;
	v28 =	vld [tilespmem:s26+$0x580]  }
0x182: {  	v14 =	vadd.f32 v14, v35;
	v8 =	vmul.f32 v17, v49;
	v49 =	vld [tilespmem:$0x1EB40]  }
0x183: {  	v23 =	vsub.f32 v22, v39;
	[tilespmem:s26+$0x3A0] =	vst v54;
	v54 =	vmul.f32 v48, v42;
	v42 =	vld [tilespmem:s26+$0x4F0]  }
0x184: {  	v21 =	vadd.f32 v21, v38;
	[tilespmem:s26+$0x3B0] =	vst v14;
	v14 =	vadd.f32 v44, v16;
	v16 =	vld [tilespmem:s28+$0x1E80]  }
0x185: {  	v27 =	vmul.f32 v11, v23;
	[tilespmem:s26+$0x3F0] =	vst v5;
	v5 =	vld [tilespmem:s26+$0x5D0]  }
0x186: {  	[tilespmem:s26+$0x350] =	vst v21;
	v21 =	vmul.f32 v61, v3;
	v17 =	vld [tilespmem:s28+$0x1ED0]  }
0x187: {  	v51 =	vmul.f32 v27, v60;
	v44 =	vld [tilespmem:s26+$0x620]  }
0x188: {  	v26 =	vadd.f32 v21, v41;
	v21 =	vld [tilespmem:s26+$0x4B0]  }
0x189: {  	[tilespmem:s26+$0x3E0] =	vst v0;
	v0 =	vadd.f32 v51, v40;
	v40 =	vld [tilespmem:s26+$0x4E0]  }
0x18a: {  	v41 =	vld [tilespmem:s28+$0x1DE0]  }
0x18b: {  	[tilespmem:s26+$0x2A0] =	vst v4;
	v4 =	vmul.f32 v11, v29;
	v60 =	vadd.f32 v54, v35;
	v54 =	vld [tilespmem:s28+$0x1E60]  }
0x18c: {  	[tilespmem:s26+$0x400] =	vst v26;
	v26 =	vld [tilespmem:s26+$0x4C0]  }
0x18d: {  	v47 =	vadd.f32 v8, v32;
	v57 =	vmul.f32 v4, v58;
	v58 =	vmul.f32 v11, v6;
	[tilespmem:s26+$0x430] =	vst v60;
	v60 =	vld [tilespmem:s26+$0x520]  }
0x18e: {  	v8 =	vsub.f32 v55, v39;
	v3 =	vsub.f32 v49, v39;
	v39 =	vld [tilespmem:s28+$0x1DD0]  }
0x18f: {  	v20 =	vmul.f32 v58, v34;
	v34 =	vadd.f32 v62, v59;
	v62 =	vld [tilespmem:s26+$0x530]  }
0x190: {  	v61 =	vmul.f32 v11, v8;
	v59 =	vadd.f32 v43, v42;
	v43 =	vld [tilespmem:s26+$0x550]  }
0x191: {  	[tilespmem:s26+$0x310] =	vst v19;
	v35 =	vadd.f32 v50, v30;
	v19 =	vadd.f32 v57, v33;
	v49 =	vld [tilespmem:s28+$0x1E50]  }
0x192: {  	v33 =	vadd.f32 v56, v53;
	v3 =	vmul.f32 v11, v3;
	v23 =	vmul.f32 v61, v63;
	v61 =	vld [tilespmem:s28+$0x1E20]  }
0x193: {  	v25 =	vadd.f32 v20, v18;
	v29 =	vadd.f32 v24, v21;
	v63 =	vld [tilespmem:s28+$0x1E30]  }
0x194: {  	v24 =	vadd.f32 v54, v52;
	v3 =	vmul.f32 v3, v46;
	v36 =	vadd.f32 v23, v31;
	v46 =	vld [tilespmem:s28+$0x1E10]  }
0x195: {  	[tilespmem:s26+$0x460] =	vst v25;
	v25 =	vadd.f32 v41, v40;
	v31 =	vadd.f32 v33, v35;
	v40 =	vld [tilespmem:s28+$0x1E40]  }
0x196: {  	v32 =	vadd.f32 v29, v34;
	v22 =	vadd.f32 v3, v38;
	v38 =	vld [tilespmem:s26+$0x4D0]  }
0x197: {  	v30 =	vadd.f32 v37, v26;
	v41 =	vmul.f32 v34, v34;
	v13 =	vadd.f32 v49, v43;
	[tilespmem:s26+$0x470] =	vst v36;
	v36 =	vld [tilespmem:s26+$0x540]  }
0x198: {  	[tilespmem:s26+$0x3D0] =	vst v2;
	v55 =	vld [tilespmem:s26+$0x570];
	v42 =	vmul.f32 v29, v29;
	v11 =	vadd.f32 v59, v25;
	v2 =	vadd.f32 v32, v31  }
0x199: {  	v4 =	vld [tilespmem:s26+$0x5A0];
	v15 =	vadd.f32 v61, v60;
	v12 =	vadd.f32 v63, v62  }
0x19a: {  	[tilespmem:s26+$0x420] =	vst v0;
	v0 =	vld [tilespmem:s26+$0x590];
	v51 =	vmul.f32 v59, v59;
	v53 =	vadd.f32 v42, v41;
	v45 =	vadd.f32 v46, v45  }
0x19b: {  	[tilespmem:s26+$0x410] =	vst v47;
	v56 =	vld [tilespmem:s28+$0x1E70];
	v47 =	vmul.f32 v30, v30;
	v58 =	vadd.f32 v12, v15;
	v26 =	vadd.f32 v39, v38  }
0x19c: {  	[tilespmem:s26+$0x440] =	vst v19;
	v19 =	vld [tilespmem:s26+$0x5B0];
	v38 =	vmul.f32 v35, v35;
	v39 =	vmul.f32 v33, v33;
	v23 =	vadd.f32 v40, v36  }
0x19d: {  	v43 =	vld [tilespmem:s28+$0x1F10];
	v50 =	vmul.f32 v25, v25;
	v57 =	vadd.f32 v45, v14;
	v37 =	vadd.f32 v26, v30  }
0x19e: {  	v32 =	vld [tilespmem:s28+$0x1F00];
	v48 =	vmul.f32 v26, v26;
	v8 =	vadd.f32 v39, v38;
	v60 =	vadd.f32 v13, v23  }
0x19f: {  	v42 =	vld [tilespmem:s26+$0x610];
	v62 =	vadd.f32 v58, v57;
	v6 =	vadd.f32 v11, v37  }
0x1a0: {  	[tilespmem:s26+$0x450] =	vst v22;
	v22 =	vld [tilespmem:s26+$0x600];
	v3 =	vadd.f32 v48, v47;
	v11 =	vadd.f32 v51, v50  }
0x1a1: {  	v58 =	vadd.f32 v1, v0;
	v0 =	vld [tilespmem:s28+$0x1F40];
	v47 =	vadd.f32 v56, v55  }
0x1a2: {  	v1 =	vld [tilespmem:s26+$0x650];
	v8 =	vadd.f32 v53, v8;
	v3 =	vadd.f32 v11, v3  }
0x1a3: {  	v2 =	vadd.f32 v6, v2;
	v61 =	vadd.f32 v47, v24;
	v6 =	vld [tilespmem:s26+$0x5C0]  }
0x1a4: {  	v10 =	vmul.f32 v14, v14;
	v52 =	vmul.f32 v13, v13;
	v3 =	vadd.f32 v3, v8;
	v8 =	vld [tilespmem:s28+$0x1EB0]  }
0x1a5: {  	v53 =	vmul.f32 v24, v24;
	v54 =	vmul.f32 v47, v47;
	v63 =	vadd.f32 v61, v60;
	v60 =	vld [tilespmem:s26+$0x5E0]  }
0x1a6: {  	v49 =	vmul.f32 v12, v12;
	v51 =	vmul.f32 v23, v23;
	v61 =	vld [tilespmem:s28+$0x1EE0]  }
0x1a7: {  	v48 =	vmul.f32 v15, v15;
	v36 =	vadd.f32 v54, v53;
	v53 =	vadd.f32 v17, v5;
	v17 =	vld [tilespmem:s26+$0x670]  }
0x1a8: {  	v11 =	vmul.f32 v45, v45;
	v57 =	vadd.f32 v52, v51;
	(xrf2) =	vadd.scan.msk.f32 $0xffff, v2;
	v2 =	vadd.f32 v63, v62;
	v62 =	vld [tilespmem:s26+$0x5F0]  }
0x1a9: {  	v55 =	vadd.f32 v49, v48;
	(xrf2) =	vadd.scan.msk.f32 $0xffff, v3;
	v63 =	vld [tilespmem:s28+$0x1EF0]  }
0x1aa: {  	v27 =	vadd.f32 v11, v10;
	v31 =	vadd.f32 v36, v57;
	v36 =	vld [tilespmem:s26+$0x640]  }
0x1ab: {  	v16 =	vadd.f32 v16, v28;
	v3 =	vld [tilespmem:s28+$0x1F50]  }
0x1ac: {  	v37 =	vadd.f32 v32, v22;
	v27 =	vadd.f32 v55, v27;
	v57 =	vld [tilespmem:s28+$0x1F70];
	(xrf2) =	vadd.scan.msk.f32 $0xffff, v2  }
0x1ad: {  	v48 =	vld [tilespmem:s26+$0x630];
	v52 =	vadd.f32 v9, v6;
	v51 =	vadd.f32 v8, v19  }
0x1ae: {  	v49 =	vld [tilespmem:s28+$0x1F30];
	v54 =	vadd.f32 v61, v60;
	v60 =	vadd.f32 v58, v16  }
0x1af: {  	v40 =	vmul.f32 v58, v58;
	v6 =	vld [tilespmem:s28+$0x1F60];
	v55 =	vadd.f32 v63, v62;
	v62 =	vadd.f32 v53, v52  }
0x1b0: {  	[tilespmem:$0x1EB80] =	vst v58;
	v2 =	vld [tilespmem:s26+$0x660];
	v63 =	vmul.f32 v16, v16;
	v36 =	vadd.f32 v0, v36;
	v22 =	vadd.f32 v3, v1  }
0x1b1: {  	[tilespmem:$0x1EBB0] =	vst v52;
	v58 =	vmul.f32 v52, v52;
	v52 =	vld [tilespmem:s28+$0x1F80];
	v39 =	vadd.f32 v57, v17;
	v18 =	vadd.f32 v55, v54  }
0x1b2: {  	v9 =	vmul.f32 v37, v37;
	v0 =	vld [tilespmem:s26+$0x6C0];
	v8 =	vadd.f32 v40, v63;
	v40 =	vadd.f32 v43, v42;
	v46, _, _ =	vpop (xrf2)  }
0x1b3: {  	v20 =	vmul.f32 v36, v36;
	v21 =	vmul.f32 v22, v22;
	(v2sf) =	vpush v46, $0xF;
	v46 =	vld [tilespmem:s28+$0x1F20];
	v50, _, _ =	vpop (xrf2)  }
0x1b4: {  	v1 =	vld [tilespmem:s28+$0x1FC0];
	v10 =	vmul.f32 v40, v40;
	(v2sf) =	vpush v50, $0xF;
	v50 =	vadd.f32 v7, v4  }
0x1b5: {  	v57 =	vld [tilespmem:s26+$0x710];
	v3 =	vadd.f32 v21, v20;
	v7 =	vadd.f32 v18, v62  }
0x1b6: {  	v42 =	vld [tilespmem:s28+$0x1FB0];
	v62 =	vmul.f32 v55, v55;
	v28 =	vadd.f32 v10, v9;
	v56, _, _ =	vpop (xrf2);
	v61 =	vadd.f32 v51, v50  }
0x1b7: {  	[tilespmem:$0x1EBD0] =	vst v54;
	v43 =	vld [tilespmem:s28+$0x1FD0];
	(v2sf) =	vpush v56, $0xF;
	v41 =	vmul.f32 v50, v50;
	v56 =	vmul.f32 v51, v51  }
0x1b8: {  	[tilespmem:$0x1EBE0] =	vst v55;
	v55 =	vld [tilespmem:s26+$0x6E0];
	v38 =	vadd.f32 v46, v44;
	v4 =	vadd.f32 v61, v60;
	v60 =	vmul.f32 v53, v53  }
0x1b9: {  	[tilespmem:$0x1EB90] =	vst v50;
	v50 =	vld [tilespmem:s26+$0x680];
	v61 =	vmul.f32 v54, v54;
	v63 =	vadd.f32 v56, v41;
	v54 =	vadd.f32 v31, v27  }
0x1ba: {  	[tilespmem:$0x1EBA0] =	vst v51;
	v51 =	vld [tilespmem:s28+$0x1F90];
	v41 =	vadd.f32 v49, v48;
	v49 =	vadd.f32 v1, v0  }
0x1bb: {  	[tilespmem:$0x1EBC0] =	vst v53;
	v53 =	vld [tilespmem:s26+$0x690];
	v5 =	vadd.f32 v60, v58;
	v18 =	vadd.f32 v62, v61  }
0x1bc: {  	[tilespmem:$0x1EB70] =	vst v16;
	v31 =	vld [tilespmem:s26+$0x6B0];
	v11 =	vadd.f32 v7, v4;
	v16 =	vadd.f32 v63, v8  }
0x1bd: {  	v56 =	vld [tilespmem:s28+$0x1FE0];
	v61 =	vadd.f32 v6, v2;
	v60 =	vadd.f32 v40, v37  }
0x1be: {  	v27 =	vld [tilespmem:s28+$0x1FA0];
	v46 =	vmul.f32 v38, v38;
	v62 =	vadd.f32 v41, v38;
	v63 =	vadd.f32 v22, v36  }
0x1bf: {  	v7 =	vld [tilespmem:s26+$0x6A0];
	v48 =	vmul.f32 v41, v41;
	v21 =	vadd.f32 v52, v50;
	v5 =	vadd.f32 v18, v5  }
0x1c0: {  	[tilespmem:$0x1EBF0] =	vst v22;
	v6 =	vld [tilespmem:s26+$0x6D0];
	v19 =	vadd.f32 v39, v61;
	v2 =	vadd.f32 v62, v60  }
0x1c1: {  	[tilespmem:$0x1EC00] =	vst v39;
	v58 =	vld [tilespmem:s26+$0x740];
	v22 =	vmul.f32 v61, v61;
	v39 =	vmul.f32 v39, v39;
	v62 =	vadd.f32 v48, v46  }
0x1c2: {  	v60 =	vld [tilespmem:s26+$0x6F0];
	v31 =	vadd.f32 v42, v31;
	v42 =	vadd.f32 v56, v55  }
0x1c3: {  	v46 =	vld [tilespmem:s28+$0x2040];
	v17 =	vadd.f32 v19, v63;
	v44 =	vadd.f32 v39, v22  }
0x1c4: {  	v63 =	vld [tilespmem:s28+$0x1FF0];
	v9 =	vadd.f32 v5, v16;
	v52 =	vadd.f32 v27, v7  }
0x1c5: {  	v8 =	vld [tilespmem:s26+$0x720];
	v18 =	vmul.f32 v49, v49;
	v27 =	vadd.f32 v43, v6;
	v10 =	vadd.f32 v17, v2  }
0x1c6: {  	(xrf2) =	vadd.scan.msk.f32 $0xffff, v54;
	v50 =	vld [tilespmem:s28+$0x2010];
	v22 =	vmul.f32 v21, v21;
	v5 =	vadd.f32 v44, v3;
	v44 =	vadd.f32 v51, v53  }
0x1c7: {  	(xrf2) =	vadd.scan.msk.f32 $0xffff, v11;
	v7 =	vld [tilespmem:s28+$0x2020];
	v17 =	vadd.f32 v62, v28;
	v3 =	vmul.f32 v31, v31;
	v32 =	vadd.f32 v31, v52  }
0x1c8: {  	v43 =	vld [tilespmem:s26+$0x730];
	(xrf2) =	vadd.scan.msk.f32 $0xffff, v9;
	v1 =	vmul.f32 v52, v52;
	v9 =	vadd.f32 v46, v58;
	v2 =	vadd.f32 v44, v21  }
0x1c9: {  	v51 =	vld [tilespmem:s28+$0x2030];
	v19 =	vmul.f32 v27, v27;
	v5 =	vadd.f32 v5, v17;
	v39 =	vadd.f32 v63, v60  }
0x1ca: {  	v4 =	vld [tilespmem:s26+$0x750];
	v28 =	vmul.f32 v44, v44;
	v55 =	vadd.f32 v3, v1;
	v1 =	vadd.f32 v27, v49  }
0x1cb: {  	v48 =	vld [tilespmem:s26+$0x700];
	v60 =	vadd.f32 v19, v18;
	v19 =	vadd.f32 v50, v57  }
0x1cc: {  	v11 =	vld [tilespmem:s28+$0x2090];
	v20 =	vmul.f32 v42, v42;
	s3 =	spop (v2sf);
	v6 =	vadd.f32 v28, v22;
	v2 =	vadd.f32 v32, v2  }
0x1cd: {  	s2 =	smul.f32 $7.812500000e-03, s3;
	v3 =	vld [tilespmem:s28+$0x2050];
	v7 =	vadd.f32 v7, v8;
	v22 =	vmul.f32 v39, v39;
	v28 =	vadd.f32 v39, v42  }
0x1ce: {  	v16 =	vld [tilespmem:s28+$0x2000];
	v18 =	vadd.f32 v51, v43;
	v6 =	vadd.f32 v55, v6  }
0x1cf: {  	v62 =	vld [tilespmem:s26+$0x760];
	v55 =	vmov s2;
	v56 =	vadd.f32 v22, v20;
	v0 =	vadd.f32 v28, v1  }
0x1d0: {  	v1 =	vld [tilespmem:s28+$0x2060];
	v8 =	vadd.f32 v18, v7;
	v57 =	vsub.f32 v34, v55  }
0x1d1: {  	(xrf2) =	vadd.scan.msk.f32 $0xffff, v10;
	v63 =	vld [tilespmem:s28+$0x2070];
	v26 =	vsub.f32 v26, v55;
	v34 =	vsub.f32 v59, v55  }
0x1d2: {  	(xrf2) =	vadd.scan.msk.f32 $0xffff, v5;
	v5 =	vadd.f32 v3, v4;
	v32 =	vadd.f32 v56, v60;
	v56 =	vld [tilespmem:s26+$0x770]  }
0x1d3: {  	v10 =	vld [tilespmem:s26+$0x780];
	v60 =	vsub.f32 v35, v55;
	v22 =	vadd.f32 v0, v2  }
0x1d4: {  	v17 =	vld [tilespmem:s28+$0x2080];
	v28 =	vadd.f32 v32, v6;
	v6 =	vadd.f32 v16, v48  }
0x1d5: {  	v59 =	vld [tilespmem:s26+$0x7D0];
	v53 =	vadd.f32 v5, v9;
	v3 =	vadd.f32 v1, v62  }
0x1d6: {  	[tilespmem:$0x1EC60] =	vst v26;
	v26 =	vld [tilespmem:s26+$0x7B0];
	v2 =	vmul.f32 v5, v5;
	v62 =	vsub.f32 v29, v55;
	v51 =	vadd.f32 v19, v6  }
0x1d7: {  	[tilespmem:$0x1EC10] =	vst v60;
	v29 =	vld [tilespmem:s26+$0x7A0];
	v1 =	vmul.f32 v9, v9;
	v60, _, _ =	vpop (xrf2);
	v20 =	vadd.f32 v63, v56;
	v56 =	vsub.f32 v33, v55  }
0x1d8: {  	s5 =	spop (v2sf);
	[tilespmem:$0x1EC30] =	vst v57;
	v33 =	vld [tilespmem:s26+$0x790];
	v63 =	vsub.f32 v30, v55;
	(v2sf) =	vpush v60, $0xF  }
0x1d9: {  	s4 =	spop (v2sf);
	(xrf2) =	vadd.scan.msk.f32 $0xffff, v22;
	v48 =	vmul.f32 v19, v19;
	v22, _, _ =	vpop (xrf2);
	v30 =	vsub.f32 v25, v55;
	v25 =	vld [tilespmem:s26+$0x7C0];
	v16 =	vadd.f32 v2, v1  }
0x1da: {  	s4 =	smul.f32 $7.812500000e-03, s4;
	(xrf2) =	vadd.scan.msk.f32 $0xffff, v28;
	v46 =	vmul.f32 v6, v6;
	v60 =	vld [tilespmem:s28+$0x20D0];
	v4 =	vadd.f32 v8, v51;
	(v2sf) =	vpush v22, $0xF;
	v28, _, _ =	vpop (xrf2)  }
0x1db: {  	[tilespmem:$0x1EC40] =	vst v62;
	v62 =	vld [tilespmem:s26+$0x7E0];
	v54 =	vadd.f32 v20, v3;
	(v2sf) =	vpush v28, $0xF;
	v32, _, _ =	vpop (xrf2)  }
0x1dc: {  	v1 =	vld [tilespmem:s26+$0x850];
	[tilespmem:$0x1EC70] =	vst v30;
	v30 =	vadd.f32 v48, v46;
	v28 =	vmov s4;
	(v2sf) =	vpush v32, $0xF  }
0x1dd: {  	v8 =	vld [tilespmem:s28+$0x20A0];
	v22 =	vmul.f32 v3, v3;
	[tilespmem:$0x1EC20] =	vst v56;
	v32 =	vsub.f32 v14, v28;
	v48 =	vsub.f32 v45, v28  }
0x1de: {  	[tilespmem:$0x1EC50] =	vst v63;
	v56 =	vmul.f32 v20, v20;
	v63 =	vld [tilespmem:s28+$0x20E0];
	v35, _, _ =	vpop (xrf2);
	v55 =	vsub.f32 v23, v28;
	v57 =	vsub.f32 v24, v28  }
0x1df: {  	v46 =	vld [tilespmem:s26+$0x7F0];
	v58 =	vadd.f32 v54, v53;
	(v2sf) =	vpush v35, $0xF  }
0x1e0: {  	[tilespmem:$0x1EC80] =	vst v34;
	v45 =	vld [tilespmem:s28+$0x2140];
	v34 =	vadd.f32 v56, v22;
	v53 =	vsub.f32 v12, v28  }
0x1e1: {  	v35 =	vld [tilespmem:s28+$0x20C0];
	v56 =	vsub.f32 v13, v28;
	v22 =	vsub.f32 v47, v28  }
0x1e2: {  	[tilespmem:$0x1ECF0] =	vst v57;
	v57 =	vadd.f32 v17, v10;
	v54 =	vadd.f32 v11, v33;
	v33 =	vld [tilespmem:s26+$0x840]  }
0x1e3: {  	v0 =	vmul.f32 v18, v18;
	v11 =	vld [tilespmem:s28+$0x2150];
	v4 =	vadd.f32 v58, v4;
	v16 =	vadd.f32 v34, v16  }
0x1e4: {  	v51 =	vmul.f32 v7, v7;
	[tilespmem:$0x1ECE0] =	vst v56;
	v56 =	vadd.f32 v8, v29;
	v8 =	vld [tilespmem:s26+$0x830];
	v43, _, _ =	vpop (xrf2);
	v29 =	vadd.f32 v63, v62  }
0x1e5: {  	v62 =	vld [tilespmem:s28+$0x2130];
	v24 =	vadd.f32 v54, v57;
	(v2sf) =	vpush v43, $0xF  }
0x1e6: {  	[tilespmem:$0x1ECD0] =	vst v55;
	(xrf2) =	vadd.scan.msk.f32 $0xffff, v4;
	v4 =	vld [tilespmem:s28+$0x20B0];
	v43 =	vadd.f32 v0, v51;
	v50, _, _ =	vpop (xrf2);
	v55 =	vadd.f32 v35, v25  }
0x1e7: {  	v51 =	vld [tilespmem:s28+$0x20F0];
	v25 =	vadd.f32 v60, v59;
	(v2sf) =	vpush v50, $0xF  }
0x1e8: {  	v50 =	vsub.f32 v15, v28;
	v0 =	vadd.f32 v43, v30  }
0x1e9: {  	v23 =	vld [tilespmem:s28+$0x2100];
	[tilespmem:$0x1EC90] =	vst v32;
	v63 =	vadd.f32 v45, v33;
	v60 =	vadd.f32 v11, v1  }
0x1ea: {  	v13 =	vld [tilespmem:s26+$0x810];
	[tilespmem:$0x1ED00] =	vst v22;
	v30 =	vadd.f32 v25, v55;
	v2 =	vmul.f32 v55, v55;
	v22 =	vmul.f32 v25, v25  }
0x1eb: {  	[tilespmem:$0x1ECA0] =	vst v48;
	v34 =	vld [tilespmem:s28+$0x2110];
	v48 =	vmul.f32 v57, v57;
	v62 =	vadd.f32 v62, v8;
	v28 =	vadd.f32 v4, v26  }
0x1ec: {  	v12 =	vld [tilespmem:s26+$0x800];
	[tilespmem:$0x1ECB0] =	vst v50;
	v50 =	vmul.f32 v54, v54;
	v32 =	vadd.f32 v51, v46;
	v15 =	vadd.f32 v22, v2  }
0x1ed: {  	v10 =	vld [tilespmem:s26+$0x820];
	v2 =	vadd.f32 v16, v0;
	v26 =	vadd.f32 v28, v56  }
0x1ee: {  	v4 =	vld [tilespmem:s28+$0x2120];
	v35 =	vadd.f32 v50, v48;
	v51 =	vadd.f32 v32, v29  }
0x1ef: {  	v50 =	vld [tilespmem:s28+$0x2160];
	v14 =	vadd.f32 v26, v24;
	v24 =	vmul.f32 v29, v29;
	v26 =	vmul.f32 v32, v32  }
0x1f0: {  	[tilespmem:$0x1ECC0] =	vst v53;
	v53 =	vmul.f32 v56, v56;
	v22 =	vadd.f32 v34, v13;
	v17 =	vadd.f32 v51, v30;
	v30 =	vld [tilespmem:s26+$0x860];
	v58, _, _ =	vpop (xrf2)  }
0x1f1: {  	s31 =	spop (v2sf);
	(v2sf) =	vpush v58, $0xF;
	v58 =	vmul.f32 v28, v28;
	v51 =	vadd.f32 v26, v24  }
0x1f2: {  	v11 =	vld [tilespmem:s28+$0x2190];
	s12 =	spop (v2sf);
	v14 =	vadd.f32 v17, v14;
	v17 =	vadd.f32 v23, v12  }
0x1f3: {  	s29 =	spop (v2sf);
	v24 =	vadd.f32 v4, v10;
	v48 =	vadd.f32 v58, v53;
	v53 =	vld [tilespmem:s26+$0x870]  }
0x1f4: {  	v46 =	vmul.f32 v22, v22;
	s13 =	spop (v2sf);
	v58 =	vld [tilespmem:s28+$0x2170];
	v15 =	vadd.f32 v51, v15;
	v13 =	vadd.f32 v22, v17  }
0x1f5: {  	(xrf2) =	vadd.scan.msk.f32 $0xffff, v2;
	v2 =	vld [tilespmem:s26+$0x8A0];
	s30 =	spop (v2sf);
	v16 =	vadd.f32 v62, v24;
	v45 =	vmul.f32 v17, v17;
	v30 =	vadd.f32 v50, v30  }
0x1f6: {  	v10 =	vld [tilespmem:s28+$0x2180];
	v50 =	vmul.f32 v62, v62;
	v35 =	vadd.f32 v48, v35;
	v48 =	vmul.f32 v24, v24;
	s16 =	spop (v2sf)  }
0x1f7: {  	v0 =	vadd.f32 v16, v13;
	v8 =	vadd.f32 v46, v45;
	v46 =	vld [tilespmem:$0x1EB70];
	s3 =	smul.f32 $7.812500000e-03, s16  }
0x1f8: {  	v51 =	vmul.f32 v63, v63;
	v12 =	vadd.f32 v50, v48;
	v16 =	vadd.f32 v15, v35;
	v48 =	vld [tilespmem:$0x1EB90]  }
0x1f9: {  	(xrf2) =	vadd.scan.msk.f32 $0xffff, v14;
	v50 =	vld [tilespmem:$0x1EBA0];
	v26 =	vadd.f32 v58, v53;
	v53 =	vmul.f32 v60, v60;
	v14 =	vmov s3  }
0x1fa: {  	v43 =	vadd.f32 v60, v63;
	s14 =	smul.f32 $7.812500000e-03, s12;
	(xrf2) =	vadd.scan.msk.f32 $0xffff, v16;
	v16 =	vld [tilespmem:$0x1EBE0];
	v31 =	vsub.f32 v31, v14  }
0x1fb: {  	v47 =	vadd.f32 v26, v30;
	v1 =	vadd.f32 v53, v51;
	v51 =	vld [tilespmem:$0x1EBB0]  }
0x1fc: {  	v23 =	vmov s14;
	v58 =	vmul.f32 v30, v30;
	v59 =	vmul.f32 v26, v26;
	v53 =	vld [tilespmem:$0x1EBC0]  }
0x1fd: {  	v33 =	vsub.f32 v46, v23;
	[tilespmem:$0x1ED80] =	vst v31;
	v31 =	vld [tilespmem:s26+$0x8E0];
	v4 =	vadd.f32 v47, v43  }
0x1fe: {  	v13 =	vadd.f32 v59, v58;
	v47 =	vld [tilespmem:$0x1EB80];
	v35 =	vsub.f32 v48, v23  }
0x1ff: {  	v43 =	vsub.f32 v50, v23;
	v59 =	vld [tilespmem:s26+$0x890];
	v0 =	vadd.f32 v4, v0  }
0x200: {  	v58 =	vld [tilespmem:$0x1EBD0];
	v4 =	vadd.f32 v12, v8;
	v1 =	vadd.f32 v13, v1  }
0x201: {  	v8 =	vld [tilespmem:s26+$0x880];
	v48 =	vsub.f32 v16, v23;
	v16 =	vsub.f32 v21, v14  }
0x202: {  	v21 =	vsub.f32 v44, v14;
	v44 =	vld [tilespmem:s28+$0x21D0];
	v12 =	vsub.f32 v42, v14  }
0x203: {  	s13 =	smul.f32 $7.812500000e-03, s13;
	v42 =	vld [tilespmem:s28+$0x21E0];
	v45 =	vsub.f32 v51, v23;
	v1 =	vadd.f32 v1, v4  }
0x204: {  	v4 =	vld [tilespmem:s28+$0x21A0];
	v34 =	vsub.f32 v47, v23;
	v47 =	vsub.f32 v53, v23  }
0x205: {  	[tilespmem:$0x1EDB0] =	vst v12;
	v46 =	vsub.f32 v58, v23;
	v23 =	vmov s13;
	v12 =	vadd.f32 v11, v59;
	v11 =	vld [tilespmem:s26+$0x930]  }
0x206: {  	v51 =	vsub.f32 v37, v23;
	v50 =	vsub.f32 v40, v23;
	v37 =	vld [tilespmem:s26+$0x8B0]  }
0x207: {  	v58 =	vsub.f32 v38, v23;
	v53 =	vsub.f32 v41, v23;
	v38 =	vld [tilespmem:$0x1EBF0]  }
0x208: {  	v36 =	vsub.f32 v36, v23;
	v40 =	vsub.f32 v61, v23;
	v41, _, _ =	vpop (xrf2);
	v61 =	vld [tilespmem:$0x1EC00]  }
0x209: {  	(xrf2) =	vadd.scan.msk.f32 $0xffff, v0;
	(v2sf) =	vpush v41, $0xF;
	v15, _, _ =	vpop (xrf2);
	v41 =	vld [tilespmem:s26+$0x8D0]  }
0x20a: {  	[tilespmem:$0x1ED10] =	vst v36;
	v36 =	vld [tilespmem:s28+$0x21B0];
	(v2sf) =	vpush v15, $0xF;
	v13, _, _ =	vpop (xrf2)  }
0x20b: {  	s12 =	spop (v2sf);
	[tilespmem:$0x1ED30] =	vst v40;
	v40 =	vld [tilespmem:s28+$0x21C0];
	(v2sf) =	vpush v13, $0xF  }
0x20c: {  	s17 =	spop (v2sf);
	(xrf2) =	vadd.scan.msk.f32 $0xffff, v1;
	v13 =	vadd.f32 v4, v2;
	v2 =	vld [tilespmem:s26+$0x960];
	v1 =	vsub.f32 v38, v23  }
0x20d: {  	[tilespmem:$0x1ED50] =	vst v16;
	s0 =	smul.f32 $7.812500000e-03, s17;
	v38 =	vld [tilespmem:s26+$0x8C0];
	v0 =	vsub.f32 v61, v23;
	v23 =	vsub.f32 v52, v14  }
0x20e: {  	[tilespmem:$0x1ED60] =	vst v21;
	v52 =	vsub.f32 v49, v14;
	v61 =	vsub.f32 v27, v14;
	v27 =	vld [tilespmem:s26+$0x8F0]  }
0x20f: {  	v59 =	vadd.f32 v44, v41;
	v41 =	vld [tilespmem:s28+$0x2240];
	[tilespmem:$0x1ED40] =	vst v0;
	v0 =	vsub.f32 v39, v14;
	v14 =	vmov s0  }
0x210: {  	[tilespmem:$0x1ED70] =	vst v23;
	v16 =	vsub.f32 v6, v14;
	v6 =	vld [tilespmem:s28+$0x21F0]  }
0x211: {  	[tilespmem:$0x1ED90] =	vst v52;
	v19 =	vsub.f32 v19, v14;
	v21 =	vsub.f32 v7, v14;
	v7 =	vld [tilespmem:s26+$0x900]  }
0x212: {  	[tilespmem:$0x1EDA0] =	vst v61;
	v23 =	vsub.f32 v18, v14;
	v39 =	vsub.f32 v9, v14;
	v9 =	vld [tilespmem:s28+$0x2200]  }
0x213: {  	v15, _, _ =	vpop (xrf2);
	v49 =	vsub.f32 v5, v14;
	v52 =	vsub.f32 v3, v14;
	v18 =	vld [tilespmem:s26+$0x910];
	[tilespmem:$0x1EDC0] =	vst v0  }
0x214: {  	(v2sf) =	vpush v15, $0xF;
	v0 =	vsub.f32 v20, v14;
	v20 =	vld [tilespmem:s28+$0x2230];
	[tilespmem:$0x1EDD0] =	vst v16  }
0x215: {  	v14 =	vadd.f32 v36, v37;
	v15 =	vadd.f32 v42, v31;
	[tilespmem:$0x1EDE0] =	vst v19;
	v19 =	vld [tilespmem:s28+$0x2210]  }
0x216: {  	v44 =	vmul.f32 v13, v13;
	[tilespmem:$0x1EDF0] =	vst v21;
	v61, _, _ =	vpop (xrf2);
	v16 =	vadd.f32 v10, v8;
	v8 =	vld [tilespmem:s26+$0x920];
	v21 =	vadd.f32 v40, v38  }
0x217: {  	[tilespmem:$0x1ED20] =	vst v1;
	v1 =	vmul.f32 v59, v59;
	v10 =	vld [tilespmem:s28+$0x2220];
	(v2sf) =	vpush v61, $0xF;
	v4 =	vadd.f32 v14, v13  }
0x218: {  	[tilespmem:$0x1EE30] =	vst v52;
	v40 =	vmul.f32 v12, v12;
	v52 =	vld [tilespmem:s26+$0x950];
	v3 =	vadd.f32 v12, v16;
	v5 =	vadd.f32 v59, v21  }
0x219: {  	[tilespmem:$0x1EE00] =	vst v23;
	v61 =	vld [tilespmem:s28+$0x2250];
	v38 =	vmul.f32 v16, v16;
	v31 =	vmul.f32 v21, v21;
	v23 =	vadd.f32 v6, v27  }
0x21a: {  	v37 =	vld [tilespmem:s26+$0x940];
	v6 =	vmul.f32 v14, v14;
	v7 =	vadd.f32 v9, v7;
	v27 =	vadd.f32 v4, v3  }
0x21b: {  	s5 =	smul.f32 $7.812500000e-03, s5;
	[tilespmem:$0x1EE20] =	vst v49;
	v49 =	vld [tilespmem:s28+$0x2270];
	v38 =	vadd.f32 v40, v38;
	v1 =	vadd.f32 v1, v31  }
0x21c: {  	s2 =	smul.f32 s2, s2;
	v31 =	vld [tilespmem:s26+$0x970];
	v42 =	vadd.f32 v23, v15;
	v6 =	vadd.f32 v6, v44  }
0x21d: {  	v4 =	vmul.f32 v15, v15;
	v44 =	vld [tilespmem:s28+$0x2260];
	v40 =	vadd.f32 v19, v18;
	v8 =	vadd.f32 v10, v8  }
0x21e: {  	s2 =	ssub.f32 s5, s2;
	v10 =	vadd.f32 v61, v52;
	v36 =	vadd.f32 v42, v5;
	v5 =	vmul.f32 v23, v23  }
0x21f: {  	v19 =	vmul.f32 v7, v7;
	v42 =	vadd.f32 v6, v38;
	v38 =	vadd.f32 v41, v37  }
0x220: {  	s2 =	sadd.f32 $9.999999960e-13, s2;
	[tilespmem:$0x1EE40] =	vst v0;
	v18 =	vadd.f32 v40, v7;
	v37 =	vmul.f32 v40, v40;
	v0 =	vadd.f32 v5, v4  }
0x221: {  	v3 =	vmul.f32 v10, v10;
	v27 =	vadd.f32 v36, v27;
	v36 =	vadd.f32 v20, v11  }
0x222: {  	v11 =	vadd.f32 v49, v31;
	v9 =	vadd.f32 v44, v2;
	v44 =	vmov s2  }
0x223: {  	v61 =	vadd.f32 v10, v38;
	v49 =	vshra.s32 v44, $0x1;
	v52 =	vadd.f32 v36, v8  }
0x224: {  	v19 =	vadd.f32 v37, v19;
	v0 =	vadd.f32 v0, v1;
	v2 =	vsub.s32 $0x5F3759DF, v49  }
0x225: {  	s16 =	spop (v2sf);
	v31 =	vadd.f32 v11, v9;
	v49 =	vmul.f32 v11, v11;
	v18 =	vadd.f32 v52, v18  }
0x226: {  	s5 =	spop (v2sf);
	v0 =	vadd.f32 v0, v42;
	v42 =	vmul.f32 v38, v38;
	v52 =	vmul.f32 v9, v9  }
0x227: {  	s5 =	smul.f32 $7.812500000e-03, s5;
	(xrf2) =	vadd.scan.msk.f32 $0xffff, v27;
	v41 =	vmul.f32 v36, v36;
	v27 =	vadd.f32 v31, v61;
	v31 =	vmul.f32 v8, v8  }
0x228: {  	s4 =	smul.f32 s4, s4;
	v1 =	vmul.f32 $5.000000000e-01, v44;
	(xrf2) =	vadd.scan.msk.f32 $0xffff, v0;
	v0 =	vadd.f32 v3, v42;
	v44 =	vadd.f32 v49, v52  }
0x229: {  	s17 =	smul.f32 $7.812500000e-03, s31;
	v52 =	vmov s5;
	v18 =	vadd.f32 v27, v18;
	v37 =	vadd.f32 v41, v31  }
0x22a: {  	s31 =	spop (v2sf);
	v20 =	vmul.f32 v2, v1;
	v42 =	vsub.f32 v57, v52;
	v57 =	vsub.f32 v54, v52  }
0x22b: {  	s4 =	ssub.f32 s17, s4;
	[tilespmem:$0x1EE10] =	vst v39;
	v39 =	vld [tilespmem:s26+$0x9A0];
	s17 =	spop (v2sf);
	v31 =	vsub.f32 v56, v52;
	v27 =	vsub.f32 v28, v52  }
0x22c: {  	v6 =	vld [tilespmem:s28+$0x2280];
	v20 =	vmul.f32 v2, v20;
	s2 =	smul.f32 $7.812500000e-03, s17;
	v49 =	vsub.f32 v55, v52;
	v28 =	vsub.f32 v25, v52  }
0x22d: {  	s4 =	sadd.f32 $9.999999960e-13, s4;
	v5 =	vld [tilespmem:s28+$0x2290];
	v54 =	vsub.f32 v29, v52;
	v52 =	vsub.f32 v32, v52;
	(xrf2) =	vadd.scan.msk.f32 $0xffff, v18  }
0x22e: {  	v61 =	vld [tilespmem:s26+$0x980];
	v3 =	vsub.f32 $1.500000000e+00, v20;
	v19 =	vadd.f32 v37, v19;
	v37 =	vmov s2  }
0x22f: {  	v41 =	vld [tilespmem:s26+$0x990];
	v55 =	vmov s4;
	v0 =	vadd.f32 v44, v0;
	v32 =	vsub.f32 v17, v37  }
0x230: {  	v56 =	vld [tilespmem:s28+$0x22A0];
	v2 =	vmul.f32 v2, v3;
	v22 =	vsub.f32 v22, v37;
	v29 =	vsub.f32 v24, v37  }
0x231: {  	v25 =	vld [tilespmem:s28+$0x22B0];
	v17 =	vmul.f32 $5.000000000e-01, v55;
	v26 =	vsub.f32 v26, v37;
	[tilespmem:$0x1EE50] =	vst v32;
	v32 =	vshra.s32 v55, $0x1  }
0x232: {  	v24 =	vld [tilespmem:s28+$0x22D0];
	v62 =	vsub.f32 v62, v37;
	v4, _, _ =	vpop (xrf2);
	v1 =	vmul.f32 v2, v1;
	[tilespmem:$0x1EE60] =	vst v22;
	v22 =	vsub.s32 $0x5F3759DF, v32  }
0x233: {  	v63 =	vsub.f32 v63, v37;
	[tilespmem:$0x1EE80] =	vst v26;
	(v2sf) =	vpush v4, $0xF;
	v4 =	vld [tilespmem:s26+$0x9D0];
	v26 =	vmul.f32 v22, v17  }
0x234: {  	v20 =	vld [tilespmem:s26+$0x9B0];
	v61 =	vadd.f32 v6, v61;
	v19 =	vadd.f32 v0, v19;
	v1 =	vmul.f32 v1, v2  }
0x235: {  	v3 =	vld [tilespmem:s26+$0x9E0];
	v55 =	vsub.f32 v60, v37;
	v6 =	vadd.f32 v5, v41;
	v41 =	vmul.f32 v22, v26  }
0x236: {  	v0 =	vld [tilespmem:s28+$0x22F0];
	[tilespmem:$0x1EE70] =	vst v29;
	v29 =	vsub.f32 v30, v37;
	v30, _, _ =	vpop (xrf2);
	v1 =	vsub.f32 $1.500000000e+00, v1  }
0x237: {  	v37 =	vld [tilespmem:s26+$0x9F0];
	(v2sf) =	vpush v30, $0xF;
	v5 =	vsub.f32 $1.500000000e+00, v41;
	v30, _, _ =	vpop (xrf2)  }
0x238: {  	(v2sf) =	vpush v30, $0xF;
	v30 =	vadd.f32 v24, v4;
	v4 =	vld [tilespmem:$0x1EC10]  }
0x239: {  	s14 =	smul.f32 s14, s14;
	v60 =	vld [tilespmem:s28+$0x22E0]  }
0x23a: {  	s17 =	smul.f32 $7.812500000e-03, s29;
	v1 =	vmul.f32 v1, v2;
	v2 =	vmul.f32 v22, v5;
	v22 =	vld [tilespmem:$0x1EC20]  }
0x23b: {  	v20 =	vadd.f32 v25, v20;
	v25 =	vld [tilespmem:$0x1EC30]  }
0x23c: {  	v44 =	vld [tilespmem:s28+$0x22C0];
	s4 =	ssub.f32 s17, s14  }
0x23d: {  	v5 =	vadd.f32 v0, v37;
	v37 =	vld [tilespmem:$0x1EC40];
	v0 =	vmul.f32 v1, v4  }
0x23e: {  	v18 =	vld [tilespmem:s26+$0x9C0];
	s4 =	sadd.f32 $9.999999960e-13, s4  }
0x23f: {  	v26 =	vadd.f32 v56, v39;
	[tilespmem:$0x1EF30] =	vst v0;
	v0 =	vmul.f32 v1, v22  }
0x240: {  	v56 =	vadd.f32 v60, v3;
	v24 =	vmov s4;
	v3 =	vmul.f32 v1, v25  }
0x241: {  	v32 =	vshra.s32 v24, $0x1;
	[tilespmem:$0x1EF40] =	vst v0;
	v0 =	vmul.f32 $5.000000000e-01, v24  }
0x242: {  	v60 =	vld [tilespmem:$0x1EC50];
	[tilespmem:$0x1EF50] =	vst v3;
	v3 =	vsub.s32 $0x5F3759DF, v32;
	v4 =	vmul.f32 v1, v37  }
0x243: {  	s14 =	spop (v2sf);
	v18 =	vadd.f32 v44, v18;
	v39 =	vmul.f32 v3, v0  }
0x244: {  	v41 =	vadd.f32 v6, v61;
	v44 =	vadd.f32 v20, v26;
	[tilespmem:$0x1EF60] =	vst v4;
	v4 =	vmul.f32 v2, v17;
	s29 =	spop (v2sf)  }
0x245: {  	v32 =	vadd.f32 v30, v18;
	v37 =	vadd.f32 v5, v56;
	s29 =	smul.f32 $7.812500000e-03, s29;
	v17 =	vmul.f32 v3, v39;
	v39 =	vld [tilespmem:$0x1EC60]  }
0x246: {  	(xrf2) =	vadd.scan.msk.f32 $0xffff, v19;
	v19 =	vadd.f32 v44, v41;
	v41 =	vld [tilespmem:$0x1EC70];
	v4 =	vmul.f32 v4, v2  }
0x247: {  	s13 =	smul.f32 s13, s13;
	v22 =	vadd.f32 v37, v32;
	v24 =	vmul.f32 v1, v60;
	v60 =	vld [tilespmem:$0x1EC80];
	v44 =	vmov s29  }
0x248: {  	s17 =	smul.f32 $7.812500000e-03, s30;
	v4 =	vsub.f32 $1.500000000e+00, v4;
	v12 =	vsub.f32 v12, v44  }
0x249: {  	v13 =	vsub.f32 v13, v44;
	v25 =	vsub.f32 v21, v44  }
0x24a: {  	s4 =	ssub.f32 s17, s13;
	[tilespmem:$0x1EFC0] =	vst v24;
	v32 =	vsub.f32 v59, v44;
	v37 =	vsub.f32 v15, v44;
	v24 =	vmul.f32 v1, v39  }
0x24b: {  	v59 =	vsub.f32 v23, v44;
	v21 =	vmul.f32 v20, v20;
	[tilespmem:$0x1EEC0] =	vst v25;
	v25 =	vmul.f32 v18, v18  }
0x24c: {  	s4 =	sadd.f32 $9.999999960e-13, s4;
	v23 =	vadd.f32 v22, v19;
	[tilespmem:$0x1EFD0] =	vst v24;
	v24 =	vmul.f32 v1, v41;
	v1 =	vmul.f32 v1, v60  }
0x24d: {  	[tilespmem:$0x1EED0] =	vst v32;
	v60 =	vsub.f32 v16, v44;
	v16 =	vsub.f32 v14, v44;
	v44 =	vmul.f32 v26, v26  }
0x24e: {  	v22 =	vld [tilespmem:$0x1ECA0];
	[tilespmem:$0x1EEE0] =	vst v37;
	v32 =	vmul.f32 v30, v30;
	v37 =	vmov s4;
	v17 =	vsub.f32 $1.500000000e+00, v17  }
0x24f: {  	[tilespmem:$0x1EE90] =	vst v12;
	v39 =	vmul.f32 v61, v61;
	v41 =	vmul.f32 v6, v6;
	v12 =	vadd.f32 v21, v44;
	v21 =	vld [tilespmem:$0x1EC90]  }
0x250: {  	v14 =	vmul.f32 $5.000000000e-01, v37;
	[tilespmem:$0x1EFF0] =	vst v1;
	v1 =	vmul.f32 v4, v2;
	v4 =	vshra.s32 v37, $0x1;
	v37 =	vld [tilespmem:$0x1ECD0]  }
0x251: {  	[tilespmem:$0x1EFE0] =	vst v24;
	v2 =	vmul.f32 v3, v17;
	v3 =	vadd.f32 v41, v39;
	v39 =	vadd.f32 v32, v25;
	v25 =	vld [tilespmem:$0x1ECC0];
	v24, _, _ =	vpop (xrf2)  }
0x252: {  	v41 =	vmul.f32 v56, v56;
	v44 =	vmul.f32 v5, v5;
	(v2sf) =	vpush v24, $0xF;
	v24 =	vld [tilespmem:$0x1ECB0]  }
0x253: {  	s13 =	spop (v2sf);
	[tilespmem:$0x1EEB0] =	vst v16;
	v16 =	vmul.f32 v1, v22  }
0x254: {  	[tilespmem:$0x1EEA0] =	vst v13;
	s30 =	spop (v2sf);
	v15 =	vadd.f32 v44, v41;
	v17 =	vmul.f32 v1, v21  }
0x255: {  	v19 =	vld [tilespmem:s28+$0x2300];
	(xrf2) =	vadd.scan.msk.f32 $0xffff, v23;
	s4 =	smul.f32 $7.812500000e-03, s30;
	v4 =	vsub.s32 $0x5F3759DF, v4;
	[tilespmem:$0x1F010] =	vst v16;
	v21 =	vmul.f32 v1, v37  }
0x256: {  	v23 =	vmul.f32 v4, v14;
	v13 =	vadd.f32 v15, v39;
	v39 =	vld [tilespmem:$0x1ECE0];
	v15 =	vmul.f32 v1, v25;
	[tilespmem:$0x1F000] =	vst v17  }
0x257: {  	v3 =	vadd.f32 v12, v3;
	v41 =	vld [tilespmem:$0x1ECF0];
	[tilespmem:$0x1F040] =	vst v21;
	v21 =	vmov s4;
	v12 =	vmul.f32 v1, v24  }
0x258: {  	v44 =	vld [tilespmem:$0x1ED00];
	v32 =	vmul.f32 v4, v23;
	[tilespmem:$0x1F030] =	vst v15;
	v7 =	vsub.f32 v7, v21  }
0x259: {  	v22 =	vld [tilespmem:s26+$0xA20];
	v25 =	vsub.f32 v38, v21;
	[tilespmem:$0x1F020] =	vst v12  }
0x25a: {  	v0 =	vmul.f32 v2, v0;
	v16 =	vld [tilespmem:s28+$0x2310];
	v15 =	vsub.f32 $1.500000000e+00, v32;
	v32 =	vsub.f32 v9, v21;
	[tilespmem:$0x1EEF0] =	vst v7  }
0x25b: {  	s12 =	smul.f32 $7.812500000e-03, s12;
	v17 =	vld [tilespmem:s26+$0xA00];
	v23 =	vmul.f32 v1, v39;
	[tilespmem:$0x1EF00] =	vst v25  }
0x25c: {  	s3 =	smul.f32 s3, s3;
	v0 =	vmul.f32 v0, v2;
	v24 =	vld [tilespmem:s26+$0xA30];
	v7 =	vmul.f32 v1, v41;
	[tilespmem:$0x1EF10] =	vst v32  }
0x25d: {  	v12 =	vld [tilespmem:s26+$0xA10];
	v1 =	vmul.f32 v1, v44;
	[tilespmem:$0x1F050] =	vst v23  }
0x25e: {  	s3 =	ssub.f32 s12, s3;
	v0 =	vsub.f32 $1.500000000e+00, v0;
	v23 =	vld [tilespmem:s28+$0x2320];
	[tilespmem:$0x1F060] =	vst v7  }
0x25f: {  	v40 =	vsub.f32 v40, v21;
	v39 =	vsub.f32 v36, v21;
	v36, _, _ =	vpop (xrf2);
	[tilespmem:$0x1F070] =	vst v1;
	v1 =	vld [tilespmem:s28+$0x2330]  }
0x260: {  	s3 =	sadd.f32 $9.999999960e-13, s3;
	v0 =	vmul.f32 v0, v2;
	v38 =	vsub.f32 v10, v21;
	v37 =	vsub.f32 v11, v21;
	v9 =	vld [tilespmem:s26+$0xA40]  }
0x261: {  	s0 =	smul.f32 s0, s0;
	v4 =	vmul.f32 v4, v15;
	v41 =	vsub.f32 v8, v21;
	v44 =	vadd.f32 v13, v3;
	v10 =	vld [tilespmem:s28+$0x2340]  }
0x262: {  	s17 =	smul.f32 $7.812500000e-03, s16;
	v21 =	vmov s3;
	v25 =	vmul.f32 v0, v33;
	v33 =	vmul.f32 v0, v34;
	v15 =	vld [tilespmem:s26+$0xA50]  }
0x263: {  	v32 =	vshra.s32 v21, $0x1;
	v14 =	vmul.f32 v4, v14;
	v7 =	vadd.f32 v19, v17;
	v19 =	vld [tilespmem:s28+$0x2350]  }
0x264: {  	s0 =	ssub.f32 s17, s0;
	v34 =	vmul.f32 v0, v35;
	v17 =	vmul.f32 $5.000000000e-01, v21;
	v21 =	vsub.s32 $0x5F3759DF, v32;
	[tilespmem:$0x1F080] =	vst v25;
	v25 =	vld [tilespmem:s26+$0xA60]  }
0x265: {  	[tilespmem:$0x1EF20] =	vst v37;
	(v2sf) =	vpush v36, $0xF;
	v36 =	vld [tilespmem:s28+$0x2360];
	v37 =	vmul.f32 v0, v43;
	v14 =	vmul.f32 v14, v4  }
0x266: {  	s0 =	sadd.f32 $9.999999960e-13, s0;
	(xrf2) =	vadd.scan.msk.f32 $0xffff, v44;
	v43 =	vld [tilespmem:s26+$0xA70];
	v44 =	vmul.f32 v0, v45;
	v35 =	vmul.f32 v21, v17  }
0x267: {  	v32 =	vmul.f32 v0, v46;
	v45 =	vld [tilespmem:s28+$0x2370];
	v3 =	vadd.f32 v16, v12;
	v14 =	vsub.f32 $1.500000000e+00, v14  }
0x268: {  	[tilespmem:$0x1F0C0] =	vst v44;
	v44 =	vmov s0;
	v11 =	vadd.f32 v23, v22;
	v12 =	vmul.f32 v21, v35  }
0x269: {  	v13 =	vadd.f32 v1, v24;
	v24 =	vmul.f32 v0, v47;
	v0 =	vmul.f32 v0, v48  }
0x26a: {  	[tilespmem:$0x1F0A0] =	vst v34;
	v4 =	vmul.f32 v14, v4;
	v34 =	vadd.f32 v3, v7;
	v2 =	vadd.f32 v10, v9  }
0x26b: {  	[tilespmem:$0x1F090] =	vst v33;
	v47 =	vshra.s32 v44, $0x1;
	v33 =	vsub.f32 $1.500000000e+00, v12;
	v15 =	vadd.f32 v19, v15  }
0x26c: {  	[tilespmem:$0x1F0B0] =	vst v37;
	v37 =	vadd.f32 v36, v25;
	v14 =	vadd.f32 v45, v43;
	v9 =	vmul.f32 $5.000000000e-01, v44  }
0x26d: {  	v10 =	vsub.s32 $0x5F3759DF, v47;
	v25 =	vld [tilespmem:s26+$0xA80];
	v45 =	vmul.f32 v4, v51;
	v51 =	vmul.f32 v4, v58  }
0x26e: {  	v36 =	vmul.f32 v3, v3;
	[tilespmem:$0x1F0D0] =	vst v24;
	v35 =	vadd.f32 v13, v11;
	v58 =	vmul.f32 v4, v53;
	v24 =	vld [tilespmem:s26+$0xA90]  }
0x26f: {  	v46 =	vmul.f32 v4, v50;
	v48 =	vadd.f32 v15, v2;
	v50 =	vadd.f32 v14, v37;
	[tilespmem:$0x1F120] =	vst v51;
	v51 =	vld [tilespmem:$0x1ED20]  }
0x270: {  	v12 =	vmul.f32 v21, v33;
	v8 =	vmul.f32 v10, v9;
	v43 =	vadd.f32 v35, v34;
	[tilespmem:$0x1F130] =	vst v58;
	v58 =	vld [tilespmem:$0x1ED30]  }
0x271: {  	[tilespmem:$0x1F100] =	vst v45;
	v35 =	vmul.f32 v7, v7;
	v45 =	vmul.f32 v2, v2;
	v16 =	vadd.f32 v50, v48;
	v50 =	vld [tilespmem:$0x1ED10]  }
0x272: {  	[tilespmem:$0x1F110] =	vst v46;
	v46 =	vmul.f32 v15, v15;
	v19 =	vmul.f32 v10, v8;
	v8 =	vld [tilespmem:$0x1ED40]  }
0x273: {  	v47 =	vmul.f32 v37, v37;
	v48 =	vmul.f32 v14, v14;
	v34, _, _ =	vpop (xrf2);
	v21 =	vadd.f32 v36, v35;
	v35 =	vld [tilespmem:s28+$0x2390]  }
0x274: {  	v17 =	vmul.f32 v12, v17;
	v22 =	vadd.f32 v46, v45;
	v46 =	vld [tilespmem:s26+$0xAD0];
	(v2sf) =	vpush v34, $0xF  }
0x275: {  	[tilespmem:$0x1F0F0] =	vst v0;
	v44 =	vmul.f32 v13, v13;
	v0 =	vadd.f32 v16, v43;
	v34 =	vld [tilespmem:s28+$0x2380];
	v23 =	vadd.f32 v48, v47  }
0x276: {  	v43 =	vmul.f32 v11, v11;
	v17 =	vmul.f32 v17, v12;
	v48 =	vld [tilespmem:s26+$0xAA0]  }
0x277: {  	s3 =	spop (v2sf);
	(xrf2) =	vadd.scan.msk.f32 $0xffff, v0;
	v36 =	vadd.f32 v23, v22;
	v23 =	vld [tilespmem:$0x1ED70];
	v0 =	vmul.f32 v4, v50  }
0x278: {  	s30 =	smul.f32 $7.812500000e-03, s31;
	v16 =	vadd.f32 v44, v43;
	v17 =	vsub.f32 $1.500000000e+00, v17;
	v44 =	vld [tilespmem:$0x1EDB0];
	s31 =	spop (v2sf)  }
0x279: {  	v50 =	vld [tilespmem:s28+$0x23D0];
	s0 =	smul.f32 $7.812500000e-03, s31;
	[tilespmem:$0x1F140] =	vst v0;
	v0 =	vmul.f32 v4, v51  }
0x27a: {  	v12 =	vmul.f32 v17, v12;
	v17 =	vld [tilespmem:s28+$0x23B0];
	v16 =	vadd.f32 v16, v21  }
0x27b: {  	s5 =	smul.f32 s5, s5;
	v51 =	vld [tilespmem:s26+$0xAE0];
	v21 =	vadd.f32 v34, v25;
	[tilespmem:$0x1F150] =	vst v0;
	v53 =	vmov s0;
	v0 =	vmul.f32 v4, v58  }
0x27c: {  	[tilespmem:$0x1F0E0] =	vst v32;
	v34 =	vld [tilespmem:$0x1ED90];
	v61 =	vsub.f32 v61, v53;
	v45 =	vsub.f32 v26, v53  }
0x27d: {  	s5 =	ssub.f32 s30, s5;
	v26 =	vsub.f32 v20, v53;
	v32 =	vsub.f32 v56, v53;
	v56 =	vld [tilespmem:$0x1ED50];
	[tilespmem:$0x1F160] =	vst v0  }
0x27e: {  	v19 =	vsub.f32 $1.500000000e+00, v19;
	v25 =	vld [tilespmem:s26+$0xAF0];
	v30 =	vsub.f32 v30, v53;
	[tilespmem:$0x1EF70] =	vst v61  }
0x27f: {  	s5 =	sadd.f32 $9.999999960e-13, s5;
	[tilespmem:$0x1EF80] =	vst v26;
	v61 =	vld [tilespmem:$0x1ED60]  }
0x280: {  	v10 =	vmul.f32 v10, v19;
	v43 =	vsub.f32 v6, v53;
	v6 =	vld [tilespmem:s28+$0x23A0];
	v0 =	vmul.f32 v4, v8;
	[tilespmem:$0x1EF90] =	vst v30  }
0x281: {  	v47 =	vsub.f32 v18, v53;
	v33 =	vsub.f32 v5, v53;
	v5 =	vld [tilespmem:s26+$0xAC0];
	v53 =	vmov s5;
	[tilespmem:$0x1EFA0] =	vst v32  }
0x282: {  	v4 =	vld [tilespmem:s26+$0xAB0];
	v58 =	vshra.s32 v53, $0x1;
	v30 =	vmul.f32 $5.000000000e-01, v53;
	[tilespmem:$0x1F170] =	vst v0;
	v8, _, _ =	vpop (xrf2);
	v0 =	vmul.f32 v12, v56  }
0x283: {  	v9 =	vmul.f32 v10, v9;
	[tilespmem:$0x1EFB0] =	vst v33;
	v19 =	vsub.s32 $0x5F3759DF, v58;
	v33 =	vld [tilespmem:$0x1ED80];
	(v2sf) =	vpush v8, $0xF  }
0x284: {  	v26 =	vld [tilespmem:s28+$0x23C0];
	v32 =	vmul.f32 v19, v30;
	[tilespmem:$0x1F180] =	vst v0;
	v0 =	vmul.f32 v12, v61  }
0x285: {  	v9 =	vmul.f32 v9, v10;
	v53 =	vadd.f32 v36, v16;
	v16 =	vld [tilespmem:s28+$0x23E0]  }
0x286: {  	v56 =	vld [tilespmem:s28+$0x23F0];
	v18 =	vmul.f32 v19, v32;
	[tilespmem:$0x1F190] =	vst v0;
	v0 =	vmul.f32 v12, v23  }
0x287: {  	[tilespmem:$0x1F470] =	vst v21;
	v9 =	vsub.f32 $1.500000000e+00, v9;
	v36 =	vld [tilespmem:$0x1EDA0];
	v22 =	vadd.f32 v6, v48  }
0x288: {  	v61 =	vadd.f32 v35, v24;
	v24 =	vld [tilespmem:$0x1EDD0];
	v1 =	vsub.f32 $1.500000000e+00, v18;
	[tilespmem:$0x1F1A0] =	vst v0;
	v0 =	vmul.f32 v12, v33  }
0x289: {  	v58 =	vld [tilespmem:$0x1EDC0];
	v9 =	vmul.f32 v9, v10;
	v32 =	vmul.f32 v21, v21;
	[tilespmem:$0x1F490] =	vst v22;
	v23 =	vadd.f32 v17, v4  }
0x28a: {  	s14 =	smul.f32 $7.812500000e-03, s14;
	v17 =	vadd.f32 v26, v5;
	v26 =	vld [tilespmem:$0x1EDE0];
	v4 =	vmul.f32 v19, v1;
	[tilespmem:$0x1F1B0] =	vst v0;
	v0 =	vmul.f32 v12, v34  }
0x28b: {  	s2 =	smul.f32 s2, s2;
	v35 =	vld [tilespmem:$0x1EE00];
	[tilespmem:$0x1F480] =	vst v61;
	v1 =	vadd.f32 v50, v46;
	v8 =	vadd.f32 v56, v25;
	v46 =	vmul.f32 v22, v22  }
0x28c: {  	(xrf2) =	vadd.scan.msk.f32 $0xffff, v53;
	v33 =	vmul.f32 v61, v61;
	v48 =	vmovc v23;
	v34 =	vld [tilespmem:$0x1EDF0];
	[tilespmem:$0x1F1C0] =	vst v0;
	v0 =	vmul.f32 v12, v36  }
0x28d: {  	s2 =	ssub.f32 s14, s2;
	v56 =	vld [tilespmem:$0x1EE10];
	[tilespmem:$0x1F4A0] =	vst v23;
	v50 =	vmul.f32 v23, v23;
	v61 =	vadd.f32 v61, v21;
	v5 =	vmul.f32 v9, v24  }
0x28e: {  	s17 =	smul.f32 s29, s29;
	v23 =	vld [tilespmem:$0x1EE30];
	v20 =	vadd.f32 v48, v22;
	v22 =	vmul.f32 v8, v8;
	[tilespmem:$0x1F1D0] =	vst v0;
	v0 =	vmul.f32 v12, v44  }
0x28f: {  	s2 =	sadd.f32 $9.999999960e-13, s2;
	s16 =	smul.f32 $7.812500000e-03, s13;
	v24 =	vadd.f32 v50, v46;
	v46 =	vld [tilespmem:s28+$0x2410];
	[tilespmem:$0x1F200] =	vst v5;
	v5 =	vmul.f32 v9, v26;
	v26 =	vmul.f32 v17, v17  }
0x290: {  	v50 =	vadd.f32 v1, v17;
	v44 =	vmul.f32 v4, v30;
	[tilespmem:$0x1F1E0] =	vst v0;
	v0 =	vmul.f32 v12, v58;
	v58 =	vld [tilespmem:$0x1EE20]  }
0x291: {  	s30 =	spop (v2sf);
	v36 =	vmov s2;
	s2 =	ssub.f32 s16, s17;
	[tilespmem:$0x1F210] =	vst v5;
	v5 =	vadd.f32 v33, v32;
	v32 =	vld [tilespmem:$0x1EE40];
	v10 =	vmul.f32 v9, v34  }
0x292: {  	v30 =	vld [tilespmem:s26+$0xB20];
	v6 =	vmul.f32 v44, v4;
	s31 =	spop (v2sf);
	[tilespmem:$0x1F1F0] =	vst v0;
	v0 =	vadd.f32 v16, v51;
	v51 =	vmul.f32 v1, v1  }
0x293: {  	v18 =	vmul.f32 v9, v56;
	s29 =	sadd.f32 $9.999999960e-13, s2;
	v34 =	vld [tilespmem:s26+$0xB00];
	v5 =	vadd.f32 v24, v5;
	[tilespmem:$0x1F220] =	vst v10;
	v10 =	vmul.f32 v9, v35;
	s2 =	smul.f32 $7.812500000e-03, s31  }
0x294: {  	[tilespmem:$0x1F4B0] =	vst v17;
	v24 =	vld [tilespmem:s26+$0xB30];
	v6 =	vsub.f32 $1.500000000e+00, v6;
	v26 =	vadd.f32 v51, v26;
	v21 =	vmul.f32 v0, v0  }
0x295: {  	[tilespmem:$0x1F240] =	vst v18;
	v51 =	vadd.f32 v8, v0;
	v17 =	vmov s2;
	v18 =	vmul.f32 v9, v58;
	v58 =	vld [tilespmem:s26+$0xB10]  }
0x296: {  	[tilespmem:$0x1F4D0] =	vst v0;
	v0 =	vmul.f32 v9, v32;
	v48 =	vmul.f32 v6, v4;
	v32 =	vsub.f32 v37, v17;
	v37 =	vld [tilespmem:s28+$0x2470]  }
0x297: {  	v12 =	vmul.f32 $5.000000000e-01, v36;
	v16 =	vmul.f32 v9, v23;
	v23 =	vsub.f32 v3, v17;
	v3 =	vld [tilespmem:s26+$0xB80]  }
0x298: {  	v35 =	vadd.f32 v20, v61;
	[tilespmem:$0x1F230] =	vst v10;
	v10 =	vshra.s32 v36, $0x1;
	v61 =	vmul.f32 v48, v27;
	v27 =	vld [tilespmem:s26+$0xB40]  }
0x299: {  	v10 =	vsub.s32 $0x5F3759DF, v10;
	v36 =	vadd.f32 v51, v50;
	v50 =	vmul.f32 v48, v42;
	v42 =	vld [tilespmem:s28+$0x2440]  }
0x29a: {  	[tilespmem:$0x1F260] =	vst v16;
	v53 =	vmul.f32 v10, v12;
	v16 =	vmul.f32 v48, v49;
	v49 =	vld [tilespmem:s26+$0xB60]  }
0x29b: {  	v33 =	vadd.f32 v22, v21;
	v22 =	vsub.f32 v15, v17;
	v15 =	vld [tilespmem:s28+$0x2490]  }
0x29c: {  	[tilespmem:$0x1F4C0] =	vst v1;
	v51 =	vmul.f32 v48, v57;
	v25 =	vmul.f32 v10, v53;
	v53 =	vld [tilespmem:s28+$0x2400]  }
0x29d: {  	[tilespmem:$0x1F4E0] =	vst v8;
	v1 =	vmov s29;
	v57 =	vmul.f32 v48, v31;
	v9 =	vadd.f32 v33, v26;
	v26 =	vld [tilespmem:s28+$0x2430]  }
0x29e: {  	v44, _, _ =	vpop (xrf2);
	v8 =	vshra.s32 v1, $0x1;
	v4 =	vadd.f32 v36, v35;
	[tilespmem:$0x1F290] =	vst v51;
	v35 =	vmul.f32 $5.000000000e-01, v1;
	v1 =	vld [tilespmem:s26+$0xB50]  }
0x29f: {  	(v2sf) =	vpush v44, $0xF;
	v44 =	vmul.f32 v48, v28;
	[tilespmem:$0x1F2A0] =	vst v57;
	v36 =	vsub.f32 v7, v17;
	v7 =	vld [tilespmem:s28+$0x2450]  }
0x2a0: {  	v20 =	vsub.f32 v13, v17;
	v21 =	vmul.f32 v48, v52;
	[tilespmem:$0x1F2B0] =	vst v61;
	v33 =	vsub.f32 v11, v17;
	v51 =	vld [tilespmem:s28+$0x2460]  }
0x2a1: {  	v57 =	vsub.s32 $0x5F3759DF, v8;
	[tilespmem:$0x1F2D0] =	vst v44;
	v44 =	vsub.f32 v2, v17;
	v61 =	vld [tilespmem:s26+$0xB70];
	v25 =	vsub.f32 $1.500000000e+00, v25  }
0x2a2: {  	[tilespmem:$0x1F2F0] =	vst v21;
	v21 =	vsub.f32 v14, v17;
	v19 =	vmul.f32 v57, v35;
	v17 =	vadd.f32 v46, v58;
	v46 =	vld [tilespmem:$0x1EE60]  }
0x2a3: {  	[tilespmem:$0x1F280] =	vst v50;
	v10 =	vmul.f32 v10, v25;
	v25 =	vld [tilespmem:s28+$0x2420]  }
0x2a4: {  	[tilespmem:$0x1F2C0] =	vst v16;
	v9 =	vadd.f32 v9, v5;
	v50 =	vmul.f32 v57, v19;
	v16 =	vadd.f32 v53, v34;
	v34 =	vld [tilespmem:s26+$0xBA0]  }
0x2a5: {  	(xrf2) =	vadd.scan.msk.f32 $0xffff, v4;
	v56 =	vmul.f32 v10, v12;
	v6 =	vadd.f32 v7, v1;
	v7 =	vld [tilespmem:s28+$0x2480]  }
0x2a6: {  	(xrf2) =	vadd.scan.msk.f32 $0xffff, v9;
	v4 =	vadd.f32 v37, v61;
	v37 =	vld [tilespmem:s28+$0x2520];
	v31 =	vsub.f32 $1.500000000e+00, v50  }
0x2a7: {  	v5 =	vmul.f32 v56, v10;
	v56 =	vmul.f32 v48, v54;
	v48 =	vld [tilespmem:$0x1EE70]  }
0x2a8: {  	v8 =	vadd.f32 v26, v24;
	v9 =	vmul.f32 v57, v31;
	v12 =	vadd.f32 v25, v30;
	v31 =	vld [tilespmem:s28+$0x24C0]  }
0x2a9: {  	[tilespmem:$0x1F270] =	vst v0;
	v0 =	vsub.f32 $1.500000000e+00, v5;
	v5 =	vadd.f32 v42, v27;
	v42 =	vld [tilespmem:$0x1EE50]  }
0x2aa: {  	s4 =	smul.f32 s4, s4;
	[tilespmem:$0x1F2E0] =	vst v56;
	v56 =	vadd.f32 v17, v16;
	v27 =	vld [tilespmem:s26+$0xBC0]  }
0x2ab: {  	s3 =	smul.f32 $7.812500000e-03, s3;
	v54 =	vmul.f32 v9, v35;
	v57 =	vadd.f32 v8, v12;
	[tilespmem:$0x1F530] =	vst v12;
	v28 =	vmul.f32 v12, v12;
	v12 =	vld [tilespmem:$0x1EE90]  }
0x2ac: {  	v0 =	vmul.f32 v0, v10;
	v10 =	vld [tilespmem:s26+$0xB90]  }
0x2ad: {  	s3 =	ssub.f32 s3, s4;
	[tilespmem:$0x1F250] =	vst v18;
	v26 =	vmul.f32 v17, v17;
	v18 =	vadd.f32 v57, v56;
	v11 =	vmul.f32 v54, v9;
	v56 =	vld [tilespmem:s28+$0x24F0]  }
0x2ae: {  	v2 =	vmul.f32 v0, v46;
	v50 =	vmul.f32 v0, v63;
	v63 =	vld [tilespmem:$0x1EE80]  }
0x2af: {  	s3 =	sadd.f32 $9.999999960e-13, s3;
	v25 =	vmul.f32 v16, v16;
	v61, _, _ =	vpop (xrf2);
	v52 =	vmul.f32 v0, v29;
	v29 =	vld [tilespmem:s26+$0xBB0]  }
0x2b0: {  	(v2sf) =	vpush v61, $0xF;
	v24, _, _ =	vpop (xrf2);
	v11 =	vsub.f32 $1.500000000e+00, v11;
	[tilespmem:$0x1F310] =	vst v2;
	v2 =	vmul.f32 v0, v48;
	v48 =	vld [tilespmem:s28+$0x24A0]  }
0x2b1: {  	v53 =	vmov s3;
	v1 =	vmul.f32 v0, v42;
	(v2sf) =	vpush v24, $0xF;
	v24 =	vld [tilespmem:s28+$0x24D0]  }
0x2b2: {  	s0 =	smul.f32 s0, s0;
	v14 =	vmul.f32 $5.000000000e-01, v53;
	v9 =	vmul.f32 v11, v9;
	v11 =	vadd.f32 v26, v25;
	v25 =	vld [tilespmem:s26+$0xBE0]  }
0x2b3: {  	s12 =	smul.f32 $7.812500000e-03, s30;
	[tilespmem:$0x1F300] =	vst v1;
	v1 =	vadd.f32 v51, v49;
	v51 =	vmul.f32 v0, v55;
	v55 =	vshra.s32 v53, $0x1;
	v26 =	vld [tilespmem:s28+$0x24E0]  }
0x2b4: {  	v42 =	vadd.f32 v6, v5;
	v49 =	vmul.f32 v0, v62;
	v53 =	vld [tilespmem:s26+$0xBF0];
	v13 =	vsub.s32 $0x5F3759DF, v55  }
0x2b5: {  	s0 =	ssub.f32 s12, s0;
	[tilespmem:$0x1F550] =	vst v5;
	v58 =	vmul.f32 v13, v14;
	v62 =	vadd.f32 v4, v1;
	v0 =	vmul.f32 v0, v63;
	v63 =	vld [tilespmem:s26+$0xBD0]  }
0x2b6: {  	[tilespmem:$0x1F350] =	vst v51;
	v51 =	vmul.f32 v5, v5;
	v5 =	vmul.f32 v9, v60;
	v60 =	vadd.f32 v31, v27;
	v27 =	vld [tilespmem:$0x1EEE0]  }
0x2b7: {  	s0 =	sadd.f32 $9.999999960e-13, s0;
	[tilespmem:$0x1F500] =	vst v17;
	v19 =	vadd.f32 v62, v42;
	v35 =	vmul.f32 v13, v58;
	v42 =	vld [tilespmem:s28+$0x24B0]  }
0x2b8: {  	[tilespmem:$0x1F4F0] =	vst v16;
	v57 =	vadd.f32 v48, v34;
	v48 =	vld [tilespmem:s26+$0xC00]  }
0x2b9: {  	v16 =	vmul.f32 v6, v6;
	[tilespmem:$0x1F340] =	vst v50;
	v50 =	vmov s0;
	v34 =	vld [tilespmem:s28+$0x2500];
	v35 =	vsub.f32 $1.500000000e+00, v35  }
0x2ba: {  	v17 =	vmul.f32 v1, v1;
	[tilespmem:$0x1F370] =	vst v0;
	v0 =	vmul.f32 v9, v12;
	v12 =	vld [tilespmem:s26+$0xC20];
	v19 =	vadd.f32 v19, v18  }
0x2bb: {  	[tilespmem:$0x1F560] =	vst v6;
	v18 =	vmul.f32 v4, v4;
	v13 =	vmul.f32 v13, v35;
	v35 =	vadd.f32 v16, v51;
	v16 =	vld [tilespmem:$0x1EEA0]  }
0x2bc: {  	v30 =	vmul.f32 v8, v8;
	v54 =	vshra.s32 v50, $0x1;
	v6 =	vmul.f32 $5.000000000e-01, v50;
	[tilespmem:$0x1F380] =	vst v5;
	v5 =	vld [tilespmem:s26+$0xC40]  }
0x2bd: {  	[tilespmem:$0x1F320] =	vst v2;
	v55 =	vadd.f32 v15, v10;
	v10 =	vsub.s32 $0x5F3759DF, v54;
	v2 =	vadd.f32 v18, v17;
	v18 =	vld [tilespmem:$0x1EEB0]  }
0x2be: {  	[tilespmem:$0x1F540] =	vst v8;
	v8 =	vmul.f32 v10, v6;
	v50 =	vadd.f32 v26, v25;
	v54 =	vadd.f32 v56, v53;
	v25 =	vld [tilespmem:$0x1EED0]  }
0x2bf: {  	[tilespmem:$0x1F580] =	vst v4;
	v4 =	vadd.f32 v30, v28;
	v63 =	vadd.f32 v24, v63;
	v24 =	vld [tilespmem:$0x1EEC0]  }
0x2c0: {  	[tilespmem:$0x1F390] =	vst v0;
	v46 =	vadd.f32 v54, v50;
	v17 =	vmul.f32 v10, v8;
	v8 =	vld [tilespmem:s26+$0xC30];
	v0 =	vmul.f32 v9, v16  }
0x2c1: {  	[tilespmem:$0x1F330] =	vst v49;
	v58 =	vmul.f32 v60, v60;
	v51 =	vadd.f32 v7, v3;
	v7 =	vld [tilespmem:s28+$0x2530];
	v62 =	vadd.f32 v42, v29  }
0x2c2: {  	v4 =	vadd.f32 v4, v11;
	v3 =	vld [tilespmem:s28+$0x2540];
	v29 =	vmul.f32 v9, v59;
	[tilespmem:$0x1F3A0] =	vst v0;
	v0 =	vmul.f32 v9, v18  }
0x2c3: {  	(xrf2) =	vadd.scan.msk.f32 $0xffff, v19;
	v19 =	vld [tilespmem:$0x1F000];
	v14 =	vmul.f32 v13, v14;
	v28 =	vadd.f32 v55, v51;
	v42 =	vadd.f32 v62, v57  }
0x2c4: {  	s2 =	smul.f32 s2, s2;
	s13 =	spop (v2sf);
	v26 =	vsub.f32 $1.500000000e+00, v17;
	v17 =	vld [tilespmem:s26+$0xC10];
	v2 =	vadd.f32 v2, v35;
	[tilespmem:$0x1F3B0] =	vst v0;
	v0 =	vmul.f32 v9, v24  }
0x2c5: {  	s0 =	smul.f32 $7.812500000e-03, s13;
	v35 =	vmul.f32 v51, v51;
	[tilespmem:$0x1F3F0] =	vst v29;
	v29 =	vld [tilespmem:$0x1EF00];
	v31 =	vadd.f32 v42, v28;
	v42 =	vmul.f32 v55, v55  }
0x2c6: {  	v30 =	vadd.f32 v63, v60;
	v14 =	vmul.f32 v14, v13;
	v16 =	vld [tilespmem:s28+$0x2510];
	[tilespmem:$0x1F3C0] =	vst v0;
	v0 =	vmul.f32 v9, v25  }
0x2c7: {  	s0 =	ssub.f32 s0, s2;
	[tilespmem:$0x1F570] =	vst v1;
	v1 =	vmul.f32 v10, v26;
	v56 =	vadd.f32 v42, v35;
	v35 =	vld [tilespmem:$0x1EF10];
	v24 =	vadd.f32 v2, v4  }
0x2c8: {  	v59 =	vmul.f32 v63, v63;
	v14 =	vsub.f32 $1.500000000e+00, v14;
	v42 =	vld [tilespmem:s28+$0x2560];
	[tilespmem:$0x1F3D0] =	vst v0;
	v0 =	vmul.f32 v9, v27  }
0x2c9: {  	s0 =	sadd.f32 $9.999999960e-13, s0;
	v49 =	vmul.f32 v62, v62;
	v6 =	vmul.f32 v1, v6;
	(xrf2) =	vadd.scan.msk.f32 $0xffff, v24;
	v24 =	vld [tilespmem:$0x1FF70];
	v9 =	vadd.f32 v46, v30  }
0x2ca: {  	v11 =	vadd.f32 v59, v58;
	v46 =	vmul.f32 v57, v57;
	[tilespmem:$0x1F3E0] =	vst v0;
	v0 =	vmul.f32 v14, v13;
	v14 =	vld [tilespmem:$0x1EEF0]  }
0x2cb: {  	v59 =	vmov s0;
	v10 =	vmul.f32 v54, v54;
	v18 =	vadd.f32 v9, v31;
	v31 =	vld [tilespmem:s26+$0xC60]  }
0x2cc: {  	v6 =	vmul.f32 v6, v1;
	v61 =	vadd.f32 v49, v46;
	v9 =	vmul.f32 v50, v50;
	v46 =	vld [tilespmem:$0x1EF20]  }
0x2cd: {  	v58 =	vadd.f32 v16, v17;
	v49 =	vadd.f32 v37, v12;
	v12 =	vmul.f32 $5.000000000e-01, v59;
	v13 =	vld [tilespmem:$0x1FF00]  }
0x2ce: {  	v25 =	vmul.f32 v0, v40;
	v40 =	vld [tilespmem:s26+$0xC50];
	v26 =	vadd.f32 v10, v9;
	v27 =	vmul.f32 v0, v41  }
0x2cf: {  	[tilespmem:$0x1F360] =	vst v52;
	v28 =	vmul.f32 v0, v39;
	v41 =	vld [tilespmem:s28+$0x2550];
	v39 =	vadd.f32 v61, v56;
	v52 =	vmul.f32 v0, v29  }
0x2d0: {  	v30 =	vmul.f32 v0, v38;
	v56 =	vadd.f32 v34, v48;
	v48 =	vld [tilespmem:s26+$0xC70];
	v61 =	vadd.f32 v7, v8;
	[tilespmem:$0x1F400] =	vst v25  }
0x2d1: {  	v2 =	vmul.f32 v0, v35;
	v9 =	vld [tilespmem:s28+$0x2570];
	v10 =	vshra.s32 v59, $0x1;
	(xrf2) =	vadd.scan.msk.f32 $0xffff, v18;
	[tilespmem:$0x1F410] =	vst v27  }
0x2d2: {  	v18 =	vld [tilespmem:$0x1EFF0];
	[tilespmem:$0x1F420] =	vst v28;
	v25 =	vsub.s32 $0x5F3759DF, v10;
	v27 =	vadd.f32 v58, v56;
	v28 =	vadd.f32 v61, v49  }
0x2d3: {  	v11 =	vadd.f32 v26, v11;
	v26 =	vmul.f32 v25, v12;
	v29 =	vadd.f32 v42, v31;
	v42 =	vld [tilespmem:$0x1FFA0]  }
0x2d4: {  	[tilespmem:$0x1F5C0] =	vst v49;
	v53 =	vmul.f32 v0, v14;
	v0 =	vmul.f32 v0, v46;
	v10 =	vadd.f32 v28, v27;
	v27 =	vld [tilespmem:$0x1EF40]  }
0x2d5: {  	v38 =	vmul.f32 v58, v58;
	[tilespmem:$0x1F430] =	vst v30;
	v28 =	vld [tilespmem:$0x1EF50];
	v30 =	vmul.f32 v25, v26  }
0x2d6: {  	v37 =	vmul.f32 v56, v56;
	[tilespmem:$0x1F450] =	vst v0;
	v59 =	vadd.f32 v41, v40;
	v0 =	vadd.f32 v9, v48;
	v26 =	vld [tilespmem:$0x1EF30]  }
0x2d7: {  	[tilespmem:$0x1F440] =	vst v2;
	v48 =	vmul.f32 v49, v49;
	v49 =	vmul.f32 v61, v61;
	v41 =	vld [tilespmem:$0x1FF20];
	v2 =	vsub.f32 $1.500000000e+00, v30  }
0x2d8: {  	v16 =	vsub.f32 $1.500000000e+00, v6;
	v17 =	vmul.f32 v29, v29;
	v40 =	vld [tilespmem:$0x1FF60];
	v46 =	vadd.f32 v0, v29  }
0x2d9: {  	[tilespmem:$0x1F5E0] =	vst v29;
	v7 =	vadd.f32 v49, v48;
	v29 =	vld [tilespmem:$0x1EF60];
	v2 =	vmul.f32 v25, v2;
	v25 =	vadd.f32 v38, v37  }
0x2da: {  	v49 =	vld [tilespmem:$0x1EF80]  }
0x2db: {  	s14 =	spop (v2sf);
	v1 =	vmul.f32 v16, v1;
	v14 =	vadd.f32 v3, v5;
	v5 =	vadd.f32 v7, v25;
	v7 =	vld [tilespmem:$0x1FF10]  }
0x2dc: {  	s0 =	smul.f32 $7.812500000e-03, s14;
	s16 =	spop (v2sf);
	v30 =	vld [tilespmem:$0x1EF70]  }
0x2dd: {  	s2 =	smul.f32 $7.812500000e-03, s16;
	v35 =	vmul.f32 v1, v45;
	v15 =	vmul.f32 v14, v14;
	v37 =	vld [tilespmem:$0x1FF90]  }
0x2de: {  	s17 =	smul.f32 s0, s0;
	v31 =	vadd.f32 v59, v14;
	v16 =	vmul.f32 v59, v59;
	v25 =	vld [tilespmem:$0x1FF30];
	v12 =	vmul.f32 v2, v12  }
0x2df: {  	[tilespmem:$0x1F5F0] =	vst v0;
	v0 =	vmul.f32 v0, v0;
	v38 =	vld [tilespmem:$0x1FF80];
	v45 =	vmul.f32 v1, v49  }
0x2e0: {  	s2 =	ssub.f32 s2, s17;
	v6 =	vadd.f32 v46, v31;
	v49 =	vld [tilespmem:$0x1FFB0];
	v31 =	vmul.f32 v12, v2;
	v8 =	vmul.f32 v27, v7  }
0x2e1: {  	v3 =	vadd.f32 v16, v15;
	v0 =	vadd.f32 v0, v17;
	v16 =	vld [tilespmem:$0x1EFB0];
	v9 =	vmul.f32 v28, v41  }
0x2e2: {  	s2 =	sadd.f32 $9.999999960e-13, s2;
	[tilespmem:$0x1F5D0] =	vst v14;
	v4 =	vmul.f32 v26, v13;
	v28 =	vld [tilespmem:$0x1EFC0];
	v14 =	vsub.f32 $1.500000000e+00, v31;
	v8 =	vadd.f32 v8, v37  }
0x2e3: {  	v0 =	vadd.f32 v0, v3;
	v48 =	vadd.f32 v9, v42;
	v9 =	vld [tilespmem:$0x1EF90];
	v34 =	vmul.f32 v29, v25  }
0x2e4: {  	v26 =	vadd.f32 v11, v39;
	v31 =	vmov s2;
	[tilespmem:s26+$0x490] =	vst v8;
	v8 =	vmul.f32 v14, v2;
	v14 =	vld [tilespmem:$0x1FF40]  }
0x2e5: {  	v39 =	vshra.s32 v31, $0x1;
	v2 =	vadd.f32 v0, v5;
	v5 =	vadd.f32 v34, v49;
	v34 =	vld [tilespmem:$0x1EFE0]  }
0x2e6: {  	v11 =	vsub.s32 $0x5F3759DF, v39;
	v39 =	vld [tilespmem:$0x1FFC0]  }
0x2e7: {  	v12 =	vld [tilespmem:$0x1EFA0]  }
0x2e8: {  	v15 =	vmul.f32 v1, v30;
	v30 =	vld [tilespmem:$0x1EFD0];
	v4 =	vadd.f32 v4, v38  }
0x2e9: {  	v47 =	vmul.f32 v1, v47;
	[tilespmem:s26+$0x4A0] =	vst v48;
	v48 =	vld [tilespmem:$0x1FF50];
	v29 =	vmul.f32 v28, v14  }
0x2ea: {  	v17 =	vmul.f32 v1, v43;
	[tilespmem:s26+$0x480] =	vst v4;
	v4 =	vadd.f32 v6, v10;
	v10 =	vmul.f32 v34, v40;
	v34 =	vld [tilespmem:$0x1F010]  }
0x2eb: {  	(xrf2) =	vadd.scan.msk.f32 $0xffff, v26;
	v46 =	vmul.f32 v1, v16;
	v27 =	vmul.f32 v1, v9;
	v26 =	vadd.f32 v29, v39;
	v29 =	vld [tilespmem:$0x1FFD0]  }
0x2ec: {  	v3 =	vmul.f32 v1, v12;
	v12 =	vmul.f32 $5.000000000e-01, v31  }
0x2ed: {  	v1 =	vmul.f32 v18, v24;
	v18 =	vmul.f32 v19, v13  }
0x2ee: {  	v9 =	vmul.f32 v30, v48;
	[tilespmem:$0x1F460] =	vst v3;
	v3 =	vmul.f32 v11, v12  }
0x2ef: {  	v43 =	vmov v13;
	v13 =	vmul.f32 v8, v20;
	v20 =	vmul.f32 v8, v44  }
0x2f0: {  	v19 =	vmul.f32 v34, v7;
	v34 =	vadd.f32 v9, v29;
	v9 =	vmul.f32 v11, v3;
	_ =	sdelay $0x1  }
0x2f1: {  	[tilespmem:$0x1F520] =	vst v20;
	v20 =	vld [tilespmem:$0x1F020];
	v28 =	vmul.f32 v8, v36;
	v36 =	vsub.f32 $1.500000000e+00, v9;
	_ =	sdelay $0x1  }
0x2f2: {  	v44 =	vmul.f32 v8, v21;
	[tilespmem:$0x1F510] =	vst v13;
	v13 =	vmul.f32 v11, v36;
	v36 =	vld [tilespmem:$0x1F040]  }
0x2f3: {  	v30 =	vmul.f32 v8, v23;
	v23 =	vld [tilespmem:$0x1F030]  }
0x2f4: {  	[tilespmem:$0x1F5B0] =	vst v44  }
0x2f5: {  	v21 =	vmul.f32 v20, v41;
	[tilespmem:s26+$0x4D0] =	vst v34;
	v34 =	vmul.f32 v8, v32  }
0x2f6: {  	v31 =	vmul.f32 v8, v33;
	v33 =	vmul.f32 v8, v22;
	[tilespmem:s26+$0x4C0] =	vst v26;
	v22 =	vadd.f32 v19, v37;
	v19 =	vld [tilespmem:$0x1F070]  }
0x2f7: {  	v26 =	vld [tilespmem:$0x1FFF0];
	[tilespmem:$0x1F5A0] =	vst v34;
	v34 =	vadd.f32 v21, v42;
	v44 =	vmul.f32 v36, v14  }
0x2f8: {  	v32 =	vmul.f32 v23, v25;
	v23 =	vld [tilespmem:$0x1F050]  }
0x2f9: {  	[tilespmem:s26+$0x520] =	vst v34;
	v34 =	vadd.f32 v44, v39;
	v44 =	vld [tilespmem:$0x1F060]  }
0x2fa: {  	v16 =	vld [tilespmem:$0x1FFE0]  }
0x2fb: {  	(xrf2) =	vadd.scan.msk.f32 $0xffff, v4;
	v9 =	vmov v24;
	v21 =	vmul.f32 v19, v24;
	v24 =	vld [tilespmem:$0x1F080]  }
0x2fc: {  	(xrf2) =	vadd.scan.msk.f32 $0xffff, v2;
	[tilespmem:s26+$0x4B0] =	vst v5;
	v5 =	vadd.f32 v18, v38  }
0x2fd: {  	v0 =	vmov v49;
	v4 =	vadd.f32 v1, v26  }
0x2fe: {  	[tilespmem:s26+$0x500] =	vst v5;
	v5 =	vadd.f32 v32, v49;
	v32 =	vmul.f32 v23, v48;
	v49 =	vmul.f32 v44, v40;
	_ =	sdelay $0x1  }
0x2ff: {  	[tilespmem:s26+$0x530] =	vst v5;
	v5 =	vadd.f32 v32, v29;
	v32 =	vmul.f32 v24, v43;
	v23 =	vadd.f32 v49, v16;
	v49 =	vld [tilespmem:$0x1F090]  }
0x300: {  	[tilespmem:$0x1F590] =	vst v33;
	v33, _, _ =	vpop (xrf2)  }
0x301: {  	(v2sf) =	vpush v33, $0xF;
	[tilespmem:s26+$0x4F0] =	vst v4;
	v4, _, _ =	vpop (xrf2);
	v8 =	vadd.f32 v32, v38;
	v32 =	vld [tilespmem:$0x1F0B0]  }
0x302: {  	(v2sf) =	vpush v4, $0xF;
	v33, _, _ =	vpop (xrf2)  }
0x303: {  	[tilespmem:s26+$0x510] =	vst v22;
	(v2sf) =	vpush v33, $0xF;
	v4, _, _ =	vpop (xrf2)  }
0x304: {  	v10 =	vadd.f32 v10, v16;
	(v2sf) =	vpush v4, $0xF;
	v22, _, _ =	vpop (xrf2);
	[tilespmem:s26+$0x550] =	vst v5;
	v4 =	vmul.f32 v49, v7  }
0x305: {  	(v2sf) =	vpush v22, $0xF;
	v33, _, _ =	vpop (xrf2);
	v5 =	vld [tilespmem:$0x1F0A0];
	[tilespmem:s26+$0x540] =	vst v34;
	v34 =	vadd.f32 v21, v26  }
0x306: {  	(v2sf) =	vpush v33, $0xF;
	v33 =	vmul.f32 v32, v25;
	v11 =	vadd.f32 v4, v37;
	v4 =	vld [tilespmem:$0x1F0D0]  }
0x307: {  	[tilespmem:s26+$0x570] =	vst v34;
	v34 =	vld [tilespmem:$0x1F0C0]  }
0x308: {  	[tilespmem:s26+$0x4E0] =	vst v10;
	v10 =	vadd.f32 v33, v0;
	v33 =	vld [tilespmem:$0x1F0E0];
	_ =	sdelay $0x1  }
0x309: {  	v6 =	vmul.f32 v5, v41  }
0x30a: {  	v5 =	vmul.f32 v4, v48;
	v4 =	vld [tilespmem:$0x1F0F0]  }
0x30b: {  	v32 =	vadd.f32 v6, v42  }
0x30c: {  	[tilespmem:s26+$0x580] =	vst v8;
	v18 =	vmul.f32 v34, v14;
	v34 =	vmul.f32 v33, v40  }
0x30d: {  	[tilespmem:s26+$0x5A0] =	vst v32;
	v32 =	vld [tilespmem:$0x1F110]  }
0x30e: {  	[tilespmem:s26+$0x560] =	vst v23;
	v8 =	vadd.f32 v34, v16;
	v34 =	vld [tilespmem:$0x1F120]  }
0x30f: {  	v23 =	vld [tilespmem:$0x1F100];
	[tilespmem:s26+$0x590] =	vst v11;
	v11 =	vadd.f32 v18, v39;
	v18 =	vadd.f32 v5, v29;
	v5 =	vmul.f32 v4, v9;
	_ =	sdelay $0x1  }
0x310: {  	[tilespmem:s26+$0x5B0] =	vst v10;
	v10 =	vadd.f32 v5, v26;
	v5 =	vld [tilespmem:$0x1F130]  }
0x311: {  	v33 =	vmul.f32 v32, v7;
	v32 =	vld [tilespmem:$0x1F140]  }
0x312: {  	v4 =	vmul.f32 v34, v41;
	v34 =	vld [tilespmem:$0x1F150]  }
0x313: {  	v19 =	vmul.f32 v23, v43;
	_ =	sdelay $0x1  }
0x314: {  	v24 =	vmov v14;
	[tilespmem:s26+$0x5C0] =	vst v11;
	v11 =	vadd.f32 v19, v38;
	v6 =	vmul.f32 v5, v25;
	v5 =	vld [tilespmem:$0x1F170]  }
0x315: {  	v19 =	vadd.f32 v33, v37;
	v33 =	vmul.f32 v32, v24;
	[tilespmem:s26+$0x5D0] =	vst v18;
	v18 =	vadd.f32 v4, v42;
	v4 =	vld [tilespmem:$0x1F160]  }
0x316: {  	v23 =	vmul.f32 v34, v48;
	v34 =	vld [tilespmem:$0x1F180]  }
0x317: {  	v20 =	vmov v39;
	[tilespmem:s26+$0x5E0] =	vst v8;
	v8 =	vadd.f32 v33, v39;
	v39 =	vld [tilespmem:$0x1F190]  }
0x318: {  	v14 =	vmov v0  }
0x319: {  	v21 =	vadd.f32 v6, v14;
	v6 =	vmul.f32 v5, v9;
	v5 =	vld [tilespmem:$0x1F1A0];
	_ =	sdelay $0x1  }
0x31a: {  	[tilespmem:s26+$0x5F0] =	vst v10;
	v22 =	vmul.f32 v4, v40;
	v10 =	vadd.f32 v23, v29;
	v23 =	vmul.f32 v34, v43;
	v34 =	vld [tilespmem:$0x1F1B0]  }
0x31b: {  	[tilespmem:s26+$0x600] =	vst v11;
	v4 =	vmul.f32 v39, v7  }
0x31c: {  	v49 =	vmov v37;
	[tilespmem:s26+$0x610] =	vst v19;
	v11 =	vadd.f32 v22, v16;
	v19 =	vadd.f32 v23, v38  }
0x31d: {  	v23 =	vadd.f32 v4, v49;
	v4 =	vld [tilespmem:$0x1F1D0];
	v22 =	vadd.f32 v6, v26;
	v6 =	vmul.f32 v5, v41  }
0x31e: {  	v5 =	vld [tilespmem:$0x1F1C0]  }
0x31f: {  	v37 =	vmov v42;
	[tilespmem:s26+$0x620] =	vst v18;
	v39 =	vmul.f32 v34, v25;
	v18 =	vadd.f32 v6, v42;
	v42 =	vld [tilespmem:$0x1F1F0];
	_ =	sdelay $0x1  }
0x320: {  	[tilespmem:s26+$0x630] =	vst v21;
	v21 =	vadd.f32 v39, v14;
	v39 =	vld [tilespmem:$0x1F1E0];
	_ =	sdelay $0x1  }
0x321: {  	v6 =	vmul.f32 v5, v24;
	v5 =	vmul.f32 v4, v48  }
0x322: {  	v4 =	vmul.f32 v42, v9;
	v42 =	vld [tilespmem:$0x1F210]  }
0x323: {  	v32 =	vadd.f32 v5, v29;
	v5 =	vld [tilespmem:$0x1F200]  }
0x324: {  	v33 =	vmul.f32 v39, v40;
	_ =	sdelay $0x1  }
0x325: {  	[tilespmem:s26+$0x650] =	vst v10;
	v10 =	vadd.f32 v33, v16;
	v33 =	vadd.f32 v4, v26;
	v4 =	vld [tilespmem:$0x1F220]  }
0x326: {  	v39 =	vmul.f32 v42, v7;
	v42 =	vld [tilespmem:$0x1F250]  }
0x327: {  	[tilespmem:s26+$0x640] =	vst v8;
	v8 =	vadd.f32 v6, v20;
	v6 =	vmul.f32 v5, v43;
	v5 =	vld [tilespmem:$0x1F230];
	_ =	sdelay $0x1  }
0x328: {  	[tilespmem:s26+$0x670] =	vst v22;
	v22 =	vadd.f32 v39, v49;
	v39 =	vld [tilespmem:$0x1F240];
	_ =	sdelay $0x1  }
0x329: {  	v34 =	vmul.f32 v4, v41;
	v4 =	vmul.f32 v42, v48;
	v42 =	vld [tilespmem:$0x1F270]  }
0x32a: {  	[tilespmem:s26+$0x660] =	vst v11;
	v11 =	vadd.f32 v6, v38;
	v6 =	vmul.f32 v5, v25;
	v5 =	vld [tilespmem:$0x1F260];
	_ =	sdelay $0x1  }
0x32b: {  	v39 =	vmul.f32 v39, v24  }
0x32c: {  	v36 =	vmov v40  }
0x32d: {  	[tilespmem:s26+$0x690] =	vst v23;
	v23 =	vadd.f32 v39, v20;
	v39 =	vadd.f32 v4, v29;
	v4 =	vmul.f32 v42, v9  }
0x32e: {  	[tilespmem:s26+$0x680] =	vst v19;
	v19 =	vadd.f32 v34, v37;
	v34 =	vadd.f32 v6, v14;
	v6 =	vmul.f32 v5, v36;
	v5 =	vld [tilespmem:$0x1F280]  }
0x32f: {  	[tilespmem:s26+$0x6B0] =	vst v21;
	v21 =	vadd.f32 v4, v26;
	v4 =	vld [tilespmem:$0x1F2A0];
	_ =	sdelay $0x2  }
0x330: {  	[tilespmem:s26+$0x6A0] =	vst v18;
	v18 =	vadd.f32 v6, v16;
	v6 =	vld [tilespmem:$0x1F290];
	_ =	sdelay $0x1  }
0x331: {  	v40 =	vmul.f32 v5, v43;
	v5 =	vmul.f32 v4, v41;
	v4 =	vld [tilespmem:$0x1F2C0];
	_ =	sdelay $0x2  }
0x332: {  	v0 =	vmul.f32 v6, v7;
	v6 =	vld [tilespmem:$0x1F2B0]  }
0x333: {  	[tilespmem:s26+$0x6D0] =	vst v32;
	v32 =	vadd.f32 v5, v37;
	v5 =	vld [tilespmem:$0x1F2D0]  }
0x334: {  	[tilespmem:s26+$0x6C0] =	vst v8;
	v8 =	vadd.f32 v40, v38;
	v40 =	vmul.f32 v4, v24;
	_ =	sdelay $0x1  }
0x335: {  	[tilespmem:s26+$0x6E0] =	vst v10;
	v10 =	vadd.f32 v40, v20;
	v40 =	vld [tilespmem:$0x1F2E0];
	_ =	sdelay $0x1  }
0x336: {  	v1 =	vmul.f32 v6, v25;
	v6 =	vmul.f32 v5, v48;
	_ =	sdelay $0x1  }
0x337: {  	[tilespmem:s26+$0x6F0] =	vst v33;
	v33 =	vadd.f32 v6, v29;
	v6 =	vld [tilespmem:$0x1F310]  }
0x338: {  	v40 =	vmul.f32 v40, v36;
	_ =	sdelay $0x1  }
0x339: {  	[tilespmem:s26+$0x700] =	vst v11;
	v11 =	vadd.f32 v40, v16;
	v40 =	vld [tilespmem:$0x1F320];
	_ =	sdelay $0x1  }
0x33a: {  	v3 =	vadd.f32 v1, v14;
	v1 =	vmul.f32 v6, v7;
	v6 =	vld [tilespmem:$0x1F340];
	_ =	sdelay $0x2  }
0x33b: {  	v40 =	vmul.f32 v40, v41;
	_ =	sdelay $0x1  }
0x33c: {  	[tilespmem:s26+$0x720] =	vst v19;
	v19 =	vadd.f32 v40, v37;
	v40 =	vmul.f32 v6, v24;
	_ =	sdelay $0x1  }
0x33d: {  	[tilespmem:s26+$0x740] =	vst v23;
	v23 =	vadd.f32 v40, v20;
	v40 =	vld [tilespmem:$0x1F380];
	_ =	sdelay $0x4  }
0x33e: {  	v40 =	vmul.f32 v40, v43;
	_ =	sdelay $0x1  }
0x33f: {  	[tilespmem:s26+$0x760] =	vst v18;
	v18 =	vadd.f32 v40, v38;
	v40 =	vld [tilespmem:$0x1F3A0];
	_ =	sdelay $0x4  }
0x340: {  	v40 =	vmul.f32 v40, v41  }
0x341: {  	v5 =	vld [tilespmem:$0x1F300]  }
0x342: {  	[tilespmem:s26+$0x780] =	vst v8;
	v8 =	vadd.f32 v40, v37;
	v40 =	vld [tilespmem:$0x1F3E0];
	_ =	sdelay $0x3  }
0x343: {  	v42 =	vmul.f32 v5, v43  }
0x344: {  	v40 =	vmul.f32 v40, v36  }
0x345: {  	[tilespmem:s26+$0x710] =	vst v22;
	v22 =	vadd.f32 v42, v38;
	v42 =	vld [tilespmem:$0x1F330]  }
0x346: {  	[tilespmem:s26+$0x7A0] =	vst v32;
	v32 =	vadd.f32 v40, v16;
	v40 =	vmul.f32 v53, v43;
	v53 =	vld [tilespmem:$0x1F400]  }
0x347: {  	v6 =	vld [tilespmem:$0x1F360];
	_ =	sdelay $0x1  }
0x348: {  	v4 =	vld [tilespmem:$0x1F2F0]  }
0x349: {  	v44 =	vmov v7;
	[tilespmem:s26+$0x7C0] =	vst v10;
	v42 =	vmul.f32 v42, v25;
	v10 =	vadd.f32 v40, v38;
	v40 =	vld [tilespmem:$0x1F420]  }
0x34a: {  	v53 =	vmul.f32 v53, v44  }
0x34b: {  	[tilespmem:s26+$0x730] =	vst v34;
	v7 =	vld [tilespmem:$0x1F350];
	v34 =	vadd.f32 v42, v14;
	v42 =	vmul.f32 v6, v36  }
0x34c: {  	v12 =	vmul.f32 v13, v12;
	[tilespmem:s26+$0x7D0] =	vst v33;
	v33 =	vadd.f32 v53, v49;
	v53 =	vld [tilespmem:$0x1F440]  }
0x34d: {  	[tilespmem:s26+$0x750] =	vst v39;
	v2 =	vadd.f32 v0, v49;
	v0 =	vmul.f32 v4, v9;
	v39 =	vadd.f32 v42, v16;
	v42 =	vld [tilespmem:$0x1F390]  }
0x34e: {  	s28 =	spop (v2sf);
	v52 =	vmul.f32 v52, v24;
	v40 =	vmul.f32 v40, v25  }
0x34f: {  	v12 =	vmul.f32 v12, v13;
	s2 =	smul.f32 $7.812500000e-03, s28;
	v4 =	vadd.f32 v0, v26  }
0x350: {  	[tilespmem:s26+$0x7E0] =	vst v11;
	v11 =	vadd.f32 v40, v14;
	v40 =	vadd.f32 v52, v20;
	v52 =	vld [tilespmem:$0x1F430]  }
0x351: {  	v15 =	vmul.f32 v15, v43;
	v12 =	vsub.f32 $1.500000000e+00, v12;
	s30 =	smul.f32 s2, s2;
	s29 =	spop (v2sf);
	[tilespmem:s26+$0x7F0] =	vst v4;
	v4 =	vmul.f32 v53, v36;
	v53 =	vld [tilespmem:$0x1F450]  }
0x352: {  	s3 =	smul.f32 $7.812500000e-03, s29;
	v5 =	vadd.f32 v1, v49;
	v0 =	vmul.f32 v7, v48;
	v7 =	vld [tilespmem:$0x1F370];
	v42 =	vmul.f32 v42, v44  }
0x353: {  	v17 =	vmul.f32 v17, v44;
	[tilespmem:s26+$0x770] =	vst v21  }
0x354: {  	s3 =	ssub.f32 s3, s30;
	[tilespmem:s26+$0x810] =	vst v5;
	v5 =	vmul.f32 v12, v13;
	v12 =	vadd.f32 v15, v38;
	v21 =	vadd.f32 v42, v49;
	v42 =	vld [tilespmem:$0x1F3C0]  }
0x355: {  	v15 =	vadd.f32 v17, v49;
	v17 =	vmul.f32 v35, v41;
	[tilespmem:s26+$0x820] =	vst v19;
	v19 =	vmul.f32 v45, v25  }
0x356: {  	s3 =	sadd.f32 $9.999999960e-13, s3;
	[tilespmem:s26+$0x800] =	vst v22;
	v6 =	vadd.f32 v0, v29;
	v0 =	vld [tilespmem:$0x1F3B0];
	v52 =	vmul.f32 v52, v48;
	v53 =	vmul.f32 v53, v9  }
0x357: {  	[tilespmem:s26+$0x830] =	vst v34;
	v34 =	vmul.f32 v47, v24;
	v1 =	vmul.f32 v7, v9  }
0x358: {  	v47 =	vld [tilespmem:$0x1F480];
	[tilespmem:s26+$0x850] =	vst v6;
	v22 =	vadd.f32 v52, v29;
	v52 =	vadd.f32 v53, v26;
	v53 =	vmov s3  }
0x359: {  	v6 =	vadd.f32 v17, v37;
	[tilespmem:s26+$0x860] =	vst v39;
	v39 =	vld [tilespmem:$0x1F460];
	v42 =	vmul.f32 v42, v24;
	v35 =	vshra.s32 v53, $0x1  }
0x35a: {  	s31 =	spop (v2sf);
	v17 =	vadd.f32 v19, v14;
	v19 =	vsub.s32 $0x5F3759DF, v35;
	v35 =	vmul.f32 v46, v9;
	v46 =	vld [tilespmem:$0x1F470]  }
0x35b: {  	s12 =	smul.f32 $7.812500000e-03, s31;
	[tilespmem:s26+$0x790] =	vst v2;
	v0 =	vmul.f32 v0, v25;
	v2 =	vadd.f32 v42, v20;
	v42 =	vld [tilespmem:$0x1F3F0]  }
0x35c: {  	v7 =	vadd.f32 v1, v26;
	v1 =	vld [tilespmem:$0x1F3D0];
	v45 =	vmul.f32 $5.000000000e-01, v53  }
0x35d: {  	s14 =	smul.f32 s12, s12;
	v0 =	vadd.f32 v0, v14;
	s3 =	spop (v2sf)  }
0x35e: {  	[tilespmem:s26+$0x870] =	vst v7;
	v7 =	vmul.f32 v39, v36;
	v39 =	vmov s0;
	s13 =	smul.f32 $7.812500000e-03, s3;
	v53 =	vmul.f32 v19, v45  }
0x35f: {  	v13 =	vmul.f32 v27, v48;
	[tilespmem:s26+$0x880] =	vst v18;
	v18 =	vsub.f32 v46, v39;
	v46 =	vsub.f32 v47, v39  }
0x360: {  	[tilespmem:s26+$0x7B0] =	vst v3;
	v27 =	vadd.f32 v34, v20;
	v42 =	vmul.f32 v42, v9;
	s16 =	ssub.f32 s13, s14;
	v34 =	vmul.f32 v19, v53;
	v53 =	vld [tilespmem:$0x1F490]  }
0x361: {  	v1 =	vmul.f32 v1, v48;
	[tilespmem:s26+$0x8B0] =	vst v0;
	v0 =	vadd.f32 v7, v16;
	v7 =	vmul.f32 v5, v46;
	v46 =	vld [tilespmem:$0x1F4B0]  }
0x362: {  	[tilespmem:s26+$0x840] =	vst v23;
	v23 =	vadd.f32 v13, v29;
	v3 =	vadd.f32 v42, v26;
	v42 =	vld [tilespmem:$0x1F410];
	s0 =	sadd.f32 $9.999999960e-13, s16  }
0x363: {  	v13 =	vmul.f32 v28, v43;
	v1 =	vadd.f32 v1, v29;
	[tilespmem:s26+$0x890] =	vst v21;
	v28 =	vsub.f32 $1.500000000e+00, v34;
	v47 =	vld [tilespmem:$0x1F4C0]  }
0x364: {  	v21 =	vmul.f32 v30, v44;
	[tilespmem:s26+$0x8A0] =	vst v8;
	v8 =	vmul.f32 v31, v41;
	v31 =	vmov s0  }
0x365: {  	v30 =	vsub.f32 v53, v39;
	v53 =	vmul.f32 v5, v18;
	v18 =	vmul.f32 v19, v28  }
0x366: {  	[tilespmem:s26+$0x8D0] =	vst v1;
	v19 =	vmul.f32 $5.000000000e-01, v31;
	v1 =	vsub.f32 v46, v39;
	v46 =	vshra.s32 v31, $0x1;
	v31 =	vld [tilespmem:$0x1F4D0]  }
0x367: {  	v42 =	vmul.f32 v42, v41;
	v34 =	vmul.f32 v5, v30;
	v30 =	vld [tilespmem:$0x1F4A0]  }
0x368: {  	[tilespmem:s26+$0x8E0] =	vst v32;
	v32 =	vsub.f32 v47, v39;
	v45 =	vmul.f32 v18, v45;
	v47 =	vld [tilespmem:$0x1F4E0]  }
0x369: {  	v13 =	vadd.f32 v13, v38;
	[tilespmem:s26+$0x900] =	vst v10;
	v42 =	vadd.f32 v42, v37  }
0x36a: {  	v8 =	vadd.f32 v8, v37;
	[tilespmem:s26+$0x8F0] =	vst v3;
	v45 =	vmul.f32 v45, v18;
	v46 =	vsub.s32 $0x5F3759DF, v46  }
0x36b: {  	[tilespmem:s26+$0x920] =	vst v42;
	v42 =	vld [tilespmem:$0x1F530];
	v10 =	vadd.f32 v35, v26;
	v3 =	vsub.f32 v31, v39;
	v31 =	vmul.f32 v46, v19  }
0x36c: {  	[tilespmem:s26+$0x8C0] =	vst v2;
	s17 =	spop (v2sf);
	v32 =	vmul.f32 v5, v32;
	v35 =	vsub.f32 $1.500000000e+00, v45;
	v2 =	vsub.f32 v30, v39  }
0x36d: {  	s28 =	spop (v2sf);
	[tilespmem:s26+$0x970] =	vst v52;
	v52 =	vld [tilespmem:$0x1F560];
	s0 =	smul.f32 $7.812500000e-03, s17;
	v1 =	vmul.f32 v5, v1;
	v39 =	vsub.f32 v47, v39;
	v28 =	vmul.f32 v46, v31  }
0x36e: {  	[tilespmem:s26+$0x910] =	vst v33;
	v33 =	vmov s2;
	s29 =	smul.f32 $7.812500000e-03, s28;
	v18 =	vmul.f32 v35, v18;
	v35 =	vld [tilespmem:$0x1F510];
	v2 =	vmul.f32 v5, v2  }
0x36f: {  	s30 =	smul.f32 s0, s0;
	v3 =	vmul.f32 v5, v3;
	v5 =	vmul.f32 v5, v39;
	v39 =	vld [tilespmem:$0x1F520];
	v45 =	vsub.f32 $1.500000000e+00, v28  }
0x370: {  	[tilespmem:s26+$0x930] =	vst v11;
	v11 =	vadd.f32 v21, v49;
	v7 =	vmul.f32 v7, v44;
	v30 =	vsub.f32 v42, v33  }
0x371: {  	[tilespmem:s26+$0x980] =	vst v12;
	v4 =	vadd.f32 v4, v16;
	s2 =	ssub.f32 s29, s30;
	v1 =	vmul.f32 v1, v24;
	v21 =	vmul.f32 v46, v45;
	v46 =	vld [tilespmem:$0x1F4F0]  }
0x372: {  	[tilespmem:s26+$0x990] =	vst v15;
	v7 =	vadd.f32 v7, v49;
	v47 =	vld [tilespmem:$0x1F500];
	v12 =	vmul.f32 v18, v30;
	v2 =	vmul.f32 v2, v25  }
0x373: {  	[tilespmem:s26+$0x960] =	vst v4;
	s2 =	sadd.f32 $9.999999960e-13, s2;
	v1 =	vadd.f32 v1, v20;
	v4 =	vmul.f32 v35, v25;
	v35 =	vsub.f32 v52, v33  }
0x374: {  	[tilespmem:s26+$0x940] =	vst v40;
	v2 =	vadd.f32 v2, v14;
	v45 =	vld [tilespmem:$0x1F540];
	v40 =	vmul.f32 v39, v24;
	v19 =	vmul.f32 v21, v19  }
0x375: {  	[tilespmem:s26+$0x9A0] =	vst v6;
	v3 =	vmul.f32 v3, v36;
	v5 =	vmul.f32 v5, v9;
	v39 =	vmov s2  }
0x376: {  	[tilespmem:s26+$0x950] =	vst v22;
	v6 =	vadd.f32 v40, v20;
	v40 =	vld [tilespmem:$0x1F580];
	v19 =	vmul.f32 v19, v21;
	v22 =	vsub.f32 v46, v33  }
0x377: {  	[tilespmem:s26+$0x9C0] =	vst v27;
	v28 =	vsub.f32 v47, v33;
	v42 =	vshra.s32 v39, $0x1;
	v31 =	vmul.f32 $5.000000000e-01, v39;
	v46 =	vld [tilespmem:$0x1F550]  }
0x378: {  	[tilespmem:s26+$0x9D0] =	vst v23;
	v39 =	vmul.f32 v34, v41;
	v19 =	vsub.f32 $1.500000000e+00, v19;
	v47 =	vmul.f32 v18, v22  }
0x379: {  	[tilespmem:s26+$0xA00] =	vst v13;
	v22 =	vmul.f32 v18, v28;
	v28 =	vsub.f32 v45, v33;
	v45 =	vsub.s32 $0x5F3759DF, v42  }
0x37a: {  	[tilespmem:s26+$0x9B0] =	vst v17;
	v4 =	vadd.f32 v4, v14;
	v42 =	vadd.f32 v39, v37;
	v52 =	vmul.f32 v45, v31  }
0x37b: {  	[tilespmem:s26+$0x9F0] =	vst v10;
	v27 =	vsub.f32 v40, v33;
	v10 =	vmul.f32 v19, v21;
	v15 =	vmul.f32 v18, v28  }
0x37c: {  	[tilespmem:s26+$0x9E0] =	vst v0;
	v47 =	vmul.f32 v47, v43;
	v30 =	vsub.f32 v46, v33;
	v46 =	vmov s12  }
0x37d: {  	[tilespmem:s26+$0xA20] =	vst v8;
	v0 =	vmul.f32 v18, v27;
	v19 =	vsub.f32 v51, v46;
	v21 =	vsub.f32 v55, v46  }
0x37e: {  	[tilespmem:s26+$0xA10] =	vst v11;
	v27 =	vmul.f32 v45, v52;
	v13 =	vsub.f32 v57, v46;
	v52 =	vsub.f32 v63, v46  }
0x37f: {  	[tilespmem:s26+$0xA90] =	vst v7;
	v51 =	vsub.f32 v50, v46;
	v63 =	vmul.f32 v53, v43;
	v50 =	vmul.f32 v22, v44  }
0x380: {  	[tilespmem:s26+$0xA30] =	vst v4;
	v57 =	vld [tilespmem:$0x1F590];
	v4 =	vsub.f32 v54, v46;
	v53 =	vmul.f32 v12, v41;
	v55 =	vmul.f32 v15, v25  }
0x381: {  	[tilespmem:s26+$0xAC0] =	vst v1;
	v54 =	vadd.f32 v5, v26;
	v28 =	vmul.f32 v18, v30;
	v30 =	vmul.f32 v18, v35  }
0x382: {  	[tilespmem:s26+$0xAB0] =	vst v2;
	v35 =	vld [tilespmem:$0x1F570];
	v27 =	vsub.f32 $1.500000000e+00, v27;
	v40 =	vadd.f32 v63, v38;
	v63 =	vmul.f32 v10, v19  }
0x383: {  	[tilespmem:s26+$0xAF0] =	vst v54;
	v34 =	vadd.f32 v55, v14;
	v54 =	vmul.f32 v10, v52;
	v55 =	vmul.f32 v10, v51  }
0x384: {  	[tilespmem:s26+$0xA40] =	vst v6;
	v6 =	vmul.f32 v45, v27;
	v45 =	vmul.f32 v32, v48  }
0x385: {  	[tilespmem:s26+$0xAA0] =	vst v42;
	v22 =	vadd.f32 v50, v49;
	v32 =	vmul.f32 v63, v43;
	v11 =	vmul.f32 v57, v48  }
0x386: {  	[tilespmem:s26+$0xA80] =	vst v40;
	v57 =	vmul.f32 v28, v24;
	v28 =	vmul.f32 v10, v21  }
0x387: {  	[tilespmem:s26+$0xB10] =	vst v22;
	v40 =	vmul.f32 v6, v31;
	v17 =	vsub.f32 v35, v33;
	v35 =	vsub.f32 v60, v46;
	v60 =	vld [tilespmem:$0x1F5A0]  }
0x388: {  	v27 =	vmovc v16;
	v21 =	vmul.f32 v54, v48;
	v33 =	vsub.f32 v62, v46;
	v62 =	vld [tilespmem:$0x1F5B0];
	v46 =	vadd.f32 v45, v29  }
0x389: {  	[tilespmem:s26+$0xB30] =	vst v34;
	v3 =	vadd.f32 v3, v27;
	v45 =	vmul.f32 v10, v13;
	v13 =	vmov s0  }
0x38a: {  	v11 =	vadd.f32 v11, v29;
	v39 =	vmul.f32 v28, v44;
	v15 =	vmul.f32 v40, v6;
	[tilespmem:s26+$0xAD0] =	vst v46  }
0x38b: {  	v42 =	vadd.f32 v57, v20;
	v57 =	vmul.f32 v10, v4;
	[tilespmem:s26+$0xAE0] =	vst v3;
	v46 =	vmul.f32 v10, v33  }
0x38c: {  	v17 =	vmul.f32 v18, v17;
	[tilespmem:s26+$0xA50] =	vst v11;
	v8 =	vmul.f32 v60, v36;
	v60 =	vadd.f32 v47, v38  }
0x38d: {  	[tilespmem:s26+$0xB40] =	vst v42;
	v5 =	vadd.f32 v39, v49;
	v12 =	vmul.f32 v46, v25;
	v18 =	vmul.f32 v62, v9  }
0x38e: {  	v62 =	vmul.f32 v30, v48;
	v30 =	vadd.f32 v53, v37;
	[tilespmem:s26+$0xB00] =	vst v60;
	v60 =	vsub.f32 $1.500000000e+00, v15  }
0x38f: {  	v22 =	vsub.f32 v58, v13;
	v28 =	vmul.f32 v55, v36;
	[tilespmem:s26+$0xB90] =	vst v5;
	v19 =	vadd.f32 v12, v14  }
0x390: {  	v40 =	vsub.f32 v61, v13;
	v8 =	vadd.f32 v8, v16;
	[tilespmem:s26+$0xB20] =	vst v30;
	v4 =	vmul.f32 v60, v6  }
0x391: {  	v50 =	vmul.f32 v10, v35;
	v63 =	vmul.f32 v45, v41;
	v23 =	vadd.f32 v18, v26;
	[tilespmem:s26+$0xBB0] =	vst v19  }
0x392: {  	v34 =	vld [tilespmem:$0x1F5C0];
	v46 =	vsub.f32 v59, v13;
	v47 =	vadd.f32 v62, v29;
	[tilespmem:s26+$0xA60] =	vst v8;
	v31 =	vmul.f32 v4, v22  }
0x393: {  	v62 =	vadd.f32 v32, v38;
	v15 =	vadd.f32 v63, v37;
	[tilespmem:s26+$0xA70] =	vst v23;
	v23 =	vmul.f32 v17, v36  }
0x394: {  	v30 =	vadd.f32 v21, v29;
	[tilespmem:s26+$0xB50] =	vst v47;
	v17 =	vsub.f32 v56, v13;
	v39 =	vmul.f32 v31, v44;
	v44 =	vld [tilespmem:$0x1F5D0]  }
0x395: {  	v18 =	vmov v9;
	v8 =	vmul.f32 v50, v24;
	[tilespmem:s26+$0xB80] =	vst v62;
	v53 =	vadd.f32 v23, v27  }
0x396: {  	v32 =	vadd.f32 v28, v27;
	[tilespmem:s26+$0xBA0] =	vst v15;
	v50 =	vld [tilespmem:$0x1F5E0];
	v0 =	vmul.f32 v0, v18;
	v10 =	vmul.f32 v4, v17  }
0x397: {  	v9 =	vsub.f32 v34, v13;
	v2 =	vmul.f32 v57, v18;
	v45 =	vmul.f32 v4, v40;
	[tilespmem:s26+$0xB60] =	vst v53;
	v53 =	vld [tilespmem:$0x1F5F0]  }
0x398: {  	[tilespmem:s26+$0xBD0] =	vst v30;
	v23 =	vadd.f32 v8, v20;
	v52 =	vmul.f32 v4, v46;
	v33 =	vmul.f32 v10, v43  }
0x399: {  	[tilespmem:s26+$0xBE0] =	vst v32;
	v0 =	vadd.f32 v0, v26;
	v43 =	vmul.f32 v4, v9;
	v9 =	vsub.f32 v44, v13  }
0x39a: {  	v35 =	vadd.f32 v2, v26;
	[tilespmem:s26+$0xBC0] =	vst v23;
	v51 =	vmul.f32 v45, v25;
	v42 =	vadd.f32 v33, v38  }
0x39b: {  	[tilespmem:s26+$0xB70] =	vst v0;
	v2 =	vadd.f32 v39, v49;
	v49 =	vmul.f32 v4, v9;
	v9 =	vsub.f32 v50, v13  }
0x39c: {  	v57 =	vmul.f32 v52, v48;
	[tilespmem:s26+$0xBF0] =	vst v35;
	v6 =	vsub.f32 v53, v13  }
0x39d: {  	v47 =	vmul.f32 v43, v41;
	v0 =	vadd.f32 v51, v14;
	[tilespmem:s26+$0xC00] =	vst v42;
	v56 =	vmul.f32 v4, v9  }
0x39e: {  	v60 =	vadd.f32 v57, v29;
	[tilespmem:s26+$0xC10] =	vst v2;
	v55 =	vmul.f32 v49, v24;
	v4 =	vmul.f32 v4, v6  }
0x39f: {  	p1 =	slt.u32 s25, $0xAF;
	v54 =	vadd.f32 v47, v37;
	[tilespmem:s26+$0xC30] =	vst v0;
	v59 =	vmul.f32 v56, v36  }
.Ltmp5:
0x3a0: {  	[tilespmem:s26+$0xC50] =	vst v60;
	v58 =	vadd.f32 v55, v20;
	v61 =	vmul.f32 v4, v18;
	(pc) =	sbr.rel @p1 .LBB2_4-.Ltmp5, $4  }
0x3a1: {  	[tilespmem:s26+$0xC20] =	vst v54;
	v62 =	vadd.f32 v59, v27  }
0x3a2: {  	[tilespmem:s26+$0xC40] =	vst v58;
	v63 =	vadd.f32 v61, v26  }
0x3a3: {  	s31 =	sadd.s32 $0x19, s25;
	[tilespmem:s26+$0xC60] =	vst v62  }
0x3a4: {  	s25 =	smov.u32 s31;
	[tilespmem:s26+$0xC70] =	vst v63  }
.Ltmp6:
0x3a5: {  	_ = 	snop;
	(pc) =	sbr.rel .LBB2_5-.Ltmp6, $1  }
0x3a6: {  	_ =	sdelay $0x3  }
.LBB2_3:
0x3a7: {  	s28 =	sshll.u32 s25, $0x7  }
0x3a8: {  	v1 =	vld [tilespmem:s28+$0x1900]  }
0x3a9: {  	v3 =	vld [tilespmem:s28+$0x1910]  }
0x3aa: {  	v5 =	vld [tilespmem:s28+$0x1920]  }
0x3ab: {  	v7 =	vld [tilespmem:s28+$0x1930]  }
0x3ac: {  	v9 =	vld [tilespmem:s28+$0x1940]  }
0x3ad: {  	v11 =	vld [tilespmem:s28+$0x1950]  }
0x3ae: {  	v13 =	vld [tilespmem:s28+$0x1960]  }
0x3af: {  	v15 =	vld [tilespmem:s28+$0x1970]  }
0x3b0: {  	v55 =	vld [tilespmem:s28+$0x1980]  }
0x3b1: {  	v47 =	vld [tilespmem:s28+$0x1990]  }
0x3b2: {  	v56 =	vld [tilespmem:s28+$0x19A0]  }
0x3b3: {  	v59 =	vld [tilespmem:s28+$0x19B0]  }
0x3b4: {  	v61 =	vld [tilespmem:s28+$0x19C0]  }
0x3b5: {  	v63 =	vld [tilespmem:s28+$0x19D0]  }
0x3b6: {  	v17 =	vld [tilespmem:s28+$0x19E0]  }
0x3b7: {  	v19 =	vld [tilespmem:s28+$0x19F0]  }
0x3b8: {  	v31 =	vld [tilespmem:s28+$0x1A00]  }
0x3b9: {  	s26 =	sadd.s32 s28, s24;
	v35 =	vld [tilespmem:s28+$0x1A10]  }
0x3ba: {  	v0 =	vld [tilespmem:s26+$0x0]  }
0x3bb: {  	v2 =	vld [tilespmem:s26+$0x10]  }
0x3bc: {  	v4 =	vld [tilespmem:s26+$0x20]  }
0x3bd: {  	v6 =	vld [tilespmem:s26+$0x30]  }
0x3be: {  	v8 =	vld [tilespmem:s26+$0x40]  }
0x3bf: {  	v10 =	vld [tilespmem:s26+$0x50]  }
0x3c0: {  	v12 =	vld [tilespmem:s26+$0x60]  }
0x3c1: {  	v14 =	vld [tilespmem:s26+$0x70]  }
0x3c2: {  	v54 =	vld [tilespmem:s26+$0x80]  }
0x3c3: {  	v50 =	vld [tilespmem:s26+$0xA0]  }
0x3c4: {  	v58 =	vld [tilespmem:s26+$0xB0]  }
0x3c5: {  	v60 =	vld [tilespmem:s26+$0xC0]  }
0x3c6: {  	v62 =	vld [tilespmem:s26+$0xD0];
	v30 =	vadd.f32 v1, v0  }
0x3c7: {  	v16 =	vld [tilespmem:s26+$0xE0];
	v26 =	vadd.f32 v3, v2;
	v27 =	vadd.f32 v5, v4  }
0x3c8: {  	v18 =	vld [tilespmem:s26+$0xF0];
	v23 =	vadd.f32 v7, v6;
	v28 =	vadd.f32 v9, v8  }
0x3c9: {  	v45 =	vld [tilespmem:s28+$0x1A20];
	v25 =	vadd.f32 v11, v10;
	v29 =	vadd.f32 v13, v12  }
0x3ca: {  	v20 =	vld [tilespmem:s26+$0x100];
	v22 =	vadd.f32 v15, v14;
	v53 =	vadd.f32 v55, v54  }
0x3cb: {  	v34 =	vld [tilespmem:s26+$0x110];
	v54 =	vadd.f32 v56, v50;
	v56 =	vadd.f32 v59, v58  }
0x3cc: {  	v36 =	vld [tilespmem:s26+$0x130];
	v55 =	vadd.f32 v61, v60;
	v61 =	vadd.f32 v63, v62  }
0x3cd: {  	v51 =	vld [tilespmem:s26+$0x160];
	v63 =	vadd.f32 v17, v16;
	v6 =	vadd.f32 v19, v18  }
0x3ce: {  	v2 =	vld [tilespmem:s26+$0x90];
	v3 =	vadd.f32 v26, v30;
	v4 =	vadd.f32 v23, v27  }
0x3cf: {  	v1 =	vld [tilespmem:s28+$0x1A30];
	v48 =	vadd.f32 v25, v28;
	v37 =	vmul.f32 v30, v30;
	v38 =	vmul.f32 v26, v26  }
0x3d0: {  	v5 =	vld [tilespmem:s26+$0x140];
	v49 =	vadd.f32 v22, v29;
	v39 =	vmul.f32 v27, v27;
	v40 =	vmul.f32 v23, v23  }
0x3d1: {  	v62 =	vld [tilespmem:s28+$0x1A40];
	v15 =	vadd.f32 v31, v20;
	v21 =	vmul.f32 v28, v28;
	v24 =	vmul.f32 v25, v25  }
0x3d2: {  	v7 =	vld [tilespmem:s26+$0x150];
	v32 =	vmul.f32 v29, v29;
	v3 =	vadd.f32 v4, v3;
	v57 =	vadd.f32 v49, v48  }
0x3d3: {  	v19 =	vld [tilespmem:s26+$0x180];
	v33 =	vmul.f32 v22, v22;
	v12 =	vadd.f32 v56, v54;
	v13 =	vadd.f32 v61, v55  }
0x3d4: {  	v31 =	vld [tilespmem:s26+$0x1A0];
	v18 =	vadd.f32 v6, v63;
	v58 =	vmul.f32 v55, v55;
	v3 =	vadd.f32 v57, v3  }
0x3d5: {  	v16 =	vld [tilespmem:s28+$0x1AB0];
	v59 =	vmul.f32 v63, v63;
	v4 =	vadd.f32 v38, v37;
	v41 =	vadd.f32 v40, v39  }
0x3d6: {  	v43 =	vadd.f32 v24, v21;
	v44 =	vadd.f32 v33, v32;
	v24 =	vld [tilespmem:s26+$0x120];
	v49 =	vmul.f32 v53, v53;
	(xrf2) =	vadd.scan.msk.f32 $0xffff, v3  }
0x3d7: {  	v48 =	vld [tilespmem:s28+$0x1A50];
	v37 =	vmul.f32 v56, v56;
	v13 =	vadd.f32 v18, v13;
	v52 =	vadd.f32 v47, v2  }
0x3d8: {  	v38 =	vld [tilespmem:s28+$0x1A60];
	v46 =	vadd.f32 v41, v4;
	v57 =	vmul.f32 v54, v54;
	v41 =	vmul.f32 v6, v6  }
0x3d9: {  	v39 =	vmul.f32 v61, v61;
	v40 =	vld [tilespmem:s26+$0x170];
	v21 =	vadd.f32 v44, v43;
	v47 =	vadd.f32 v52, v53  }
0x3da: {  	v32 =	vld [tilespmem:s26+$0x1C0];
	v50 =	vmul.f32 v52, v52;
	v60 =	vadd.f32 v37, v57;
	v18 =	vadd.f32 v41, v59  }
0x3db: {  	v43 =	vld [tilespmem:s28+$0x1A90];
	v21 =	vadd.f32 v21, v46;
	v11 =	vadd.f32 v12, v47  }
0x3dc: {  	v44 =	vld [tilespmem:s26+$0x1D0];
	v14 =	vadd.f32 v50, v49;
	v12 =	vadd.f32 v39, v58  }
0x3dd: {  	v37 =	vld [tilespmem:s28+$0x1A80];
	v47 =	vadd.f32 v45, v24;
	v10 =	vadd.f32 v48, v7  }
0x3de: {  	[tilespmem:$0x1F600] =	vst v61;
	v3 =	vld [tilespmem:s28+$0x1AC0];
	v33 =	vadd.f32 v13, v11;
	v61 =	vadd.f32 v60, v14  }
0x3df: {  	v46 =	vld [tilespmem:s28+$0x1AD0];
	v18 =	vadd.f32 v18, v12;
	v13 =	vadd.f32 v35, v34  }
0x3e0: {  	v59 =	vld [tilespmem:s26+$0x1F0];
	v12 =	vadd.f32 v1, v36;
	v14 =	vadd.f32 v62, v5;
	v42, _, _ =	vpop (xrf2)  }
0x3e1: {  	v2 =	vmul.f32 v15, v15;
	v39 =	vld [tilespmem:s26+$0x190];
	v11 =	vadd.f32 v38, v51;
	(v2sf) =	vpush v42, $0xF  }
0x3e2: {  	[tilespmem:$0x1F620] =	vst v6;
	v6 =	vmul.f32 v47, v47;
	v45 =	vmul.f32 v10, v10;
	v62 =	vadd.f32 v13, v15;
	v42 =	vld [tilespmem:s28+$0x1A70]  }
0x3e3: {  	[tilespmem:$0x1F610] =	vst v63;
	v50 =	vld [tilespmem:s28+$0x1AF0];
	v63 =	vadd.f32 v12, v47;
	v0 =	vadd.f32 v10, v14;
	v35 =	vmul.f32 v13, v13  }
0x3e4: {  	v1 =	vld [tilespmem:s28+$0x1AA0];
	v7 =	vmul.f32 v12, v12;
	v41 =	vadd.f32 v18, v61;
	v4 =	vadd.f32 v3, v32  }
0x3e5: {  	v5 =	vld [tilespmem:s26+$0x1B0];
	v8 =	vmul.f32 v14, v14;
	v3 =	vadd.f32 v46, v44;
	v17 =	vadd.f32 v63, v62  }
0x3e6: {  	v49 =	vld [tilespmem:s26+$0x1E0];
	v34 =	vadd.f32 v35, v2;
	v57 =	vadd.f32 v7, v6  }
0x3e7: {  	v58 =	vld [tilespmem:s28+$0x1AE0];
	v20 =	vadd.f32 v45, v8;
	v51 =	vadd.f32 v42, v40  }
0x3e8: {  	v9 =	vmul.f32 v11, v11;
	v62 =	vadd.f32 v37, v19;
	v63 =	vadd.f32 v43, v39;
	[tilespmem:$0x1F6D0] =	vst v4  }
0x3e9: {  	v2 =	vadd.f32 v50, v59;
	[tilespmem:$0x1F6E0] =	vst v3;
	v38 =	vadd.f32 v51, v11;
	v48 =	vmul.f32 v51, v51  }
0x3ea: {  	v8 =	vadd.f32 v1, v31;
	v6 =	vadd.f32 v16, v5;
	[tilespmem:$0x1F690] =	vst v62  }
0x3eb: {  	(xrf2) =	vadd.scan.msk.f32 $0xffff, v21;
	v32 =	vld [tilespmem:s26+$0x210];
	[tilespmem:$0x1F6A0] =	vst v63;
	v24 =	vadd.f32 v38, v0;
	v38 =	vadd.f32 v48, v9  }
0x3ec: {  	(xrf2) =	vadd.scan.msk.f32 $0xffff, v33;
	v33 =	vld [tilespmem:s28+$0x1B20];
	v34 =	vadd.f32 v57, v34;
	[tilespmem:$0x1F700] =	vst v2;
	v0 =	vadd.f32 v58, v49  }
0x3ed: {  	v37 =	vld [tilespmem:s28+$0x1B10];
	[tilespmem:$0x1F6B0] =	vst v8;
	v60 =	vadd.f32 v24, v17;
	v61 =	vadd.f32 v38, v20  }
0x3ee: {  	(xrf2) =	vadd.scan.msk.f32 $0xffff, v41;
	v35 =	vld [tilespmem:s26+$0x220];
	[tilespmem:$0x1F6C0] =	vst v6  }
0x3ef: {  	v1 =	vld [tilespmem:s26+$0x200];
	[tilespmem:$0x1F6F0] =	vst v0;
	v34 =	vadd.f32 v61, v34;
	(xrf2) =	vadd.scan.msk.f32 $0xffff, v60  }
0x3f0: {  	v5 =	vld [tilespmem:s28+$0x1B00];
	v31 =	vadd.f32 v6, v8;
	v40 =	vadd.f32 v63, v62;
	s0 =	spop (v2sf)  }
0x3f1: {  	v42 =	vadd.f32 v3, v4;
	v43 =	vadd.f32 v2, v0;
	(xrf2) =	vadd.scan.msk.f32 $0xffff, v34;
	v34 =	vld [tilespmem:s26+$0x230]  }
0x3f2: {  	v16 =	vadd.f32 v31, v40;
	v31 =	vld [tilespmem:s28+$0x1B30]  }
0x3f3: {  	v44 =	vadd.f32 v43, v42;
	v36 =	vld [tilespmem:s26+$0x240]  }
0x3f4: {  	v40 =	vld [tilespmem:s26+$0x270]  }
0x3f5: {  	v19 =	vmul.f32 v8, v8;
	v16 =	vadd.f32 v44, v16;
	v21 =	vld [tilespmem:s28+$0x1B70]  }
0x3f6: {  	v8 =	vmul.f32 v4, v4;
	v44 =	vmul.f32 v3, v3;
	v41 =	vld [tilespmem:s26+$0x290]  }
0x3f7: {  	(xrf2) =	vadd.scan.msk.f32 $0xffff, v16;
	v16 =	vld [tilespmem:s28+$0x1B40]  }
0x3f8: {  	s0 =	smul.f32 $7.812500000e-03, s0;
	v45, _, _ =	vpop (xrf2);
	v43 =	vadd.f32 v44, v8;
	v44 =	vld [tilespmem:s28+$0x1B90]  }
0x3f9: {  	(v2sf) =	vpush v45, $0xF;
	v45 =	vadd.f32 v5, v1;
	v1 =	vld [tilespmem:s26+$0x2B0]  }
0x3fa: {  	v60, _, _ =	vpop (xrf2);
	v5 =	vld [tilespmem:s28+$0x1BB0];
	v39 =	vmov s0  }
0x3fb: {  	v62 =	vmul.f32 v62, v62;
	(v2sf) =	vpush v60, $0xF;
	v60 =	vld [tilespmem:s28+$0x1BA0];
	v46 =	vsub.f32 v30, v39  }
0x3fc: {  	v9 =	vmul.f32 v0, v0;
	v30 =	vld [tilespmem:s26+$0x250];
	v50 =	vsub.f32 v26, v39;
	v48 =	vsub.f32 v27, v39  }
0x3fd: {  	v17 =	vmul.f32 v2, v2;
	v26 =	vld [tilespmem:s28+$0x1B50];
	v49 =	vsub.f32 v23, v39;
	v57 =	vsub.f32 v28, v39  }
0x3fe: {  	v63 =	vmul.f32 v63, v63;
	v61, _, _ =	vpop (xrf2);
	v23 =	vld [tilespmem:s26+$0x260];
	v58 =	vsub.f32 v25, v39;
	v59 =	vsub.f32 v29, v39  }
0x3ff: {  	v27 =	vld [tilespmem:s28+$0x1B60];
	(v2sf) =	vpush v61, $0xF;
	v25 =	vadd.f32 v17, v9;
	[tilespmem:$0x1F630] =	vst v46  }
0x400: {  	v28 =	vadd.f32 v63, v62;
	v61 =	vld [tilespmem:s26+$0x2E0];
	[tilespmem:$0x1F650] =	vst v49;
	v49 =	vsub.f32 v22, v39  }
0x401: {  	v62 =	vld [tilespmem:s28+$0x1BE0];
	[tilespmem:$0x1F640] =	vst v48;
	v25 =	vadd.f32 v25, v43;
	v46 =	vadd.f32 v37, v32  }
0x402: {  	[tilespmem:$0x1F660] =	vst v57;
	v57 =	vld [tilespmem:s26+$0x280];
	v39 =	vadd.f32 v33, v35;
	v48 =	vadd.f32 v31, v34  }
0x403: {  	v20 =	vmul.f32 v6, v6;
	[tilespmem:$0x1F670] =	vst v58;
	v58 =	vld [tilespmem:s28+$0x1B80];
	v0 =	vadd.f32 v21, v40;
	v4 =	vadd.f32 v16, v36  }
0x404: {  	[tilespmem:$0x1F680] =	vst v59;
	v59 =	vld [tilespmem:s26+$0x2A0];
	v43 =	vadd.f32 v44, v41;
	v18, _, _ =	vpop (xrf2);
	v21 =	vadd.f32 v48, v39  }
0x405: {  	v31 =	vld [tilespmem:s26+$0x2F0];
	(v2sf) =	vpush v18, $0xF;
	v18 =	vadd.f32 v20, v19  }
0x406: {  	v35 =	vld [tilespmem:s26+$0x310];
	v2 =	vadd.f32 v26, v30;
	v3 =	vadd.f32 v27, v23  }
0x407: {  	v16 =	vld [tilespmem:s26+$0x2C0];
	v9 =	vmul.f32 v39, v39;
	v20 =	vadd.f32 v46, v45;
	v33 =	vadd.f32 v62, v61  }
0x408: {  	v36 =	vld [tilespmem:s28+$0x1BD0];
	v17 =	vmul.f32 v48, v48;
	v29 =	vadd.f32 v18, v28;
	v22 =	vadd.f32 v2, v4  }
0x409: {  	v6 =	vmul.f32 v45, v45;
	v23 =	vld [tilespmem:s28+$0x1BC0];
	v8 =	vadd.f32 v0, v3;
	v26 =	vadd.f32 v21, v20  }
0x40a: {  	v63 =	vmul.f32 v0, v0;
	v30 =	vld [tilespmem:s26+$0x2D0];
	v7, _, _ =	vpop (xrf2);
	v21 =	vadd.f32 v17, v9;
	v42 =	vadd.f32 v58, v57  }
0x40b: {  	v62 =	vld [tilespmem:s28+$0x1C40];
	v20 =	vmul.f32 v3, v3;
	v41 =	vadd.f32 v60, v59;
	(v2sf) =	vpush v7, $0xF;
	v19, _, _ =	vpop (xrf2)  }
0x40c: {  	v61 =	vld [tilespmem:s28+$0x1C60];
	v18 =	vmul.f32 v4, v4;
	(v2sf) =	vpush v19, $0xF;
	v32 =	vadd.f32 v8, v22  }
0x40d: {  	[tilespmem:$0x1F710] =	vst v4;
	v4 =	vld [tilespmem:s26+$0x330];
	v7 =	vmul.f32 v46, v46;
	v37 =	vadd.f32 v63, v20;
	v8 =	vadd.f32 v25, v29  }
0x40e: {  	[tilespmem:$0x1F740] =	vst v0;
	v58 =	vld [tilespmem:s26+$0x340];
	v19 =	vmul.f32 v2, v2;
	v25 =	vadd.f32 v5, v1;
	v0 =	vadd.f32 v43, v42  }
0x40f: {  	v22 =	vld [tilespmem:s28+$0x1BF0];
	v34 =	vadd.f32 v7, v6;
	v1 =	vadd.f32 v36, v30  }
0x410: {  	v5 =	vld [tilespmem:s28+$0x1C20];
	v27 =	vadd.f32 v19, v18;
	v9 =	vadd.f32 v32, v26  }
0x411: {  	v60 =	vmul.f32 v41, v41;
	v6 =	vld [tilespmem:s26+$0x320];
	[tilespmem:$0x1F750] =	vst v25;
	v26 =	vadd.f32 v23, v16;
	v20 =	vadd.f32 v25, v41  }
0x412: {  	v36 =	vld [tilespmem:s28+$0x1C30];
	v25 =	vmul.f32 v25, v25;
	v34 =	vadd.f32 v21, v34;
	[tilespmem:$0x1F770] =	vst v1;
	v27 =	vadd.f32 v37, v27  }
0x413: {  	v63 =	vld [tilespmem:s26+$0x300];
	[tilespmem:$0x1F760] =	vst v26;
	v21 =	vadd.f32 v1, v26;
	v26 =	vmul.f32 v26, v26;
	v1 =	vmul.f32 v1, v1  }
0x414: {  	v7 =	vld [tilespmem:s28+$0x1C00];
	v16 =	vadd.f32 v20, v0;
	v38 =	vadd.f32 v25, v60  }
0x415: {  	[tilespmem:$0x1F720] =	vst v2;
	v23 =	vmul.f32 v43, v43;
	v32 =	vld [tilespmem:s28+$0x1C70];
	v2 =	vadd.f32 v22, v31;
	v1 =	vadd.f32 v1, v26  }
0x416: {  	v60 =	vld [tilespmem:s26+$0x360];
	v22 =	vmul.f32 v42, v42;
	v59 =	vadd.f32 v27, v34;
	v34 =	vadd.f32 v5, v6  }
0x417: {  	s0 =	smul.f32 s0, s0;
	s2 =	spop (v2sf);
	v31 =	vld [tilespmem:s26+$0x370];
	v36 =	vadd.f32 v36, v4;
	v24 =	vadd.f32 v2, v33  }
0x418: {  	[tilespmem:$0x1F780] =	vst v33;
	v37 =	vld [tilespmem:s28+$0x1C10];
	s2 =	smul.f32 $7.812500000e-03, s2;
	v33 =	vmul.f32 v33, v33;
	v0 =	vmul.f32 v2, v2;
	v44 =	vadd.f32 v23, v22  }
0x419: {  	[tilespmem:$0x1F730] =	vst v3;
	v3 =	vld [tilespmem:s26+$0x350];
	v28 =	vadd.f32 v36, v34;
	v40 =	vadd.f32 v24, v21  }
0x41a: {  	[tilespmem:$0x1F790] =	vst v2;
	v2 =	vld [tilespmem:s28+$0x1C50];
	s0 =	ssub.f32 s2, s0;
	v0 =	vadd.f32 v0, v33;
	v57 =	vadd.f32 v38, v44  }
0x41b: {  	v44 =	vadd.f32 v7, v63;
	v24 =	vadd.f32 v61, v60  }
0x41c: {  	s0 =	sadd.f32 $9.999999960e-13, s0;
	v26 =	vadd.f32 v32, v31;
	v16 =	vadd.f32 v40, v16  }
0x41d: {  	v0 =	vadd.f32 v0, v1;
	v40 =	vadd.f32 v37, v35  }
0x41e: {  	(xrf2) =	vadd.scan.msk.f32 $0xffff, v8;
	v33 =	vmov s0;
	v37 =	vadd.f32 v62, v58;
	v31 =	vmul.f32 v44, v44  }
0x41f: {  	(xrf2) =	vadd.scan.msk.f32 $0xffff, v9;
	v35 =	vshra.s32 v33, $0x1;
	v6 =	vmul.f32 $5.000000000e-01, v33;
	v38 =	vadd.f32 v2, v3  }
0x420: {  	[tilespmem:$0x1F7A0] =	vst v34;
	v30 =	vadd.f32 v26, v24;
	v33 =	vmul.f32 v34, v34;
	v34 =	vmul.f32 v36, v36  }
0x421: {  	[tilespmem:$0x1F7B0] =	vst v36;
	v18 =	vmul.f32 v26, v26;
	v4 =	vsub.s32 $0x5F3759DF, v35;
	v27 =	vadd.f32 v40, v44  }
0x422: {  	s17 =	spop (v2sf);
	(xrf2) =	vadd.scan.msk.f32 $0xffff, v59;
	v32 =	vmul.f32 v40, v40;
	v35 =	vmul.f32 v37, v37;
	v0 =	vadd.f32 v0, v57  }
0x423: {  	s29 =	spop (v2sf);
	s0 =	smul.f32 $7.812500000e-03, s17;
	[tilespmem:$0x1F7E0] =	vst v24;
	v25 =	vmul.f32 v4, v6;
	v29 =	vadd.f32 v38, v37;
	v36 =	vmul.f32 v38, v38  }
0x424: {  	v17 =	vld [tilespmem:$0x1F600];
	s2 =	smul.f32 $7.812500000e-03, s29;
	[tilespmem:$0x1F7D0] =	vst v38;
	v38 =	vmul.f32 v24, v24;
	v3 =	vadd.f32 v34, v33;
	v1 =	vadd.f32 v28, v27  }
0x425: {  	[tilespmem:$0x1F7C0] =	vst v37;
	s3 =	smul.f32 s0, s0;
	v24 =	vld [tilespmem:s28+$0x1C90];
	v37 =	vadd.f32 v32, v31;
	v2 =	vmul.f32 v4, v25;
	v5 =	vadd.f32 v30, v29  }
0x426: {  	v7 =	vadd.f32 v36, v35;
	v19 =	vadd.f32 v18, v38;
	v18 =	vld [tilespmem:$0x1F610]  }
0x427: {  	s2 =	ssub.f32 s2, s3;
	v35 =	vld [tilespmem:s28+$0x1CC0];
	v3 =	vadd.f32 v3, v37;
	v37 =	vmov s0;
	v2 =	vsub.f32 $1.500000000e+00, v2  }
0x428: {  	v20 =	vadd.f32 v5, v1;
	v27 =	vsub.f32 v53, v37;
	v53 =	vld [tilespmem:s26+$0x380]  }
0x429: {  	s2 =	sadd.f32 $9.999999960e-13, s2;
	v21 =	vadd.f32 v19, v7;
	v31 =	vsub.f32 v55, v37;
	v55 =	vld [tilespmem:s28+$0x1C80]  }
0x42a: {  	(xrf2) =	vadd.scan.msk.f32 $0xffff, v16;
	v32 =	vsub.f32 v52, v37;
	v33 =	vsub.f32 v54, v37;
	v7 =	vld [tilespmem:s26+$0x390]  }
0x42b: {  	(xrf2) =	vadd.scan.msk.f32 $0xffff, v0;
	v30 =	vsub.f32 v17, v37;
	v17 =	vld [tilespmem:$0x1F670];
	v22 =	vmov s2;
	v58 =	vmul.f32 v4, v2  }
0x42c: {  	s30 =	spop (v2sf);
	v28 =	vsub.f32 v56, v37;
	v36 =	vshra.s32 v22, $0x1;
	v16 =	vmul.f32 $5.000000000e-01, v22;
	(xrf2) =	vadd.scan.msk.f32 $0xffff, v20;
	v20 =	vld [tilespmem:$0x1F620]  }
0x42d: {  	s0 =	smul.f32 $7.812500000e-03, s30;
	v62 =	vadd.f32 v21, v3;
	v19, _, _ =	vpop (xrf2);
	v38 =	vsub.s32 $0x5F3759DF, v36;
	v36 =	vld [tilespmem:$0x1F630];
	v23 =	vmul.f32 v58, v6  }
0x42e: {  	v29 =	vsub.f32 v18, v37;
	(v2sf) =	vpush v19, $0xF;
	v19 =	vld [tilespmem:$0x1F680];
	v63 =	vmul.f32 v38, v16;
	v22, _, _ =	vpop (xrf2)  }
0x42f: {  	[tilespmem:$0x1F7F0] =	vst v26;
	v6 =	vld [tilespmem:s26+$0x3A0];
	(v2sf) =	vpush v22, $0xF;
	v26, _, _ =	vpop (xrf2);
	v8 =	vmul.f32 v23, v58;
	v23 =	vmov s0  }
0x430: {  	v21 =	vmul.f32 v38, v63;
	(v2sf) =	vpush v26, $0xF;
	v63 =	vsub.f32 v15, v23;
	v15 =	vld [tilespmem:s28+$0x1CA0]  }
0x431: {  	v25 =	vsub.f32 v20, v37;
	v61 =	vsub.f32 v13, v23;
	v13 =	vld [tilespmem:s26+$0x3B0]  }
0x432: {  	(xrf2) =	vadd.scan.msk.f32 $0xffff, v62;
	v57 =	vsub.f32 v51, v23;
	v51 =	vld [tilespmem:$0x1F650];
	v8 =	vsub.f32 $1.500000000e+00, v8  }
0x433: {  	v62 =	vsub.f32 v47, v23;
	v59 =	vsub.f32 v12, v23;
	v12 =	vld [tilespmem:$0x1F660]  }
0x434: {  	s31 =	spop (v2sf);
	v34, _, _ =	vpop (xrf2);
	v56 =	vsub.f32 v14, v23;
	v14 =	vld [tilespmem:s28+$0x1CB0];
	v9 =	vsub.f32 $1.500000000e+00, v21;
	v8 =	vmul.f32 v8, v58  }
0x435: {  	s2 =	smul.f32 $7.812500000e-03, s31;
	v60 =	vsub.f32 v10, v23;
	v47 =	vld [tilespmem:s26+$0x3C0];
	(v2sf) =	vpush v34, $0xF;
	v37, _, _ =	vpop (xrf2)  }
0x436: {  	v5 =	vld [tilespmem:s28+$0x1CD0];
	s0 =	smul.f32 s0, s0;
	(v2sf) =	vpush v37, $0xF;
	v2 =	vmul.f32 v38, v9;
	v52 =	vmul.f32 v8, v36  }
0x437: {  	v58 =	vsub.f32 v11, v23;
	v38 =	vld [tilespmem:$0x1F640];
	v50 =	vmul.f32 v8, v50;
	v23 =	vmul.f32 v8, v51  }
0x438: {  	v4 =	vld [tilespmem:s26+$0x3E0];
	s0 =	ssub.f32 s2, s0;
	v22 =	vmul.f32 v8, v12;
	v51 =	vmul.f32 v8, v17;
	v36 =	vadd.f32 v55, v53  }
0x439: {  	v10 =	vld [tilespmem:s26+$0x3D0];
	v20 =	vmul.f32 v2, v16;
	v53 =	vadd.f32 v15, v6;
	v55 =	vadd.f32 v14, v13  }
0x43a: {  	v3 =	vld [tilespmem:s28+$0x1CE0];
	s0 =	sadd.f32 $9.999999960e-13, s0;
	v1, _, _ =	vpop (xrf2);
	v26 =	vmul.f32 v8, v19;
	v49 =	vmul.f32 v8, v49;
	v37 =	vadd.f32 v35, v47  }
0x43b: {  	v15 =	vld [tilespmem:s28+$0x1CF0];
	(v2sf) =	vpush v1, $0xF;
	v0 =	vmul.f32 v20, v2;
	v13 =	vadd.f32 v55, v53  }
0x43c: {  	v47 =	vld [tilespmem:s28+$0x1D00];
	v18, _, _ =	vpop (xrf2);
	v21 =	vmul.f32 v8, v38;
	v38 =	vadd.f32 v24, v7;
	v24 =	vmov s0  }
0x43d: {  	v6 =	vmul.f32 v53, v53;
	(v2sf) =	vpush v18, $0xF;
	v7 =	vld [tilespmem:s26+$0x3F0];
	v34 =	vshra.s32 v24, $0x1  }
0x43e: {  	s2 =	spop (v2sf);
	v20 =	vld [tilespmem:s26+$0x400];
	v12 =	vmul.f32 $5.000000000e-01, v24;
	v35 =	vsub.f32 $1.500000000e+00, v0;
	v24 =	vadd.f32 v5, v10  }
0x43f: {  	v11 =	vld [tilespmem:s28+$0x1D30];
	s0 =	smul.f32 $7.812500000e-03, s2;
	v5 =	vmul.f32 v55, v55;
	v14 =	vsub.s32 $0x5F3759DF, v34;
	v0 =	vadd.f32 v38, v36  }
0x440: {  	v9 =	vld [tilespmem:s26+$0x440];
	v34 =	vadd.f32 v3, v4;
	v4 =	vmul.f32 v37, v37;
	v54 =	vmul.f32 v14, v12  }
0x441: {  	v19 =	vld [tilespmem:s26+$0x410];
	s4 =	smul.f32 s0, s0;
	s3 =	spop (v2sf);
	v1 =	vmul.f32 v35, v2;
	v8 =	vadd.f32 v24, v37;
	v5 =	vadd.f32 v5, v6  }
0x442: {  	v17 =	vld [tilespmem:s26+$0x420];
	v2 =	vmul.f32 v24, v24;
	s2 =	smul.f32 $7.812500000e-03, s3;
	v10 =	vadd.f32 v13, v0;
	v35 =	vadd.f32 v15, v7  }
0x443: {  	v16 =	vld [tilespmem:s28+$0x1D20];
	v20 =	vadd.f32 v47, v20;
	v3 =	vmul.f32 v14, v54;
	v15 =	vmul.f32 v36, v36  }
0x444: {  	v18 =	vld [tilespmem:s28+$0x1D10];
	v54 =	vmul.f32 v38, v38;
	v2 =	vadd.f32 v2, v4;
	s2 =	ssub.f32 s2, s4;
	v0 =	vadd.f32 v35, v34  }
0x445: {  	v6 =	vld [tilespmem:s28+$0x1D40];
	v27 =	vmul.f32 v1, v27;
	v32 =	vmul.f32 v1, v32;
	v3 =	vsub.f32 $1.500000000e+00, v3  }
0x446: {  	v13 =	vld [tilespmem:s26+$0x430];
	s2 =	sadd.f32 $9.999999960e-13, s2;
	v7 =	vadd.f32 v0, v8;
	v8 =	vmul.f32 v34, v34;
	v0 =	vmul.f32 v35, v35  }
0x447: {  	v47 =	vld [tilespmem:s28+$0x1D70];
	v33 =	vmul.f32 v1, v33;
	v3 =	vmul.f32 v14, v3;
	v14 =	vadd.f32 v54, v15  }
0x448: {  	v4 =	vld [tilespmem:s28+$0x1D50];
	v28 =	vmul.f32 v1, v28;
	v54 =	vmov s2;
	v0 =	vadd.f32 v0, v8  }
0x449: {  	v8 =	vld [tilespmem:s26+$0x450];
	v5 =	vadd.f32 v5, v14;
	v14 =	vshra.s32 v54, $0x1;
	v54 =	vmul.f32 $5.000000000e-01, v54  }
0x44a: {  	v10 =	vadd.f32 v7, v10;
	v7 =	vld [tilespmem:s28+$0x1D60];
	v0 =	vadd.f32 v0, v2;
	v2 =	vsub.s32 $0x5F3759DF, v14  }
0x44b: {  	v16 =	vadd.f32 v16, v17;
	v31 =	vmul.f32 v1, v31;
	v14 =	vld [tilespmem:s26+$0x460];
	v15 =	vmul.f32 v2, v54  }
0x44c: {  	v18 =	vadd.f32 v18, v19;
	v19 =	vmul.f32 v1, v30;
	v0 =	vadd.f32 v0, v5;
	v5 =	vld [tilespmem:s26+$0x470]  }
0x44d: {  	v29 =	vmul.f32 v1, v29;
	v15 =	vmul.f32 v2, v15  }
0x44e: {  	v25 =	vmul.f32 v1, v25;
	v6 =	vadd.f32 v6, v9;
	v9 =	vmul.f32 v16, v16  }
0x44f: {  	s5 =	spop (v2sf);
	v13 =	vadd.f32 v11, v13;
	v17 =	vmul.f32 v3, v12;
	v30 =	vsub.f32 $1.500000000e+00, v15  }
0x450: {  	s12 =	spop (v2sf);
	s2 =	smul.f32 $7.812500000e-03, s5;
	v12 =	vmul.f32 v20, v20;
	v1 =	vadd.f32 v7, v14;
	v14 =	vmul.f32 v18, v18  }
0x451: {  	s3 =	smul.f32 $7.812500000e-03, s12;
	v11 =	vmul.f32 v2, v30;
	v2 =	vadd.f32 v4, v8;
	v4 =	vadd.f32 v47, v5  }
0x452: {  	[tilespmem:s26+$0x0] =	vst v52;
	s4 =	smul.f32 s2, s2;
	v5 =	vmul.f32 v17, v3;
	v30 =	vadd.f32 v18, v20;
	v47 =	vadd.f32 v13, v16  }
0x453: {  	(xrf2) =	vadd.scan.msk.f32 $0xffff, v10;
	v12 =	vadd.f32 v14, v12;
	v8 =	vmul.f32 v11, v54;
	v52 =	vadd.f32 v2, v6  }
0x454: {  	s3 =	ssub.f32 s3, s4;
	(xrf2) =	vadd.scan.msk.f32 $0xffff, v0;
	v54 =	vadd.f32 v4, v1;
	v7 =	vadd.f32 v47, v30;
	v30 =	vmul.f32 v13, v13  }
0x455: {  	[tilespmem:s26+$0x10] =	vst v50;
	v47 =	vmul.f32 v6, v6;
	v50 =	vmul.f32 v2, v2;
	v5 =	vsub.f32 $1.500000000e+00, v5  }
0x456: {  	s3 =	sadd.f32 $9.999999960e-13, s3;
	v0 =	vadd.f32 v54, v52;
	v52 =	vmul.f32 v1, v1;
	v54 =	vmul.f32 v4, v4  }
0x457: {  	v9 =	vadd.f32 v30, v9;
	v8 =	vmul.f32 v8, v11;
	v3 =	vmul.f32 v5, v3  }
0x458: {  	[tilespmem:s26+$0x50] =	vst v51;
	v30 =	vadd.f32 v50, v47;
	v50 =	vmov s3;
	v47 =	vadd.f32 v54, v52  }
0x459: {  	[tilespmem:s26+$0x90] =	vst v32;
	v32 =	vld [tilespmem:$0x1F6A0];
	v51 =	vshra.s32 v50, $0x1;
	v9 =	vadd.f32 v9, v12;
	v8 =	vsub.f32 $1.500000000e+00, v8  }
0x45a: {  	[tilespmem:s26+$0xA0] =	vst v33;
	v33 =	vld [tilespmem:$0x1F6B0];
	v12 =	vmul.f32 $5.000000000e-01, v50;
	v0 =	vadd.f32 v0, v7;
	v14 =	vmul.f32 v3, v56  }
0x45b: {  	[tilespmem:s26+$0x20] =	vst v21;
	s13 =	spop (v2sf);
	v52 =	vsub.s32 $0x5F3759DF, v51;
	v15 =	vmul.f32 v3, v60;
	v21 =	vmul.f32 v3, v58;
	v56 =	vld [tilespmem:$0x1F6E0]  }
0x45c: {  	s14 =	spop (v2sf);
	s3 =	smul.f32 $7.812500000e-03, s13;
	v58 =	vld [tilespmem:$0x1F700];
	v5 =	vadd.f32 v47, v30;
	v8 =	vmul.f32 v8, v11;
	v10 =	vmul.f32 v52, v12  }
0x45d: {  	[tilespmem:s26+$0x30] =	vst v23;
	s4 =	smul.f32 $7.812500000e-03, s14;
	v54, _, _ =	vpop (xrf2);
	(xrf2) =	vadd.scan.msk.f32 $0xffff, v0;
	v0 =	vmul.f32 v3, v61;
	v11 =	vmul.f32 v3, v62;
	v30 =	vld [tilespmem:$0x1F690]  }
0x45e: {  	[tilespmem:s26+$0x40] =	vst v22;
	s5 =	smul.f32 s3, s3;
	v51 =	vld [tilespmem:$0x1F6D0];
	v62 =	vmul.f32 v3, v59;
	(v2sf) =	vpush v54, $0xF;
	v61, _, _ =	vpop (xrf2);
	v5 =	vadd.f32 v5, v9  }
0x45f: {  	[tilespmem:s26+$0x60] =	vst v26;
	v9 =	vmul.f32 v3, v63;
	(v2sf) =	vpush v61, $0xF;
	v63 =	vmov s0  }
0x460: {  	[tilespmem:s26+$0x70] =	vst v49;
	s16 =	ssub.f32 s4, s5;
	v47 =	vld [tilespmem:$0x1F6C0];
	v10 =	vmul.f32 v52, v10;
	v23 =	vsub.f32 v32, v63;
	v26 =	vsub.f32 v33, v63  }
0x461: {  	v3 =	vmul.f32 v3, v57;
	[tilespmem:s26+$0x110] =	vst v0;
	v0 =	vsub.f32 v56, v63;
	v17 =	vsub.f32 v58, v63  }
0x462: {  	[tilespmem:s26+$0x80] =	vst v27;
	s0 =	sadd.f32 $9.999999960e-13, s16;
	v57 =	vld [tilespmem:$0x1F6F0];
	v10 =	vsub.f32 $1.500000000e+00, v10;
	v22 =	vsub.f32 v30, v63;
	v49 =	vmul.f32 v8, v23  }
0x463: {  	(xrf2) =	vadd.scan.msk.f32 $0xffff, v5;
	v50 =	vmul.f32 v8, v26;
	v26 =	vsub.f32 v51, v63;
	v0 =	vmul.f32 v8, v0  }
0x464: {  	[tilespmem:s26+$0xD0] =	vst v19;
	s17 =	spop (v2sf);
	v7 =	vmul.f32 v52, v10;
	v52 =	vmov s0;
	v19 =	vmul.f32 v8, v22  }
0x465: {  	[tilespmem:s26+$0xF0] =	vst v25;
	s29 =	spop (v2sf);
	s0 =	smul.f32 $7.812500000e-03, s17;
	v22 =	vsub.f32 v47, v63;
	v54 =	vshra.s32 v52, $0x1;
	v25 =	vmul.f32 $5.000000000e-01, v52  }
0x466: {  	s4 =	smul.f32 $7.812500000e-03, s29;
	[tilespmem:s26+$0x100] =	vst v9;
	v51 =	vld [tilespmem:$0x1F710];
	v9 =	vmul.f32 v8, v26;
	v12 =	vmul.f32 v7, v12;
	v26 =	vsub.s32 $0x5F3759DF, v54  }
0x467: {  	[tilespmem:s26+$0x120] =	vst v11;
	v11 =	vsub.f32 v57, v63;
	v63 =	vmov s2;
	s30 =	smul.f32 s0, s0;
	v54 =	vld [tilespmem:$0x1F720];
	v59 =	vmul.f32 v26, v25  }
0x468: {  	[tilespmem:s26+$0xC0] =	vst v31;
	v30 =	vsub.f32 v45, v63;
	v31 =	vsub.f32 v46, v63;
	v12 =	vmul.f32 v12, v7  }
0x469: {  	[tilespmem:s26+$0x150] =	vst v15;
	v46 =	vsub.f32 v39, v63;
	v48 =	vsub.f32 v48, v63;
	s31 =	ssub.f32 s4, s30;
	v27 =	vmul.f32 v26, v59  }
0x46a: {  	[tilespmem:s26+$0x130] =	vst v62;
	v22 =	vmul.f32 v8, v22;
	v11 =	vmul.f32 v8, v11;
	v60, _, _ =	vpop (xrf2);
	v61 =	vsub.f32 $1.500000000e+00, v12  }
0x46b: {  	v8 =	vmul.f32 v8, v17;
	[tilespmem:s26+$0x1C0] =	vst v9;
	(v2sf) =	vpush v60, $0xF;
	s2 =	sadd.f32 $9.999999960e-13, s31;
	v32 =	vsub.f32 $1.500000000e+00, v27  }
0x46c: {  	[tilespmem:s26+$0x1B0] =	vst v22;
	v22 =	vsub.f32 v51, v63;
	v9 =	vsub.f32 v54, v63;
	v5 =	vmul.f32 v61, v7  }
0x46d: {  	[tilespmem:s26+$0x190] =	vst v49;
	v60 =	vld [tilespmem:$0x1F740];
	v62, _, _ =	vpop (xrf2);
	v47 =	vmov s2;
	v61 =	vmov s3;
	v15 =	vmul.f32 v26, v32  }
0x46e: {  	v56 =	vld [tilespmem:$0x1F730];
	[tilespmem:s26+$0x1A0] =	vst v50;
	(v2sf) =	vpush v62, $0xF;
	v49 =	vshra.s32 v47, $0x1;
	v17 =	vmul.f32 $5.000000000e-01, v47  }
0x46f: {  	[tilespmem:s26+$0x180] =	vst v19;
	v33 =	vmul.f32 v5, v30;
	v19 =	vsub.s32 $0x5F3759DF, v49;
	v50 =	vmul.f32 v15, v25  }
0x470: {  	[tilespmem:s26+$0xB0] =	vst v28;
	v39 =	vld [tilespmem:$0x1F760];
	v26 =	vsub.f32 v41, v61;
	v45 =	vmul.f32 v5, v31;
	v52 =	vmul.f32 v19, v17  }
0x471: {  	[tilespmem:s26+$0x160] =	vst v21;
	v32 =	vld [tilespmem:$0x1F750];
	v47 =	vmov s0;
	v12 =	vmul.f32 v5, v46;
	s4 =	spop (v2sf);
	v21 =	vmul.f32 v50, v15  }
0x472: {  	[tilespmem:s26+$0x1F0] =	vst v8;
	v41 =	vld [tilespmem:$0x1F770];
	v10 =	vmul.f32 v5, v48;
	v8 =	vsub.f32 v60, v63;
	s5 =	spop (v2sf);
	s2 =	smul.f32 $7.812500000e-03, s4;
	v58 =	vmul.f32 v19, v52  }
0x473: {  	[tilespmem:s26+$0xE0] =	vst v29;
	v57 =	vmul.f32 v5, v22;
	v46 =	vld [tilespmem:$0x1F790];
	v25 =	vsub.f32 v56, v63;
	s4 =	smul.f32 $7.812500000e-03, s5;
	v21 =	vsub.f32 $1.500000000e+00, v21  }
0x474: {  	v9 =	vmul.f32 v5, v9;
	v63 =	vsub.f32 v42, v61;
	[tilespmem:s26+$0x210] =	vst v45;
	v45 =	vld [tilespmem:$0x1F780];
	s12 =	smul.f32 s2, s2;
	v22 =	vsub.f32 $1.500000000e+00, v58  }
0x475: {  	[tilespmem:s26+$0x1D0] =	vst v0;
	v59 =	vmul.f32 v5, v25;
	v25 =	vsub.f32 v43, v61;
	v62 =	vmul.f32 v21, v15  }
0x476: {  	[tilespmem:s26+$0x250] =	vst v9;
	v9 =	vsub.f32 v39, v61;
	v0 =	vsub.f32 v32, v61;
	s13 =	ssub.f32 s4, s12;
	v27 =	vmul.f32 v19, v22  }
0x477: {  	[tilespmem:s26+$0x1E0] =	vst v11;
	v11 =	vsub.f32 v41, v61;
	v28 =	vmul.f32 v62, v63;
	v29 =	vmul.f32 v62, v25  }
0x478: {  	[tilespmem:s26+$0x220] =	vst v12;
	v12 =	vsub.f32 v46, v61;
	v58 =	vld [tilespmem:$0x1F7A0];
	s3 =	sadd.f32 $9.999999960e-13, s13;
	v7 =	vmul.f32 v62, v26;
	v30 =	vmul.f32 v27, v17  }
0x479: {  	[tilespmem:s26+$0x170] =	vst v3;
	v0 =	vmul.f32 v62, v0;
	v43 =	vmul.f32 v62, v9;
	v9 =	vsub.f32 v45, v61;
	v63 =	vld [tilespmem:$0x1F7C0]  }
0x47a: {  	[tilespmem:s26+$0x200] =	vst v33;
	v31 =	vmov s3;
	v11 =	vmul.f32 v62, v11;
	v3 =	vmul.f32 v62, v12;
	v25 =	vld [tilespmem:$0x1F7E0]  }
0x47b: {  	[tilespmem:s26+$0x230] =	vst v10;
	v33 =	vshra.s32 v31, $0x1;
	v17 =	vmul.f32 $5.000000000e-01, v31;
	v49 =	vmul.f32 v62, v9;
	v62 =	vld [tilespmem:$0x1F7B0]  }
0x47c: {  	v48 =	vsub.f32 v44, v47;
	v10 =	vmul.f32 v30, v27;
	v19 =	vsub.s32 $0x5F3759DF, v33;
	[tilespmem:s26+$0x290] =	vst v29;
	v29 =	vld [tilespmem:$0x1F7F0]  }
0x47d: {  	s14 =	spop (v2sf);
	[tilespmem:s26+$0x2D0] =	vst v11;
	v11 =	vsub.f32 v58, v47;
	v30 =	vmov s2;
	v58 =	vld [tilespmem:s26+$0x490];
	v42 =	vmul.f32 v19, v17  }
0x47e: {  	v52 =	vsub.f32 v40, v47;
	s17 =	smul.f32 $7.812500000e-03, s14;
	v40 =	vsub.f32 v55, v30;
	v55 =	vld [tilespmem:s28+$0x1D80]  }
0x47f: {  	v46 =	vsub.f32 v34, v30;
	v34 =	vld [tilespmem:s26+$0x4F0];
	v10 =	vsub.f32 $1.500000000e+00, v10;
	v21 =	vmul.f32 v19, v42  }
0x480: {  	v5 =	vmul.f32 v5, v8;
	v31 =	vsub.f32 v36, v30;
	s30 =	smul.f32 s17, s17;
	s16 =	spop (v2sf);
	v42 =	vsub.f32 v37, v30;
	v37 =	vld [tilespmem:s26+$0x510]  }
0x481: {  	[tilespmem:s26+$0x140] =	vst v14;
	v33 =	vsub.f32 v38, v30;
	s29 =	smul.f32 $7.812500000e-03, s16;
	v8 =	vmul.f32 v10, v27;
	v50 =	vsub.f32 $1.500000000e+00, v21;
	v21 =	vld [tilespmem:$0x1F7D0]  }
0x482: {  	[tilespmem:s26+$0x240] =	vst v57;
	v36 =	vsub.f32 v53, v30;
	v14 =	vsub.f32 v29, v47;
	v29 =	vld [tilespmem:s28+$0x1DC0]  }
0x483: {  	[tilespmem:s26+$0x260] =	vst v59;
	v44 =	vsub.f32 v24, v30;
	s4 =	ssub.f32 s29, s30;
	v51 =	vmul.f32 v8, v48;
	v10 =	vmul.f32 v8, v52;
	v52 =	vld [tilespmem:s26+$0x480]  }
0x484: {  	[tilespmem:s26+$0x2A0] =	vst v7;
	v61 =	vmul.f32 v8, v11;
	v48 =	vsub.f32 v35, v30;
	v30 =	vld [tilespmem:s26+$0x4D0];
	v56 =	vmul.f32 v19, v50  }
0x485: {  	[tilespmem:s26+$0x2B0] =	vst v0;
	v35 =	vld [tilespmem:s28+$0x1DF0];
	s31 =	sadd.f32 $9.999999960e-13, s4  }
0x486: {  	v32 =	vmul.f32 v8, v14;
	[tilespmem:s26+$0x320] =	vst v61;
	v61 =	vld [tilespmem:s28+$0x1D90];
	v59 =	vmul.f32 v56, v17  }
0x487: {  	[tilespmem:s26+$0x2E0] =	vst v49;
	v49 =	vmov s17;
	v17 =	vsub.f32 v63, v47;
	v63 =	vld [tilespmem:s26+$0x4A0];
	v54 =	vmov s31  }
0x488: {  	[tilespmem:s26+$0x370] =	vst v32;
	v32 =	vld [tilespmem:s26+$0x4E0];
	v0 =	vsub.f32 v21, v47;
	v57 =	vshra.s32 v54, $0x1;
	v7 =	vmul.f32 v59, v56  }
0x489: {  	v21 =	vld [tilespmem:s28+$0x1DA0];
	v12 =	vmul.f32 $5.000000000e-01, v54;
	v23 =	vmul.f32 v8, v17;
	v17 =	vsub.f32 v25, v47  }
0x48a: {  	[tilespmem:s26+$0x280] =	vst v28;
	v54 =	vsub.f32 v18, v49;
	v18 =	vld [tilespmem:s28+$0x1E20];
	v9 =	vsub.s32 $0x5F3759DF, v57;
	v26 =	vsub.f32 $1.500000000e+00, v7  }
0x48b: {  	v11 =	vsub.f32 v62, v47;
	v60 =	vmul.f32 v9, v12;
	[tilespmem:s26+$0x340] =	vst v23;
	v23 =	vld [tilespmem:s26+$0x4B0]  }
0x48c: {  	[tilespmem:s26+$0x2F0] =	vst v3;
	v28 =	vmul.f32 v8, v17;
	v17 =	vld [tilespmem:s26+$0x520];
	v3 =	vmul.f32 v26, v56  }
0x48d: {  	v22 =	vmul.f32 v8, v11;
	v15 =	vmul.f32 v9, v60;
	v26 =	vld [tilespmem:s28+$0x1DB0]  }
0x48e: {  	[tilespmem:s26+$0x270] =	vst v5;
	v11 =	vadd.f32 v21, v63;
	v63 =	vld [tilespmem:s26+$0x560];
	v5 =	vmul.f32 v3, v31;
	v39 =	vmul.f32 v3, v33  }
0x48f: {  	[tilespmem:s26+$0x2C0] =	vst v43;
	v41 =	vmul.f32 v3, v36;
	v43 =	vmul.f32 v3, v40;
	v31 =	vld [tilespmem:s28+$0x1DD0]  }
0x490: {  	v45 =	vmul.f32 v3, v42;
	v47 =	vmul.f32 v3, v44;
	v33 =	vld [tilespmem:s28+$0x1DE0]  }
0x491: {  	v50 =	vmul.f32 v3, v46;
	v53 =	vmul.f32 v3, v48;
	v3 =	vld [tilespmem:s26+$0x500]  }
0x492: {  	v36 =	vld [tilespmem:s28+$0x1E00]  }
0x493: {  	v27 =	vsub.f32 $1.500000000e+00, v15;
	v44 =	vld [tilespmem:s28+$0x1E30]  }
0x494: {  	v40 =	vld [tilespmem:s28+$0x1E60]  }
0x495: {  	v48 =	vld [tilespmem:s28+$0x1E70];
	v7 =	vmul.f32 v9, v27  }
0x496: {  	[tilespmem:s26+$0x310] =	vst v10;
	v27 =	vld [tilespmem:s26+$0x4C0]  }
0x497: {  	[tilespmem:s26+$0x390] =	vst v39;
	v39 =	vld [tilespmem:s28+$0x1E10];
	v38 =	vmul.f32 v7, v12  }
0x498: {  	[tilespmem:s26+$0x3C0] =	vst v45;
	v45 =	vld [tilespmem:s26+$0x540]  }
0x499: {  	v6 =	vsub.f32 v6, v49;
	[tilespmem:s26+$0x3A0] =	vst v41;
	v41 =	vld [tilespmem:s26+$0x570];
	v10 =	vmul.f32 v38, v7  }
0x49a: {  	v60 =	vsub.f32 v13, v49;
	v9 =	vadd.f32 v31, v30;
	v31 =	vld [tilespmem:s28+$0x1E80]  }
0x49b: {  	v13 =	vadd.f32 v33, v32;
	v32 =	vld [tilespmem:s26+$0x5A0];
	v10 =	vsub.f32 $1.500000000e+00, v10  }
0x49c: {  	v2 =	vsub.f32 v2, v49;
	v1 =	vsub.f32 v1, v49;
	v33 =	vld [tilespmem:s28+$0x1EA0]  }
0x49d: {  	[tilespmem:s26+$0x300] =	vst v51;
	v51 =	vsub.f32 v20, v49;
	v25 =	vsub.f32 v4, v49;
	v30 =	vld [tilespmem:s26+$0x5B0];
	v7 =	vmul.f32 v10, v7  }
0x49e: {  	v57 =	vsub.f32 v16, v49;
	v16 =	vadd.f32 v39, v37;
	v37 =	vld [tilespmem:s26+$0x600]  }
0x49f: {  	v12 =	vadd.f32 v29, v27;
	v27 =	vld [tilespmem:s28+$0x1FE0];
	v56 =	vmul.f32 v7, v51;
	v59 =	vmul.f32 v7, v54  }
0x4a0: {  	v10 =	vadd.f32 v61, v58;
	v58 =	vld [tilespmem:s26+$0x550];
	v62 =	vmul.f32 v7, v57;
	v20 =	vmul.f32 v7, v60  }
0x4a1: {  	[tilespmem:s26+$0x330] =	vst v22;
	v22 =	vmul.f32 v7, v6;
	v24 =	vmul.f32 v7, v2;
	v57 =	vld [tilespmem:s28+$0x1E40]  }
0x4a2: {  	[tilespmem:s26+$0x360] =	vst v28;
	v1 =	vmul.f32 v7, v1;
	v28 =	vmul.f32 v7, v25;
	v7 =	vadd.f32 v35, v34;
	v34 =	vld [tilespmem:s26+$0x590]  }
0x4a3: {  	v6 =	vld [tilespmem:s26+$0x5F0]  }
0x4a4: {  	v14 =	vadd.f32 v55, v52;
	v0 =	vmul.f32 v8, v0;
	v8 =	vadd.f32 v26, v23;
	[tilespmem:s26+$0x420] =	vst v62;
	v62 =	vld [tilespmem:s28+$0x1E50]  }
0x4a5: {  	v52 =	vmul.f32 v9, v9;
	v51 =	vmul.f32 v12, v12;
	[tilespmem:s26+$0x470] =	vst v28;
	v28 =	vld [tilespmem:s26+$0x580]  }
0x4a6: {  	v4 =	vadd.f32 v8, v11;
	v38 =	vadd.f32 v10, v14;
	[tilespmem:s26+$0x400] =	vst v56;
	v56 =	vld [tilespmem:s28+$0x1E90]  }
0x4a7: {  	[tilespmem:s26+$0x3B0] =	vst v43;
	v29 =	vadd.f32 v52, v51;
	v51 =	vld [tilespmem:s28+$0x1ED0]  }
0x4a8: {  	[tilespmem:s26+$0x3E0] =	vst v50;
	v2 =	vadd.f32 v4, v38;
	v38 =	vld [tilespmem:s28+$0x1F00]  }
0x4a9: {  	v42 =	vadd.f32 v9, v12;
	[tilespmem:s26+$0x450] =	vst v24;
	v15 =	vadd.f32 v7, v13;
	v24 =	vld [tilespmem:s28+$0x1F10]  }
0x4aa: {  	v49 =	vmul.f32 v11, v11;
	v50 =	vmul.f32 v8, v8;
	[tilespmem:s26+$0x460] =	vst v1;
	v1 =	vld [tilespmem:s26+$0x660]  }
0x4ab: {  	[tilespmem:s26+$0x3F0] =	vst v53;
	v53 =	vmul.f32 v13, v13;
	v54 =	vmul.f32 v7, v7;
	v43 =	vadd.f32 v15, v42;
	v15 =	vld [tilespmem:s26+$0x530]  }
0x4ac: {  	v42 =	vadd.f32 v36, v3;
	v36 =	vld [tilespmem:s28+$0x1EB0]  }
0x4ad: {  	v55 =	vadd.f32 v50, v49;
	v60 =	vadd.f32 v54, v53;
	v54 =	vld [tilespmem:s28+$0x1EF0]  }
0x4ae: {  	v46 =	vmul.f32 v14, v14;
	v3 =	vld [tilespmem:s28+$0x1F60];
	v4 =	vadd.f32 v57, v45;
	v2 =	vadd.f32 v43, v2  }
0x4af: {  	[tilespmem:s26+$0x3D0] =	vst v47;
	v47 =	vmul.f32 v10, v10;
	v29 =	vadd.f32 v60, v29;
	v43 =	vadd.f32 v18, v17;
	v17 =	vld [tilespmem:s28+$0x1EC0]  }
0x4b0: {  	v49 =	vadd.f32 v16, v42;
	v18 =	vld [tilespmem:s28+$0x1F30];
	v45 =	vadd.f32 v62, v58  }
0x4b1: {  	v57 =	vmul.f32 v42, v42;
	v60 =	vadd.f32 v31, v28;
	v28 =	vld [tilespmem:s26+$0x640];
	(xrf2) =	vadd.scan.msk.f32 $0xffff, v2;
	v2 =	vadd.f32 v47, v46  }
0x4b2: {  	[tilespmem:s26+$0x380] =	vst v5;
	v58 =	vmul.f32 v16, v16;
	v46 =	vadd.f32 v40, v63;
	v47 =	vadd.f32 v48, v41;
	v48 =	vld [tilespmem:s26+$0x5D0]  }
0x4b3: {  	[tilespmem:s26+$0x440] =	vst v22;
	v62 =	vmul.f32 v43, v43;
	v44 =	vadd.f32 v44, v15;
	v15 =	vld [tilespmem:s26+$0x5C0];
	v22 =	vadd.f32 v45, v4  }
0x4b4: {  	[tilespmem:$0x1F840] =	vst v45;
	v5 =	vmul.f32 v45, v45;
	v23 =	vadd.f32 v58, v57;
	v45 =	vadd.f32 v56, v34;
	v56 =	vld [tilespmem:s26+$0x620]  }
0x4b5: {  	[tilespmem:$0x1F830] =	vst v4;
	v4 =	vmul.f32 v4, v4;
	v57 =	vld [tilespmem:s28+$0x1F20];
	v61 =	vadd.f32 v55, v2;
	v26 =	vadd.f32 v47, v46  }
0x4b6: {  	[tilespmem:$0x1F850] =	vst v46;
	v2 =	vld [tilespmem:s28+$0x1EE0];
	v52 =	vmul.f32 v46, v46;
	v46 =	vadd.f32 v36, v30;
	v50 =	vadd.f32 v44, v43  }
0x4b7: {  	[tilespmem:s26+$0x430] =	vst v20;
	v53 =	vmul.f32 v47, v47;
	v20 =	vadd.f32 v5, v4;
	v4 =	vld [tilespmem:s26+$0x670];
	v29 =	vadd.f32 v29, v61  }
0x4b8: {  	[tilespmem:$0x1F860] =	vst v47;
	v63 =	vmul.f32 v44, v44;
	v47 =	vadd.f32 v45, v60;
	v5 =	vld [tilespmem:s28+$0x1F70];
	v22 =	vadd.f32 v26, v22  }
0x4b9: {  	v26 =	vadd.f32 v53, v52;
	v61 =	vadd.f32 v33, v32;
	v52 =	vld [tilespmem:s28+$0x1F40];
	(xrf2) =	vadd.scan.msk.f32 $0xffff, v29  }
0x4ba: {  	v32 =	vld [tilespmem:s26+$0x700];
	v19 =	vadd.f32 v50, v49;
	v55 =	vadd.f32 v63, v62  }
0x4bb: {  	v41 =	vadd.f32 v51, v48;
	v63 =	vld [tilespmem:s28+$0x1F50];
	v20 =	vadd.f32 v26, v20  }
0x4bc: {  	[tilespmem:s26+$0x410] =	vst v59;
	v31 =	vmul.f32 v60, v60;
	v62 =	vadd.f32 v17, v15;
	v15 =	vld [tilespmem:s26+$0x630];
	v17 =	vadd.f32 v54, v6;
	v59, _, _ =	vpop (xrf2)  }
0x4bd: {  	v51 =	vmul.f32 v45, v45;
	v48 =	vadd.f32 v46, v61;
	(v2sf) =	vpush v59, $0xF;
	v59 =	vld [tilespmem:s26+$0x5E0]  }
0x4be: {  	v57 =	vadd.f32 v57, v56;
	v23 =	vadd.f32 v55, v23;
	v55 =	vld [tilespmem:s26+$0x650]  }
0x4bf: {  	v26 =	vld [tilespmem:s28+$0x1F90];
	v19 =	vadd.f32 v22, v19;
	v31 =	vadd.f32 v51, v31  }
0x4c0: {  	[tilespmem:$0x1F800] =	vst v42;
	v36 =	vmul.f32 v46, v46;
	v22 =	vld [tilespmem:s26+$0x610];
	v50 =	vadd.f32 v41, v62;
	v21 =	vadd.f32 v48, v47  }
0x4c1: {  	[tilespmem:$0x1F810] =	vst v43;
	v54 =	vmul.f32 v61, v61;
	v40 =	vadd.f32 v5, v4;
	v20 =	vadd.f32 v20, v23;
	v23 =	vld [tilespmem:s26+$0x6B0]  }
0x4c2: {  	v58 =	vmul.f32 v62, v62;
	(xrf2) =	vadd.scan.msk.f32 $0xffff, v19;
	v43 =	vadd.f32 v18, v15;
	v15 =	vld [tilespmem:s26+$0x680];
	v49 =	vadd.f32 v2, v59  }
0x4c3: {  	[tilespmem:$0x1F820] =	vst v44;
	v18 =	vld [tilespmem:s28+$0x1F80];
	v44 =	vadd.f32 v63, v55;
	v59 =	vmul.f32 v41, v41;
	v2 =	vadd.f32 v36, v54;
	v48, _, _ =	vpop (xrf2)  }
0x4c4: {  	v42 =	vmul.f32 v17, v17;
	(xrf2) =	vadd.scan.msk.f32 $0xffff, v20;
	v20 =	vld [tilespmem:s28+$0x1FB0];
	(v2sf) =	vpush v48, $0xF;
	v53 =	vadd.f32 v17, v49  }
0x4c5: {  	[tilespmem:s26+$0x350] =	vst v0;
	v48 =	vld [tilespmem:s26+$0x710];
	v0 =	vmul.f32 v49, v49;
	v25 =	vadd.f32 v59, v58;
	v6 =	vadd.f32 v2, v31  }
0x4c6: {  	v58 =	vadd.f32 v52, v28;
	v59 =	vadd.f32 v3, v1;
	v28 =	vld [tilespmem:s26+$0x6A0]  }
0x4c7: {  	v31 =	vld [tilespmem:s28+$0x1FF0];
	v30 =	vadd.f32 v53, v50;
	v34 =	vadd.f32 v42, v0  }
0x4c8: {  	v50 =	vadd.f32 v38, v37;
	v42 =	vadd.f32 v24, v22;
	v22 =	vld [tilespmem:s26+$0x690]  }
0x4c9: {  	v37 =	vadd.f32 v44, v58;
	v38 =	vadd.f32 v40, v59;
	v24 =	vld [tilespmem:s28+$0x1FC0]  }
0x4ca: {  	v36 =	vadd.f32 v43, v57;
	v21 =	vadd.f32 v30, v21;
	v30 =	vld [tilespmem:s26+$0x6F0]  }
0x4cb: {  	v19 =	vadd.f32 v38, v37;
	v37 =	vadd.f32 v18, v15;
	v15 =	vld [tilespmem:s28+$0x2030]  }
0x4cc: {  	v25 =	vadd.f32 v34, v25;
	v35 =	vadd.f32 v42, v50;
	v0, _, _ =	vpop (xrf2);
	v18 =	vld [tilespmem:s26+$0x740]  }
0x4cd: {  	(v2sf) =	vpush v0, $0xF;
	v0 =	vld [tilespmem:s28+$0x2070];
	s4 =	spop (v2sf)  }
0x4ce: {  	v39 =	vadd.f32 v25, v6;
	v25 =	vld [tilespmem:s28+$0x1FA0];
	v47 =	vadd.f32 v36, v35;
	s29 =	smul.f32 $7.812500000e-03, s4  }
0x4cf: {  	(xrf2) =	vadd.scan.msk.f32 $0xffff, v21;
	v21 =	vld [tilespmem:s26+$0x6C0]  }
0x4d0: {  	v6 =	vld [tilespmem:s28+$0x20B0];
	v19 =	vadd.f32 v19, v47;
	v29 =	vmov s29  }
0x4d1: {  	(xrf2) =	vadd.scan.msk.f32 $0xffff, v39;
	v39 =	vld [tilespmem:s28+$0x2000];
	v51 =	vsub.f32 v14, v29  }
0x4d2: {  	(xrf2) =	vadd.scan.msk.f32 $0xffff, v19;
	v19 =	vld [tilespmem:s26+$0x6D0];
	v52 =	vsub.f32 v10, v29  }
0x4d3: {  	v2 =	vmul.f32 v50, v50;
	v14 =	vld [tilespmem:s28+$0x1FD0];
	v53 =	vsub.f32 v11, v29;
	v54 =	vsub.f32 v8, v29;
	[tilespmem:$0x1F8D0] =	vst v51  }
0x4d4: {  	v3 =	vmul.f32 v42, v42;
	v11 =	vld [tilespmem:s26+$0x6E0];
	v55 =	vsub.f32 v12, v29;
	v56 =	vsub.f32 v9, v29;
	[tilespmem:$0x1F8E0] =	vst v52  }
0x4d5: {  	v5 =	vmul.f32 v57, v57;
	v63 =	vsub.f32 v13, v29;
	v29 =	vsub.f32 v7, v29;
	v7 =	vld [tilespmem:s28+$0x2090];
	[tilespmem:$0x1F900] =	vst v54  }
0x4d6: {  	v33 =	vmul.f32 v58, v58;
	v34 =	vadd.f32 v26, v22;
	v9 =	vadd.f32 v3, v2;
	v3 =	vld [tilespmem:s28+$0x2170];
	[tilespmem:$0x1F910] =	vst v55  }
0x4d7: {  	v1, _, _ =	vpop (xrf2);
	[tilespmem:$0x1F920] =	vst v56;
	v52 =	vmul.f32 v43, v43;
	v54 =	vmul.f32 v44, v44;
	v51 =	vld [tilespmem:s28+$0x2010]  }
0x4d8: {  	(v2sf) =	vpush v1, $0xF;
	v26 =	vmul.f32 v34, v34;
	v55 =	vmul.f32 v59, v59;
	[tilespmem:$0x1F940] =	vst v29;
	v29 =	vld [tilespmem:s28+$0x2020]  }
0x4d9: {  	[tilespmem:$0x1F930] =	vst v63;
	v56 =	vmul.f32 v40, v40;
	v63 =	vadd.f32 v52, v5;
	v5 =	vadd.f32 v54, v33;
	v33 =	vld [tilespmem:s26+$0x720]  }
0x4da: {  	v35 =	vadd.f32 v25, v28;
	v38 =	vadd.f32 v24, v21;
	v13 =	vmul.f32 v37, v37;
	v54 =	vld [tilespmem:s26+$0x760]  }
0x4db: {  	v10 =	vadd.f32 v31, v30;
	v4, _, _ =	vpop (xrf2);
	v8 =	vadd.f32 v56, v55;
	v55 =	vld [tilespmem:s28+$0x2060]  }
0x4dc: {  	v25 =	vadd.f32 v26, v13;
	v56 =	vld [tilespmem:s26+$0x770];
	(v2sf) =	vpush v4, $0xF  }
0x4dd: {  	v52 =	vadd.f32 v8, v5;
	v8 =	vadd.f32 v14, v19;
	v19 =	vld [tilespmem:s28+$0x2040]  }
0x4de: {  	[tilespmem:$0x1F870] =	vst v34;
	v47 =	vadd.f32 v63, v9;
	v63 =	vadd.f32 v20, v23;
	v20 =	vld [tilespmem:s26+$0x750]  }
0x4df: {  	v28 =	vmul.f32 v35, v35;
	[tilespmem:$0x1F8F0] =	vst v53;
	v53, _, _ =	vpop (xrf2);
	v9 =	vadd.f32 v27, v11;
	v11 =	vadd.f32 v34, v37;
	v23 =	vld [tilespmem:s28+$0x2050]  }
0x4e0: {  	[tilespmem:$0x1F880] =	vst v35;
	v34 =	vmul.f32 v38, v38;
	(v2sf) =	vpush v53, $0xF;
	v53 =	vld [tilespmem:s26+$0x730];
	v12 =	vadd.f32 v63, v35  }
0x4e1: {  	v4, _, _ =	vpop (xrf2);
	[tilespmem:$0x1F8A0] =	vst v8;
	v24 =	vadd.f32 v8, v38;
	v27 =	vadd.f32 v10, v9;
	v35 =	vmul.f32 v8, v8;
	v8 =	vld [tilespmem:s26+$0x780]  }
0x4e2: {  	[tilespmem:$0x1F890] =	vst v63;
	v14 =	vmul.f32 v63, v63;
	v63 =	vld [tilespmem:s28+$0x2080];
	v47 =	vadd.f32 v52, v47;
	(v2sf) =	vpush v4, $0xF  }
0x4e3: {  	v36 =	vmul.f32 v9, v9;
	v29 =	vadd.f32 v29, v33;
	v26 =	vadd.f32 v55, v54;
	v33 =	vld [tilespmem:s26+$0x7C0]  }
0x4e4: {  	v4 =	vmul.f32 v10, v10;
	v21 =	vadd.f32 v12, v11;
	v22 =	vadd.f32 v35, v34;
	v35 =	vld [tilespmem:s28+$0x20D0]  }
0x4e5: {  	v24 =	vadd.f32 v27, v24;
	v31 =	vadd.f32 v19, v18;
	v18 =	vld [tilespmem:s26+$0x7B0]  }
0x4e6: {  	v5 =	vadd.f32 v14, v28;
	v27 =	vadd.f32 v4, v36;
	v36 =	vld [tilespmem:s28+$0x20F0]  }
0x4e7: {  	v28 =	vadd.f32 v51, v48;
	v52 =	vadd.f32 v24, v21;
	v21 =	vld [tilespmem:s26+$0x790]  }
0x4e8: {  	v24 =	vadd.f32 v5, v25;
	v30 =	vadd.f32 v15, v53;
	v15 =	vld [tilespmem:s28+$0x20A0]  }
0x4e9: {  	v12 =	vmul.f32 v29, v29;
	v53 =	vld [tilespmem:s28+$0x20C0];
	v22 =	vadd.f32 v27, v22;
	v27 =	vadd.f32 v39, v32  }
0x4ea: {  	[tilespmem:$0x1F8C0] =	vst v10;
	v25 =	vadd.f32 v0, v56;
	v51 =	vmul.f32 v28, v28;
	v5 =	vld [tilespmem:s26+$0x7D0];
	v39 =	vadd.f32 v23, v20  }
0x4eb: {  	[tilespmem:$0x1F8B0] =	vst v9;
	v32 =	vld [tilespmem:s26+$0x7A0];
	v14 =	vmul.f32 v31, v31;
	v10 =	vadd.f32 v30, v29;
	v9 =	vadd.f32 v28, v27  }
0x4ec: {  	v13 =	vmul.f32 v30, v30;
	v11 =	vmul.f32 v27, v27;
	v20 =	vadd.f32 v6, v18;
	v6 =	vld [tilespmem:s26+$0x860]  }
0x4ed: {  	v54 =	vadd.f32 v25, v26;
	v34 =	vmul.f32 v39, v39;
	v19 =	vadd.f32 v10, v9;
	v10 =	vld [tilespmem:s26+$0x7E0]  }
0x4ee: {  	v48 =	vadd.f32 v51, v11;
	v11 =	vadd.f32 v13, v12;
	v12 =	vld [tilespmem:s28+$0x20E0]  }
0x4ef: {  	v23 =	vadd.f32 v39, v31;
	v1 =	vadd.f32 v34, v14;
	v13 =	vld [tilespmem:s26+$0x7F0]  }
0x4f0: {  	v0 =	vmul.f32 v25, v25;
	v14 =	vadd.f32 v22, v24;
	v24 =	vadd.f32 v63, v8;
	v8 =	vld [tilespmem:s26+$0x810]  }
0x4f1: {  	s12 =	spop (v2sf);
	v23 =	vadd.f32 v54, v23;
	v9 =	vmul.f32 v26, v26;
	v35 =	vadd.f32 v35, v5;
	v5 =	vld [tilespmem:s26+$0x820]  }
0x4f2: {  	s5 =	spop (v2sf);
	(xrf2) =	vadd.scan.msk.f32 $0xffff, v47;
	v22 =	vadd.f32 v7, v21;
	v21 =	vadd.f32 v53, v33;
	v33 =	vld [tilespmem:$0x1F840]  }
0x4f3: {  	s0 =	spop (v2sf);
	(xrf2) =	vadd.scan.msk.f32 $0xffff, v52;
	v0 =	vadd.f32 v0, v9;
	v9 =	vld [tilespmem:s28+$0x2100]  }
0x4f4: {  	s4 =	smul.f32 $7.812500000e-03, s5;
	v19 =	vadd.f32 v23, v19;
	v48 =	vadd.f32 v11, v48;
	(xrf2) =	vadd.scan.msk.f32 $0xffff, v14;
	v14 =	vld [tilespmem:$0x1F810];
	s13 =	spop (v2sf)  }
0x4f5: {  	v23 =	vadd.f32 v15, v32;
	v47 =	vadd.f32 v22, v24;
	v32 =	vld [tilespmem:$0x1F830];
	s31 =	smul.f32 $7.812500000e-03, s13  }
0x4f6: {  	v53 =	vmov s4;
	v0 =	vadd.f32 v0, v1;
	(xrf2) =	vadd.scan.msk.f32 $0xffff, v19;
	v19 =	vld [tilespmem:$0x1F820];
	v34 =	vadd.f32 v12, v10  }
0x4f7: {  	v36 =	vadd.f32 v36, v13;
	v10 =	vld [tilespmem:s26+$0x800];
	v13 =	vsub.f32 v16, v53;
	v52 =	vmov s31  }
0x4f8: {  	v51 =	vadd.f32 v20, v23;
	v12 =	vld [tilespmem:$0x1F800];
	v54 =	vsub.f32 v45, v52  }
0x4f9: {  	v16 =	vld [tilespmem:s28+$0x2110];
	v0 =	vadd.f32 v0, v48;
	[tilespmem:$0x1F950] =	vst v13;
	v55 =	vsub.f32 v61, v52  }
0x4fa: {  	v1 =	vadd.f32 v51, v47;
	v47 =	vld [tilespmem:$0x1F850];
	v61 =	vsub.f32 v62, v52;
	[tilespmem:$0x1F9D0] =	vst v54  }
0x4fb: {  	v4 =	vadd.f32 v35, v21;
	v51 =	vld [tilespmem:$0x1F860];
	v2 =	vsub.f32 v19, v53;
	[tilespmem:$0x1F9E0] =	vst v55  }
0x4fc: {  	v48, _, _ =	vpop (xrf2);
	v63 =	vadd.f32 v36, v34;
	v45 =	vld [tilespmem:s28+$0x2140];
	v62 =	vsub.f32 v41, v52;
	(xrf2) =	vadd.scan.msk.f32 $0xffff, v0;
	[tilespmem:$0x1FA00] =	vst v61  }
0x4fd: {  	(v2sf) =	vpush v48, $0xF;
	v41 =	vld [tilespmem:s28+$0x2150];
	[tilespmem:$0x1F970] =	vst v2;
	v2 =	vsub.f32 v32, v53  }
0x4fe: {  	v7, _, _ =	vpop (xrf2);
	v11 =	vsub.f32 v17, v52;
	v17 =	vld [tilespmem:s26+$0x890];
	v0 =	vsub.f32 v14, v53;
	[tilespmem:$0x1FA10] =	vst v62  }
0x4ff: {  	(v2sf) =	vpush v7, $0xF;
	v7 =	vld [tilespmem:s26+$0x880];
	[tilespmem:$0x1F980] =	vst v2;
	v2 =	vsub.f32 v33, v53  }
0x500: {  	v15 =	vadd.f32 v63, v4;
	v4 =	vld [tilespmem:s28+$0x2120];
	v63 =	vsub.f32 v49, v52;
	[tilespmem:$0x1FA30] =	vst v11  }
0x501: {  	s3 =	spop (v2sf);
	v19 =	vld [tilespmem:s28+$0x2130];
	v55 =	vmul.f32 v21, v21;
	v11 =	vmul.f32 v35, v35;
	[tilespmem:$0x1F990] =	vst v2;
	v2 =	vsub.f32 v47, v53  }
0x502: {  	s14 =	spop (v2sf);
	v14 =	vmul.f32 v24, v24;
	v62 =	vld [tilespmem:s26+$0x870];
	v56 =	vsub.f32 v12, v53;
	[tilespmem:$0x1F960] =	vst v0;
	v0 =	vadd.f32 v15, v1  }
0x503: {  	s30 =	smul.f32 $7.812500000e-03, s14;
	v32 =	vld [tilespmem:s26+$0x830];
	v1 =	vadd.f32 v11, v55;
	v12, _, _ =	vpop (xrf2);
	v47 =	vmul.f32 v22, v22;
	[tilespmem:$0x1F9A0] =	vst v2;
	v2 =	vsub.f32 v51, v53  }
0x504: {  	[tilespmem:$0x1FA20] =	vst v63;
	v63 =	vld [tilespmem:s28+$0x2180];
	(xrf2) =	vadd.scan.msk.f32 $0xffff, v0;
	(v2sf) =	vpush v12, $0xF;
	v53 =	vsub.f32 v60, v52  }
0x505: {  	v33 =	vld [tilespmem:s26+$0x840];
	v13, _, _ =	vpop (xrf2);
	v60 =	vsub.f32 v46, v52;
	[tilespmem:$0x1F9B0] =	vst v2;
	v2 =	vadd.f32 v47, v14;
	v14 =	vmov s30  }
0x506: {  	(v2sf) =	vpush v13, $0xF;
	v46 =	vld [tilespmem:s26+$0x850];
	v52, _, _ =	vpop (xrf2);
	[tilespmem:$0x1F9C0] =	vst v53;
	v50 =	vsub.f32 v50, v14  }
0x507: {  	v54 =	vmul.f32 v20, v20;
	[tilespmem:$0x1F9F0] =	vst v60;
	v60 =	vld [tilespmem:s28+$0x2160];
	(v2sf) =	vpush v52, $0xF;
	v51 =	vsub.f32 v42, v14  }
0x508: {  	v53 =	vmul.f32 v23, v23;
	v52 =	vsub.f32 v57, v14;
	v42 =	vld [tilespmem:s28+$0x2190];
	v55 =	vsub.f32 v44, v14;
	[tilespmem:$0x1FA40] =	vst v50  }
0x509: {  	v57 =	vsub.f32 v59, v14;
	v59 =	vsub.f32 v40, v14;
	v40 =	vld [tilespmem:s26+$0x8B0];
	[tilespmem:$0x1FA50] =	vst v51  }
0x50a: {  	v49 =	vadd.f32 v54, v53;
	v53 =	vsub.f32 v43, v14;
	v43 =	vld [tilespmem:s26+$0x8A0];
	[tilespmem:$0x1FA60] =	vst v52  }
0x50b: {  	v12 =	vmul.f32 v34, v34;
	[tilespmem:$0x1FA90] =	vst v55;
	v50 =	vld [tilespmem:s28+$0x21A0]  }
0x50c: {  	v13 =	vmul.f32 v36, v36;
	[tilespmem:$0x1FAA0] =	vst v57;
	v44 =	vadd.f32 v49, v2;
	v49 =	vadd.f32 v9, v10;
	v9 =	vld [tilespmem:s26+$0x8C0]  }
0x50d: {  	v54 =	vsub.f32 v58, v14;
	[tilespmem:$0x1FAB0] =	vst v59;
	v10 =	vld [tilespmem:s28+$0x21C0]  }
0x50e: {  	v0 =	vadd.f32 v13, v12;
	[tilespmem:$0x1FA70] =	vst v53;
	v58, _, _ =	vpop (xrf2);
	v53 =	vadd.f32 v45, v33;
	v33 =	vld [tilespmem:s26+$0x8D0]  }
0x50f: {  	v48 =	vadd.f32 v3, v62;
	[tilespmem:$0x1FA80] =	vst v54;
	(v2sf) =	vpush v58, $0xF;
	v58 =	vld [tilespmem:s28+$0x21B0]  }
0x510: {  	v57 =	vadd.f32 v0, v1;
	v55 =	vadd.f32 v16, v8;
	v45 =	vld [tilespmem:s28+$0x21D0]  }
0x511: {  	v52 =	vadd.f32 v4, v5;
	v51 =	vadd.f32 v41, v46;
	v4 =	vld [tilespmem:s26+$0x8E0]  }
0x512: {  	v8 =	vmul.f32 v48, v48;
	v54 =	vadd.f32 v19, v32;
	v0 =	vmul.f32 v55, v55;
	v41 =	vld [tilespmem:s28+$0x21E0]  }
0x513: {  	v1 =	vmul.f32 v52, v52;
	v47 =	vadd.f32 v60, v6;
	v59 =	vmul.f32 v51, v51;
	v60 =	vld [tilespmem:s26+$0x8F0]  }
0x514: {  	v61 =	vmul.f32 v49, v49;
	v2 =	vmul.f32 v54, v54;
	v32 =	vadd.f32 v55, v49;
	v3 =	vld [tilespmem:s28+$0x21F0]  }
0x515: {  	v46 =	vmul.f32 v53, v53;
	v11 =	vadd.f32 v51, v53;
	v13 =	vld [tilespmem:s26+$0x900];
	v62 =	vadd.f32 v42, v17  }
0x516: {  	v12 =	vld [tilespmem:s28+$0x2200];
	v6 =	vmul.f32 v47, v47;
	v18 =	vadd.f32 v48, v47;
	v16 =	vadd.f32 v0, v61  }
0x517: {  	v17 =	vld [tilespmem:s26+$0x940];
	v19 =	vadd.f32 v2, v1;
	v61 =	vadd.f32 v54, v52  }
0x518: {  	v5 =	vld [tilespmem:s26+$0x950];
	v46 =	vadd.f32 v59, v46;
	v0 =	vadd.f32 v8, v6  }
0x519: {  	v1 =	vadd.f32 v18, v11;
	v11 =	vld [tilespmem:s26+$0x910];
	v59 =	vadd.f32 v10, v9  }
0x51a: {  	v8 =	vld [tilespmem:s28+$0x2220];
	v32 =	vadd.f32 v61, v32;
	v16 =	vadd.f32 v19, v16  }
0x51b: {  	v9 =	vld [tilespmem:s28+$0x2230];
	v61 =	vadd.f32 v57, v44;
	v57 =	vadd.f32 v63, v7  }
0x51c: {  	s14 =	spop (v2sf);
	v6 =	vld [tilespmem:s28+$0x2240];
	v63 =	vadd.f32 v50, v43;
	v0 =	vadd.f32 v0, v46  }
0x51d: {  	s16 =	spop (v2sf);
	v44 =	vld [tilespmem:s26+$0x920];
	v19 =	vmul.f32 v62, v62;
	v60 =	vadd.f32 v3, v60;
	v15 =	vadd.f32 v1, v32  }
0x51e: {  	s13 =	spop (v2sf);
	v43 =	vld [tilespmem:$0x1F870];
	v1 =	vadd.f32 v58, v40;
	v50 =	vadd.f32 v62, v57;
	v2 =	vmul.f32 v57, v57  }
0x51f: {  	v46 =	vld [tilespmem:s28+$0x2210];
	s17 =	spop (v2sf);
	v58 =	vadd.f32 v41, v4;
	v32 =	vmul.f32 v63, v63;
	v18 =	vadd.f32 v0, v16  }
0x520: {  	v3 =	vld [tilespmem:s28+$0x2260];
	(xrf2) =	vadd.scan.msk.f32 $0xffff, v61;
	s2 =	smul.f32 $7.812500000e-03, s17;
	v0 =	vadd.f32 v45, v33;
	v40 =	vadd.f32 v1, v63;
	[tilespmem:$0x1FB30] =	vst v1  }
0x521: {  	v16 =	vld [tilespmem:s26+$0x930];
	v10 =	vadd.f32 v19, v2;
	v33 =	vmul.f32 v1, v1;
	v7 =	vadd.f32 v60, v58;
	(xrf2) =	vadd.scan.msk.f32 $0xffff, v15  }
0x522: {  	v45 =	vld [tilespmem:$0x1F890];
	v41 =	vadd.f32 v0, v59;
	v1 =	vmul.f32 v0, v0;
	(xrf2) =	vadd.scan.msk.f32 $0xffff, v18;
	v18 =	vmov s2  }
0x523: {  	v19 =	vld [tilespmem:s26+$0x960];
	v14 =	vadd.f32 v40, v50;
	v50 =	vmul.f32 v59, v59;
	v42 =	vadd.f32 v33, v32  }
0x524: {  	v2 =	vld [tilespmem:s26+$0x970];
	v32 =	vmul.f32 v58, v58;
	v33 =	vmul.f32 v60, v60;
	v27 =	vsub.f32 v27, v18  }
0x525: {  	v40 =	vld [tilespmem:s28+$0x2250];
	v7 =	vadd.f32 v7, v41;
	v4 =	vadd.f32 v1, v50  }
0x526: {  	[tilespmem:$0x1FB50] =	vst v0;
	v41 =	vld [tilespmem:s28+$0x2270];
	v0 =	vadd.f32 v33, v32;
	v50 =	vadd.f32 v12, v13  }
0x527: {  	v32 =	vadd.f32 v46, v11;
	v46 =	vadd.f32 v8, v44;
	v44 =	vld [tilespmem:$0x1F880]  }
0x528: {  	v9 =	vadd.f32 v9, v16;
	v13 =	vadd.f32 v6, v17;
	v6 =	vld [tilespmem:s26+$0x990]  }
0x529: {  	v28 =	vsub.f32 v28, v18;
	v15 =	vadd.f32 v7, v14;
	v7 =	vld [tilespmem:s28+$0x2290]  }
0x52a: {  	[tilespmem:$0x1FB60] =	vst v27;
	v14 =	vld [tilespmem:s28+$0x22B0];
	v8 =	vadd.f32 v32, v50;
	v11 =	vadd.f32 v9, v46  }
0x52b: {  	s29 =	smul.f32 s29, s29;
	v10 =	vadd.f32 v42, v10;
	v12 =	vmov v9;
	[tilespmem:$0x1FC70] =	vst v9;
	v0 =	vadd.f32 v0, v4;
	v9 =	vld [tilespmem:$0x1F8B0]  }
0x52c: {  	s5 =	smul.f32 $7.812500000e-03, s16;
	[tilespmem:$0x1FB70] =	vst v28;
	v5 =	vadd.f32 v40, v5;
	v1 =	vadd.f32 v11, v8;
	v8 =	vld [tilespmem:$0x1F8A0]  }
0x52d: {  	s16 =	smul.f32 $7.812500000e-03, s12;
	s12 =	spop (v2sf);
	v17 =	vadd.f32 v3, v19;
	[tilespmem:$0x1FC50] =	vst v32;
	v16 =	vadd.f32 v41, v2;
	v11 =	vld [tilespmem:$0x1F8C0]  }
0x52e: {  	[tilespmem:$0x1FC80] =	vst v13;
	s17 =	spop (v2sf);
	v41 =	vmov s5;
	v0 =	vadd.f32 v0, v10;
	v10 =	vld [tilespmem:s28+$0x22A0];
	v33 =	vadd.f32 v5, v13  }
0x52f: {  	s16 =	ssub.f32 s16, s29;
	s29 =	smul.f32 $7.812500000e-03, s17;
	v19 =	vmov v5;
	[tilespmem:$0x1FC90] =	vst v5;
	v42 =	vsub.f32 v37, v41;
	v4 =	vsub.f32 v43, v41;
	v5 =	vld [tilespmem:s28+$0x2280]  }
0x530: {  	[tilespmem:$0x1FCA0] =	vst v17;
	v28 =	vmul.f32 v17, v17;
	v61 =	vsub.f32 v38, v41;
	v40 =	vadd.f32 v16, v17;
	v17 =	vld [tilespmem:s28+$0x22E0]  }
0x531: {  	v38 =	vsub.f32 v31, v18;
	v31 =	vmov s29;
	v27 =	vmul.f32 v19, v19;
	v19 =	vld [tilespmem:s26+$0x9F0];
	[tilespmem:$0x1FAD0] =	vst v4  }
0x532: {  	v4 =	vsub.f32 v44, v41;
	[tilespmem:$0x1FB00] =	vst v61;
	v61 =	vmul.f32 v12, v12;
	v12 =	vld [tilespmem:s26+$0x9B0];
	v3 =	vadd.f32 v40, v33  }
0x533: {  	[tilespmem:$0x1FCB0] =	vst v16;
	v33 =	vsub.f32 v29, v18;
	v40 =	vsub.f32 v39, v18;
	v29 =	vmul.f32 v16, v16;
	v16 =	vld [tilespmem:s26+$0x9C0]  }
0x534: {  	v39 =	vsub.f32 v20, v31;
	v20 =	vld [tilespmem:s26+$0xA00];
	[tilespmem:$0x1FAE0] =	vst v4;
	v4 =	vsub.f32 v45, v41  }
0x535: {  	[tilespmem:$0x1FAC0] =	vst v42;
	v2 =	vsub.f32 v11, v41;
	v11 =	vld [tilespmem:s28+$0x22D0];
	v1 =	vadd.f32 v3, v1  }
0x536: {  	v45 =	vmul.f32 v46, v46;
	[tilespmem:$0x1FB80] =	vst v33;
	v3 =	vsub.f32 v25, v18;
	v33 =	vsub.f32 v22, v31;
	v22 =	vld [tilespmem:s28+$0x2300]  }
0x537: {  	v37 =	vsub.f32 v30, v18;
	v44, _, _ =	vpop (xrf2);
	[tilespmem:$0x1FAF0] =	vst v4;
	v4 =	vsub.f32 v8, v41;
	v8 =	vld [tilespmem:s26+$0x9A0]  }
0x538: {  	v43 =	vmul.f32 v32, v32;
	(v2sf) =	vpush v44, $0xF;
	v25, _, _ =	vpop (xrf2);
	[tilespmem:$0x1FBD0] =	vst v3;
	v3 =	vadd.f32 v61, v45;
	v45 =	vld [tilespmem:s28+$0x22F0]  }
0x539: {  	v42 =	vmul.f32 v50, v50;
	[tilespmem:$0x1FC10] =	vst v39;
	(v2sf) =	vpush v25, $0xF;
	v30, _, _ =	vpop (xrf2);
	v39 =	vadd.f32 v14, v12;
	v12 =	vld [tilespmem:s26+$0xA40]  }
0x53a: {  	[tilespmem:$0x1FB90] =	vst v37;
	(v2sf) =	vpush v30, $0xF;
	v30 =	vld [tilespmem:s28+$0x2340]  }
0x53b: {  	(xrf2) =	vadd.scan.msk.f32 $0xffff, v15;
	[tilespmem:$0x1FB40] =	vst v2;
	v2 =	vadd.f32 v43, v42;
	v14 =	vld [tilespmem:s28+$0x2390]  }
0x53c: {  	v37 =	vsub.f32 v23, v31;
	[tilespmem:$0x1FB10] =	vst v4;
	v4 =	vsub.f32 v9, v41;
	v9 =	vld [tilespmem:s28+$0x22C0]  }
0x53d: {  	(xrf2) =	vadd.scan.msk.f32 $0xffff, v0;
	v41 =	vsub.f32 v26, v18;
	v26 =	vmul.f32 v13, v13;
	v13 =	vld [tilespmem:s26+$0x9D0];
	v2 =	vadd.f32 v3, v2  }
0x53e: {  	s16 =	sadd.f32 $9.999999960e-13, s16;
	[tilespmem:$0x1FBA0] =	vst v38;
	v3 =	vsub.f32 v36, v31;
	v36 =	vadd.f32 v7, v6;
	v6 =	vld [tilespmem:s28+$0x2320]  }
0x53f: {  	v0 =	vadd.f32 v29, v28;
	(xrf2) =	vadd.scan.msk.f32 $0xffff, v1;
	[tilespmem:$0x1FB20] =	vst v4;
	v4 =	vld [tilespmem:s26+$0x980];
	v1 =	vadd.f32 v27, v26  }
0x540: {  	v38 =	vmov s16;
	[tilespmem:$0x1FC00] =	vst v37;
	v37 =	vadd.f32 v10, v8;
	v8 =	vld [tilespmem:s28+$0x2330]  }
0x541: {  	v15 =	vmul.f32 $5.000000000e-01, v38;
	[tilespmem:$0x1FBB0] =	vst v40;
	v0 =	vadd.f32 v0, v1;
	v1 =	vld [tilespmem:s26+$0x9E0]  }
0x542: {  	v40 =	vsub.f32 v21, v31;
	[tilespmem:$0x1FBC0] =	vst v41;
	v41 =	vshra.s32 v38, $0x1;
	v26 =	vadd.f32 v30, v12;
	v30 =	vld [tilespmem:s28+$0x2380]  }
0x543: {  	v32 =	vsub.f32 v24, v31;
	[tilespmem:$0x1FBF0] =	vst v33;
	v61 =	vsub.s32 $0x5F3759DF, v41;
	v21 =	vadd.f32 v45, v19;
	v19 =	vld [tilespmem:s26+$0xAD0]  }
0x544: {  	[tilespmem:$0x1FC20] =	vst v40;
	v33 =	vmul.f32 v61, v15;
	v40 =	vadd.f32 v9, v16;
	v16 =	vld [tilespmem:$0x1F930]  }
0x545: {  	v42 =	vsub.f32 v35, v31;
	v44, _, _ =	vpop (xrf2);
	v0 =	vadd.f32 v0, v2;
	v2 =	vld [tilespmem:s28+$0x2310]  }
0x546: {  	[tilespmem:$0x1FBE0] =	vst v32;
	v43 =	vsub.f32 v34, v31;
	(v2sf) =	vpush v44, $0xF;
	v38 =	vmul.f32 v61, v33;
	v33 =	vld [tilespmem:s26+$0xA50]  }
0x547: {  	[tilespmem:$0x1FC30] =	vst v42;
	v32, _, _ =	vpop (xrf2);
	v41 =	vadd.f32 v11, v13;
	v35 =	vadd.f32 v5, v4;
	v4 =	vld [tilespmem:s26+$0xA10]  }
0x548: {  	[tilespmem:$0x1FC40] =	vst v43;
	v29 =	vmul.f32 v39, v39;
	(v2sf) =	vpush v32, $0xF;
	v44 =	vadd.f32 v39, v37;
	v5 =	vld [tilespmem:s26+$0xA20]  }
0x549: {  	[tilespmem:$0x1FD80] =	vst v40;
	v9 =	vadd.f32 v41, v40;
	v31 =	vmul.f32 v40, v40;
	v32 =	vmul.f32 v41, v41;
	v40 =	vld [tilespmem:s28+$0x2360]  }
0x54a: {  	s0 =	smul.f32 $7.812500000e-03, s0;
	v28 =	vmul.f32 v37, v37;
	(xrf2) =	vadd.scan.msk.f32 $0xffff, v0;
	v0 =	vsub.f32 $1.500000000e+00, v38;
	v38 =	vld [tilespmem:s26+$0xA60];
	v42 =	vadd.f32 v17, v1  }
0x54b: {  	s4 =	smul.f32 s4, s4;
	[tilespmem:$0x1FD50] =	vst v36;
	v34, _, _ =	vpop (xrf2);
	v1 =	vld [tilespmem:s26+$0xA30];
	v43 =	vadd.f32 v36, v35;
	v45 =	vmul.f32 v35, v35;
	v7 =	vadd.f32 v32, v31  }
0x54c: {  	[tilespmem:$0x1FD40] =	vst v35;
	v35 =	vld [tilespmem:s28+$0x2350];
	(v2sf) =	vpush v34, $0xF;
	v0 =	vmul.f32 v61, v0;
	v61 =	vmul.f32 v36, v36  }
0x54d: {  	s0 =	ssub.f32 s0, s4;
	v36 =	vadd.f32 v29, v28;
	[tilespmem:$0x1FDA0] =	vst v42;
	v23 =	vadd.f32 v21, v42;
	v34 =	vmul.f32 v42, v42;
	v42 =	vld [tilespmem:s26+$0xA70]  }
0x54e: {  	[tilespmem:$0x1FC60] =	vst v3;
	v3 =	vadd.f32 v44, v43;
	v43 =	vld [tilespmem:s28+$0x2370];
	v44 =	vadd.f32 v22, v20  }
0x54f: {  	s0 =	sadd.f32 $9.999999960e-13, s0;
	[tilespmem:$0x1FDB0] =	vst v21;
	v17 =	vld [tilespmem:s26+$0xAB0];
	v21 =	vmul.f32 v21, v21;
	v10 =	vadd.f32 v61, v45;
	v45 =	vadd.f32 v2, v4  }
0x550: {  	[tilespmem:$0x1FD60] =	vst v37;
	v20 =	vld [tilespmem:s28+$0x23B0];
	v37 =	vmul.f32 v0, v15;
	v61 =	vadd.f32 v6, v5;
	v9 =	vadd.f32 v23, v9  }
0x551: {  	v27 =	vmov s0;
	v2 =	vld [tilespmem:s26+$0xA80];
	v13 =	vadd.f32 v21, v34;
	v15 =	vadd.f32 v40, v38  }
0x552: {  	[tilespmem:$0x1FD90] =	vst v41;
	v5 =	vld [tilespmem:s28+$0x23E0];
	v41 =	vmul.f32 v37, v0;
	v25 =	vadd.f32 v8, v1;
	v23 =	vadd.f32 v35, v33  }
0x553: {  	[tilespmem:$0x1FDC0] =	vst v44;
	v35 =	vadd.f32 v45, v44;
	v28 =	vadd.f32 v43, v42;
	v42 =	vmul.f32 v44, v44;
	v44 =	vld [tilespmem:s26+$0xAA0]  }
0x554: {  	s4 =	smul.f32 $7.812500000e-03, s3;
	v29 =	vshra.s32 v27, $0x1;
	v10 =	vadd.f32 v36, v10;
	[tilespmem:$0x1FDE0] =	vst v61;
	v8 =	vadd.f32 v25, v61;
	v37 =	vmovc v61;
	v61 =	vld [tilespmem:s28+$0x23A0]  }
0x555: {  	s16 =	smul.f32 s31, s31;
	v1 =	vmul.f32 $5.000000000e-01, v27;
	v12 =	vadd.f32 v23, v26;
	[tilespmem:$0x1FE10] =	vst v23;
	v34 =	vmul.f32 v23, v23;
	v23 =	vld [tilespmem:s26+$0xAC0]  }
0x556: {  	v4 =	vsub.s32 $0x5F3759DF, v29;
	v3 =	vadd.f32 v9, v3;
	v9 =	vsub.f32 $1.500000000e+00, v41;
	v36 =	vmovc v25;
	[tilespmem:$0x1FDF0] =	vst v25;
	v25 =	vld [tilespmem:s28+$0x23D0]  }
0x557: {  	s0 =	ssub.f32 s4, s16;
	v7 =	vadd.f32 v13, v7;
	v38 =	vmul.f32 v4, v1;
	v20 =	vadd.f32 v20, v17;
	v17 =	vld [tilespmem:$0x1F970]  }
0x558: {  	v43 =	vmul.f32 v45, v45;
	v0 =	vmul.f32 v9, v0;
	v9 =	vld [tilespmem:s26+$0xA90]  }
0x559: {  	s0 =	sadd.f32 $9.999999960e-13, s0;
	v7 =	vadd.f32 v7, v10;
	v11 =	vmul.f32 v4, v38;
	v38 =	vld [tilespmem:$0x1F8D0]  }
0x55a: {  	[tilespmem:$0x1FD70] =	vst v39;
	v31 =	vmul.f32 v37, v37;
	v32 =	vmul.f32 v36, v36;
	v39, _, _ =	vpop (xrf2);
	v10 =	vadd.f32 v43, v42;
	v43 =	vld [tilespmem:$0x1F900]  }
0x55b: {  	[tilespmem:$0x1FE00] =	vst v26;
	v37 =	vmov s0;
	v40 =	vadd.f32 v28, v15;
	v41 =	vmovc v15;
	(v2sf) =	vpush v39, $0xF;
	v39 =	vmovc v26;
	v26 =	vld [tilespmem:s26+$0xAE0]  }
0x55c: {  	v6 =	vadd.f32 v8, v35;
	v36 =	vmul.f32 v28, v28;
	v35 =	vmul.f32 v41, v41;
	v41 =	vld [tilespmem:$0x1F8F0]  }
0x55d: {  	s30 =	smul.f32 s30, s30;
	[tilespmem:$0x1FDD0] =	vst v45;
	v24 =	vmul.f32 $5.000000000e-01, v37;
	v13 =	vadd.f32 v32, v31;
	v45 =	vadd.f32 v40, v12;
	v40 =	vld [tilespmem:$0x1F8E0]  }
0x55e: {  	s17 =	smul.f32 $7.812500000e-03, s14;
	v11 =	vsub.f32 $1.500000000e+00, v11;
	v33 =	vmul.f32 v39, v39;
	v12 =	vld [tilespmem:$0x1F950];
	v18 =	vadd.f32 v36, v35  }
0x55f: {  	v39 =	vshra.s32 v37, $0x1;
	v10 =	vadd.f32 v13, v10;
	v13 =	vadd.f32 v61, v44;
	v44 =	vld [tilespmem:$0x1F910]  }
0x560: {  	s0 =	ssub.f32 s17, s30;
	v21 =	vsub.s32 $0x5F3759DF, v39;
	v36 =	vadd.f32 v30, v2;
	v61 =	vld [tilespmem:$0x1F920];
	v37 =	vadd.f32 v25, v19  }
0x561: {  	v30 =	vld [tilespmem:$0x1F940];
	v4 =	vmul.f32 v4, v11;
	v6 =	vadd.f32 v45, v6;
	v42 =	vmul.f32 v21, v24  }
0x562: {  	s0 =	sadd.f32 $9.999999960e-13, s0;
	v8 =	vadd.f32 v34, v33;
	v11 =	vld [tilespmem:s28+$0x23C0];
	v22 =	vmul.f32 v0, v38;
	v29 =	vmul.f32 v0, v43  }
0x563: {  	v45 =	vld [tilespmem:s28+$0x23F0];
	v33 =	vadd.f32 v14, v9;
	v38 =	vmul.f32 v0, v16;
	v1 =	vmul.f32 v4, v1  }
0x564: {  	s31 =	spop (v2sf);
	[tilespmem:$0x1FE30] =	vst v28;
	v9 =	vld [tilespmem:s26+$0xAF0];
	v28 =	vmul.f32 v0, v41;
	v2 =	vmul.f32 v21, v42;
	v41 =	vmov s0  }
0x565: {  	s4 =	spop (v2sf);
	(xrf2) =	vadd.scan.msk.f32 $0xffff, v3;
	v14 =	vld [tilespmem:$0x1F960];
	v19 =	vadd.f32 v5, v26;
	v27 =	vmul.f32 v0, v40;
	v5 =	vmul.f32 $5.000000000e-01, v41  }
0x566: {  	v42 =	vadd.f32 v18, v8;
	s0 =	smul.f32 $7.812500000e-03, s4;
	[tilespmem:s26+$0x4E0] =	vst v38;
	v38 =	vld [tilespmem:$0x1FAC0];
	v1 =	vmul.f32 v1, v4;
	v31 =	vmul.f32 v0, v44  }
0x567: {  	v35 =	vmul.f32 v0, v61;
	v43 =	vmul.f32 v0, v30;
	v32 =	vsub.f32 $1.500000000e+00, v2;
	[tilespmem:s26+$0x4A0] =	vst v28;
	v28 =	vld [tilespmem:s26+$0xBA0]  }
0x568: {  	(xrf2) =	vadd.scan.msk.f32 $0xffff, v7;
	v7 =	vmov s0;
	v34 =	vadd.f32 v11, v23;
	v11 =	vld [tilespmem:s26+$0xB20];
	v1 =	vsub.f32 $1.500000000e+00, v1  }
0x569: {  	[tilespmem:$0x1FE20] =	vst v15;
	v0 =	vmul.f32 v21, v32;
	v16 =	vadd.f32 v45, v9;
	v32 =	vsub.f32 v51, v7;
	v51 =	vld [tilespmem:$0x1F9E0]  }
0x56a: {  	v44 =	vshra.s32 v41, $0x1;
	v45 =	vadd.f32 v37, v34;
	v25 =	vmovc v34;
	[tilespmem:$0x1FE80] =	vst v34;
	v34 =	vld [tilespmem:$0x1F980];
	v1 =	vmul.f32 v1, v4  }
0x56b: {  	[tilespmem:$0x1FE60] =	vst v13;
	v40 =	vadd.f32 v20, v13;
	v61 =	vmul.f32 v0, v24;
	v4 =	vsub.s32 $0x5F3759DF, v44;
	v44 =	vld [tilespmem:$0x1F9C0]  }
0x56c: {  	s14 =	smul.f32 $7.812500000e-03, s13;
	v30 =	vmovc v13;
	v9 =	vadd.f32 v16, v19;
	v13 =	vmul.f32 v4, v5;
	v23 =	vmul.f32 v1, v56;
	v56 =	vld [tilespmem:$0x1F990]  }
0x56d: {  	s5 =	smul.f32 s5, s5;
	(xrf2) =	vadd.scan.msk.f32 $0xffff, v6;
	v39 =	vadd.f32 v33, v36;
	v18 =	vmul.f32 v1, v12;
	v15 =	vmul.f32 v61, v0;
	v12 =	vld [tilespmem:$0x1F9A0]  }
0x56e: {  	[tilespmem:$0x1FE90] =	vst v37;
	v8 =	vadd.f32 v9, v45;
	v45 =	vmul.f32 v1, v17;
	v17 =	vsub.f32 v54, v7;
	v54 =	vld [tilespmem:$0x1FA00]  }
0x56f: {  	s4 =	ssub.f32 s14, s5;
	v21 =	vmovc v37;
	[tilespmem:$0x1FEB0] =	vst v16;
	v24 =	vmul.f32 v1, v14;
	v14 =	vsub.f32 v52, v7;
	v37 =	vsub.f32 $1.500000000e+00, v15;
	v15 =	vld [tilespmem:$0x1F9B0]  }
0x570: {  	v26 =	vmul.f32 v4, v13;
	v13 =	vsub.f32 v55, v7;
	[tilespmem:$0x1FCF0] =	vst v17;
	v17 =	vld [tilespmem:s26+$0xB00]  }
0x571: {  	v3 =	vadd.f32 v42, v10;
	s4 =	sadd.f32 $9.999999960e-13, s4;
	[tilespmem:$0x1FCE0] =	vst v14;
	v14 =	vmul.f32 v16, v16;
	v16 =	vld [tilespmem:$0x1FA10]  }
0x572: {  	v2 =	vadd.f32 v40, v39;
	v40 =	vsub.f32 v48, v7;
	[tilespmem:$0x1FCD0] =	vst v13;
	v13 =	vld [tilespmem:s28+$0x2400]  }
0x573: {  	(xrf2) =	vadd.scan.msk.f32 $0xffff, v3;
	v48 =	vmov s4;
	v39, _, _ =	vpop (xrf2);
	v6 =	vsub.f32 $1.500000000e+00, v26;
	v26 =	vsub.f32 v53, v7;
	v53 =	vld [tilespmem:$0x1F9F0]  }
0x574: {  	(v2sf) =	vpush v39, $0xF;
	v0 =	vmul.f32 v37, v0;
	v37 =	vsub.f32 v47, v7;
	v47 =	vld [tilespmem:$0x1F9D0]  }
0x575: {  	v61 =	vsub.f32 v49, v7;
	v52 =	vshra.s32 v48, $0x1;
	v2 =	vadd.f32 v8, v2;
	v7 =	vld [tilespmem:s28+$0x2410]  }
0x576: {  	v55, _, _ =	vpop (xrf2);
	v42 =	vmul.f32 v1, v56;
	v3 =	vmul.f32 v4, v6;
	v6 =	vsub.s32 $0x5F3759DF, v52;
	v52 =	vld [tilespmem:s26+$0xB30]  }
0x577: {  	[tilespmem:$0x1FEA0] =	vst v19;
	(v2sf) =	vpush v55, $0xF;
	v49 =	vmul.f32 v1, v12;
	v56, _, _ =	vpop (xrf2);
	v12 =	vmul.f32 v19, v19;
	v19 =	vld [tilespmem:$0x1FA20]  }
0x578: {  	[tilespmem:$0x1FE40] =	vst v36;
	v34 =	vmul.f32 v1, v34;
	(v2sf) =	vpush v56, $0xF;
	v56 =	vld [tilespmem:s26+$0xB40]  }
0x579: {  	[tilespmem:$0x1FE50] =	vst v33;
	(xrf2) =	vadd.scan.msk.f32 $0xffff, v2;
	v2 =	vmul.f32 v33, v33;
	v41 =	vmul.f32 v1, v15;
	v15 =	vld [tilespmem:s26+$0xB10]  }
0x57a: {  	[tilespmem:$0x1FD30] =	vst v40;
	v1 =	vmul.f32 v36, v36;
	v36 =	vmul.f32 v21, v21;
	v21 =	vld [tilespmem:$0x1FA30]  }
0x57b: {  	[tilespmem:$0x1FCC0] =	vst v61;
	v33 =	vmul.f32 v25, v25;
	v4 =	vmul.f32 $5.000000000e-01, v48;
	v55 =	vadd.f32 v14, v12;
	v14 =	vld [tilespmem:$0x1FA80]  }
0x57c: {  	[tilespmem:$0x1FD00] =	vst v26;
	v26 =	vmul.f32 v30, v30;
	v40 =	vmul.f32 v0, v53;
	v53 =	vld [tilespmem:s28+$0x2430]  }
0x57d: {  	[tilespmem:$0x1FD20] =	vst v37;
	v61, _, _ =	vpop (xrf2);
	v5 =	vmul.f32 v3, v5;
	v37 =	vmul.f32 v0, v47;
	v47 =	vld [tilespmem:s28+$0x2420]  }
0x57e: {  	s2 =	smul.f32 s2, s2;
	v8 =	vmul.f32 v6, v4;
	(v2sf) =	vpush v61, $0xF;
	v61 =	vadd.f32 v36, v33;
	v33 =	vld [tilespmem:s28+$0x2440]  }
0x57f: {  	s16 =	smul.f32 $7.812500000e-03, s12;
	v30 =	vmul.f32 v20, v20;
	v39 =	vmul.f32 v0, v51;
	v36 =	vld [tilespmem:s26+$0xB50]  }
0x580: {  	v51 =	vadd.f32 v2, v1;
	v5 =	vmul.f32 v5, v3;
	v8 =	vmul.f32 v6, v8;
	v2 =	vld [tilespmem:s28+$0x2450]  }
0x581: {  	s2 =	ssub.f32 s16, s2;
	[tilespmem:$0x1FD10] =	vst v32;
	v32 =	vmul.f32 v0, v44;
	v48 =	vadd.f32 v30, v26;
	v26 =	vmul.f32 v0, v19;
	v19 =	vld [tilespmem:$0x1FA50]  }
0x582: {  	v44 =	vmul.f32 v0, v54;
	v5 =	vsub.f32 $1.500000000e+00, v5;
	v25 =	vsub.f32 $1.500000000e+00, v8;
	v8 =	vld [tilespmem:s26+$0xB60]  }
0x583: {  	s2 =	sadd.f32 $9.999999960e-13, s2;
	[tilespmem:$0x1FE70] =	vst v20;
	v20 =	vmul.f32 v0, v16;
	v21 =	vmul.f32 v0, v21;
	v54 =	vadd.f32 v7, v15;
	v7 =	vld [tilespmem:s26+$0xB70]  }
0x584: {  	v0 =	vmul.f32 v5, v3;
	v5 =	vadd.f32 v55, v61;
	v55 =	vadd.f32 v13, v17;
	v13 =	vld [tilespmem:s28+$0x2460]  }
0x585: {  	v10 =	vadd.f32 v48, v51;
	v51 =	vmov s2;
	v1 =	vmul.f32 v6, v25;
	v17 =	vld [tilespmem:$0x1FA40]  }
0x586: {  	v3 =	vmul.f32 $5.000000000e-01, v51;
	v61 =	vld [tilespmem:s28+$0x2470];
	v48 =	vadd.f32 v47, v11;
	v47 =	vadd.f32 v53, v52  }
0x587: {  	v30, _, _ =	vpop (xrf2);
	v53 =	vshra.s32 v51, $0x1;
	v6 =	vadd.f32 v33, v56;
	v56 =	vadd.f32 v2, v36;
	v36 =	vld [tilespmem:$0x1FA60]  }
0x588: {  	[tilespmem:s26+$0x480] =	vst v22;
	v51 =	vld [tilespmem:$0x1FA70];
	(v2sf) =	vpush v30, $0xF;
	v16 =	vmul.f32 v0, v19;
	v25 =	vmul.f32 v1, v4  }
0x589: {  	s29 =	smul.f32 s29, s29;
	[tilespmem:s26+$0x4C0] =	vst v31;
	v33 =	vld [tilespmem:$0x1FAB0];
	v11 =	vmul.f32 v0, v14;
	v5 =	vadd.f32 v5, v10;
	v4 =	vmul.f32 v55, v55  }
0x58a: {  	s17 =	smul.f32 $7.812500000e-03, s31;
	[tilespmem:s26+$0x4D0] =	vst v35;
	v52 =	vmul.f32 v25, v1;
	v25 =	vld [tilespmem:$0x1FA90];
	v15 =	vmul.f32 v0, v17;
	v17 =	vsub.s32 $0x5F3759DF, v53  }
0x58b: {  	v35 =	vld [tilespmem:$0x1FAF0];
	[tilespmem:s26+$0x580] =	vst v32;
	v8 =	vadd.f32 v13, v8;
	v61 =	vadd.f32 v61, v7;
	v7 =	vmul.f32 v54, v54  }
0x58c: {  	v31 =	vld [tilespmem:$0x1FB80];
	s2 =	ssub.f32 s17, s29;
	(xrf2) =	vadd.scan.msk.f32 $0xffff, v5;
	v30 =	vmul.f32 v17, v3;
	v12 =	vmul.f32 v0, v36;
	v2 =	vsub.f32 $1.500000000e+00, v52  }
0x58d: {  	v32 =	vld [tilespmem:s28+$0x24E0];
	[tilespmem:$0x1FED0] =	vst v47;
	v19 =	vmul.f32 v0, v51;
	v51 =	vadd.f32 v47, v48;
	v47 =	vmul.f32 v47, v47  }
0x58e: {  	[tilespmem:s26+$0x5C0] =	vst v44;
	v44 =	vld [tilespmem:$0x1FBA0];
	s2 =	sadd.f32 $9.999999960e-13, s2;
	v36 =	vadd.f32 v54, v55;
	v53 =	vmul.f32 v17, v30;
	v22 =	vmul.f32 v2, v1  }
0x58f: {  	[tilespmem:s26+$0x4B0] =	vst v29;
	v52 =	vadd.f32 v56, v6;
	v30 =	vld [tilespmem:$0x1FAA0];
	v14 =	vmul.f32 v0, v25;
	v25 =	vmul.f32 v0, v33  }
0x590: {  	[tilespmem:s26+$0x570] =	vst v41;
	v41 =	vld [tilespmem:$0x1FB60];
	v33 =	vmov s2;
	v13 =	vsub.f32 $1.500000000e+00, v53;
	v53 =	vadd.f32 v61, v8  }
0x591: {  	[tilespmem:s26+$0x5B0] =	vst v40;
	v40 =	vld [tilespmem:s28+$0x24F0];
	v10 =	vmul.f32 $5.000000000e-01, v33;
	v9 =	vshra.s32 v33, $0x1;
	v33 =	vmul.f32 v8, v8  }
0x592: {  	[tilespmem:$0x1FEF0] =	vst v8;
	v8 =	vmul.f32 v22, v38;
	v29 =	vsub.s32 $0x5F3759DF, v9;
	v9 =	vmul.f32 v22, v35;
	v35 =	vld [tilespmem:s28+$0x24A0]  }
0x593: {  	[tilespmem:s26+$0x490] =	vst v27;
	v38 =	vld [tilespmem:s26+$0xB90];
	v1 =	vadd.f32 v53, v52;
	v52 =	vmul.f32 v6, v6;
	v53 =	vmul.f32 v56, v56  }
0x594: {  	[tilespmem:$0x1FEE0] =	vst v6;
	v6 =	vld [tilespmem:s26+$0xB80];
	v30 =	vmul.f32 v0, v30;
	v0 =	vadd.f32 v51, v36;
	v36 =	vmul.f32 v48, v48  }
0x595: {  	[tilespmem:$0x1FEC0] =	vst v48;
	v27 =	vmul.f32 v17, v13;
	v17 =	vld [tilespmem:s28+$0x2480];
	v48 =	vadd.f32 v7, v4  }
0x596: {  	s30 =	spop (v2sf);
	[tilespmem:s26+$0x540] =	vst v34;
	v5 =	vadd.f32 v53, v52;
	v52 =	vld [tilespmem:$0x1FAE0];
	v34, _, _ =	vpop (xrf2);
	v51 =	vadd.f32 v47, v36  }
0x597: {  	s31 =	spop (v2sf);
	v3 =	vmul.f32 v27, v3;
	(v2sf) =	vpush v34, $0xF;
	v34 =	vadd.f32 v35, v28;
	v28 =	vld [tilespmem:$0x1FBC0]  }
0x598: {  	s2 =	smul.f32 $7.812500000e-03, s31;
	v36 =	vmul.f32 v61, v61;
	v4 =	vadd.f32 v51, v48;
	v48 =	vld [tilespmem:$0x1FAD0]  }
0x599: {  	v51 =	vmul.f32 v3, v27;
	v3 =	vld [tilespmem:s28+$0x2490]  }
0x59a: {  	v47 =	vmul.f32 v29, v10;
	v13 =	vadd.f32 v36, v33;
	v36 =	vmov s2;
	v33 =	vld [tilespmem:$0x1FB50]  }
0x59b: {  	[tilespmem:s26+$0x4F0] =	vst v43;
	v43 =	vsub.f32 v57, v36;
	v57 =	vld [tilespmem:s26+$0xBB0]  }
0x59c: {  	v53 =	vmul.f32 v29, v47;
	v47 =	vsub.f32 v62, v36;
	v62 =	vld [tilespmem:s28+$0x24B0]  }
0x59d: {  	s3 =	smul.f32 $7.812500000e-03, s30;
	[tilespmem:s26+$0x530] =	vst v45;
	v45 =	vsub.f32 v63, v36;
	v63 =	vld [tilespmem:$0x1FB40]  }
0x59e: {  	s0 =	smul.f32 s0, s0;
	[tilespmem:s26+$0x560] =	vst v49;
	v0 =	vadd.f32 v1, v0;
	v49 =	vsub.f32 v60, v36;
	v60 =	vld [tilespmem:s26+$0xBD0]  }
0x59f: {  	v1 =	vsub.f32 $1.500000000e+00, v51;
	v51 =	vld [tilespmem:$0x1FB10]  }
0x5a0: {  	s0 =	ssub.f32 s3, s0;
	[tilespmem:s26+$0x500] =	vst v23;
	(xrf2) =	vadd.scan.msk.f32 $0xffff, v0;
	v5 =	vadd.f32 v13, v5;
	v23 =	vmul.f32 v22, v52;
	v52 =	vld [tilespmem:$0x1FB20]  }
0x5a1: {  	v2 =	vsub.f32 $1.500000000e+00, v53;
	v53 =	vld [tilespmem:$0x1FB30]  }
0x5a2: {  	s0 =	sadd.f32 $9.999999960e-13, s0;
	v0 =	vadd.f32 v5, v4;
	v4 =	vld [tilespmem:s28+$0x24D0]  }
0x5a3: {  	v1 =	vmul.f32 v1, v27;
	v2 =	vmul.f32 v29, v2;
	v27 =	vld [tilespmem:$0x1FB70]  }
0x5a4: {  	s3 =	spop (v2sf);
	[tilespmem:s26+$0x550] =	vst v42;
	s2 =	smul.f32 s2, s2;
	v7 =	vmul.f32 v22, v48;
	v48 =	vld [tilespmem:$0x1FB00];
	v42 =	vadd.f32 v3, v38;
	v38 =	vmov s0  }
0x5a5: {  	[tilespmem:s26+$0x510] =	vst v18;
	v5 =	vld [tilespmem:s26+$0xBE0];
	s0 =	smul.f32 $7.812500000e-03, s3;
	v3 =	vmul.f32 $5.000000000e-01, v38;
	v10 =	vmul.f32 v2, v10  }
0x5a6: {  	[tilespmem:s26+$0x520] =	vst v24;
	v35 =	vmul.f32 v1, v31;
	v44 =	vmul.f32 v1, v44;
	v31 =	vld [tilespmem:$0x1FBD0]  }
0x5a7: {  	[tilespmem:s26+$0x5A0] =	vst v39;
	v39 =	vmul.f32 v1, v28;
	v13 =	vmul.f32 v22, v51;
	v51 =	vsub.f32 v59, v36;
	v59 =	vld [tilespmem:s26+$0xBC0];
	s0 =	ssub.f32 s0, s2  }
0x5a8: {  	[tilespmem:s26+$0x590] =	vst v37;
	v18 =	vmul.f32 v22, v52;
	v52 =	vsub.f32 v33, v36;
	v37 =	vmul.f32 v1, v27;
	v27 =	vld [tilespmem:$0x1FBB0]  }
0x5a9: {  	v10 =	vmul.f32 v10, v2;
	s0 =	sadd.f32 $9.999999960e-13, s0;
	[tilespmem:s26+$0x6D0] =	vst v13;
	v13 =	vld [tilespmem:$0x1FC50];
	v24 =	vmul.f32 v22, v48;
	v48 =	vsub.f32 v53, v36  }
0x5aa: {  	s4 =	spop (v2sf);
	v22 =	vmul.f32 v22, v63;
	v53 =	vsub.f32 v58, v36;
	v63 =	vld [tilespmem:s28+$0x24C0];
	v36, _, _ =	vpop (xrf2);
	v58 =	vshra.s32 v38, $0x1  }
0x5ab: {  	[tilespmem:s26+$0x5F0] =	vst v21;
	v38 =	vld [tilespmem:s26+$0xBF0];
	(v2sf) =	vpush v36, $0xF;
	v29 =	vsub.s32 $0x5F3759DF, v58;
	v28 =	vmov s0;
	s0 =	smul.f32 $7.812500000e-03, s4  }
0x5ac: {  	[tilespmem:s26+$0x630] =	vst v19;
	v36 =	vadd.f32 v17, v6;
	v17 =	vmul.f32 v1, v41;
	v33 =	vmul.f32 v29, v3  }
0x5ad: {  	[tilespmem:s26+$0x6B0] =	vst v9;
	v58 =	vadd.f32 v62, v57;
	v21 =	vmul.f32 v1, v31;
	v9 =	vmov s0  }
0x5ae: {  	v19 =	vld [tilespmem:$0x1FC60];
	[tilespmem:s26+$0x6A0] =	vst v23;
	v62 =	vadd.f32 v4, v60;
	v57 =	vmul.f32 v29, v33;
	v23 =	vsub.f32 v13, v9  }
0x5af: {  	[tilespmem:s26+$0x5E0] =	vst v26;
	v41 =	vld [tilespmem:$0x1FB90];
	v26 =	vmul.f32 v1, v27;
	v59 =	vadd.f32 v63, v59;
	v63 =	vadd.f32 v32, v5  }
0x5b0: {  	[tilespmem:s26+$0x6C0] =	vst v24;
	v24 =	vld [tilespmem:$0x1FC70];
	v27 =	vmul.f32 v62, v62;
	v60 =	vadd.f32 v40, v38;
	v5 =	vadd.f32 v42, v36  }
0x5b1: {  	[tilespmem:s26+$0x770] =	vst v21;
	v21 =	vld [tilespmem:$0x1FD10];
	v38 =	vmul.f32 v34, v34;
	v40 =	vmul.f32 v58, v58;
	v33 =	vsub.f32 $1.500000000e+00, v57  }
0x5b2: {  	[tilespmem:s26+$0x620] =	vst v12;
	v13 =	vld [tilespmem:s26+$0xC30];
	v32 =	vmul.f32 v42, v42;
	v57 =	vadd.f32 v58, v34;
	v12 =	vadd.f32 v62, v59  }
0x5b3: {  	(xrf2) =	vadd.scan.msk.f32 $0xffff, v0;
	v0 =	vadd.f32 v40, v38;
	v40 =	vld [tilespmem:$0x1FBF0];
	v4 =	vmul.f32 v29, v33;
	v33 =	vadd.f32 v60, v63  }
0x5b4: {  	v10 =	vsub.f32 $1.500000000e+00, v10;
	v41 =	vmul.f32 v1, v41;
	v1 =	vmul.f32 v36, v36;
	v29 =	vld [tilespmem:s26+$0xC00]  }
0x5b5: {  	v6 =	vadd.f32 v57, v5;
	v57 =	vmul.f32 v59, v59;
	v5 =	vadd.f32 v33, v12;
	v33 =	vld [tilespmem:$0x1FBE0]  }
0x5b6: {  	[tilespmem:s26+$0x650] =	vst v14;
	v31 =	vmul.f32 v63, v63;
	v14 =	vadd.f32 v32, v1;
	v32 =	vmul.f32 v60, v60;
	v12 =	vld [tilespmem:$0x1FC00]  }
0x5b7: {  	[tilespmem:s26+$0x640] =	vst v11;
	v2 =	vmul.f32 v10, v2;
	v11 =	vmul.f32 $5.000000000e-01, v28;
	v10 =	vadd.f32 v27, v57;
	v27 =	vld [tilespmem:$0x1FC10]  }
0x5b8: {  	[tilespmem:s26+$0x600] =	vst v15;
	v15 =	vshra.s32 v28, $0x1;
	v3 =	vmul.f32 v4, v3;
	v38 =	vadd.f32 v32, v31;
	v32 =	vld [tilespmem:s26+$0xC10]  }
0x5b9: {  	v15 =	vsub.s32 $0x5F3759DF, v15;
	v31 =	vld [tilespmem:$0x1FC80]  }
0x5ba: {  	[tilespmem:s26+$0x690] =	vst v7;
	v57 =	vmul.f32 v15, v11;
	v7 =	vadd.f32 v0, v14;
	v14 =	vmul.f32 v3, v4;
	v3 =	vld [tilespmem:s28+$0x2500]  }
0x5bb: {  	[tilespmem:s26+$0x5D0] =	vst v20;
	v20 =	vmul.f32 v2, v40;
	v40 =	vld [tilespmem:$0x1FC20]  }
0x5bc: {  	v28 =	vmul.f32 v15, v57;
	v57 =	vld [tilespmem:$0x1FC30]  }
0x5bd: {  	[tilespmem:s26+$0x700] =	vst v17;
	v17 =	vadd.f32 v5, v6;
	v5 =	vld [tilespmem:s26+$0xC50]  }
0x5be: {  	[tilespmem:s26+$0x680] =	vst v8;
	v8 =	vadd.f32 v38, v10;
	v6 =	vld [tilespmem:s28+$0x2550]  }
0x5bf: {  	v10 =	vsub.f32 $1.500000000e+00, v28;
	v28 =	vsub.f32 v50, v9;
	v50 =	vld [tilespmem:s26+$0xC20]  }
0x5c0: {  	[tilespmem:s26+$0x610] =	vst v16;
	v16 =	vmul.f32 v2, v12;
	v12 =	vld [tilespmem:$0x1FC40]  }
0x5c1: {  	[tilespmem:s26+$0x660] =	vst v30;
	v30 =	vmul.f32 v2, v27;
	v27 =	vsub.f32 v46, v9;
	v46 =	vld [tilespmem:s28+$0x2520]  }
0x5c2: {  	s5 =	spop (v2sf);
	[tilespmem:s26+$0x670] =	vst v25;
	v25 =	vmul.f32 v2, v33;
	v33 =	vld [tilespmem:$0x1FC90]  }
0x5c3: {  	s2 =	smul.f32 $7.812500000e-03, s5;
	v10 =	vmul.f32 v15, v10;
	v15 =	vadd.f32 v8, v7;
	v7 =	vld [tilespmem:$0x1FCC0]  }
0x5c4: {  	[tilespmem:s26+$0x6E0] =	vst v18;
	s12 =	smul.f32 s0, s0;
	v18 =	vmul.f32 v2, v19;
	v0 =	vsub.f32 $1.500000000e+00, v14;
	v19 =	vsub.f32 v31, v9;
	v31 =	vld [tilespmem:$0x1FCB0]  }
0x5c5: {  	v38 =	vmul.f32 v2, v40;
	v40 =	vld [tilespmem:s28+$0x2510]  }
0x5c6: {  	s13 =	ssub.f32 s2, s12;
	v4 =	vmul.f32 v0, v4;
	v8 =	vld [tilespmem:s28+$0x2540]  }
0x5c7: {  	[tilespmem:s26+$0x720] =	vst v35;
	v14 =	vmul.f32 v2, v12;
	v12 =	vld [tilespmem:$0x1FCA0]  }
0x5c8: {  	[tilespmem:s26+$0x710] =	vst v37;
	s0 =	sadd.f32 $9.999999960e-13, s13;
	v35 =	vmul.f32 v4, v7;
	v7 =	vld [tilespmem:$0x1FCD0]  }
0x5c9: {  	s14 =	spop (v2sf);
	v24 =	vsub.f32 v24, v9;
	[tilespmem:s26+$0x780] =	vst v25;
	v25 =	vld [tilespmem:$0x1FD30];
	v0, _, _ =	vpop (xrf2)  }
0x5ca: {  	s16 =	spop (v2sf);
	[tilespmem:s26+$0x750] =	vst v26;
	v37 =	vmov s0;
	(v2sf) =	vpush v0, $0xF;
	v26 =	vadd.f32 v40, v32;
	v40 =	vld [tilespmem:$0x1FCF0]  }
0x5cb: {  	s29 =	spop (v2sf);
	[tilespmem:s26+$0x6F0] =	vst v22;
	v57 =	vmul.f32 v2, v57;
	v0 =	vld [tilespmem:s28+$0x2570];
	v22 =	vsub.f32 v33, v9;
	v31 =	vsub.f32 v31, v9  }
0x5cc: {  	s3 =	smul.f32 $7.812500000e-03, s29;
	[tilespmem:s26+$0x740] =	vst v44;
	v33 =	vsub.f32 v12, v9;
	v12 =	vld [tilespmem:s28+$0x2530];
	v9 =	vshra.s32 v37, $0x1;
	v37 =	vmul.f32 $5.000000000e-01, v37  }
0x5cd: {  	[tilespmem:s26+$0x730] =	vst v41;
	v41 =	vmul.f32 v4, v7;
	v7 =	vmul.f32 v10, v11;
	v11 =	vsub.s32 $0x5F3759DF, v9;
	v9 =	vld [tilespmem:$0x1FCE0]  }
0x5ce: {  	s30 =	spop (v2sf);
	s31 =	smul.f32 s3, s3;
	[tilespmem:s26+$0x760] =	vst v39;
	v29 =	vadd.f32 v3, v29;
	v21 =	vmul.f32 v4, v21;
	v2 =	vld [tilespmem:s26+$0xC40];
	v3 =	vmul.f32 v11, v37  }
0x5cf: {  	s4 =	smul.f32 $7.812500000e-03, s30;
	(xrf2) =	vadd.scan.msk.f32 $0xffff, v17;
	v39 =	vadd.f32 v46, v50;
	v50 =	vld [tilespmem:s26+$0xC70];
	v32 =	vmul.f32 v4, v40;
	v40 =	vmul.f32 v7, v10  }
0x5d0: {  	s2 =	smul.f32 $7.812500000e-03, s14;
	[tilespmem:s26+$0x790] =	vst v20;
	v20 =	vmul.f32 v29, v29;
	v3 =	vmul.f32 v11, v3  }
0x5d1: {  	s17 =	smul.f32 $7.812500000e-03, s16;
	s4 =	ssub.f32 s4, s31;
	[tilespmem:s26+$0x7C0] =	vst v38;
	v25 =	vmul.f32 v4, v25;
	v38 =	vmul.f32 v39, v39;
	v7 =	vld [tilespmem:s28+$0x2560];
	v40 =	vsub.f32 $1.500000000e+00, v40  }
0x5d2: {  	[tilespmem:s26+$0x7A0] =	vst v16;
	s28 =	smul.f32 s2, s2;
	v12 =	vadd.f32 v12, v13;
	v44 =	vmul.f32 v4, v9;
	v9 =	vld [tilespmem:$0x1FD00];
	v13 =	vsub.f32 $1.500000000e+00, v3  }
0x5d3: {  	s4 =	sadd.f32 $9.999999960e-13, s4;
	[tilespmem:s26+$0x7B0] =	vst v30;
	v30 =	vmul.f32 v26, v26;
	v3 =	vadd.f32 v8, v2;
	v2 =	vadd.f32 v6, v5  }
0x5d4: {  	(xrf2) =	vadd.scan.msk.f32 $0xffff, v15;
	s0 =	ssub.f32 s17, s28;
	v8 =	vadd.f32 v0, v50;
	v10 =	vmul.f32 v40, v10;
	v16 =	vadd.f32 v12, v39  }
0x5d5: {  	[tilespmem:s26+$0x850] =	vst v21;
	v5 =	vmul.f32 v11, v13;
	v13 =	vadd.f32 v26, v29;
	v50 =	vmul.f32 v2, v2  }
0x5d6: {  	v1 =	vld [tilespmem:s26+$0xC60];
	v21 =	vmov s4;
	[tilespmem:s26+$0x800] =	vst v35;
	s0 =	sadd.f32 $9.999999960e-13, s0;
	v6 =	vmul.f32 v10, v43;
	v35 =	vmul.f32 v10, v51  }
0x5d7: {  	v0 =	vadd.f32 v16, v13;
	v13 =	vmul.f32 v10, v47;
	v46 =	vmul.f32 v4, v9;
	v9 =	vld [tilespmem:$0x1FD20]  }
0x5d8: {  	v43 =	vmov s0;
	v16 =	vmul.f32 v10, v45;
	v45 =	vmul.f32 v5, v37  }
0x5d9: {  	[tilespmem:s26+$0x7E0] =	vst v14;
	v51, _, _ =	vpop (xrf2);
	v14 =	vmul.f32 $5.000000000e-01, v43;
	v17 =	vshra.s32 v43, $0x1;
	v47 =	vmul.f32 v3, v3  }
0x5da: {  	v40 =	vmul.f32 v12, v12;
	(v2sf) =	vpush v51, $0xF;
	v17 =	vsub.s32 $0x5F3759DF, v17  }
0x5db: {  	[tilespmem:s26+$0x7F0] =	vst v18;
	v18 =	vadd.f32 v50, v47;
	v43 =	vmul.f32 v17, v14;
	v11 =	vmul.f32 v45, v5  }
0x5dc: {  	s13 =	spop (v2sf);
	[tilespmem:s26+$0x7D0] =	vst v57;
	v45 =	vadd.f32 v2, v3;
	v9 =	vmul.f32 v4, v9;
	v4 =	vadd.f32 v7, v1  }
0x5dd: {  	s14 =	spop (v2sf);
	[tilespmem:s26+$0x820] =	vst v44;
	s0 =	smul.f32 $7.812500000e-03, s13;
	v44 =	vmul.f32 v17, v43;
	v11 =	vsub.f32 $1.500000000e+00, v11;
	v1 =	vadd.f32 v30, v20  }
0x5de: {  	s12 =	smul.f32 $7.812500000e-03, s14;
	[tilespmem:s26+$0x870] =	vst v25;
	v7 =	vadd.f32 v40, v38;
	v40 =	vmul.f32 v8, v8;
	v57 =	vmul.f32 v4, v4  }
0x5df: {  	[tilespmem:s26+$0x810] =	vst v41;
	s28 =	spop (v2sf);
	s16 =	smul.f32 s0, s0;
	v20 =	vmul.f32 v10, v48;
	v48 =	vmul.f32 v10, v52;
	v47 =	vadd.f32 v8, v4  }
0x5e0: {  	[tilespmem:s26+$0x830] =	vst v32;
	s4 =	smul.f32 $7.812500000e-03, s28;
	v15 =	vsub.f32 $1.500000000e+00, v44;
	v5 =	vmul.f32 v11, v5;
	v38, _, _ =	vpop (xrf2);
	v30 =	vadd.f32 v40, v57  }
0x5e1: {  	[tilespmem:s26+$0x880] =	vst v6;
	s17 =	ssub.f32 s12, s16;
	v44 =	vmov s2;
	(v2sf) =	vpush v38, $0xF;
	v37 =	vadd.f32 v47, v45  }
0x5e2: {  	s31 =	smul.f32 s4, s4;
	s29 =	spop (v2sf);
	[tilespmem:s26+$0x8C0] =	vst v35;
	v1 =	vadd.f32 v7, v1;
	v52 =	vmul.f32 v17, v15;
	v50 =	vadd.f32 v30, v18  }
0x5e3: {  	s30 =	smul.f32 $7.812500000e-03, s29;
	[tilespmem:s26+$0x890] =	vst v13;
	s5 =	sadd.f32 $9.999999960e-13, s17;
	v6 =	vmul.f32 v5, v27;
	v15 =	vmul.f32 v5, v24;
	v0 =	vadd.f32 v37, v0  }
0x5e4: {  	[tilespmem:s26+$0x840] =	vst v46;
	v13 =	vmul.f32 v5, v19;
	v17 =	vmul.f32 $5.000000000e-01, v21;
	v1 =	vadd.f32 v50, v1  }
0x5e5: {  	v46 =	vld [tilespmem:$0x1FD50];
	s2 =	ssub.f32 s30, s31;
	v27 =	vmov s5;
	v43 =	vmul.f32 v5, v33;
	v40 =	vmul.f32 v10, v53;
	(xrf2) =	vadd.scan.msk.f32 $0xffff, v0  }
0x5e6: {  	v10 =	vmul.f32 v10, v49;
	v57 =	vmul.f32 v5, v23;
	v23 =	vshra.s32 v21, $0x1;
	(xrf2) =	vadd.scan.msk.f32 $0xffff, v1  }
0x5e7: {  	[tilespmem:s26+$0x8A0] =	vst v16;
	s2 =	sadd.f32 $9.999999960e-13, s2;
	v33 =	vld [tilespmem:$0x1FDB0];
	v53 =	vmul.f32 v5, v28;
	v24 =	vmul.f32 v52, v14;
	v25 =	vsub.s32 $0x5F3759DF, v23  }
0x5e8: {  	[tilespmem:s26+$0x860] =	vst v9;
	v28 =	vshra.s32 v27, $0x1;
	v45 =	vld [tilespmem:$0x1FD40];
	v18 =	vmul.f32 $5.000000000e-01, v27;
	v30 =	vmul.f32 v25, v17  }
0x5e9: {  	[tilespmem:s26+$0x8B0] =	vst v20;
	v47 =	vld [tilespmem:$0x1FD60];
	v35 =	vmov s2;
	v37 =	vmul.f32 v5, v22;
	v0 =	vmul.f32 v24, v52  }
0x5ea: {  	v23 =	vsub.f32 v46, v44;
	v46 =	vld [tilespmem:$0x1FDF0];
	v5 =	vmul.f32 v5, v31;
	[tilespmem:s26+$0x8E0] =	vst v40;
	v19 =	vmul.f32 v25, v30  }
0x5eb: {  	[tilespmem:s26+$0x900] =	vst v53;
	v53 =	vld [tilespmem:$0x1FD80];
	v40 =	vmov s3;
	v1 =	vsub.s32 $0x5F3759DF, v28;
	v0 =	vsub.f32 $1.500000000e+00, v0  }
0x5ec: {  	[tilespmem:s26+$0x8D0] =	vst v48;
	v27 =	vld [tilespmem:$0x1FDA0];
	v16 =	vsub.f32 v33, v44;
	v19 =	vsub.f32 $1.500000000e+00, v19;
	v41 =	vmul.f32 v1, v18  }
0x5ed: {  	v51 =	vld [tilespmem:$0x1FD70];
	[tilespmem:s26+$0x950] =	vst v37;
	v37 =	vshra.s32 v35, $0x1;
	v9 =	vsub.f32 v45, v44;
	v0 =	vmul.f32 v0, v52  }
0x5ee: {  	[tilespmem:s26+$0x8F0] =	vst v10;
	v14 =	vsub.f32 v47, v44;
	v47 =	vld [tilespmem:$0x1FE00];
	v10 =	vmul.f32 v25, v19;
	v20 =	vmul.f32 v1, v41  }
0x5ef: {  	[tilespmem:s26+$0x910] =	vst v57;
	v11 =	vsub.f32 v46, v40;
	v25 =	vld [tilespmem:$0x1FD90];
	v49 =	vmul.f32 v0, v9;
	v50 =	vmul.f32 v0, v23;
	v57, _, _ =	vpop (xrf2)  }
0x5f0: {  	[tilespmem:s26+$0x920] =	vst v6;
	v41 =	vld [tilespmem:$0x1FDC0];
	v52 =	vmul.f32 v0, v14;
	v14 =	vsub.f32 v53, v44;
	(v2sf) =	vpush v57, $0xF;
	v30, _, _ =	vpop (xrf2)  }
0x5f1: {  	[tilespmem:s26+$0x930] =	vst v15;
	v45 =	vld [tilespmem:$0x1FDE0];
	v23 =	vsub.f32 v27, v44;
	v28 =	vmul.f32 v10, v17;
	(v2sf) =	vpush v30, $0xF  }
0x5f2: {  	[tilespmem:s26+$0x940] =	vst v13;
	v19 =	vmul.f32 $5.000000000e-01, v35;
	v48 =	vsub.f32 $1.500000000e+00, v20;
	v20 =	vsub.f32 v51, v44;
	v51 =	vld [tilespmem:$0x1FE30]  }
0x5f3: {  	s5 =	spop (v2sf);
	v6 =	vsub.f32 v47, v40;
	v14 =	vmul.f32 v0, v14;
	v15 =	vmul.f32 v28, v10;
	[tilespmem:s26+$0x980] =	vst v49;
	v49 =	vld [tilespmem:$0x1FE20]  }
0x5f4: {  	[tilespmem:s26+$0x960] =	vst v43;
	s2 =	smul.f32 $7.812500000e-03, s5;
	v1 =	vmul.f32 v1, v48;
	v24 =	vmul.f32 v0, v20;
	v20 =	vsub.f32 v25, v44;
	v44 =	vld [tilespmem:$0x1FDD0]  }
0x5f5: {  	[tilespmem:s26+$0x970] =	vst v5;
	v32 =	vmul.f32 v0, v23;
	v48 =	vld [tilespmem:$0x1FE10];
	v38 =	vsub.f32 $1.500000000e+00, v15;
	v7 =	vsub.f32 v41, v40  }
0x5f6: {  	s13 =	smul.f32 s2, s2;
	[tilespmem:s26+$0x990] =	vst v50;
	s12 =	spop (v2sf);
	v31 =	vmul.f32 v0, v20;
	v18 =	vmul.f32 v1, v18;
	v20 =	vsub.s32 $0x5F3759DF, v37  }
0x5f7: {  	[tilespmem:s26+$0x9A0] =	vst v52;
	v23 =	vld [tilespmem:$0x1FE50];
	s3 =	smul.f32 $7.812500000e-03, s12;
	v0 =	vmul.f32 v0, v16;
	v16 =	vsub.f32 v45, v40;
	v57 =	vmov s0  }
0x5f8: {  	[tilespmem:s26+$0x9C0] =	vst v14;
	v43 =	vmul.f32 v20, v19;
	v5 =	vmul.f32 v38, v10;
	v13 =	vsub.f32 v51, v40  }
0x5f9: {  	[tilespmem:s26+$0x9E0] =	vst v32;
	s14 =	ssub.f32 s3, s13;
	v18 =	vmul.f32 v18, v1;
	v14 =	vsub.f32 v49, v40;
	v9 =	vsub.f32 v44, v40  }
0x5fa: {  	v33 =	vld [tilespmem:$0x1FE80];
	[tilespmem:s26+$0x9B0] =	vst v24;
	v21 =	vmul.f32 v20, v43;
	v10 =	vsub.f32 v48, v40;
	v7 =	vmul.f32 v5, v7  }
0x5fb: {  	v32 =	vld [tilespmem:$0x1FE70];
	[tilespmem:s26+$0x9D0] =	vst v31;
	s0 =	sadd.f32 $9.999999960e-13, s14;
	v52 =	vmul.f32 v5, v16;
	v6 =	vmul.f32 v5, v6;
	v44 =	vmov s4  }
0x5fc: {  	v35 =	vld [tilespmem:$0x1FE90];
	[tilespmem:s26+$0x9F0] =	vst v0;
	v18 =	vsub.f32 $1.500000000e+00, v18;
	v22 =	vmul.f32 v5, v14;
	v14 =	vsub.f32 v23, v57  }
0x5fd: {  	v38 =	vld [tilespmem:$0x1FEA0];
	v28 =	vmov s0;
	v46 =	vsub.f32 v55, v44;
	v50 =	vsub.f32 $1.500000000e+00, v21;
	[tilespmem:s26+$0xA00] =	vst v7  }
0x5fe: {  	v30 =	vld [tilespmem:$0x1FE60];
	v51 =	vsub.f32 v54, v44;
	v9 =	vmul.f32 v5, v9;
	[tilespmem:s26+$0xA20] =	vst v52;
	v1 =	vmul.f32 v18, v1  }
0x5ff: {  	v40 =	vld [tilespmem:$0x1FEB0];
	v21 =	vmul.f32 v5, v10;
	v31 =	vshra.s32 v28, $0x1;
	[tilespmem:s26+$0xA40] =	vst v6;
	v53 =	vmul.f32 v20, v50;
	s16 =	spop (v2sf)  }
0x600: {  	v6 =	vsub.f32 v32, v57;
	v18 =	vmul.f32 v5, v11;
	[tilespmem:s26+$0xA60] =	vst v22;
	v25 =	vmul.f32 v1, v14;
	s28 =	smul.f32 $7.812500000e-03, s16;
	s17 =	spop (v2sf)  }
0x601: {  	v7 =	vsub.f32 v33, v57;
	v20 =	vld [tilespmem:$0x1FE40];
	[tilespmem:s26+$0xA10] =	vst v9;
	v14 =	vmul.f32 $5.000000000e-01, v28;
	v27 =	vmul.f32 v53, v19;
	s29 =	smul.f32 $7.812500000e-03, s17  }
0x602: {  	v5 =	vmul.f32 v5, v13;
	v15 =	vsub.s32 $0x5F3759DF, v31;
	v10 =	vsub.f32 v38, v57;
	[tilespmem:s26+$0xA50] =	vst v21;
	s30 =	smul.f32 s28, s28  }
0x603: {  	v0 =	vsub.f32 v30, v57;
	[tilespmem:s26+$0xA30] =	vst v18;
	v37 =	vmul.f32 v15, v14;
	v13 =	vmul.f32 v27, v53  }
0x604: {  	v18 =	vsub.f32 v35, v57;
	[tilespmem:s26+$0xA70] =	vst v5;
	v5 =	vsub.f32 v40, v57;
	v6 =	vmul.f32 v1, v6;
	s3 =	ssub.f32 s29, s30  }
0x605: {  	v7 =	vmul.f32 v1, v7;
	v19 =	vld [tilespmem:$0x1FEE0];
	[tilespmem:s26+$0xA90] =	vst v25;
	v41 =	vmul.f32 v15, v37;
	v13 =	vsub.f32 $1.500000000e+00, v13  }
0x606: {  	v47 =	vmul.f32 v1, v10;
	v0 =	vmul.f32 v1, v0;
	[tilespmem:s26+$0xAB0] =	vst v6;
	v11 =	vsub.f32 v20, v57;
	s3 =	sadd.f32 $9.999999960e-13, s3  }
0x607: {  	v45 =	vmul.f32 v1, v18;
	[tilespmem:s26+$0xAC0] =	vst v7;
	v17 =	vsub.f32 $1.500000000e+00, v41;
	v43 =	vmul.f32 v13, v53;
	v53 =	vld [tilespmem:$0x1FEC0]  }
0x608: {  	[tilespmem:s26+$0xAE0] =	vst v47;
	v24 =	vmul.f32 v1, v11;
	v1 =	vmul.f32 v1, v5;
	v50 =	vmov s3  }
0x609: {  	v18 =	vld [tilespmem:$0x1FED0];
	[tilespmem:s26+$0xAA0] =	vst v0;
	v49 =	vmul.f32 v15, v17;
	v52 =	vshra.s32 v50, $0x1;
	v10 =	vmul.f32 $5.000000000e-01, v50  }
0x60a: {  	[tilespmem:s26+$0xAD0] =	vst v45;
	v5 =	vsub.f32 v19, v44;
	v48 =	vmul.f32 v43, v46;
	v15 =	vsub.s32 $0x5F3759DF, v52  }
0x60b: {  	v22 =	vld [tilespmem:$0x1FEF0];
	v20 =	vsub.f32 v56, v44;
	[tilespmem:s26+$0xA80] =	vst v24;
	v14 =	vmul.f32 v49, v14;
	v55 =	vmul.f32 v15, v10  }
0x60c: {  	[tilespmem:s26+$0xAF0] =	vst v1;
	v54 =	vmul.f32 v43, v51;
	v5 =	vmul.f32 v43, v5;
	v11 =	vsub.f32 v53, v44  }
0x60d: {  	v23 =	vsub.f32 v61, v44;
	[tilespmem:s26+$0xB00] =	vst v48;
	v14 =	vmul.f32 v14, v49;
	v7 =	vmul.f32 v15, v55  }
0x60e: {  	v24 =	vmul.f32 v43, v20;
	[tilespmem:s26+$0xB10] =	vst v54;
	v57 =	vmul.f32 v43, v11;
	v11 =	vsub.f32 v18, v44  }
0x60f: {  	v31 =	vmul.f32 v43, v23;
	[tilespmem:s26+$0xB40] =	vst v5;
	v14 =	vsub.f32 $1.500000000e+00, v14;
	v7 =	vsub.f32 $1.500000000e+00, v7  }
0x610: {  	v25 =	vmov s2;
	[tilespmem:s26+$0xB50] =	vst v24;
	v21 =	vmul.f32 v43, v11;
	v11 =	vsub.f32 v22, v44  }
0x611: {  	v30 =	vsub.f32 v36, v25;
	[tilespmem:s26+$0xB70] =	vst v31;
	v6 =	vmul.f32 v14, v49;
	v27 =	vmul.f32 v15, v7  }
0x612: {  	v32 =	vsub.f32 v42, v25;
	[tilespmem:s26+$0xB20] =	vst v57;
	v28 =	vmul.f32 v43, v11  }
0x613: {  	v34 =	vsub.f32 v34, v25;
	[tilespmem:s26+$0xB30] =	vst v21;
	v33 =	vmul.f32 v6, v30;
	v10 =	vmul.f32 v27, v10  }
0x614: {  	v36 =	vsub.f32 v58, v25;
	v35 =	vmul.f32 v6, v32;
	[tilespmem:s26+$0xB60] =	vst v28  }
0x615: {  	v38 =	vsub.f32 v59, v25;
	v37 =	vmul.f32 v6, v34;
	[tilespmem:s26+$0xB80] =	vst v33;
	v10 =	vmul.f32 v10, v27  }
0x616: {  	v41 =	vsub.f32 v62, v25;
	v40 =	vmul.f32 v6, v36;
	[tilespmem:s26+$0xB90] =	vst v35  }
0x617: {  	v45 =	vsub.f32 v60, v25;
	v42 =	vmul.f32 v6, v38;
	[tilespmem:s26+$0xBA0] =	vst v37;
	v10 =	vsub.f32 $1.500000000e+00, v10  }
0x618: {  	v46 =	vmov s28;
	v43 =	vsub.f32 v63, v25;
	v44 =	vmul.f32 v6, v41;
	[tilespmem:s26+$0xBB0] =	vst v40  }
0x619: {  	v48 =	vsub.f32 v29, v46;
	v49 =	vmul.f32 v6, v45;
	[tilespmem:s26+$0xBC0] =	vst v42;
	v5 =	vmul.f32 v10, v27  }
0x61a: {  	v50 =	vsub.f32 v26, v46;
	v47 =	vmul.f32 v6, v43;
	[tilespmem:s26+$0xBD0] =	vst v44  }
0x61b: {  	v52 =	vsub.f32 v39, v46;
	[tilespmem:s26+$0xBF0] =	vst v49;
	v51 =	vmul.f32 v5, v48  }
0x61c: {  	v54 =	vsub.f32 v12, v46;
	[tilespmem:s26+$0xBE0] =	vst v47;
	v53 =	vmul.f32 v5, v50  }
0x61d: {  	v3 =	vsub.f32 v3, v46;
	v55 =	vmul.f32 v5, v52;
	[tilespmem:s26+$0xC00] =	vst v51  }
0x61e: {  	v57 =	vsub.f32 v2, v46;
	v56 =	vmul.f32 v5, v54;
	[tilespmem:s26+$0xC10] =	vst v53  }
0x61f: {  	p1 =	slt.u32 s25, $0xAF;
	v59 =	vsub.f32 v4, v46;
	v58 =	vmul.f32 v5, v3;
	[tilespmem:s26+$0xC20] =	vst v55  }
.Ltmp7:
0x620: {  	v61 =	vsub.f32 v8, v46;
	v60 =	vmul.f32 v5, v57;
	[tilespmem:s26+$0xC30] =	vst v56;
	(pc) =	sbr.rel @p1 .LBB2_3-.Ltmp7, $4  }
0x621: {  	v62 =	vmul.f32 v5, v59;
	[tilespmem:s26+$0xC40] =	vst v58  }
0x622: {  	v63 =	vmul.f32 v5, v61;
	[tilespmem:s26+$0xC50] =	vst v60  }
0x623: {  	s31 =	sadd.s32 $0x19, s25;
	[tilespmem:s26+$0xC60] =	vst v62  }
0x624: {  	s25 =	smov.u32 s31;
	[tilespmem:s26+$0xC70] =	vst v63  }
.Ltmp8:
0x625: {  	_ = 	snop;
	(pc) =	sbr.rel .LBB2_5-.Ltmp8, $1  }
0x626: {  	_ =	sdelay $0x3  }
.LBB2_7:
0x627: {  	_ =	sfence.sel $0x180000  }
0x628: {  	[bflag:$0x0] =	sbarrier.arrive $0xFFFF  }
0x629: {  	_ =	strace $0x90000047  }
0x62a: {  	s0 =	stileid.u32;
	[bflag:$0x2] =	sbarrier.arrive $0xFFFF  }
0x62b: {  	p0 =	sne.s32 s0, $0x0;
	s0 =	rddreg [dreg:$0x6]  }
0x62c: {  	s0 =	sadd.s32 @!p0 $0x100000, s0  }
0x62d: {  	[sflag:s0] =	ssyncadd.tile.s32 @!p0 $0x1;
	_ =	shalt  }
.Lfunc_end2:
_tile_overlayer_lowered:
.L_overlay_start_2:
0x62e: {  	(tag) =	ssettag $0x2  }
0x62f: {  	s0 =	rddreg [dreg:$0x0];
	s2 =	stileid.u32  }
0x630: {  	s1 =	rddreg [dreg:$0x1];
	p0 =	sne.s32 s2, $0x0  }
0x631: {  	s3 =	rddreg [dreg:$0x2];
	[bflag:$0x3] =	sbarrier.arrive $0xFFFF;
	s2 =	simm.s32 @!p0 $0x1C07  }
0x632: {  	[timem:s3], [sflag:s2] =	dma.local @!p0 [hbm:s0], s1  }
0x633: {  	s0 =	simm.s32 @!p0 $0x7  }
0x634: {  	_ =	swait.ge @!p0 [sflag:s0], s1  }
0x635: {  	s1 =	ssub.s32 @!p0 $0x0, s1;
	[sflag:s0] =	ssyncset.done @!p0 $0x0  }
0x636: {  	[sflag:s0] =	ssyncadd.s32 @!p0 s1  }
0x637: {  	[bflag:$0x3] =	sbarrier.arrive $0xFFFF  }
0x638: {  	_ =	shalt  }

</sc_bundles>
